<compile_context>
chip_gen: v7x
topology: tpu7x:2x2x1
jax: 0.10.2.dev20260603
libtpu: 0.0.44.dev20260713+nightly
codegen_flags: <defaults>
</compile_context>

<pallas_src>
import jax
import jax.numpy as jnp
from jax import lax
from jax.experimental import pallas as pl
from jax.experimental.pallas import tpu as pltpu
from jax.experimental.pallas import tpu_sc as plsc

N_NODES = 10000
N_PAD = 10240
D = 128
DH = 64
N_EDGES = 320000
NW = 32
K = 128
NCH = 79
EPW = K * NCH
NE_PAD = NW * EPW
RPT = 640
DEG_W = 16

_mesh = plsc.VectorSubcoreMesh(core_axis_name="c", subcore_axis_name="s")


def _deg_body(dst_hbm, out_hbm, dstv, onesv, zbuf, shared):
    cid = lax.axis_index("c")
    sid = lax.axis_index("s")
    wid = sid * 2 + cid
    pltpu.sync_copy(dst_hbm.at[wid], dstv)

    def fill(i, _):
        zbuf[i, :] = jnp.zeros((16,), jnp.float32)
        onesv[i % K, :] = jnp.ones((16,), jnp.float32)
        return 0

    lax.fori_loop(0, RPT, fill, 0)
    pltpu.sync_copy(zbuf, shared.at[pl.ds(sid * RPT, RPT)])
    plsc.subcore_barrier()

    def chunk(j, _):
        pltpu.sync_copy(onesv, shared.at[dstv.at[j]], add=True)
        return 0

    lax.fori_loop(0, NCH, chunk, 0)
    plsc.subcore_barrier()
    pltpu.sync_copy(shared.at[pl.ds(sid * RPT, RPT)],
                    out_hbm.at[cid, pl.ds(sid * RPT, RPT)])


_deg_call = pl.kernel(
    _deg_body,
    out_type=jax.ShapeDtypeStruct((2, N_PAD, DEG_W), jnp.float32),
    mesh=_mesh,
    scratch_types=[
        pltpu.VMEM((NCH, K), jnp.int32),
        pltpu.VMEM((K, DEG_W), jnp.float32),
        pltpu.VMEM((RPT, DEG_W), jnp.float32),
        pltpu.VMEM_SHARED((N_PAD, DEG_W), jnp.float32),
    ],
    compiler_params=pltpu.CompilerParams(use_tc_tiling_on_sc=False),
)


def _edge_body(ya_hbm, yb_hbm, src_hbm, dst_hbm, out_hbm,
               srcv, dstv, rows, rows1, rows2, rows3, zbuf, shared,
               sem, sem1, sem2, sem3, ssem, ssem1, ssem2, ssem3):
    cid = lax.axis_index("c")
    sid = lax.axis_index("s")
    wid = sid * 2 + cid
    pltpu.sync_copy(src_hbm.at[wid], srcv)
    pltpu.sync_copy(dst_hbm.at[wid], dstv)

    def zrow(i, _):
        def zcol(j, _):
            zbuf[i, pl.ds(j * 16, 16)] = jnp.zeros((16,), jnp.float32)
            return 0
        lax.fori_loop(0, DH // 16, zcol, 0)
        return 0

    lax.fori_loop(0, K, zrow, 0)

    bufs = ((rows, sem, ssem), (rows1, sem1, ssem1),
            (rows2, sem2, ssem2), (rows3, sem3, ssem3))
    nb = len(bufs)

    def zshared(k, _):
        pltpu.sync_copy(zbuf, shared.at[pl.ds(sid * RPT + k * K, K)])
        return 0

    lax.fori_loop(0, RPT // K, zshared, 0)
    plsc.subcore_barrier()
    for b in range(nb):
        pltpu.async_copy(ya_hbm.at[srcv.at[b]], bufs[b][0], bufs[b][1])

    for half, y_hbm in ((0, ya_hbm), (1, yb_hbm)):
        def group(g, _):
            j = g * nb
            for b in range(nb):
                r, gs, ss = bufs[b]
                pltpu.make_async_copy(y_hbm.at[srcv.at[0]], r, gs).wait()
                pltpu.async_copy(r, shared.at[dstv.at[j + b]], ss, add=True)
            for b in range(nb):
                r, gs, ss = bufs[b]
                pltpu.make_async_copy(r, shared.at[dstv.at[0]], ss).wait()
                pltpu.async_copy(y_hbm.at[srcv.at[j + nb + b]], r, gs)
            return 0

        ngrp = (NCH - nb - 3) // nb
        lax.fori_loop(0, ngrp, group, 0)
        for b in range(nb):
            r, gs, ss = bufs[b]
            j = ngrp * nb + b
            pltpu.make_async_copy(y_hbm.at[srcv.at[0]], r, gs).wait()
            pltpu.async_copy(r, shared.at[dstv.at[j]], ss, add=True)
            if b < 3:
                pltpu.make_async_copy(r, shared.at[dstv.at[0]], ss).wait()
                pltpu.async_copy(y_hbm.at[srcv.at[j + nb]], r, gs)
        for b in range(3):
            r, gs, ss = bufs[b]
            j = ngrp * nb + nb + b
            pltpu.make_async_copy(y_hbm.at[srcv.at[0]], r, gs).wait()
            pltpu.async_copy(r, shared.at[dstv.at[j]], ss, add=True)
        for b in range(nb):
            r, gs, ss = bufs[b]
            pltpu.make_async_copy(r, shared.at[dstv.at[0]], ss).wait()
        plsc.subcore_barrier()
        if half == 0:
            for b in range(nb):
                pltpu.async_copy(yb_hbm.at[srcv.at[b]], bufs[b][0],
                                 bufs[b][1])
        pltpu.sync_copy(shared.at[pl.ds(sid * RPT, RPT)],
                        out_hbm.at[half, cid, pl.ds(sid * RPT, RPT)])
        if half == 0:
            lax.fori_loop(0, RPT // K, zshared, 0)
            plsc.subcore_barrier()


_edge_call = pl.kernel(
    _edge_body,
    out_type=jax.ShapeDtypeStruct((2, 2, N_PAD, DH), jnp.float32),
    mesh=_mesh,
    scratch_types=[
        pltpu.VMEM((NCH, K), jnp.int32),
        pltpu.VMEM((NCH, K), jnp.int32),
        pltpu.VMEM((K, DH), jnp.float32),
        pltpu.VMEM((K, DH), jnp.float32),
        pltpu.VMEM((K, DH), jnp.float32),
        pltpu.VMEM((K, DH), jnp.float32),
        pltpu.VMEM((K, DH), jnp.float32),
        pltpu.VMEM_SHARED((N_PAD, DH), jnp.float32),
        pltpu.SemaphoreType.DMA,
        pltpu.SemaphoreType.DMA,
        pltpu.SemaphoreType.DMA,
        pltpu.SemaphoreType.DMA,
        pltpu.SemaphoreType.DMA,
        pltpu.SemaphoreType.DMA,
        pltpu.SemaphoreType.DMA,
        pltpu.SemaphoreType.DMA,
    ],
    compiler_params=pltpu.CompilerParams(use_tc_tiling_on_sc=False),
)


_GRID = 10
_RB = N_NODES // _GRID


def _mm_body(x_ref, w_ref, o_ref):
    o_ref[...] = jnp.dot(x_ref[...], w_ref[...],
                         preferred_element_type=jnp.float32)


def _matmul(x, w):
    return pl.pallas_call(
        _mm_body,
        grid=(_GRID,),
        in_specs=[
            pl.BlockSpec((_RB, D), lambda i: (i, 0)),
            pl.BlockSpec((D, D), lambda i: (0, 0)),
        ],
        out_specs=pl.BlockSpec((_RB, D), lambda i: (i, 0)),
        out_shape=jax.ShapeDtypeStruct((N_NODES, D), jnp.float32),
    )(x, w)


def _scale_body(deg_ref, x_ref, w_ref, dinv_ref, ya_ref, yb_ref):
    dp = deg_ref[...]
    deg = 1.0 + dp[0, :, 0] + dp[1, :, 0]
    dinv = lax.rsqrt(deg)[:, None]
    dinv_ref[...] = dinv
    y = jnp.dot(x_ref[...], w_ref[...],
                preferred_element_type=jnp.float32) * dinv
    ya_ref[...] = y[:, :DH]
    yb_ref[...] = y[:, DH:]


def _scale(degp, x, w):
    return pl.pallas_call(
        _scale_body,
        grid=(_GRID,),
        in_specs=[
            pl.BlockSpec((2, _RB, DEG_W), lambda i: (0, i, 0)),
            pl.BlockSpec((_RB, D), lambda i: (i, 0)),
            pl.BlockSpec((D, D), lambda i: (0, 0)),
        ],
        out_specs=[
            pl.BlockSpec((_RB, 1), lambda i: (i, 0)),
            pl.BlockSpec((_RB, DH), lambda i: (i, 0)),
            pl.BlockSpec((_RB, DH), lambda i: (i, 0)),
        ],
        out_shape=[
            jax.ShapeDtypeStruct((N_NODES, 1), jnp.float32),
            jax.ShapeDtypeStruct((N_NODES, DH), jnp.float32),
            jax.ShapeDtypeStruct((N_NODES, DH), jnp.float32),
        ],
    )(degp, x, w)


def _mid_body(pa_ref, ya_ref, yb_ref, dinv_ref, b1_ref, w2_ref,
              y2a_ref, y2b_ref):
    pa = pa_ref[...]
    dinv = dinv_ref[...]
    acc = jnp.concatenate(
        [pa[0, 0] + pa[0, 1] + ya_ref[...],
         pa[1, 0] + pa[1, 1] + yb_ref[...]], axis=1)
    h = jnp.maximum(acc * dinv + b1_ref[...], 0.0)
    y2 = jnp.dot(h, w2_ref[...], preferred_element_type=jnp.float32) * dinv
    y2a_ref[...] = y2[:, :DH]
    y2b_ref[...] = y2[:, DH:]


def _mid(pa, ya, yb, dinv, b1, w2):
    return pl.pallas_call(
        _mid_body,
        grid=(_GRID,),
        in_specs=[
            pl.BlockSpec((2, 2, _RB, DH), lambda i: (0, 0, i, 0)),
            pl.BlockSpec((_RB, DH), lambda i: (i, 0)),
            pl.BlockSpec((_RB, DH), lambda i: (i, 0)),
            pl.BlockSpec((_RB, 1), lambda i: (i, 0)),
            pl.BlockSpec((1, D), lambda i: (0, 0)),
            pl.BlockSpec((D, D), lambda i: (0, 0)),
        ],
        out_specs=[
            pl.BlockSpec((_RB, DH), lambda i: (i, 0)),
            pl.BlockSpec((_RB, DH), lambda i: (i, 0)),
        ],
        out_shape=[
            jax.ShapeDtypeStruct((N_NODES, DH), jnp.float32),
            jax.ShapeDtypeStruct((N_NODES, DH), jnp.float32),
        ],
    )(pa, ya, yb, dinv, b1, w2)


def _final_body(pa_ref, y2a_ref, y2b_ref, dinv_ref, b2_ref, o_ref):
    pa = pa_ref[...]
    acc = jnp.concatenate(
        [pa[0, 0] + pa[0, 1] + y2a_ref[...],
         pa[1, 0] + pa[1, 1] + y2b_ref[...]], axis=1)
    o_ref[...] = acc * dinv_ref[...] + b2_ref[...]


def _final(pa, y2a, y2b, dinv, b2):
    return pl.pallas_call(
        _final_body,
        grid=(_GRID,),
        in_specs=[
            pl.BlockSpec((2, 2, _RB, DH), lambda i: (0, 0, i, 0)),
            pl.BlockSpec((_RB, DH), lambda i: (i, 0)),
            pl.BlockSpec((_RB, DH), lambda i: (i, 0)),
            pl.BlockSpec((_RB, 1), lambda i: (i, 0)),
            pl.BlockSpec((1, D), lambda i: (0, 0)),
        ],
        out_specs=pl.BlockSpec((_RB, D), lambda i: (i, 0)),
        out_shape=jax.ShapeDtypeStruct((N_NODES, D), jnp.float32),
    )(pa, y2a, y2b, dinv, b2)


def kernel(x, edge_index, W1, b1, W2, b2):
    ei = edge_index.astype(jnp.int32)
    pad = NE_PAD - N_EDGES
    src = jnp.concatenate([ei[0], jnp.zeros((pad,), jnp.int32)])
    junk = N_NODES + (jnp.arange(pad, dtype=jnp.int32) % (N_PAD - N_NODES))
    dst = jnp.concatenate([ei[1], junk])
    src_r = src.reshape(NW, NCH, K)
    dst_r = dst.reshape(NW, NCH, K)

    degp = _deg_call(dst_r)
    dinv, y1a, y1b = _scale(degp, x, W1)

    pa1 = _edge_call(y1a, y1b, src_r, dst_r)
    y2a, y2b = _mid(pa1, y1a, y1b, dinv, b1.reshape(1, D), W2)
    pa2 = _edge_call(y2a, y2b, src_r, dst_r)
    return _final(pa2, y2a, y2b, dinv, b2.reshape(1, D))

# --- scband reference (transcript-rebuilt; emitter-appended) ---
"""Pipeline reference for scband-baseline-gcn-16149077033546 (READ-ONLY COPY).

The authoritative reference and input builder live on the scoring server;
editing this copy changes nothing except your own understanding.
"""

import jax, jax.numpy as jnp
import numpy as np

N_NODES = 10000
D_IN = 128
D_HID = 128
D_OUT = 128
N_EDGES = 320000


def _gcn_conv(x, edge_index, W, b):
    n = x.shape[0]
    # linear transform first (PyG GCNConv applies lin before propagate)
    xw = x @ W
    src = edge_index[0]
    dst = edge_index[1]
    # add self loops
    loop = jnp.arange(n, dtype=src.dtype)
    src = jnp.concatenate([src, loop])
    dst = jnp.concatenate([dst, loop])
    # symmetric normalization: deg computed from dst (in-degree incl. self loops)
    deg = jnp.zeros((n,), dtype=xw.dtype).at[dst].add(1.0)
    dinv = jax.lax.rsqrt(deg)  # deg >= 1 due to self loops
    norm = dinv[src] * dinv[dst]
    msgs = norm[:, None] * jnp.take(xw, src, axis=0)
    out = jnp.zeros((n, W.shape[1]), dtype=xw.dtype).at[dst].add(msgs)
    return out + b


def setup_inputs(seed: int = 0) -> dict:
    key = jax.random.key(seed)
    k1, k2, k3, k4, k5, k6 = jax.random.split(key, 6)
    x = jax.random.normal(k1, (N_NODES, D_IN), dtype=jnp.float32)
    edge_index = jax.random.randint(k2, (2, N_EDGES), 0, N_NODES, dtype=jnp.int64)
    # glorot-ish init for GCN weights
    s1 = 1.0 / np.sqrt(D_IN)
    s2 = 1.0 / np.sqrt(D_HID)
    W1 = jax.random.uniform(k3, (D_IN, D_HID), dtype=jnp.float32, minval=-s1, maxval=s1)
    b1 = jnp.zeros((D_HID,), dtype=jnp.float32)
    W2 = jax.random.uniform(k4, (D_HID, D_OUT), dtype=jnp.float32, minval=-s2, maxval=s2)
    b2 = jnp.zeros((D_OUT,), dtype=jnp.float32)
    return {"x": x, "edge_index": edge_index, "W1": W1, "b1": b1, "W2": W2, "b2": b2}


def reference(x, edge_index, W1, b1, W2, b2):
    h = _gcn_conv(x, edge_index, W1, b1)
    h = jax.nn.relu(h)
    # dropout is identity in eval mode (training=False)
    out = _gcn_conv(h, edge_index, W2, b2)
    return out

if __name__ == "__main__":
    import jax
    _d = setup_inputs()
    print(jax.jit(kernel)(*tuple(_d.values())))

</pallas_src>

<mosaic_0001>
#map = affine_map<(d0, d1) -> (0, 0, 0)>
module attributes {stable_mosaic.version = 14 : i64} {
  func.func @_deg_body(%arg0: i32, %arg1: i32, %arg2: memref<32x79x128xi32, #tpu.memory_space<hbm>>, %arg3: memref<2x10240x16xf32, #tpu.memory_space<hbm>>, %arg4: memref<79x128xi32, #tpu.memory_space<vmem>>, %arg5: memref<128x16xf32, #tpu.memory_space<vmem>>, %arg6: memref<640x16xf32, #tpu.memory_space<vmem>>, %arg7: memref<10240x16xf32, #tpu.memory_space<vmem_shared>>) attributes {dimension_semantics = [#tpu.dimension_semantics<core_parallel>, #tpu.dimension_semantics<subcore_parallel>], iteration_bounds = array<i64: 2, 16>, scalar_prefetch = 0 : i64, scratch_operands = 4 : i64, tpu.core_type = #tpu.core_type<sc_vector_subcore>, window_params = [{transform_indices = #map}, {transform_indices = #map}]} {
    %mul3A = arith.constant 2 : i32
    %mul3A_0 = arith.muli %arg1, %mul3A : i32
    %add3A = arith.addi %mul3A_0, %arg0 : i32
    "tpu.region"() ({
      %run_scoped3A = tpu.sem_alloc : memref<!tpu.dma_semaphore, #tpu.memory_space<semaphore_mem>>
      %dma_start3A = arith.constant 0 : i32
      %dma_start3A_21 = arith.constant 0 : i32
      %dma_start3A_22 = tpu.memref_slice %arg2[%add3A, %dma_start3A, %dma_start3A_21] : memref<32x79x128xi32, #tpu.memory_space<hbm>> -> memref<1x79x128xi32, #tpu.memory_space<hbm>>
      %dma_start3A_23 = tpu.memref_squeeze %dma_start3A_22 : memref<1x79x128xi32, #tpu.memory_space<hbm>> -> memref<79x128xi32, #tpu.memory_space<hbm>>
      %dma_start3A_24 = arith.constant 0 : i32
      %dma_start3A_25 = arith.constant 0 : i32
      %dma_start3A_26 = tpu.memref_slice %arg2[%add3A, %dma_start3A_24, %dma_start3A_25] : memref<32x79x128xi32, #tpu.memory_space<hbm>> -> memref<1x79x128xi32, #tpu.memory_space<hbm>>
      %dma_start3A_27 = tpu.memref_squeeze %dma_start3A_26 : memref<1x79x128xi32, #tpu.memory_space<hbm>> -> memref<79x128xi32, #tpu.memory_space<hbm>>
      tpu.enqueue_dma source(%dma_start3A_27 : memref<79x128xi32, #tpu.memory_space<hbm>>) target(%arg4 : memref<79x128xi32, #tpu.memory_space<vmem>>) target_semaphore(%run_scoped3A : memref<!tpu.dma_semaphore, #tpu.memory_space<semaphore_mem>>)
      %dma_wait3A = arith.constant 0 : i32
      %dma_wait3A_28 = arith.constant 0 : i32
      %dma_wait3A_29 = tpu.memref_slice %arg2[%add3A, %dma_wait3A, %dma_wait3A_28] : memref<32x79x128xi32, #tpu.memory_space<hbm>> -> memref<1x79x128xi32, #tpu.memory_space<hbm>>
      %dma_wait3A_30 = tpu.memref_squeeze %dma_wait3A_29 : memref<1x79x128xi32, #tpu.memory_space<hbm>> -> memref<79x128xi32, #tpu.memory_space<hbm>>
      %dma_wait3A_31 = arith.constant 0 : i32
      %dma_wait3A_32 = arith.constant 0 : i32
      %dma_wait3A_33 = tpu.memref_slice %arg2[%add3A, %dma_wait3A_31, %dma_wait3A_32] : memref<32x79x128xi32, #tpu.memory_space<hbm>> -> memref<1x79x128xi32, #tpu.memory_space<hbm>>
      %dma_wait3A_34 = tpu.memref_squeeze %dma_wait3A_33 : memref<1x79x128xi32, #tpu.memory_space<hbm>> -> memref<79x128xi32, #tpu.memory_space<hbm>>
      tpu.wait_dma2 semaphore(%run_scoped3A : memref<!tpu.dma_semaphore, #tpu.memory_space<semaphore_mem>>) src(%dma_wait3A_34 : memref<79x128xi32, #tpu.memory_space<hbm>>) dst(%arg4 : memref<79x128xi32, #tpu.memory_space<vmem>>)
      tpu.yield
    }) : () -> ()
    %scan3A = arith.constant 0 : i32
    %scan3A_1 = arith.constant 0 : i32
    %scan3A_2 = arith.constant 640 : i32
    %scan3A_3 = arith.addi %scan3A_1, %scan3A_2 : i32
    %scan3A_4 = arith.constant 1 : i32
    %scan3A_5 = scf.for %scan3A_21 = %scan3A_1 to %scan3A_3 step %scan3A_4 iter_args(%scan3A_22 = %scan3A) -> (i32)  : i32 {
      %broadcast_in_dim3A = arith.constant 0.000000e+00 : f32
      %broadcast_in_dim3A_23 = vector.broadcast %broadcast_in_dim3A : f32 to vector<16xf32>
      %swap3A = arith.index_cast %scan3A_21 : i32 to index
      %swap3A_24 = arith.constant 0 : index
      %swap3A_25 = tpu.vector_load %arg6[%swap3A, %swap3A_24] {strides = array<i32>} : memref<640x16xf32, #tpu.memory_space<vmem>>, vector<1x16xf32>,
      %swap3A_26 = vector.shape_cast %swap3A_25 : vector<1x16xf32> to vector<16xf32>
      %swap3A_27 = vector.shape_cast %broadcast_in_dim3A_23 : vector<16xf32> to vector<1x16xf32>
      tpu.vector_store %arg6[%swap3A, %swap3A_24], %swap3A_27 {strides = array<i32>} : memref<640x16xf32, #tpu.memory_space<vmem>>, vector<1x16xf32>,
      %broadcast_in_dim3A_28 = arith.constant 1.000000e+00 : f32
      %broadcast_in_dim3A_29 = vector.broadcast %broadcast_in_dim3A_28 : f32 to vector<16xf32>
      %jit3A = arith.constant 128 : i32
      %eq3A = arith.constant 0 : i32
      %eq3A_30 = arith.cmpi eq, %jit3A, %eq3A : i32
      %jit3A_31 = arith.constant 1 : i32
      %select_n3A = arith.select %eq3A_30, %jit3A_31, %jit3A : i32
      %rem3A = arith.remsi %scan3A_21, %select_n3A : i32
      %ne3A = arith.constant 0 : i32
      %ne3A_32 = arith.cmpi ne, %rem3A, %ne3A : i32
      %lt3A = arith.constant 0 : i32
      %lt3A_33 = arith.cmpi slt, %rem3A, %lt3A : i32
      %lt3A_34 = arith.constant 0 : i32
      %lt3A_35 = arith.cmpi slt, %select_n3A, %lt3A_34 : i32
      %ne3A_36 = arith.xori %lt3A_33, %lt3A_35 : i1
      %and3A = arith.andi %ne3A_36, %ne3A_32 : i1
      %add3A_37 = arith.addi %rem3A, %select_n3A : i32
      %select_n3A_38 = arith.select %and3A, %add3A_37, %rem3A : i32
      %swap3A_39 = arith.index_cast %select_n3A_38 : i32 to index
      %swap3A_40 = arith.constant 0 : index
      %swap3A_41 = tpu.vector_load %arg5[%swap3A_39, %swap3A_40] {strides = array<i32>} : memref<128x16xf32, #tpu.memory_space<vmem>>, vector<1x16xf32>,
      %swap3A_42 = vector.shape_cast %swap3A_41 : vector<1x16xf32> to vector<16xf32>
      %swap3A_43 = vector.shape_cast %broadcast_in_dim3A_29 : vector<16xf32> to vector<1x16xf32>
      tpu.vector_store %arg5[%swap3A_39, %swap3A_40], %swap3A_43 {strides = array<i32>} : memref<128x16xf32, #tpu.memory_space<vmem>>, vector<1x16xf32>,
      %scan3A_44 = arith.constant 0 : i32
      scf.yield %scan3A_44 : i32
    }
    %scan3A_6 = arith.constant 640 : i32
    %mul3A_7 = arith.constant 640 : i32
    %mul3A_8 = arith.muli %arg1, %mul3A_7 : i32
    "tpu.region"() ({
      %run_scoped3A = tpu.sem_alloc : memref<!tpu.dma_semaphore, #tpu.memory_space<semaphore_mem>>
      %dma_start3A = arith.constant 0 : i32
      %dma_start3A_21 = tpu.memref_slice %arg7[%mul3A_8, %dma_start3A] : memref<10240x16xf32, #tpu.memory_space<vmem_shared>> -> memref<640x16xf32, #tpu.memory_space<vmem_shared>>
      %dma_start3A_22 = arith.constant 0 : i32
      %dma_start3A_23 = tpu.memref_slice %arg7[%mul3A_8, %dma_start3A_22] : memref<10240x16xf32, #tpu.memory_space<vmem_shared>> -> memref<640x16xf32, #tpu.memory_space<vmem_shared>>
      tpu.enqueue_dma source(%arg6 : memref<640x16xf32, #tpu.memory_space<vmem>>) target(%dma_start3A_23 : memref<640x16xf32, #tpu.memory_space<vmem_shared>>) target_semaphore(%run_scoped3A : memref<!tpu.dma_semaphore, #tpu.memory_space<semaphore_mem>>)
      %dma_wait3A = arith.constant 0 : i32
      %dma_wait3A_24 = tpu.memref_slice %arg7[%mul3A_8, %dma_wait3A] : memref<10240x16xf32, #tpu.memory_space<vmem_shared>> -> memref<640x16xf32, #tpu.memory_space<vmem_shared>>
      %dma_wait3A_25 = arith.constant 0 : i32
      %dma_wait3A_26 = tpu.memref_slice %arg7[%mul3A_8, %dma_wait3A_25] : memref<10240x16xf32, #tpu.memory_space<vmem_shared>> -> memref<640x16xf32, #tpu.memory_space<vmem_shared>>
      tpu.wait_dma2 semaphore(%run_scoped3A : memref<!tpu.dma_semaphore, #tpu.memory_space<semaphore_mem>>) src(%arg6 : memref<640x16xf32, #tpu.memory_space<vmem>>) dst(%dma_wait3A_26 : memref<640x16xf32, #tpu.memory_space<vmem_shared>>)
      tpu.yield
    }) : () -> ()
    %barrier3A = arith.constant 0 : index
    tpu.barrier barrier_id(%barrier3A)
    %scan3A_9 = arith.constant 0 : i32
    %scan3A_10 = arith.constant 0 : i32
    %scan3A_11 = arith.constant 79 : i32
    %scan3A_12 = arith.addi %scan3A_10, %scan3A_11 : i32
    %scan3A_13 = arith.constant 1 : i32
    %scan3A_14 = scf.for %scan3A_21 = %scan3A_10 to %scan3A_12 step %scan3A_13 iter_args(%scan3A_22 = %scan3A_9) -> (i32)  : i32 {
      "tpu.region"() ({
        %run_scoped3A = tpu.sem_alloc : memref<!tpu.dma_semaphore, #tpu.memory_space<semaphore_mem>>
        %dma_start3A = arith.constant 0 : i32
        %dma_start3A_24 = tpu.memref_slice %arg4[%scan3A_21, %dma_start3A] : memref<79x128xi32, #tpu.memory_space<vmem>> -> memref<1x128xi32, #tpu.memory_space<vmem>>
        %dma_start3A_25 = tpu.memref_squeeze %dma_start3A_24 : memref<1x128xi32, #tpu.memory_space<vmem>> -> memref<128xi32, #tpu.memory_space<vmem>>
        %dma_start3A_26 = arith.constant 0 : i32
        %dma_start3A_27 = arith.constant 0 : i32
        %dma_start3A_28 = tpu.memref_slice %arg7[%dma_start3A_26, %dma_start3A_27] : memref<10240x16xf32, #tpu.memory_space<vmem_shared>> -> memref<10240x16xf32, #tpu.memory_space<vmem_shared>>
        tpu.enqueue_indirect_dma source(%arg5 : memref<128x16xf32, #tpu.memory_space<vmem>>) target(%dma_start3A_28 : memref<10240x16xf32, #tpu.memory_space<vmem_shared>>) offsets(%dma_start3A_25 : memref<128xi32, #tpu.memory_space<vmem>>) semaphore(%run_scoped3A : memref<!tpu.dma_semaphore, #tpu.memory_space<semaphore_mem>>) {add = true}
        %dma_wait3A = arith.constant 0 : i32
        %dma_wait3A_29 = tpu.memref_slice %arg4[%scan3A_21, %dma_wait3A] : memref<79x128xi32, #tpu.memory_space<vmem>> -> memref<1x128xi32, #tpu.memory_space<vmem>>
        %dma_wait3A_30 = tpu.memref_squeeze %dma_wait3A_29 : memref<1x128xi32, #tpu.memory_space<vmem>> -> memref<128xi32, #tpu.memory_space<vmem>>
        %dma_wait3A_31 = arith.constant 0 : i32
        %dma_wait3A_32 = arith.constant 0 : i32
        %dma_wait3A_33 = tpu.memref_slice %arg7[%dma_wait3A_31, %dma_wait3A_32] : memref<10240x16xf32, #tpu.memory_space<vmem_shared>> -> memref<10240x16xf32, #tpu.memory_space<vmem_shared>>
        tpu.wait_indirect_dma semaphore(%run_scoped3A : memref<!tpu.dma_semaphore, #tpu.memory_space<semaphore_mem>>) src(%arg5 : memref<128x16xf32, #tpu.memory_space<vmem>>) dst(%dma_wait3A_33 : memref<10240x16xf32, #tpu.memory_space<vmem_shared>>)
        tpu.yield
      }) : () -> ()
      %scan3A_23 = arith.constant 0 : i32
      scf.yield %scan3A_23 : i32
    }
    %scan3A_15 = arith.constant 79 : i32
    %barrier3A_16 = arith.constant 0 : index
    tpu.barrier barrier_id(%barrier3A_16)
    %mul3A_17 = arith.constant 640 : i32
    %mul3A_18 = arith.muli %arg1, %mul3A_17 : i32
    %mul3A_19 = arith.constant 640 : i32
    %mul3A_20 = arith.muli %arg1, %mul3A_19 : i32
    "tpu.region"() ({
      %run_scoped3A = tpu.sem_alloc : memref<!tpu.dma_semaphore, #tpu.memory_space<semaphore_mem>>
      %dma_start3A = arith.constant 0 : i32
      %dma_start3A_21 = tpu.memref_slice %arg3[%arg0, %mul3A_20, %dma_start3A] : memref<2x10240x16xf32, #tpu.memory_space<hbm>> -> memref<1x640x16xf32, #tpu.memory_space<hbm>>
      %dma_start3A_22 = tpu.memref_squeeze %dma_start3A_21 : memref<1x640x16xf32, #tpu.memory_space<hbm>> -> memref<640x16xf32, #tpu.memory_space<hbm>>
      %dma_start3A_23 = arith.constant 0 : i32
      %dma_start3A_24 = tpu.memref_slice %arg7[%mul3A_18, %dma_start3A_23] : memref<10240x16xf32, #tpu.memory_space<vmem_shared>> -> memref<640x16xf32, #tpu.memory_space<vmem_shared>>
      tpu.enqueue_dma source(%dma_start3A_24 : memref<640x16xf32, #tpu.memory_space<vmem_shared>>) target(%dma_start3A_22 : memref<640x16xf32, #tpu.memory_space<hbm>>) target_semaphore(%run_scoped3A : memref<!tpu.dma_semaphore, #tpu.memory_space<semaphore_mem>>)
      %dma_wait3A = arith.constant 0 : i32
      %dma_wait3A_25 = tpu.memref_slice %arg3[%arg0, %mul3A_20, %dma_wait3A] : memref<2x10240x16xf32, #tpu.memory_space<hbm>> -> memref<1x640x16xf32, #tpu.memory_space<hbm>>
      %dma_wait3A_26 = tpu.memref_squeeze %dma_wait3A_25 : memref<1x640x16xf32, #tpu.memory_space<hbm>> -> memref<640x16xf32, #tpu.memory_space<hbm>>
      %dma_wait3A_27 = arith.constant 0 : i32
      %dma_wait3A_28 = tpu.memref_slice %arg7[%mul3A_18, %dma_wait3A_27] : memref<10240x16xf32, #tpu.memory_space<vmem_shared>> -> memref<640x16xf32, #tpu.memory_space<vmem_shared>>
      tpu.wait_dma2 semaphore(%run_scoped3A : memref<!tpu.dma_semaphore, #tpu.memory_space<semaphore_mem>>) src(%dma_wait3A_28 : memref<640x16xf32, #tpu.memory_space<vmem_shared>>) dst(%dma_wait3A_26 : memref<640x16xf32, #tpu.memory_space<hbm>>)
      tpu.yield
    }) : () -> ()
    return
  }
}

#map = affine_map<(d0, d1) -> (0, 0)>
#map1 = affine_map<(d0, d1) -> (0, 0, 0)>
#map2 = affine_map<(d0, d1) -> (0, 0, 0, 0)>
module attributes {stable_mosaic.version = 14 : i64} {
  func.func @_edge_body(%arg0: i32, %arg1: i32, %arg2: memref<10000x64xf32, #tpu.memory_space<hbm>>, %arg3: memref<10000x64xf32, #tpu.memory_space<hbm>>, %arg4: memref<32x79x128xi32, #tpu.memory_space<hbm>>, %arg5: memref<32x79x128xi32, #tpu.memory_space<hbm>>, %arg6: memref<2x2x10240x64xf32, #tpu.memory_space<hbm>>, %arg7: memref<79x128xi32, #tpu.memory_space<vmem>>, %arg8: memref<79x128xi32, #tpu.memory_space<vmem>>, %arg9: memref<128x64xf32, #tpu.memory_space<vmem>>, %arg10: memref<128x64xf32, #tpu.memory_space<vmem>>, %arg11: memref<128x64xf32, #tpu.memory_space<vmem>>, %arg12: memref<128x64xf32, #tpu.memory_space<vmem>>, %arg13: memref<128x64xf32, #tpu.memory_space<vmem>>, %arg14: memref<10240x64xf32, #tpu.memory_space<vmem_shared>>, %arg15: memref<!tpu.dma_semaphore, #tpu.memory_space<semaphore_mem>>, %arg16: memref<!tpu.dma_semaphore, #tpu.memory_space<semaphore_mem>>, %arg17: memref<!tpu.dma_semaphore, #tpu.memory_space<semaphore_mem>>, %arg18: memref<!tpu.dma_semaphore, #tpu.memory_space<semaphore_mem>>, %arg19: memref<!tpu.dma_semaphore, #tpu.memory_space<semaphore_mem>>, %arg20: memref<!tpu.dma_semaphore, #tpu.memory_space<semaphore_mem>>, %arg21: memref<!tpu.dma_semaphore, #tpu.memory_space<semaphore_mem>>, %arg22: memref<!tpu.dma_semaphore, #tpu.memory_space<semaphore_mem>>) attributes {dimension_semantics = [#tpu.dimension_semantics<core_parallel>, #tpu.dimension_semantics<subcore_parallel>], iteration_bounds = array<i64: 2, 16>, scalar_prefetch = 0 : i64, scratch_operands = 16 : i64, tpu.core_type = #tpu.core_type<sc_vector_subcore>, window_params = [{transform_indices = #map}, {transform_indices = #map}, {transform_indices = #map1}, {transform_indices = #map1}, {transform_indices = #map2}]} {
    %mul3A = arith.constant 2 : i32
    %mul3A_0 = arith.muli %arg1, %mul3A : i32
    %add3A = arith.addi %mul3A_0, %arg0 : i32
    "tpu.region"() ({
      %run_scoped3A_437 = tpu.sem_alloc : memref<!tpu.dma_semaphore, #tpu.memory_space<semaphore_mem>>
      %dma_start3A_438 = arith.constant 0 : i32
      %dma_start3A_439 = arith.constant 0 : i32
      %dma_start3A_440 = tpu.memref_slice %arg4[%add3A, %dma_start3A_438, %dma_start3A_439] : memref<32x79x128xi32, #tpu.memory_space<hbm>> -> memref<1x79x128xi32, #tpu.memory_space<hbm>>
      %dma_start3A_441 = tpu.memref_squeeze %dma_start3A_440 : memref<1x79x128xi32, #tpu.memory_space<hbm>> -> memref<79x128xi32, #tpu.memory_space<hbm>>
      %dma_start3A_442 = arith.constant 0 : i32
      %dma_start3A_443 = arith.constant 0 : i32
      %dma_start3A_444 = tpu.memref_slice %arg4[%add3A, %dma_start3A_442, %dma_start3A_443] : memref<32x79x128xi32, #tpu.memory_space<hbm>> -> memref<1x79x128xi32, #tpu.memory_space<hbm>>
      %dma_start3A_445 = tpu.memref_squeeze %dma_start3A_444 : memref<1x79x128xi32, #tpu.memory_space<hbm>> -> memref<79x128xi32, #tpu.memory_space<hbm>>
      tpu.enqueue_dma source(%dma_start3A_445 : memref<79x128xi32, #tpu.memory_space<hbm>>) target(%arg7 : memref<79x128xi32, #tpu.memory_space<vmem>>) target_semaphore(%run_scoped3A_437 : memref<!tpu.dma_semaphore, #tpu.memory_space<semaphore_mem>>)
      %dma_wait3A_446 = arith.constant 0 : i32
      %dma_wait3A_447 = arith.constant 0 : i32
      %dma_wait3A_448 = tpu.memref_slice %arg4[%add3A, %dma_wait3A_446, %dma_wait3A_447] : memref<32x79x128xi32, #tpu.memory_space<hbm>> -> memref<1x79x128xi32, #tpu.memory_space<hbm>>
      %dma_wait3A_449 = tpu.memref_squeeze %dma_wait3A_448 : memref<1x79x128xi32, #tpu.memory_space<hbm>> -> memref<79x128xi32, #tpu.memory_space<hbm>>
      %dma_wait3A_450 = arith.constant 0 : i32
      %dma_wait3A_451 = arith.constant 0 : i32
      %dma_wait3A_452 = tpu.memref_slice %arg4[%add3A, %dma_wait3A_450, %dma_wait3A_451] : memref<32x79x128xi32, #tpu.memory_space<hbm>> -> memref<1x79x128xi32, #tpu.memory_space<hbm>>
      %dma_wait3A_453 = tpu.memref_squeeze %dma_wait3A_452 : memref<1x79x128xi32, #tpu.memory_space<hbm>> -> memref<79x128xi32, #tpu.memory_space<hbm>>
      tpu.wait_dma2 semaphore(%run_scoped3A_437 : memref<!tpu.dma_semaphore, #tpu.memory_space<semaphore_mem>>) src(%dma_wait3A_453 : memref<79x128xi32, #tpu.memory_space<hbm>>) dst(%arg7 : memref<79x128xi32, #tpu.memory_space<vmem>>)
      tpu.yield
    }) : () -> ()
    "tpu.region"() ({
      %run_scoped3A_437 = tpu.sem_alloc : memref<!tpu.dma_semaphore, #tpu.memory_space<semaphore_mem>>
      %dma_start3A_438 = arith.constant 0 : i32
      %dma_start3A_439 = arith.constant 0 : i32
      %dma_start3A_440 = tpu.memref_slice %arg5[%add3A, %dma_start3A_438, %dma_start3A_439] : memref<32x79x128xi32, #tpu.memory_space<hbm>> -> memref<1x79x128xi32, #tpu.memory_space<hbm>>
      %dma_start3A_441 = tpu.memref_squeeze %dma_start3A_440 : memref<1x79x128xi32, #tpu.memory_space<hbm>> -> memref<79x128xi32, #tpu.memory_space<hbm>>
      %dma_start3A_442 = arith.constant 0 : i32
      %dma_start3A_443 = arith.constant 0 : i32
      %dma_start3A_444 = tpu.memref_slice %arg5[%add3A, %dma_start3A_442, %dma_start3A_443] : memref<32x79x128xi32, #tpu.memory_space<hbm>> -> memref<1x79x128xi32, #tpu.memory_space<hbm>>
      %dma_start3A_445 = tpu.memref_squeeze %dma_start3A_444 : memref<1x79x128xi32, #tpu.memory_space<hbm>> -> memref<79x128xi32, #tpu.memory_space<hbm>>
      tpu.enqueue_dma source(%dma_start3A_445 : memref<79x128xi32, #tpu.memory_space<hbm>>) target(%arg8 : memref<79x128xi32, #tpu.memory_space<vmem>>) target_semaphore(%run_scoped3A_437 : memref<!tpu.dma_semaphore, #tpu.memory_space<semaphore_mem>>)
      %dma_wait3A_446 = arith.constant 0 : i32
      %dma_wait3A_447 = arith.constant 0 : i32
      %dma_wait3A_448 = tpu.memref_slice %arg5[%add3A, %dma_wait3A_446, %dma_wait3A_447] : memref<32x79x128xi32, #tpu.memory_space<hbm>> -> memref<1x79x128xi32, #tpu.memory_space<hbm>>
      %dma_wait3A_449 = tpu.memref_squeeze %dma_wait3A_448 : memref<1x79x128xi32, #tpu.memory_space<hbm>> -> memref<79x128xi32, #tpu.memory_space<hbm>>
      %dma_wait3A_450 = arith.constant 0 : i32
      %dma_wait3A_451 = arith.constant 0 : i32
      %dma_wait3A_452 = tpu.memref_slice %arg5[%add3A, %dma_wait3A_450, %dma_wait3A_451] : memref<32x79x128xi32, #tpu.memory_space<hbm>> -> memref<1x79x128xi32, #tpu.memory_space<hbm>>
      %dma_wait3A_453 = tpu.memref_squeeze %dma_wait3A_452 : memref<1x79x128xi32, #tpu.memory_space<hbm>> -> memref<79x128xi32, #tpu.memory_space<hbm>>
      tpu.wait_dma2 semaphore(%run_scoped3A_437 : memref<!tpu.dma_semaphore, #tpu.memory_space<semaphore_mem>>) src(%dma_wait3A_453 : memref<79x128xi32, #tpu.memory_space<hbm>>) dst(%arg8 : memref<79x128xi32, #tpu.memory_space<vmem>>)
      tpu.yield
    }) : () -> ()
    %scan3A = arith.constant 0 : i32
    %scan3A_1 = arith.constant 0 : i32
    %scan3A_2 = arith.constant 128 : i32
    %scan3A_3 = arith.addi %scan3A_1, %scan3A_2 : i32
    %scan3A_4 = arith.constant 1 : i32
    %scan3A_5 = scf.for %scan3A_437 = %scan3A_1 to %scan3A_3 step %scan3A_4 iter_args(%scan3A_438 = %scan3A) -> (i32)  : i32 {
      %scan3A_439 = arith.constant 0 : i32
      %scan3A_440 = arith.constant 0 : i32
      %scan3A_441 = arith.constant 4 : i32
      %scan3A_442 = arith.addi %scan3A_440, %scan3A_441 : i32
      %scan3A_443 = arith.constant 1 : i32
      %scan3A_444 = scf.for %scan3A_447 = %scan3A_440 to %scan3A_442 step %scan3A_443 iter_args(%scan3A_448 = %scan3A_439) -> (i32)  : i32 {
        %broadcast_in_dim3A = arith.constant 0.000000e+00 : f32
        %broadcast_in_dim3A_449 = vector.broadcast %broadcast_in_dim3A : f32 to vector<16xf32>
        %mul3A_450 = arith.constant 16 : i32
        %mul3A_451 = arith.muli %scan3A_447, %mul3A_450 : i32
        %swap3A = arith.index_cast %scan3A_437 : i32 to index
        %swap3A_452 = arith.index_cast %mul3A_451 : i32 to index
        %swap3A_453 = tpu.vector_load %arg13[%swap3A, %swap3A_452] {strides = array<i32>} : memref<128x64xf32, #tpu.memory_space<vmem>>, vector<1x16xf32>,
        %swap3A_454 = vector.shape_cast %swap3A_453 : vector<1x16xf32> to vector<16xf32>
        %swap3A_455 = vector.shape_cast %broadcast_in_dim3A_449 : vector<16xf32> to vector<1x16xf32>
        tpu.vector_store %arg13[%swap3A, %swap3A_452], %swap3A_455 {strides = array<i32>} : memref<128x64xf32, #tpu.memory_space<vmem>>, vector<1x16xf32>,
        %scan3A_456 = arith.constant 0 : i32
        scf.yield %scan3A_456 : i32
      }
      %scan3A_445 = arith.constant 4 : i32
      %scan3A_446 = arith.constant 0 : i32
      scf.yield %scan3A_446 : i32
    }
    %scan3A_6 = arith.constant 128 : i32
    %scan3A_7 = arith.constant 0 : i32
    %scan3A_8 = arith.constant 0 : i32
    %scan3A_9 = arith.constant 5 : i32
    %scan3A_10 = arith.addi %scan3A_8, %scan3A_9 : i32
    %scan3A_11 = arith.constant 1 : i32
    %scan3A_12 = scf.for %scan3A_437 = %scan3A_8 to %scan3A_10 step %scan3A_11 iter_args(%scan3A_438 = %scan3A_7) -> (i32)  : i32 {
      %mul3A_439 = arith.constant 640 : i32
      %mul3A_440 = arith.muli %arg1, %mul3A_439 : i32
      %mul3A_441 = arith.constant 128 : i32
      %mul3A_442 = arith.muli %scan3A_437, %mul3A_441 : i32
      %add3A_443 = arith.addi %mul3A_440, %mul3A_442 : i32
      "tpu.region"() ({
        %run_scoped3A_445 = tpu.sem_alloc : memref<!tpu.dma_semaphore, #tpu.memory_space<semaphore_mem>>
        %dma_start3A_446 = arith.constant 0 : i32
        %dma_start3A_447 = tpu.memref_slice %arg14[%add3A_443, %dma_start3A_446] : memref<10240x64xf32, #tpu.memory_space<vmem_shared>> -> memref<128x64xf32, #tpu.memory_space<vmem_shared>>
        %dma_start3A_448 = arith.constant 0 : i32
        %dma_start3A_449 = tpu.memref_slice %arg14[%add3A_443, %dma_start3A_448] : memref<10240x64xf32, #tpu.memory_space<vmem_shared>> -> memref<128x64xf32, #tpu.memory_space<vmem_shared>>
        tpu.enqueue_dma source(%arg13 : memref<128x64xf32, #tpu.memory_space<vmem>>) target(%dma_start3A_449 : memref<128x64xf32, #tpu.memory_space<vmem_shared>>) target_semaphore(%run_scoped3A_445 : memref<!tpu.dma_semaphore, #tpu.memory_space<semaphore_mem>>)
        %dma_wait3A_450 = arith.constant 0 : i32
        %dma_wait3A_451 = tpu.memref_slice %arg14[%add3A_443, %dma_wait3A_450] : memref<10240x64xf32, #tpu.memory_space<vmem_shared>> -> memref<128x64xf32, #tpu.memory_space<vmem_shared>>
        %dma_wait3A_452 = arith.constant 0 : i32
        %dma_wait3A_453 = tpu.memref_slice %arg14[%add3A_443, %dma_wait3A_452] : memref<10240x64xf32, #tpu.memory_space<vmem_shared>> -> memref<128x64xf32, #tpu.memory_space<vmem_shared>>
        tpu.wait_dma2 semaphore(%run_scoped3A_445 : memref<!tpu.dma_semaphore, #tpu.memory_space<semaphore_mem>>) src(%arg13 : memref<128x64xf32, #tpu.memory_space<vmem>>) dst(%dma_wait3A_453 : memref<128x64xf32, #tpu.memory_space<vmem_shared>>)
        tpu.yield
      }) : () -> ()
      %scan3A_444 = arith.constant 0 : i32
      scf.yield %scan3A_444 : i32
    }
    %scan3A_13 = arith.constant 5 : i32
    %barrier3A = arith.constant 0 : index
    tpu.barrier barrier_id(%barrier3A)
    %dma_start3A = arith.constant 0 : i32
    %dma_start3A_14 = arith.constant 0 : i32
    %dma_start3A_15 = tpu.memref_slice %arg7[%dma_start3A, %dma_start3A_14] : memref<79x128xi32, #tpu.memory_space<vmem>> -> memref<1x128xi32, #tpu.memory_space<vmem>>
    %dma_start3A_16 = tpu.memref_squeeze %dma_start3A_15 : memref<1x128xi32, #tpu.memory_space<vmem>> -> memref<128xi32, #tpu.memory_space<vmem>>
    %dma_start3A_17 = arith.constant 0 : i32
    %dma_start3A_18 = arith.constant 0 : i32
    %dma_start3A_19 = tpu.memref_slice %arg2[%dma_start3A_17, %dma_start3A_18] : memref<10000x64xf32, #tpu.memory_space<hbm>> -> memref<10000x64xf32, #tpu.memory_space<hbm>>
    tpu.enqueue_indirect_dma source(%dma_start3A_19 : memref<10000x64xf32, #tpu.memory_space<hbm>>) target(%arg9 : memref<128x64xf32, #tpu.memory_space<vmem>>) offsets(%dma_start3A_16 : memref<128xi32, #tpu.memory_space<vmem>>) semaphore(%arg15 : memref<!tpu.dma_semaphore, #tpu.memory_space<semaphore_mem>>)
    %dma_start3A_20 = arith.constant 1 : i32
    %dma_start3A_21 = arith.constant 0 : i32
    %dma_start3A_22 = tpu.memref_slice %arg7[%dma_start3A_20, %dma_start3A_21] : memref<79x128xi32, #tpu.memory_space<vmem>> -> memref<1x128xi32, #tpu.memory_space<vmem>>
    %dma_start3A_23 = tpu.memref_squeeze %dma_start3A_22 : memref<1x128xi32, #tpu.memory_space<vmem>> -> memref<128xi32, #tpu.memory_space<vmem>>
    %dma_start3A_24 = arith.constant 0 : i32
    %dma_start3A_25 = arith.constant 0 : i32
    %dma_start3A_26 = tpu.memref_slice %arg2[%dma_start3A_24, %dma_start3A_25] : memref<10000x64xf32, #tpu.memory_space<hbm>> -> memref<10000x64xf32, #tpu.memory_space<hbm>>
    tpu.enqueue_indirect_dma source(%dma_start3A_26 : memref<10000x64xf32, #tpu.memory_space<hbm>>) target(%arg10 : memref<128x64xf32, #tpu.memory_space<vmem>>) offsets(%dma_start3A_23 : memref<128xi32, #tpu.memory_space<vmem>>) semaphore(%arg16 : memref<!tpu.dma_semaphore, #tpu.memory_space<semaphore_mem>>)
    %dma_start3A_27 = arith.constant 2 : i32
    %dma_start3A_28 = arith.constant 0 : i32
    %dma_start3A_29 = tpu.memref_slice %arg7[%dma_start3A_27, %dma_start3A_28] : memref<79x128xi32, #tpu.memory_space<vmem>> -> memref<1x128xi32, #tpu.memory_space<vmem>>
    %dma_start3A_30 = tpu.memref_squeeze %dma_start3A_29 : memref<1x128xi32, #tpu.memory_space<vmem>> -> memref<128xi32, #tpu.memory_space<vmem>>
    %dma_start3A_31 = arith.constant 0 : i32
    %dma_start3A_32 = arith.constant 0 : i32
    %dma_start3A_33 = tpu.memref_slice %arg2[%dma_start3A_31, %dma_start3A_32] : memref<10000x64xf32, #tpu.memory_space<hbm>> -> memref<10000x64xf32, #tpu.memory_space<hbm>>
    tpu.enqueue_indirect_dma source(%dma_start3A_33 : memref<10000x64xf32, #tpu.memory_space<hbm>>) target(%arg11 : memref<128x64xf32, #tpu.memory_space<vmem>>) offsets(%dma_start3A_30 : memref<128xi32, #tpu.memory_space<vmem>>) semaphore(%arg17 : memref<!tpu.dma_semaphore, #tpu.memory_space<semaphore_mem>>)
    %dma_start3A_34 = arith.constant 3 : i32
    %dma_start3A_35 = arith.constant 0 : i32
    %dma_start3A_36 = tpu.memref_slice %arg7[%dma_start3A_34, %dma_start3A_35] : memref<79x128xi32, #tpu.memory_space<vmem>> -> memref<1x128xi32, #tpu.memory_space<vmem>>
    %dma_start3A_37 = tpu.memref_squeeze %dma_start3A_36 : memref<1x128xi32, #tpu.memory_space<vmem>> -> memref<128xi32, #tpu.memory_space<vmem>>
    %dma_start3A_38 = arith.constant 0 : i32
    %dma_start3A_39 = arith.constant 0 : i32
    %dma_start3A_40 = tpu.memref_slice %arg2[%dma_start3A_38, %dma_start3A_39] : memref<10000x64xf32, #tpu.memory_space<hbm>> -> memref<10000x64xf32, #tpu.memory_space<hbm>>
    tpu.enqueue_indirect_dma source(%dma_start3A_40 : memref<10000x64xf32, #tpu.memory_space<hbm>>) target(%arg12 : memref<128x64xf32, #tpu.memory_space<vmem>>) offsets(%dma_start3A_37 : memref<128xi32, #tpu.memory_space<vmem>>) semaphore(%arg18 : memref<!tpu.dma_semaphore, #tpu.memory_space<semaphore_mem>>)
    %scan3A_41 = arith.constant 0 : i32
    %scan3A_42 = arith.constant 0 : i32
    %scan3A_43 = arith.constant 18 : i32
    %scan3A_44 = arith.addi %scan3A_42, %scan3A_43 : i32
    %scan3A_45 = arith.constant 1 : i32
    %scan3A_46 = scf.for %scan3A_437 = %scan3A_42 to %scan3A_44 step %scan3A_45 iter_args(%scan3A_438 = %scan3A_41) -> (i32)  : i32 {
      %mul3A_439 = arith.constant 4 : i32
      %mul3A_440 = arith.muli %scan3A_437, %mul3A_439 : i32
      %dma_wait3A_441 = arith.constant 0 : i32
      %dma_wait3A_442 = arith.constant 0 : i32
      %dma_wait3A_443 = tpu.memref_slice %arg7[%dma_wait3A_441, %dma_wait3A_442] : memref<79x128xi32, #tpu.memory_space<vmem>> -> memref<1x128xi32, #tpu.memory_space<vmem>>
      %dma_wait3A_444 = tpu.memref_squeeze %dma_wait3A_443 : memref<1x128xi32, #tpu.memory_space<vmem>> -> memref<128xi32, #tpu.memory_space<vmem>>
      %dma_wait3A_445 = arith.constant 0 : i32
      %dma_wait3A_446 = arith.constant 0 : i32
      %dma_wait3A_447 = tpu.memref_slice %arg2[%dma_wait3A_445, %dma_wait3A_446] : memref<10000x64xf32, #tpu.memory_space<hbm>> -> memref<10000x64xf32, #tpu.memory_space<hbm>>
      tpu.wait_indirect_dma semaphore(%arg15 : memref<!tpu.dma_semaphore, #tpu.memory_space<semaphore_mem>>) src(%dma_wait3A_447 : memref<10000x64xf32, #tpu.memory_space<hbm>>) dst(%arg9 : memref<128x64xf32, #tpu.memory_space<vmem>>)
      %add3A_448 = arith.constant 0 : i32
      %add3A_449 = arith.addi %mul3A_440, %add3A_448 : i32
      %dma_start3A_450 = arith.constant 0 : i32
      %dma_start3A_451 = tpu.memref_slice %arg8[%add3A_449, %dma_start3A_450] : memref<79x128xi32, #tpu.memory_space<vmem>> -> memref<1x128xi32, #tpu.memory_space<vmem>>
      %dma_start3A_452 = tpu.memref_squeeze %dma_start3A_451 : memref<1x128xi32, #tpu.memory_space<vmem>> -> memref<128xi32, #tpu.memory_space<vmem>>
      %dma_start3A_453 = arith.constant 0 : i32
      %dma_start3A_454 = arith.constant 0 : i32
      %dma_start3A_455 = tpu.memref_slice %arg14[%dma_start3A_453, %dma_start3A_454] : memref<10240x64xf32, #tpu.memory_space<vmem_shared>> -> memref<10240x64xf32, #tpu.memory_space<vmem_shared>>
      tpu.enqueue_indirect_dma source(%arg9 : memref<128x64xf32, #tpu.memory_space<vmem>>) target(%dma_start3A_455 : memref<10240x64xf32, #tpu.memory_space<vmem_shared>>) offsets(%dma_start3A_452 : memref<128xi32, #tpu.memory_space<vmem>>) semaphore(%arg19 : memref<!tpu.dma_semaphore, #tpu.memory_space<semaphore_mem>>) {add = true}
      %dma_wait3A_456 = arith.constant 0 : i32
      %dma_wait3A_457 = arith.constant 0 : i32
      %dma_wait3A_458 = tpu.memref_slice %arg7[%dma_wait3A_456, %dma_wait3A_457] : memref<79x128xi32, #tpu.memory_space<vmem>> -> memref<1x128xi32, #tpu.memory_space<vmem>>
      %dma_wait3A_459 = tpu.memref_squeeze %dma_wait3A_458 : memref<1x128xi32, #tpu.memory_space<vmem>> -> memref<128xi32, #tpu.memory_space<vmem>>
      %dma_wait3A_460 = arith.constant 0 : i32
      %dma_wait3A_461 = arith.constant 0 : i32
      %dma_wait3A_462 = tpu.memref_slice %arg2[%dma_wait3A_460, %dma_wait3A_461] : memref<10000x64xf32, #tpu.memory_space<hbm>> -> memref<10000x64xf32, #tpu.memory_space<hbm>>
      tpu.wait_indirect_dma semaphore(%arg16 : memref<!tpu.dma_semaphore, #tpu.memory_space<semaphore_mem>>) src(%dma_wait3A_462 : memref<10000x64xf32, #tpu.memory_space<hbm>>) dst(%arg10 : memref<128x64xf32, #tpu.memory_space<vmem>>)
      %add3A_463 = arith.constant 1 : i32
      %add3A_464 = arith.addi %mul3A_440, %add3A_463 : i32
      %dma_start3A_465 = arith.constant 0 : i32
      %dma_start3A_466 = tpu.memref_slice %arg8[%add3A_464, %dma_start3A_465] : memref<79x128xi32, #tpu.memory_space<vmem>> -> memref<1x128xi32, #tpu.memory_space<vmem>>
      %dma_start3A_467 = tpu.memref_squeeze %dma_start3A_466 : memref<1x128xi32, #tpu.memory_space<vmem>> -> memref<128xi32, #tpu.memory_space<vmem>>
      %dma_start3A_468 = arith.constant 0 : i32
      %dma_start3A_469 = arith.constant 0 : i32
      %dma_start3A_470 = tpu.memref_slice %arg14[%dma_start3A_468, %dma_start3A_469] : memref<10240x64xf32, #tpu.memory_space<vmem_shared>> -> memref<10240x64xf32, #tpu.memory_space<vmem_shared>>
      tpu.enqueue_indirect_dma source(%arg10 : memref<128x64xf32, #tpu.memory_space<vmem>>) target(%dma_start3A_470 : memref<10240x64xf32, #tpu.memory_space<vmem_shared>>) offsets(%dma_start3A_467 : memref<128xi32, #tpu.memory_space<vmem>>) semaphore(%arg20 : memref<!tpu.dma_semaphore, #tpu.memory_space<semaphore_mem>>) {add = true}
      %dma_wait3A_471 = arith.constant 0 : i32
      %dma_wait3A_472 = arith.constant 0 : i32
      %dma_wait3A_473 = tpu.memref_slice %arg7[%dma_wait3A_471, %dma_wait3A_472] : memref<79x128xi32, #tpu.memory_space<vmem>> -> memref<1x128xi32, #tpu.memory_space<vmem>>
      %dma_wait3A_474 = tpu.memref_squeeze %dma_wait3A_473 : memref<1x128xi32, #tpu.memory_space<vmem>> -> memref<128xi32, #tpu.memory_space<vmem>>
      %dma_wait3A_475 = arith.constant 0 : i32
      %dma_wait3A_476 = arith.constant 0 : i32
      %dma_wait3A_477 = tpu.memref_slice %arg2[%dma_wait3A_475, %dma_wait3A_476] : memref<10000x64xf32, #tpu.memory_space<hbm>> -> memref<10000x64xf32, #tpu.memory_space<hbm>>
      tpu.wait_indirect_dma semaphore(%arg17 : memref<!tpu.dma_semaphore, #tpu.memory_space<semaphore_mem>>) src(%dma_wait3A_477 : memref<10000x64xf32, #tpu.memory_space<hbm>>) dst(%arg11 : memref<128x64xf32, #tpu.memory_space<vmem>>)
      %add3A_478 = arith.constant 2 : i32
      %add3A_479 = arith.addi %mul3A_440, %add3A_478 : i32
      %dma_start3A_480 = arith.constant 0 : i32
      %dma_start3A_481 = tpu.memref_slice %arg8[%add3A_479, %dma_start3A_480] : memref<79x128xi32, #tpu.memory_space<vmem>> -> memref<1x128xi32, #tpu.memory_space<vmem>>
      %dma_start3A_482 = tpu.memref_squeeze %dma_start3A_481 : memref<1x128xi32, #tpu.memory_space<vmem>> -> memref<128xi32, #tpu.memory_space<vmem>>
      %dma_start3A_483 = arith.constant 0 : i32
      %dma_start3A_484 = arith.constant 0 : i32
      %dma_start3A_485 = tpu.memref_slice %arg14[%dma_start3A_483, %dma_start3A_484] : memref<10240x64xf32, #tpu.memory_space<vmem_shared>> -> memref<10240x64xf32, #tpu.memory_space<vmem_shared>>
      tpu.enqueue_indirect_dma source(%arg11 : memref<128x64xf32, #tpu.memory_space<vmem>>) target(%dma_start3A_485 : memref<10240x64xf32, #tpu.memory_space<vmem_shared>>) offsets(%dma_start3A_482 : memref<128xi32, #tpu.memory_space<vmem>>) semaphore(%arg21 : memref<!tpu.dma_semaphore, #tpu.memory_space<semaphore_mem>>) {add = true}
      %dma_wait3A_486 = arith.constant 0 : i32
      %dma_wait3A_487 = arith.constant 0 : i32
      %dma_wait3A_488 = tpu.memref_slice %arg7[%dma_wait3A_486, %dma_wait3A_487] : memref<79x128xi32, #tpu.memory_space<vmem>> -> memref<1x128xi32, #tpu.memory_space<vmem>>
      %dma_wait3A_489 = tpu.memref_squeeze %dma_wait3A_488 : memref<1x128xi32, #tpu.memory_space<vmem>> -> memref<128xi32, #tpu.memory_space<vmem>>
      %dma_wait3A_490 = arith.constant 0 : i32
      %dma_wait3A_491 = arith.constant 0 : i32
      %dma_wait3A_492 = tpu.memref_slice %arg2[%dma_wait3A_490, %dma_wait3A_491] : memref<10000x64xf32, #tpu.memory_space<hbm>> -> memref<10000x64xf32, #tpu.memory_space<hbm>>
      tpu.wait_indirect_dma semaphore(%arg18 : memref<!tpu.dma_semaphore, #tpu.memory_space<semaphore_mem>>) src(%dma_wait3A_492 : memref<10000x64xf32, #tpu.memory_space<hbm>>) dst(%arg12 : memref<128x64xf32, #tpu.memory_space<vmem>>)
      %add3A_493 = arith.constant 3 : i32
      %add3A_494 = arith.addi %mul3A_440, %add3A_493 : i32
      %dma_start3A_495 = arith.constant 0 : i32
      %dma_start3A_496 = tpu.memref_slice %arg8[%add3A_494, %dma_start3A_495] : memref<79x128xi32, #tpu.memory_space<vmem>> -> memref<1x128xi32, #tpu.memory_space<vmem>>
      %dma_start3A_497 = tpu.memref_squeeze %dma_start3A_496 : memref<1x128xi32, #tpu.memory_space<vmem>> -> memref<128xi32, #tpu.memory_space<vmem>>
      %dma_start3A_498 = arith.constant 0 : i32
      %dma_start3A_499 = arith.constant 0 : i32
      %dma_start3A_500 = tpu.memref_slice %arg14[%dma_start3A_498, %dma_start3A_499] : memref<10240x64xf32, #tpu.memory_space<vmem_shared>> -> memref<10240x64xf32, #tpu.memory_space<vmem_shared>>
      tpu.enqueue_indirect_dma source(%arg12 : memref<128x64xf32, #tpu.memory_space<vmem>>) target(%dma_start3A_500 : memref<10240x64xf32, #tpu.memory_space<vmem_shared>>) offsets(%dma_start3A_497 : memref<128xi32, #tpu.memory_space<vmem>>) semaphore(%arg22 : memref<!tpu.dma_semaphore, #tpu.memory_space<semaphore_mem>>) {add = true}
      %dma_wait3A_501 = arith.constant 0 : i32
      %dma_wait3A_502 = arith.constant 0 : i32
      %dma_wait3A_503 = tpu.memref_slice %arg8[%dma_wait3A_501, %dma_wait3A_502] : memref<79x128xi32, #tpu.memory_space<vmem>> -> memref<1x128xi32, #tpu.memory_space<vmem>>
      %dma_wait3A_504 = tpu.memref_squeeze %dma_wait3A_503 : memref<1x128xi32, #tpu.memory_space<vmem>> -> memref<128xi32, #tpu.memory_space<vmem>>
      %dma_wait3A_505 = arith.constant 0 : i32
      %dma_wait3A_506 = arith.constant 0 : i32
      %dma_wait3A_507 = tpu.memref_slice %arg14[%dma_wait3A_505, %dma_wait3A_506] : memref<10240x64xf32, #tpu.memory_space<vmem_shared>> -> memref<10240x64xf32, #tpu.memory_space<vmem_shared>>
      tpu.wait_indirect_dma semaphore(%arg19 : memref<!tpu.dma_semaphore, #tpu.memory_space<semaphore_mem>>) src(%arg9 : memref<128x64xf32, #tpu.memory_space<vmem>>) dst(%dma_wait3A_507 : memref<10240x64xf32, #tpu.memory_space<vmem_shared>>)
      %add3A_508 = arith.constant 4 : i32
      %add3A_509 = arith.addi %mul3A_440, %add3A_508 : i32
      %add3A_510 = arith.constant 0 : i32
      %add3A_511 = arith.addi %add3A_509, %add3A_510 : i32
      %dma_start3A_512 = arith.constant 0 : i32
      %dma_start3A_513 = tpu.memref_slice %arg7[%add3A_511, %dma_start3A_512] : memref<79x128xi32, #tpu.memory_space<vmem>> -> memref<1x128xi32, #tpu.memory_space<vmem>>
      %dma_start3A_514 = tpu.memref_squeeze %dma_start3A_513 : memref<1x128xi32, #tpu.memory_space<vmem>> -> memref<128xi32, #tpu.memory_space<vmem>>
      %dma_start3A_515 = arith.constant 0 : i32
      %dma_start3A_516 = arith.constant 0 : i32
      %dma_start3A_517 = tpu.memref_slice %arg2[%dma_start3A_515, %dma_start3A_516] : memref<10000x64xf32, #tpu.memory_space<hbm>> -> memref<10000x64xf32, #tpu.memory_space<hbm>>
      tpu.enqueue_indirect_dma source(%dma_start3A_517 : memref<10000x64xf32, #tpu.memory_space<hbm>>) target(%arg9 : memref<128x64xf32, #tpu.memory_space<vmem>>) offsets(%dma_start3A_514 : memref<128xi32, #tpu.memory_space<vmem>>) semaphore(%arg15 : memref<!tpu.dma_semaphore, #tpu.memory_space<semaphore_mem>>)
      %dma_wait3A_518 = arith.constant 0 : i32
      %dma_wait3A_519 = arith.constant 0 : i32
      %dma_wait3A_520 = tpu.memref_slice %arg8[%dma_wait3A_518, %dma_wait3A_519] : memref<79x128xi32, #tpu.memory_space<vmem>> -> memref<1x128xi32, #tpu.memory_space<vmem>>
      %dma_wait3A_521 = tpu.memref_squeeze %dma_wait3A_520 : memref<1x128xi32, #tpu.memory_space<vmem>> -> memref<128xi32, #tpu.memory_space<vmem>>
      %dma_wait3A_522 = arith.constant 0 : i32
      %dma_wait3A_523 = arith.constant 0 : i32
      %dma_wait3A_524 = tpu.memref_slice %arg14[%dma_wait3A_522, %dma_wait3A_523] : memref<10240x64xf32, #tpu.memory_space<vmem_shared>> -> memref<10240x64xf32, #tpu.memory_space<vmem_shared>>
      tpu.wait_indirect_dma semaphore(%arg20 : memref<!tpu.dma_semaphore, #tpu.memory_space<semaphore_mem>>) src(%arg10 : memref<128x64xf32, #tpu.memory_space<vmem>>) dst(%dma_wait3A_524 : memref<10240x64xf32, #tpu.memory_space<vmem_shared>>)
      %add3A_525 = arith.constant 4 : i32
      %add3A_526 = arith.addi %mul3A_440, %add3A_525 : i32
      %add3A_527 = arith.constant 1 : i32
      %add3A_528 = arith.addi %add3A_526, %add3A_527 : i32
      %dma_start3A_529 = arith.constant 0 : i32
      %dma_start3A_530 = tpu.memref_slice %arg7[%add3A_528, %dma_start3A_529] : memref<79x128xi32, #tpu.memory_space<vmem>> -> memref<1x128xi32, #tpu.memory_space<vmem>>
      %dma_start3A_531 = tpu.memref_squeeze %dma_start3A_530 : memref<1x128xi32, #tpu.memory_space<vmem>> -> memref<128xi32, #tpu.memory_space<vmem>>
      %dma_start3A_532 = arith.constant 0 : i32
      %dma_start3A_533 = arith.constant 0 : i32
      %dma_start3A_534 = tpu.memref_slice %arg2[%dma_start3A_532, %dma_start3A_533] : memref<10000x64xf32, #tpu.memory_space<hbm>> -> memref<10000x64xf32, #tpu.memory_space<hbm>>
      tpu.enqueue_indirect_dma source(%dma_start3A_534 : memref<10000x64xf32, #tpu.memory_space<hbm>>) target(%arg10 : memref<128x64xf32, #tpu.memory_space<vmem>>) offsets(%dma_start3A_531 : memref<128xi32, #tpu.memory_space<vmem>>) semaphore(%arg16 : memref<!tpu.dma_semaphore, #tpu.memory_space<semaphore_mem>>)
      %dma_wait3A_535 = arith.constant 0 : i32
      %dma_wait3A_536 = arith.constant 0 : i32
      %dma_wait3A_537 = tpu.memref_slice %arg8[%dma_wait3A_535, %dma_wait3A_536] : memref<79x128xi32, #tpu.memory_space<vmem>> -> memref<1x128xi32, #tpu.memory_space<vmem>>
      %dma_wait3A_538 = tpu.memref_squeeze %dma_wait3A_537 : memref<1x128xi32, #tpu.memory_space<vmem>> -> memref<128xi32, #tpu.memory_space<vmem>>
      %dma_wait3A_539 = arith.constant 0 : i32
      %dma_wait3A_540 = arith.constant 0 : i32
      %dma_wait3A_541 = tpu.memref_slice %arg14[%dma_wait3A_539, %dma_wait3A_540] : memref<10240x64xf32, #tpu.memory_space<vmem_shared>> -> memref<10240x64xf32, #tpu.memory_space<vmem_shared>>
      tpu.wait_indirect_dma semaphore(%arg21 : memref<!tpu.dma_semaphore, #tpu.memory_space<semaphore_mem>>) src(%arg11 : memref<128x64xf32, #tpu.memory_space<vmem>>) dst(%dma_wait3A_541 : memref<10240x64xf32, #tpu.memory_space<vmem_shared>>)
      %add3A_542 = arith.constant 4 : i32
      %add3A_543 = arith.addi %mul3A_440, %add3A_542 : i32
      %add3A_544 = arith.constant 2 : i32
      %add3A_545 = arith.addi %add3A_543, %add3A_544 : i32
      %dma_start3A_546 = arith.constant 0 : i32
      %dma_start3A_547 = tpu.memref_slice %arg7[%add3A_545, %dma_start3A_546] : memref<79x128xi32, #tpu.memory_space<vmem>> -> memref<1x128xi32, #tpu.memory_space<vmem>>
      %dma_start3A_548 = tpu.memref_squeeze %dma_start3A_547 : memref<1x128xi32, #tpu.memory_space<vmem>> -> memref<128xi32, #tpu.memory_space<vmem>>
      %dma_start3A_549 = arith.constant 0 : i32
      %dma_start3A_550 = arith.constant 0 : i32
      %dma_start3A_551 = tpu.memref_slice %arg2[%dma_start3A_549, %dma_start3A_550] : memref<10000x64xf32, #tpu.memory_space<hbm>> -> memref<10000x64xf32, #tpu.memory_space<hbm>>
      tpu.enqueue_indirect_dma source(%dma_start3A_551 : memref<10000x64xf32, #tpu.memory_space<hbm>>) target(%arg11 : memref<128x64xf32, #tpu.memory_space<vmem>>) offsets(%dma_start3A_548 : memref<128xi32, #tpu.memory_space<vmem>>) semaphore(%arg17 : memref<!tpu.dma_semaphore, #tpu.memory_space<semaphore_mem>>)
      %dma_wait3A_552 = arith.constant 0 : i32
      %dma_wait3A_553 = arith.constant 0 : i32
      %dma_wait3A_554 = tpu.memref_slice %arg8[%dma_wait3A_552, %dma_wait3A_553] : memref<79x128xi32, #tpu.memory_space<vmem>> -> memref<1x128xi32, #tpu.memory_space<vmem>>
      %dma_wait3A_555 = tpu.memref_squeeze %dma_wait3A_554 : memref<1x128xi32, #tpu.memory_space<vmem>> -> memref<128xi32, #tpu.memory_space<vmem>>
      %dma_wait3A_556 = arith.constant 0 : i32
      %dma_wait3A_557 = arith.constant 0 : i32
      %dma_wait3A_558 = tpu.memref_slice %arg14[%dma_wait3A_556, %dma_wait3A_557] : memref<10240x64xf32, #tpu.memory_space<vmem_shared>> -> memref<10240x64xf32, #tpu.memory_space<vmem_shared>>
      tpu.wait_indirect_dma semaphore(%arg22 : memref<!tpu.dma_semaphore, #tpu.memory_space<semaphore_mem>>) src(%arg12 : memref<128x64xf32, #tpu.memory_space<vmem>>) dst(%dma_wait3A_558 : memref<10240x64xf32, #tpu.memory_space<vmem_shared>>)
      %add3A_559 = arith.constant 4 : i32
      %add3A_560 = arith.addi %mul3A_440, %add3A_559 : i32
      %add3A_561 = arith.constant 3 : i32
      %add3A_562 = arith.addi %add3A_560, %add3A_561 : i32
      %dma_start3A_563 = arith.constant 0 : i32
      %dma_start3A_564 = tpu.memref_slice %arg7[%add3A_562, %dma_start3A_563] : memref<79x128xi32, #tpu.memory_space<vmem>> -> memref<1x128xi32, #tpu.memory_space<vmem>>
      %dma_start3A_565 = tpu.memref_squeeze %dma_start3A_564 : memref<1x128xi32, #tpu.memory_space<vmem>> -> memref<128xi32, #tpu.memory_space<vmem>>
      %dma_start3A_566 = arith.constant 0 : i32
      %dma_start3A_567 = arith.constant 0 : i32
      %dma_start3A_568 = tpu.memref_slice %arg2[%dma_start3A_566, %dma_start3A_567] : memref<10000x64xf32, #tpu.memory_space<hbm>> -> memref<10000x64xf32, #tpu.memory_space<hbm>>
      tpu.enqueue_indirect_dma source(%dma_start3A_568 : memref<10000x64xf32, #tpu.memory_space<hbm>>) target(%arg12 : memref<128x64xf32, #tpu.memory_space<vmem>>) offsets(%dma_start3A_565 : memref<128xi32, #tpu.memory_space<vmem>>) semaphore(%arg18 : memref<!tpu.dma_semaphore, #tpu.memory_space<semaphore_mem>>)
      %scan3A_569 = arith.constant 0 : i32
      scf.yield %scan3A_569 : i32
    }
    %scan3A_47 = arith.constant 18 : i32
    %dma_wait3A = arith.constant 0 : i32
    %dma_wait3A_48 = arith.constant 0 : i32
    %dma_wait3A_49 = tpu.memref_slice %arg7[%dma_wait3A, %dma_wait3A_48] : memref<79x128xi32, #tpu.memory_space<vmem>> -> memref<1x128xi32, #tpu.memory_space<vmem>>
    %dma_wait3A_50 = tpu.memref_squeeze %dma_wait3A_49 : memref<1x128xi32, #tpu.memory_space<vmem>> -> memref<128xi32, #tpu.memory_space<vmem>>
    %dma_wait3A_51 = arith.constant 0 : i32
    %dma_wait3A_52 = arith.constant 0 : i32
    %dma_wait3A_53 = tpu.memref_slice %arg2[%dma_wait3A_51, %dma_wait3A_52] : memref<10000x64xf32, #tpu.memory_space<hbm>> -> memref<10000x64xf32, #tpu.memory_space<hbm>>
    tpu.wait_indirect_dma semaphore(%arg15 : memref<!tpu.dma_semaphore, #tpu.memory_space<semaphore_mem>>) src(%dma_wait3A_53 : memref<10000x64xf32, #tpu.memory_space<hbm>>) dst(%arg9 : memref<128x64xf32, #tpu.memory_space<vmem>>)
    %dma_start3A_54 = arith.constant 72 : i32
    %dma_start3A_55 = arith.constant 0 : i32
    %dma_start3A_56 = tpu.memref_slice %arg8[%dma_start3A_54, %dma_start3A_55] : memref<79x128xi32, #tpu.memory_space<vmem>> -> memref<1x128xi32, #tpu.memory_space<vmem>>
    %dma_start3A_57 = tpu.memref_squeeze %dma_start3A_56 : memref<1x128xi32, #tpu.memory_space<vmem>> -> memref<128xi32, #tpu.memory_space<vmem>>
    %dma_start3A_58 = arith.constant 0 : i32
    %dma_start3A_59 = arith.constant 0 : i32
    %dma_start3A_60 = tpu.memref_slice %arg14[%dma_start3A_58, %dma_start3A_59] : memref<10240x64xf32, #tpu.memory_space<vmem_shared>> -> memref<10240x64xf32, #tpu.memory_space<vmem_shared>>
    tpu.enqueue_indirect_dma source(%arg9 : memref<128x64xf32, #tpu.memory_space<vmem>>) target(%dma_start3A_60 : memref<10240x64xf32, #tpu.memory_space<vmem_shared>>) offsets(%dma_start3A_57 : memref<128xi32, #tpu.memory_space<vmem>>) semaphore(%arg19 : memref<!tpu.dma_semaphore, #tpu.memory_space<semaphore_mem>>) {add = true}
    %dma_wait3A_61 = arith.constant 0 : i32
    %dma_wait3A_62 = arith.constant 0 : i32
    %dma_wait3A_63 = tpu.memref_slice %arg8[%dma_wait3A_61, %dma_wait3A_62] : memref<79x128xi32, #tpu.memory_space<vmem>> -> memref<1x128xi32, #tpu.memory_space<vmem>>
    %dma_wait3A_64 = tpu.memref_squeeze %dma_wait3A_63 : memref<1x128xi32, #tpu.memory_space<vmem>> -> memref<128xi32, #tpu.memory_space<vmem>>
    %dma_wait3A_65 = arith.constant 0 : i32
    %dma_wait3A_66 = arith.constant 0 : i32
    %dma_wait3A_67 = tpu.memref_slice %arg14[%dma_wait3A_65, %dma_wait3A_66] : memref<10240x64xf32, #tpu.memory_space<vmem_shared>> -> memref<10240x64xf32, #tpu.memory_space<vmem_shared>>
    tpu.wait_indirect_dma semaphore(%arg19 : memref<!tpu.dma_semaphore, #tpu.memory_space<semaphore_mem>>) src(%arg9 : memref<128x64xf32, #tpu.memory_space<vmem>>) dst(%dma_wait3A_67 : memref<10240x64xf32, #tpu.memory_space<vmem_shared>>)
    %dma_start3A_68 = arith.constant 76 : i32
    %dma_start3A_69 = arith.constant 0 : i32
    %dma_start3A_70 = tpu.memref_slice %arg7[%dma_start3A_68, %dma_start3A_69] : memref<79x128xi32, #tpu.memory_space<vmem>> -> memref<1x128xi32, #tpu.memory_space<vmem>>
    %dma_start3A_71 = tpu.memref_squeeze %dma_start3A_70 : memref<1x128xi32, #tpu.memory_space<vmem>> -> memref<128xi32, #tpu.memory_space<vmem>>
    %dma_start3A_72 = arith.constant 0 : i32
    %dma_start3A_73 = arith.constant 0 : i32
    %dma_start3A_74 = tpu.memref_slice %arg2[%dma_start3A_72, %dma_start3A_73] : memref<10000x64xf32, #tpu.memory_space<hbm>> -> memref<10000x64xf32, #tpu.memory_space<hbm>>
    tpu.enqueue_indirect_dma source(%dma_start3A_74 : memref<10000x64xf32, #tpu.memory_space<hbm>>) target(%arg9 : memref<128x64xf32, #tpu.memory_space<vmem>>) offsets(%dma_start3A_71 : memref<128xi32, #tpu.memory_space<vmem>>) semaphore(%arg15 : memref<!tpu.dma_semaphore, #tpu.memory_space<semaphore_mem>>)
    %dma_wait3A_75 = arith.constant 0 : i32
    %dma_wait3A_76 = arith.constant 0 : i32
    %dma_wait3A_77 = tpu.memref_slice %arg7[%dma_wait3A_75, %dma_wait3A_76] : memref<79x128xi32, #tpu.memory_space<vmem>> -> memref<1x128xi32, #tpu.memory_space<vmem>>
    %dma_wait3A_78 = tpu.memref_squeeze %dma_wait3A_77 : memref<1x128xi32, #tpu.memory_space<vmem>> -> memref<128xi32, #tpu.memory_space<vmem>>
    %dma_wait3A_79 = arith.constant 0 : i32
    %dma_wait3A_80 = arith.constant 0 : i32
    %dma_wait3A_81 = tpu.memref_slice %arg2[%dma_wait3A_79, %dma_wait3A_80] : memref<10000x64xf32, #tpu.memory_space<hbm>> -> memref<10000x64xf32, #tpu.memory_space<hbm>>
    tpu.wait_indirect_dma semaphore(%arg16 : memref<!tpu.dma_semaphore, #tpu.memory_space<semaphore_mem>>) src(%dma_wait3A_81 : memref<10000x64xf32, #tpu.memory_space<hbm>>) dst(%arg10 : memref<128x64xf32, #tpu.memory_space<vmem>>)
    %dma_start3A_82 = arith.constant 73 : i32
    %dma_start3A_83 = arith.constant 0 : i32
    %dma_start3A_84 = tpu.memref_slice %arg8[%dma_start3A_82, %dma_start3A_83] : memref<79x128xi32, #tpu.memory_space<vmem>> -> memref<1x128xi32, #tpu.memory_space<vmem>>
    %dma_start3A_85 = tpu.memref_squeeze %dma_start3A_84 : memref<1x128xi32, #tpu.memory_space<vmem>> -> memref<128xi32, #tpu.memory_space<vmem>>
    %dma_start3A_86 = arith.constant 0 : i32
    %dma_start3A_87 = arith.constant 0 : i32
    %dma_start3A_88 = tpu.memref_slice %arg14[%dma_start3A_86, %dma_start3A_87] : memref<10240x64xf32, #tpu.memory_space<vmem_shared>> -> memref<10240x64xf32, #tpu.memory_space<vmem_shared>>
    tpu.enqueue_indirect_dma source(%arg10 : memref<128x64xf32, #tpu.memory_space<vmem>>) target(%dma_start3A_88 : memref<10240x64xf32, #tpu.memory_space<vmem_shared>>) offsets(%dma_start3A_85 : memref<128xi32, #tpu.memory_space<vmem>>) semaphore(%arg20 : memref<!tpu.dma_semaphore, #tpu.memory_space<semaphore_mem>>) {add = true}
    %dma_wait3A_89 = arith.constant 0 : i32
    %dma_wait3A_90 = arith.constant 0 : i32
    %dma_wait3A_91 = tpu.memref_slice %arg8[%dma_wait3A_89, %dma_wait3A_90] : memref<79x128xi32, #tpu.memory_space<vmem>> -> memref<1x128xi32, #tpu.memory_space<vmem>>
    %dma_wait3A_92 = tpu.memref_squeeze %dma_wait3A_91 : memref<1x128xi32, #tpu.memory_space<vmem>> -> memref<128xi32, #tpu.memory_space<vmem>>
    %dma_wait3A_93 = arith.constant 0 : i32
    %dma_wait3A_94 = arith.constant 0 : i32
    %dma_wait3A_95 = tpu.memref_slice %arg14[%dma_wait3A_93, %dma_wait3A_94] : memref<10240x64xf32, #tpu.memory_space<vmem_shared>> -> memref<10240x64xf32, #tpu.memory_space<vmem_shared>>
    tpu.wait_indirect_dma semaphore(%arg20 : memref<!tpu.dma_semaphore, #tpu.memory_space<semaphore_mem>>) src(%arg10 : memref<128x64xf32, #tpu.memory_space<vmem>>) dst(%dma_wait3A_95 : memref<10240x64xf32, #tpu.memory_space<vmem_shared>>)
    %dma_start3A_96 = arith.constant 77 : i32
    %dma_start3A_97 = arith.constant 0 : i32
    %dma_start3A_98 = tpu.memref_slice %arg7[%dma_start3A_96, %dma_start3A_97] : memref<79x128xi32, #tpu.memory_space<vmem>> -> memref<1x128xi32, #tpu.memory_space<vmem>>
    %dma_start3A_99 = tpu.memref_squeeze %dma_start3A_98 : memref<1x128xi32, #tpu.memory_space<vmem>> -> memref<128xi32, #tpu.memory_space<vmem>>
    %dma_start3A_100 = arith.constant 0 : i32
    %dma_start3A_101 = arith.constant 0 : i32
    %dma_start3A_102 = tpu.memref_slice %arg2[%dma_start3A_100, %dma_start3A_101] : memref<10000x64xf32, #tpu.memory_space<hbm>> -> memref<10000x64xf32, #tpu.memory_space<hbm>>
    tpu.enqueue_indirect_dma source(%dma_start3A_102 : memref<10000x64xf32, #tpu.memory_space<hbm>>) target(%arg10 : memref<128x64xf32, #tpu.memory_space<vmem>>) offsets(%dma_start3A_99 : memref<128xi32, #tpu.memory_space<vmem>>) semaphore(%arg16 : memref<!tpu.dma_semaphore, #tpu.memory_space<semaphore_mem>>)
    %dma_wait3A_103 = arith.constant 0 : i32
    %dma_wait3A_104 = arith.constant 0 : i32
    %dma_wait3A_105 = tpu.memref_slice %arg7[%dma_wait3A_103, %dma_wait3A_104] : memref<79x128xi32, #tpu.memory_space<vmem>> -> memref<1x128xi32, #tpu.memory_space<vmem>>
    %dma_wait3A_106 = tpu.memref_squeeze %dma_wait3A_105 : memref<1x128xi32, #tpu.memory_space<vmem>> -> memref<128xi32, #tpu.memory_space<vmem>>
    %dma_wait3A_107 = arith.constant 0 : i32
    %dma_wait3A_108 = arith.constant 0 : i32
    %dma_wait3A_109 = tpu.memref_slice %arg2[%dma_wait3A_107, %dma_wait3A_108] : memref<10000x64xf32, #tpu.memory_space<hbm>> -> memref<10000x64xf32, #tpu.memory_space<hbm>>
    tpu.wait_indirect_dma semaphore(%arg17 : memref<!tpu.dma_semaphore, #tpu.memory_space<semaphore_mem>>) src(%dma_wait3A_109 : memref<10000x64xf32, #tpu.memory_space<hbm>>) dst(%arg11 : memref<128x64xf32, #tpu.memory_space<vmem>>)
    %dma_start3A_110 = arith.constant 74 : i32
    %dma_start3A_111 = arith.constant 0 : i32
    %dma_start3A_112 = tpu.memref_slice %arg8[%dma_start3A_110, %dma_start3A_111] : memref<79x128xi32, #tpu.memory_space<vmem>> -> memref<1x128xi32, #tpu.memory_space<vmem>>
    %dma_start3A_113 = tpu.memref_squeeze %dma_start3A_112 : memref<1x128xi32, #tpu.memory_space<vmem>> -> memref<128xi32, #tpu.memory_space<vmem>>
    %dma_start3A_114 = arith.constant 0 : i32
    %dma_start3A_115 = arith.constant 0 : i32
    %dma_start3A_116 = tpu.memref_slice %arg14[%dma_start3A_114, %dma_start3A_115] : memref<10240x64xf32, #tpu.memory_space<vmem_shared>> -> memref<10240x64xf32, #tpu.memory_space<vmem_shared>>
    tpu.enqueue_indirect_dma source(%arg11 : memref<128x64xf32, #tpu.memory_space<vmem>>) target(%dma_start3A_116 : memref<10240x64xf32, #tpu.memory_space<vmem_shared>>) offsets(%dma_start3A_113 : memref<128xi32, #tpu.memory_space<vmem>>) semaphore(%arg21 : memref<!tpu.dma_semaphore, #tpu.memory_space<semaphore_mem>>) {add = true}
    %dma_wait3A_117 = arith.constant 0 : i32
    %dma_wait3A_118 = arith.constant 0 : i32
    %dma_wait3A_119 = tpu.memref_slice %arg8[%dma_wait3A_117, %dma_wait3A_118] : memref<79x128xi32, #tpu.memory_space<vmem>> -> memref<1x128xi32, #tpu.memory_space<vmem>>
    %dma_wait3A_120 = tpu.memref_squeeze %dma_wait3A_119 : memref<1x128xi32, #tpu.memory_space<vmem>> -> memref<128xi32, #tpu.memory_space<vmem>>
    %dma_wait3A_121 = arith.constant 0 : i32
    %dma_wait3A_122 = arith.constant 0 : i32
    %dma_wait3A_123 = tpu.memref_slice %arg14[%dma_wait3A_121, %dma_wait3A_122] : memref<10240x64xf32, #tpu.memory_space<vmem_shared>> -> memref<10240x64xf32, #tpu.memory_space<vmem_shared>>
    tpu.wait_indirect_dma semaphore(%arg21 : memref<!tpu.dma_semaphore, #tpu.memory_space<semaphore_mem>>) src(%arg11 : memref<128x64xf32, #tpu.memory_space<vmem>>) dst(%dma_wait3A_123 : memref<10240x64xf32, #tpu.memory_space<vmem_shared>>)
    %dma_start3A_124 = arith.constant 78 : i32
    %dma_start3A_125 = arith.constant 0 : i32
    %dma_start3A_126 = tpu.memref_slice %arg7[%dma_start3A_124, %dma_start3A_125] : memref<79x128xi32, #tpu.memory_space<vmem>> -> memref<1x128xi32, #tpu.memory_space<vmem>>
    %dma_start3A_127 = tpu.memref_squeeze %dma_start3A_126 : memref<1x128xi32, #tpu.memory_space<vmem>> -> memref<128xi32, #tpu.memory_space<vmem>>
    %dma_start3A_128 = arith.constant 0 : i32
    %dma_start3A_129 = arith.constant 0 : i32
    %dma_start3A_130 = tpu.memref_slice %arg2[%dma_start3A_128, %dma_start3A_129] : memref<10000x64xf32, #tpu.memory_space<hbm>> -> memref<10000x64xf32, #tpu.memory_space<hbm>>
    tpu.enqueue_indirect_dma source(%dma_start3A_130 : memref<10000x64xf32, #tpu.memory_space<hbm>>) target(%arg11 : memref<128x64xf32, #tpu.memory_space<vmem>>) offsets(%dma_start3A_127 : memref<128xi32, #tpu.memory_space<vmem>>) semaphore(%arg17 : memref<!tpu.dma_semaphore, #tpu.memory_space<semaphore_mem>>)
    %dma_wait3A_131 = arith.constant 0 : i32
    %dma_wait3A_132 = arith.constant 0 : i32
    %dma_wait3A_133 = tpu.memref_slice %arg7[%dma_wait3A_131, %dma_wait3A_132] : memref<79x128xi32, #tpu.memory_space<vmem>> -> memref<1x128xi32, #tpu.memory_space<vmem>>
    %dma_wait3A_134 = tpu.memref_squeeze %dma_wait3A_133 : memref<1x128xi32, #tpu.memory_space<vmem>> -> memref<128xi32, #tpu.memory_space<vmem>>
    %dma_wait3A_135 = arith.constant 0 : i32
    %dma_wait3A_136 = arith.constant 0 : i32
    %dma_wait3A_137 = tpu.memref_slice %arg2[%dma_wait3A_135, %dma_wait3A_136] : memref<10000x64xf32, #tpu.memory_space<hbm>> -> memref<10000x64xf32, #tpu.memory_space<hbm>>
    tpu.wait_indirect_dma semaphore(%arg18 : memref<!tpu.dma_semaphore, #tpu.memory_space<semaphore_mem>>) src(%dma_wait3A_137 : memref<10000x64xf32, #tpu.memory_space<hbm>>) dst(%arg12 : memref<128x64xf32, #tpu.memory_space<vmem>>)
    %dma_start3A_138 = arith.constant 75 : i32
    %dma_start3A_139 = arith.constant 0 : i32
    %dma_start3A_140 = tpu.memref_slice %arg8[%dma_start3A_138, %dma_start3A_139] : memref<79x128xi32, #tpu.memory_space<vmem>> -> memref<1x128xi32, #tpu.memory_space<vmem>>
    %dma_start3A_141 = tpu.memref_squeeze %dma_start3A_140 : memref<1x128xi32, #tpu.memory_space<vmem>> -> memref<128xi32, #tpu.memory_space<vmem>>
    %dma_start3A_142 = arith.constant 0 : i32
    %dma_start3A_143 = arith.constant 0 : i32
    %dma_start3A_144 = tpu.memref_slice %arg14[%dma_start3A_142, %dma_start3A_143] : memref<10240x64xf32, #tpu.memory_space<vmem_shared>> -> memref<10240x64xf32, #tpu.memory_space<vmem_shared>>
    tpu.enqueue_indirect_dma source(%arg12 : memref<128x64xf32, #tpu.memory_space<vmem>>) target(%dma_start3A_144 : memref<10240x64xf32, #tpu.memory_space<vmem_shared>>) offsets(%dma_start3A_141 : memref<128xi32, #tpu.memory_space<vmem>>) semaphore(%arg22 : memref<!tpu.dma_semaphore, #tpu.memory_space<semaphore_mem>>) {add = true}
    %dma_wait3A_145 = arith.constant 0 : i32
    %dma_wait3A_146 = arith.constant 0 : i32
    %dma_wait3A_147 = tpu.memref_slice %arg7[%dma_wait3A_145, %dma_wait3A_146] : memref<79x128xi32, #tpu.memory_space<vmem>> -> memref<1x128xi32, #tpu.memory_space<vmem>>
    %dma_wait3A_148 = tpu.memref_squeeze %dma_wait3A_147 : memref<1x128xi32, #tpu.memory_space<vmem>> -> memref<128xi32, #tpu.memory_space<vmem>>
    %dma_wait3A_149 = arith.constant 0 : i32
    %dma_wait3A_150 = arith.constant 0 : i32
    %dma_wait3A_151 = tpu.memref_slice %arg2[%dma_wait3A_149, %dma_wait3A_150] : memref<10000x64xf32, #tpu.memory_space<hbm>> -> memref<10000x64xf32, #tpu.memory_space<hbm>>
    tpu.wait_indirect_dma semaphore(%arg15 : memref<!tpu.dma_semaphore, #tpu.memory_space<semaphore_mem>>) src(%dma_wait3A_151 : memref<10000x64xf32, #tpu.memory_space<hbm>>) dst(%arg9 : memref<128x64xf32, #tpu.memory_space<vmem>>)
    %dma_start3A_152 = arith.constant 76 : i32
    %dma_start3A_153 = arith.constant 0 : i32
    %dma_start3A_154 = tpu.memref_slice %arg8[%dma_start3A_152, %dma_start3A_153] : memref<79x128xi32, #tpu.memory_space<vmem>> -> memref<1x128xi32, #tpu.memory_space<vmem>>
    %dma_start3A_155 = tpu.memref_squeeze %dma_start3A_154 : memref<1x128xi32, #tpu.memory_space<vmem>> -> memref<128xi32, #tpu.memory_space<vmem>>
    %dma_start3A_156 = arith.constant 0 : i32
    %dma_start3A_157 = arith.constant 0 : i32
    %dma_start3A_158 = tpu.memref_slice %arg14[%dma_start3A_156, %dma_start3A_157] : memref<10240x64xf32, #tpu.memory_space<vmem_shared>> -> memref<10240x64xf32, #tpu.memory_space<vmem_shared>>
    tpu.enqueue_indirect_dma source(%arg9 : memref<128x64xf32, #tpu.memory_space<vmem>>) target(%dma_start3A_158 : memref<10240x64xf32, #tpu.memory_space<vmem_shared>>) offsets(%dma_start3A_155 : memref<128xi32, #tpu.memory_space<vmem>>) semaphore(%arg19 : memref<!tpu.dma_semaphore, #tpu.memory_space<semaphore_mem>>) {add = true}
    %dma_wait3A_159 = arith.constant 0 : i32
    %dma_wait3A_160 = arith.constant 0 : i32
    %dma_wait3A_161 = tpu.memref_slice %arg7[%dma_wait3A_159, %dma_wait3A_160] : memref<79x128xi32, #tpu.memory_space<vmem>> -> memref<1x128xi32, #tpu.memory_space<vmem>>
    %dma_wait3A_162 = tpu.memref_squeeze %dma_wait3A_161 : memref<1x128xi32, #tpu.memory_space<vmem>> -> memref<128xi32, #tpu.memory_space<vmem>>
    %dma_wait3A_163 = arith.constant 0 : i32
    %dma_wait3A_164 = arith.constant 0 : i32
    %dma_wait3A_165 = tpu.memref_slice %arg2[%dma_wait3A_163, %dma_wait3A_164] : memref<10000x64xf32, #tpu.memory_space<hbm>> -> memref<10000x64xf32, #tpu.memory_space<hbm>>
    tpu.wait_indirect_dma semaphore(%arg16 : memref<!tpu.dma_semaphore, #tpu.memory_space<semaphore_mem>>) src(%dma_wait3A_165 : memref<10000x64xf32, #tpu.memory_space<hbm>>) dst(%arg10 : memref<128x64xf32, #tpu.memory_space<vmem>>)
    %dma_start3A_166 = arith.constant 77 : i32
    %dma_start3A_167 = arith.constant 0 : i32
    %dma_start3A_168 = tpu.memref_slice %arg8[%dma_start3A_166, %dma_start3A_167] : memref<79x128xi32, #tpu.memory_space<vmem>> -> memref<1x128xi32, #tpu.memory_space<vmem>>
    %dma_start3A_169 = tpu.memref_squeeze %dma_start3A_168 : memref<1x128xi32, #tpu.memory_space<vmem>> -> memref<128xi32, #tpu.memory_space<vmem>>
    %dma_start3A_170 = arith.constant 0 : i32
    %dma_start3A_171 = arith.constant 0 : i32
    %dma_start3A_172 = tpu.memref_slice %arg14[%dma_start3A_170, %dma_start3A_171] : memref<10240x64xf32, #tpu.memory_space<vmem_shared>> -> memref<10240x64xf32, #tpu.memory_space<vmem_shared>>
    tpu.enqueue_indirect_dma source(%arg10 : memref<128x64xf32, #tpu.memory_space<vmem>>) target(%dma_start3A_172 : memref<10240x64xf32, #tpu.memory_space<vmem_shared>>) offsets(%dma_start3A_169 : memref<128xi32, #tpu.memory_space<vmem>>) semaphore(%arg20 : memref<!tpu.dma_semaphore, #tpu.memory_space<semaphore_mem>>) {add = true}
    %dma_wait3A_173 = arith.constant 0 : i32
    %dma_wait3A_174 = arith.constant 0 : i32
    %dma_wait3A_175 = tpu.memref_slice %arg7[%dma_wait3A_173, %dma_wait3A_174] : memref<79x128xi32, #tpu.memory_space<vmem>> -> memref<1x128xi32, #tpu.memory_space<vmem>>
    %dma_wait3A_176 = tpu.memref_squeeze %dma_wait3A_175 : memref<1x128xi32, #tpu.memory_space<vmem>> -> memref<128xi32, #tpu.memory_space<vmem>>
    %dma_wait3A_177 = arith.constant 0 : i32
    %dma_wait3A_178 = arith.constant 0 : i32
    %dma_wait3A_179 = tpu.memref_slice %arg2[%dma_wait3A_177, %dma_wait3A_178] : memref<10000x64xf32, #tpu.memory_space<hbm>> -> memref<10000x64xf32, #tpu.memory_space<hbm>>
    tpu.wait_indirect_dma semaphore(%arg17 : memref<!tpu.dma_semaphore, #tpu.memory_space<semaphore_mem>>) src(%dma_wait3A_179 : memref<10000x64xf32, #tpu.memory_space<hbm>>) dst(%arg11 : memref<128x64xf32, #tpu.memory_space<vmem>>)
    %dma_start3A_180 = arith.constant 78 : i32
    %dma_start3A_181 = arith.constant 0 : i32
    %dma_start3A_182 = tpu.memref_slice %arg8[%dma_start3A_180, %dma_start3A_181] : memref<79x128xi32, #tpu.memory_space<vmem>> -> memref<1x128xi32, #tpu.memory_space<vmem>>
    %dma_start3A_183 = tpu.memref_squeeze %dma_start3A_182 : memref<1x128xi32, #tpu.memory_space<vmem>> -> memref<128xi32, #tpu.memory_space<vmem>>
    %dma_start3A_184 = arith.constant 0 : i32
    %dma_start3A_185 = arith.constant 0 : i32
    %dma_start3A_186 = tpu.memref_slice %arg14[%dma_start3A_184, %dma_start3A_185] : memref<10240x64xf32, #tpu.memory_space<vmem_shared>> -> memref<10240x64xf32, #tpu.memory_space<vmem_shared>>
    tpu.enqueue_indirect_dma source(%arg11 : memref<128x64xf32, #tpu.memory_space<vmem>>) target(%dma_start3A_186 : memref<10240x64xf32, #tpu.memory_space<vmem_shared>>) offsets(%dma_start3A_183 : memref<128xi32, #tpu.memory_space<vmem>>) semaphore(%arg21 : memref<!tpu.dma_semaphore, #tpu.memory_space<semaphore_mem>>) {add = true}
    %dma_wait3A_187 = arith.constant 0 : i32
    %dma_wait3A_188 = arith.constant 0 : i32
    %dma_wait3A_189 = tpu.memref_slice %arg8[%dma_wait3A_187, %dma_wait3A_188] : memref<79x128xi32, #tpu.memory_space<vmem>> -> memref<1x128xi32, #tpu.memory_space<vmem>>
    %dma_wait3A_190 = tpu.memref_squeeze %dma_wait3A_189 : memref<1x128xi32, #tpu.memory_space<vmem>> -> memref<128xi32, #tpu.memory_space<vmem>>
    %dma_wait3A_191 = arith.constant 0 : i32
    %dma_wait3A_192 = arith.constant 0 : i32
    %dma_wait3A_193 = tpu.memref_slice %arg14[%dma_wait3A_191, %dma_wait3A_192] : memref<10240x64xf32, #tpu.memory_space<vmem_shared>> -> memref<10240x64xf32, #tpu.memory_space<vmem_shared>>
    tpu.wait_indirect_dma semaphore(%arg19 : memref<!tpu.dma_semaphore, #tpu.memory_space<semaphore_mem>>) src(%arg9 : memref<128x64xf32, #tpu.memory_space<vmem>>) dst(%dma_wait3A_193 : memref<10240x64xf32, #tpu.memory_space<vmem_shared>>)
    %dma_wait3A_194 = arith.constant 0 : i32
    %dma_wait3A_195 = arith.constant 0 : i32
    %dma_wait3A_196 = tpu.memref_slice %arg8[%dma_wait3A_194, %dma_wait3A_195] : memref<79x128xi32, #tpu.memory_space<vmem>> -> memref<1x128xi32, #tpu.memory_space<vmem>>
    %dma_wait3A_197 = tpu.memref_squeeze %dma_wait3A_196 : memref<1x128xi32, #tpu.memory_space<vmem>> -> memref<128xi32, #tpu.memory_space<vmem>>
    %dma_wait3A_198 = arith.constant 0 : i32
    %dma_wait3A_199 = arith.constant 0 : i32
    %dma_wait3A_200 = tpu.memref_slice %arg14[%dma_wait3A_198, %dma_wait3A_199] : memref<10240x64xf32, #tpu.memory_space<vmem_shared>> -> memref<10240x64xf32, #tpu.memory_space<vmem_shared>>
    tpu.wait_indirect_dma semaphore(%arg20 : memref<!tpu.dma_semaphore, #tpu.memory_space<semaphore_mem>>) src(%arg10 : memref<128x64xf32, #tpu.memory_space<vmem>>) dst(%dma_wait3A_200 : memref<10240x64xf32, #tpu.memory_space<vmem_shared>>)
    %dma_wait3A_201 = arith.constant 0 : i32
    %dma_wait3A_202 = arith.constant 0 : i32
    %dma_wait3A_203 = tpu.memref_slice %arg8[%dma_wait3A_201, %dma_wait3A_202] : memref<79x128xi32, #tpu.memory_space<vmem>> -> memref<1x128xi32, #tpu.memory_space<vmem>>
    %dma_wait3A_204 = tpu.memref_squeeze %dma_wait3A_203 : memref<1x128xi32, #tpu.memory_space<vmem>> -> memref<128xi32, #tpu.memory_space<vmem>>
    %dma_wait3A_205 = arith.constant 0 : i32
    %dma_wait3A_206 = arith.constant 0 : i32
    %dma_wait3A_207 = tpu.memref_slice %arg14[%dma_wait3A_205, %dma_wait3A_206] : memref<10240x64xf32, #tpu.memory_space<vmem_shared>> -> memref<10240x64xf32, #tpu.memory_space<vmem_shared>>
    tpu.wait_indirect_dma semaphore(%arg21 : memref<!tpu.dma_semaphore, #tpu.memory_space<semaphore_mem>>) src(%arg11 : memref<128x64xf32, #tpu.memory_space<vmem>>) dst(%dma_wait3A_207 : memref<10240x64xf32, #tpu.memory_space<vmem_shared>>)
    %dma_wait3A_208 = arith.constant 0 : i32
    %dma_wait3A_209 = arith.constant 0 : i32
    %dma_wait3A_210 = tpu.memref_slice %arg8[%dma_wait3A_208, %dma_wait3A_209] : memref<79x128xi32, #tpu.memory_space<vmem>> -> memref<1x128xi32, #tpu.memory_space<vmem>>
    %dma_wait3A_211 = tpu.memref_squeeze %dma_wait3A_210 : memref<1x128xi32, #tpu.memory_space<vmem>> -> memref<128xi32, #tpu.memory_space<vmem>>
    %dma_wait3A_212 = arith.constant 0 : i32
    %dma_wait3A_213 = arith.constant 0 : i32
    %dma_wait3A_214 = tpu.memref_slice %arg14[%dma_wait3A_212, %dma_wait3A_213] : memref<10240x64xf32, #tpu.memory_space<vmem_shared>> -> memref<10240x64xf32, #tpu.memory_space<vmem_shared>>
    tpu.wait_indirect_dma semaphore(%arg22 : memref<!tpu.dma_semaphore, #tpu.memory_space<semaphore_mem>>) src(%arg12 : memref<128x64xf32, #tpu.memory_space<vmem>>) dst(%dma_wait3A_214 : memref<10240x64xf32, #tpu.memory_space<vmem_shared>>)
    %barrier3A_215 = arith.constant 0 : index
    tpu.barrier barrier_id(%barrier3A_215)
    %dma_start3A_216 = arith.constant 0 : i32
    %dma_start3A_217 = arith.constant 0 : i32
    %dma_start3A_218 = tpu.memref_slice %arg7[%dma_start3A_216, %dma_start3A_217] : memref<79x128xi32, #tpu.memory_space<vmem>> -> memref<1x128xi32, #tpu.memory_space<vmem>>
    %dma_start3A_219 = tpu.memref_squeeze %dma_start3A_218 : memref<1x128xi32, #tpu.memory_space<vmem>> -> memref<128xi32, #tpu.memory_space<vmem>>
    %dma_start3A_220 = arith.constant 0 : i32
    %dma_start3A_221 = arith.constant 0 : i32
    %dma_start3A_222 = tpu.memref_slice %arg3[%dma_start3A_220, %dma_start3A_221] : memref<10000x64xf32, #tpu.memory_space<hbm>> -> memref<10000x64xf32, #tpu.memory_space<hbm>>
    tpu.enqueue_indirect_dma source(%dma_start3A_222 : memref<10000x64xf32, #tpu.memory_space<hbm>>) target(%arg9 : memref<128x64xf32, #tpu.memory_space<vmem>>) offsets(%dma_start3A_219 : memref<128xi32, #tpu.memory_space<vmem>>) semaphore(%arg15 : memref<!tpu.dma_semaphore, #tpu.memory_space<semaphore_mem>>)
    %dma_start3A_223 = arith.constant 1 : i32
    %dma_start3A_224 = arith.constant 0 : i32
    %dma_start3A_225 = tpu.memref_slice %arg7[%dma_start3A_223, %dma_start3A_224] : memref<79x128xi32, #tpu.memory_space<vmem>> -> memref<1x128xi32, #tpu.memory_space<vmem>>
    %dma_start3A_226 = tpu.memref_squeeze %dma_start3A_225 : memref<1x128xi32, #tpu.memory_space<vmem>> -> memref<128xi32, #tpu.memory_space<vmem>>
    %dma_start3A_227 = arith.constant 0 : i32
    %dma_start3A_228 = arith.constant 0 : i32
    %dma_start3A_229 = tpu.memref_slice %arg3[%dma_start3A_227, %dma_start3A_228] : memref<10000x64xf32, #tpu.memory_space<hbm>> -> memref<10000x64xf32, #tpu.memory_space<hbm>>
    tpu.enqueue_indirect_dma source(%dma_start3A_229 : memref<10000x64xf32, #tpu.memory_space<hbm>>) target(%arg10 : memref<128x64xf32, #tpu.memory_space<vmem>>) offsets(%dma_start3A_226 : memref<128xi32, #tpu.memory_space<vmem>>) semaphore(%arg16 : memref<!tpu.dma_semaphore, #tpu.memory_space<semaphore_mem>>)
    %dma_start3A_230 = arith.constant 2 : i32
    %dma_start3A_231 = arith.constant 0 : i32
    %dma_start3A_232 = tpu.memref_slice %arg7[%dma_start3A_230, %dma_start3A_231] : memref<79x128xi32, #tpu.memory_space<vmem>> -> memref<1x128xi32, #tpu.memory_space<vmem>>
    %dma_start3A_233 = tpu.memref_squeeze %dma_start3A_232 : memref<1x128xi32, #tpu.memory_space<vmem>> -> memref<128xi32, #tpu.memory_space<vmem>>
    %dma_start3A_234 = arith.constant 0 : i32
    %dma_start3A_235 = arith.constant 0 : i32
    %dma_start3A_236 = tpu.memref_slice %arg3[%dma_start3A_234, %dma_start3A_235] : memref<10000x64xf32, #tpu.memory_space<hbm>> -> memref<10000x64xf32, #tpu.memory_space<hbm>>
    tpu.enqueue_indirect_dma source(%dma_start3A_236 : memref<10000x64xf32, #tpu.memory_space<hbm>>) target(%arg11 : memref<128x64xf32, #tpu.memory_space<vmem>>) offsets(%dma_start3A_233 : memref<128xi32, #tpu.memory_space<vmem>>) semaphore(%arg17 : memref<!tpu.dma_semaphore, #tpu.memory_space<semaphore_mem>>)
    %dma_start3A_237 = arith.constant 3 : i32
    %dma_start3A_238 = arith.constant 0 : i32
    %dma_start3A_239 = tpu.memref_slice %arg7[%dma_start3A_237, %dma_start3A_238] : memref<79x128xi32, #tpu.memory_space<vmem>> -> memref<1x128xi32, #tpu.memory_space<vmem>>
    %dma_start3A_240 = tpu.memref_squeeze %dma_start3A_239 : memref<1x128xi32, #tpu.memory_space<vmem>> -> memref<128xi32, #tpu.memory_space<vmem>>
    %dma_start3A_241 = arith.constant 0 : i32
    %dma_start3A_242 = arith.constant 0 : i32
    %dma_start3A_243 = tpu.memref_slice %arg3[%dma_start3A_241, %dma_start3A_242] : memref<10000x64xf32, #tpu.memory_space<hbm>> -> memref<10000x64xf32, #tpu.memory_space<hbm>>
    tpu.enqueue_indirect_dma source(%dma_start3A_243 : memref<10000x64xf32, #tpu.memory_space<hbm>>) target(%arg12 : memref<128x64xf32, #tpu.memory_space<vmem>>) offsets(%dma_start3A_240 : memref<128xi32, #tpu.memory_space<vmem>>) semaphore(%arg18 : memref<!tpu.dma_semaphore, #tpu.memory_space<semaphore_mem>>)
    %mul3A_244 = arith.constant 640 : i32
    %mul3A_245 = arith.muli %arg1, %mul3A_244 : i32
    %mul3A_246 = arith.constant 640 : i32
    %mul3A_247 = arith.muli %arg1, %mul3A_246 : i32
    %run_scoped3A = arith.constant 0 : i32
    "tpu.region"() ({
      %run_scoped3A_437 = tpu.sem_alloc : memref<!tpu.dma_semaphore, #tpu.memory_space<semaphore_mem>>
      %dma_start3A_438 = arith.constant 0 : i32
      %dma_start3A_439 = tpu.memref_slice %arg6[%run_scoped3A, %arg0, %mul3A_247, %dma_start3A_438] : memref<2x2x10240x64xf32, #tpu.memory_space<hbm>> -> memref<1x1x640x64xf32, #tpu.memory_space<hbm>>
      %dma_start3A_440 = tpu.memref_squeeze %dma_start3A_439 : memref<1x1x640x64xf32, #tpu.memory_space<hbm>> -> memref<640x64xf32, #tpu.memory_space<hbm>>
      %dma_start3A_441 = arith.constant 0 : i32
      %dma_start3A_442 = tpu.memref_slice %arg14[%mul3A_245, %dma_start3A_441] : memref<10240x64xf32, #tpu.memory_space<vmem_shared>> -> memref<640x64xf32, #tpu.memory_space<vmem_shared>>
      tpu.enqueue_dma source(%dma_start3A_442 : memref<640x64xf32, #tpu.memory_space<vmem_shared>>) target(%dma_start3A_440 : memref<640x64xf32, #tpu.memory_space<hbm>>) target_semaphore(%run_scoped3A_437 : memref<!tpu.dma_semaphore, #tpu.memory_space<semaphore_mem>>)
      %dma_wait3A_443 = arith.constant 0 : i32
      %dma_wait3A_444 = tpu.memref_slice %arg6[%run_scoped3A, %arg0, %mul3A_247, %dma_wait3A_443] : memref<2x2x10240x64xf32, #tpu.memory_space<hbm>> -> memref<1x1x640x64xf32, #tpu.memory_space<hbm>>
      %dma_wait3A_445 = tpu.memref_squeeze %dma_wait3A_444 : memref<1x1x640x64xf32, #tpu.memory_space<hbm>> -> memref<640x64xf32, #tpu.memory_space<hbm>>
      %dma_wait3A_446 = arith.constant 0 : i32
      %dma_wait3A_447 = tpu.memref_slice %arg14[%mul3A_245, %dma_wait3A_446] : memref<10240x64xf32, #tpu.memory_space<vmem_shared>> -> memref<640x64xf32, #tpu.memory_space<vmem_shared>>
      tpu.wait_dma2 semaphore(%run_scoped3A_437 : memref<!tpu.dma_semaphore, #tpu.memory_space<semaphore_mem>>) src(%dma_wait3A_447 : memref<640x64xf32, #tpu.memory_space<vmem_shared>>) dst(%dma_wait3A_445 : memref<640x64xf32, #tpu.memory_space<hbm>>)
      tpu.yield
    }) : () -> ()
    %scan3A_248 = arith.constant 0 : i32
    %scan3A_249 = arith.constant 0 : i32
    %scan3A_250 = arith.constant 5 : i32
    %scan3A_251 = arith.addi %scan3A_249, %scan3A_250 : i32
    %scan3A_252 = arith.constant 1 : i32
    %scan3A_253 = scf.for %scan3A_437 = %scan3A_249 to %scan3A_251 step %scan3A_252 iter_args(%scan3A_438 = %scan3A_248) -> (i32)  : i32 {
      %mul3A_439 = arith.constant 640 : i32
      %mul3A_440 = arith.muli %arg1, %mul3A_439 : i32
      %mul3A_441 = arith.constant 128 : i32
      %mul3A_442 = arith.muli %scan3A_437, %mul3A_441 : i32
      %add3A_443 = arith.addi %mul3A_440, %mul3A_442 : i32
      "tpu.region"() ({
        %run_scoped3A_445 = tpu.sem_alloc : memref<!tpu.dma_semaphore, #tpu.memory_space<semaphore_mem>>
        %dma_start3A_446 = arith.constant 0 : i32
        %dma_start3A_447 = tpu.memref_slice %arg14[%add3A_443, %dma_start3A_446] : memref<10240x64xf32, #tpu.memory_space<vmem_shared>> -> memref<128x64xf32, #tpu.memory_space<vmem_shared>>
        %dma_start3A_448 = arith.constant 0 : i32
        %dma_start3A_449 = tpu.memref_slice %arg14[%add3A_443, %dma_start3A_448] : memref<10240x64xf32, #tpu.memory_space<vmem_shared>> -> memref<128x64xf32, #tpu.memory_space<vmem_shared>>
        tpu.enqueue_dma source(%arg13 : memref<128x64xf32, #tpu.memory_space<vmem>>) target(%dma_start3A_449 : memref<128x64xf32, #tpu.memory_space<vmem_shared>>) target_semaphore(%run_scoped3A_445 : memref<!tpu.dma_semaphore, #tpu.memory_space<semaphore_mem>>)
        %dma_wait3A_450 = arith.constant 0 : i32
        %dma_wait3A_451 = tpu.memref_slice %arg14[%add3A_443, %dma_wait3A_450] : memref<10240x64xf32, #tpu.memory_space<vmem_shared>> -> memref<128x64xf32, #tpu.memory_space<vmem_shared>>
        %dma_wait3A_452 = arith.constant 0 : i32
        %dma_wait3A_453 = tpu.memref_slice %arg14[%add3A_443, %dma_wait3A_452] : memref<10240x64xf32, #tpu.memory_space<vmem_shared>> -> memref<128x64xf32, #tpu.memory_space<vmem_shared>>
        tpu.wait_dma2 semaphore(%run_scoped3A_445 : memref<!tpu.dma_semaphore, #tpu.memory_space<semaphore_mem>>) src(%arg13 : memref<128x64xf32, #tpu.memory_space<vmem>>) dst(%dma_wait3A_453 : memref<128x64xf32, #tpu.memory_space<vmem_shared>>)
        tpu.yield
      }) : () -> ()
      %scan3A_444 = arith.constant 0 : i32
      scf.yield %scan3A_444 : i32
    }
    %scan3A_254 = arith.constant 5 : i32
    %barrier3A_255 = arith.constant 0 : index
    tpu.barrier barrier_id(%barrier3A_255)
    %scan3A_256 = arith.constant 0 : i32
    %scan3A_257 = arith.constant 0 : i32
    %scan3A_258 = arith.constant 18 : i32
    %scan3A_259 = arith.addi %scan3A_257, %scan3A_258 : i32
    %scan3A_260 = arith.constant 1 : i32
    %scan3A_261 = scf.for %scan3A_437 = %scan3A_257 to %scan3A_259 step %scan3A_260 iter_args(%scan3A_438 = %scan3A_256) -> (i32)  : i32 {
      %mul3A_439 = arith.constant 4 : i32
      %mul3A_440 = arith.muli %scan3A_437, %mul3A_439 : i32
      %dma_wait3A_441 = arith.constant 0 : i32
      %dma_wait3A_442 = arith.constant 0 : i32
      %dma_wait3A_443 = tpu.memref_slice %arg7[%dma_wait3A_441, %dma_wait3A_442] : memref<79x128xi32, #tpu.memory_space<vmem>> -> memref<1x128xi32, #tpu.memory_space<vmem>>
      %dma_wait3A_444 = tpu.memref_squeeze %dma_wait3A_443 : memref<1x128xi32, #tpu.memory_space<vmem>> -> memref<128xi32, #tpu.memory_space<vmem>>
      %dma_wait3A_445 = arith.constant 0 : i32
      %dma_wait3A_446 = arith.constant 0 : i32
      %dma_wait3A_447 = tpu.memref_slice %arg3[%dma_wait3A_445, %dma_wait3A_446] : memref<10000x64xf32, #tpu.memory_space<hbm>> -> memref<10000x64xf32, #tpu.memory_space<hbm>>
      tpu.wait_indirect_dma semaphore(%arg15 : memref<!tpu.dma_semaphore, #tpu.memory_space<semaphore_mem>>) src(%dma_wait3A_447 : memref<10000x64xf32, #tpu.memory_space<hbm>>) dst(%arg9 : memref<128x64xf32, #tpu.memory_space<vmem>>)
      %add3A_448 = arith.constant 0 : i32
      %add3A_449 = arith.addi %mul3A_440, %add3A_448 : i32
      %dma_start3A_450 = arith.constant 0 : i32
      %dma_start3A_451 = tpu.memref_slice %arg8[%add3A_449, %dma_start3A_450] : memref<79x128xi32, #tpu.memory_space<vmem>> -> memref<1x128xi32, #tpu.memory_space<vmem>>
      %dma_start3A_452 = tpu.memref_squeeze %dma_start3A_451 : memref<1x128xi32, #tpu.memory_space<vmem>> -> memref<128xi32, #tpu.memory_space<vmem>>
      %dma_start3A_453 = arith.constant 0 : i32
      %dma_start3A_454 = arith.constant 0 : i32
      %dma_start3A_455 = tpu.memref_slice %arg14[%dma_start3A_453, %dma_start3A_454] : memref<10240x64xf32, #tpu.memory_space<vmem_shared>> -> memref<10240x64xf32, #tpu.memory_space<vmem_shared>>
      tpu.enqueue_indirect_dma source(%arg9 : memref<128x64xf32, #tpu.memory_space<vmem>>) target(%dma_start3A_455 : memref<10240x64xf32, #tpu.memory_space<vmem_shared>>) offsets(%dma_start3A_452 : memref<128xi32, #tpu.memory_space<vmem>>) semaphore(%arg19 : memref<!tpu.dma_semaphore, #tpu.memory_space<semaphore_mem>>) {add = true}
      %dma_wait3A_456 = arith.constant 0 : i32
      %dma_wait3A_457 = arith.constant 0 : i32
      %dma_wait3A_458 = tpu.memref_slice %arg7[%dma_wait3A_456, %dma_wait3A_457] : memref<79x128xi32, #tpu.memory_space<vmem>> -> memref<1x128xi32, #tpu.memory_space<vmem>>
      %dma_wait3A_459 = tpu.memref_squeeze %dma_wait3A_458 : memref<1x128xi32, #tpu.memory_space<vmem>> -> memref<128xi32, #tpu.memory_space<vmem>>
      %dma_wait3A_460 = arith.constant 0 : i32
      %dma_wait3A_461 = arith.constant 0 : i32
      %dma_wait3A_462 = tpu.memref_slice %arg3[%dma_wait3A_460, %dma_wait3A_461] : memref<10000x64xf32, #tpu.memory_space<hbm>> -> memref<10000x64xf32, #tpu.memory_space<hbm>>
      tpu.wait_indirect_dma semaphore(%arg16 : memref<!tpu.dma_semaphore, #tpu.memory_space<semaphore_mem>>) src(%dma_wait3A_462 : memref<10000x64xf32, #tpu.memory_space<hbm>>) dst(%arg10 : memref<128x64xf32, #tpu.memory_space<vmem>>)
      %add3A_463 = arith.constant 1 : i32
      %add3A_464 = arith.addi %mul3A_440, %add3A_463 : i32
      %dma_start3A_465 = arith.constant 0 : i32
      %dma_start3A_466 = tpu.memref_slice %arg8[%add3A_464, %dma_start3A_465] : memref<79x128xi32, #tpu.memory_space<vmem>> -> memref<1x128xi32, #tpu.memory_space<vmem>>
      %dma_start3A_467 = tpu.memref_squeeze %dma_start3A_466 : memref<1x128xi32, #tpu.memory_space<vmem>> -> memref<128xi32, #tpu.memory_space<vmem>>
      %dma_start3A_468 = arith.constant 0 : i32
      %dma_start3A_469 = arith.constant 0 : i32
      %dma_start3A_470 = tpu.memref_slice %arg14[%dma_start3A_468, %dma_start3A_469] : memref<10240x64xf32, #tpu.memory_space<vmem_shared>> -> memref<10240x64xf32, #tpu.memory_space<vmem_shared>>
      tpu.enqueue_indirect_dma source(%arg10 : memref<128x64xf32, #tpu.memory_space<vmem>>) target(%dma_start3A_470 : memref<10240x64xf32, #tpu.memory_space<vmem_shared>>) offsets(%dma_start3A_467 : memref<128xi32, #tpu.memory_space<vmem>>) semaphore(%arg20 : memref<!tpu.dma_semaphore, #tpu.memory_space<semaphore_mem>>) {add = true}
      %dma_wait3A_471 = arith.constant 0 : i32
      %dma_wait3A_472 = arith.constant 0 : i32
      %dma_wait3A_473 = tpu.memref_slice %arg7[%dma_wait3A_471, %dma_wait3A_472] : memref<79x128xi32, #tpu.memory_space<vmem>> -> memref<1x128xi32, #tpu.memory_space<vmem>>
      %dma_wait3A_474 = tpu.memref_squeeze %dma_wait3A_473 : memref<1x128xi32, #tpu.memory_space<vmem>> -> memref<128xi32, #tpu.memory_space<vmem>>
      %dma_wait3A_475 = arith.constant 0 : i32
      %dma_wait3A_476 = arith.constant 0 : i32
      %dma_wait3A_477 = tpu.memref_slice %arg3[%dma_wait3A_475, %dma_wait3A_476] : memref<10000x64xf32, #tpu.memory_space<hbm>> -> memref<10000x64xf32, #tpu.memory_space<hbm>>
      tpu.wait_indirect_dma semaphore(%arg17 : memref<!tpu.dma_semaphore, #tpu.memory_space<semaphore_mem>>) src(%dma_wait3A_477 : memref<10000x64xf32, #tpu.memory_space<hbm>>) dst(%arg11 : memref<128x64xf32, #tpu.memory_space<vmem>>)
      %add3A_478 = arith.constant 2 : i32
      %add3A_479 = arith.addi %mul3A_440, %add3A_478 : i32
      %dma_start3A_480 = arith.constant 0 : i32
      %dma_start3A_481 = tpu.memref_slice %arg8[%add3A_479, %dma_start3A_480] : memref<79x128xi32, #tpu.memory_space<vmem>> -> memref<1x128xi32, #tpu.memory_space<vmem>>
      %dma_start3A_482 = tpu.memref_squeeze %dma_start3A_481 : memref<1x128xi32, #tpu.memory_space<vmem>> -> memref<128xi32, #tpu.memory_space<vmem>>
      %dma_start3A_483 = arith.constant 0 : i32
      %dma_start3A_484 = arith.constant 0 : i32
      %dma_start3A_485 = tpu.memref_slice %arg14[%dma_start3A_483, %dma_start3A_484] : memref<10240x64xf32, #tpu.memory_space<vmem_shared>> -> memref<10240x64xf32, #tpu.memory_space<vmem_shared>>
      tpu.enqueue_indirect_dma source(%arg11 : memref<128x64xf32, #tpu.memory_space<vmem>>) target(%dma_start3A_485 : memref<10240x64xf32, #tpu.memory_space<vmem_shared>>) offsets(%dma_start3A_482 : memref<128xi32, #tpu.memory_space<vmem>>) semaphore(%arg21 : memref<!tpu.dma_semaphore, #tpu.memory_space<semaphore_mem>>) {add = true}
      %dma_wait3A_486 = arith.constant 0 : i32
      %dma_wait3A_487 = arith.constant 0 : i32
      %dma_wait3A_488 = tpu.memref_slice %arg7[%dma_wait3A_486, %dma_wait3A_487] : memref<79x128xi32, #tpu.memory_space<vmem>> -> memref<1x128xi32, #tpu.memory_space<vmem>>
      %dma_wait3A_489 = tpu.memref_squeeze %dma_wait3A_488 : memref<1x128xi32, #tpu.memory_space<vmem>> -> memref<128xi32, #tpu.memory_space<vmem>>
      %dma_wait3A_490 = arith.constant 0 : i32
      %dma_wait3A_491 = arith.constant 0 : i32
      %dma_wait3A_492 = tpu.memref_slice %arg3[%dma_wait3A_490, %dma_wait3A_491] : memref<10000x64xf32, #tpu.memory_space<hbm>> -> memref<10000x64xf32, #tpu.memory_space<hbm>>
      tpu.wait_indirect_dma semaphore(%arg18 : memref<!tpu.dma_semaphore, #tpu.memory_space<semaphore_mem>>) src(%dma_wait3A_492 : memref<10000x64xf32, #tpu.memory_space<hbm>>) dst(%arg12 : memref<128x64xf32, #tpu.memory_space<vmem>>)
      %add3A_493 = arith.constant 3 : i32
      %add3A_494 = arith.addi %mul3A_440, %add3A_493 : i32
      %dma_start3A_495 = arith.constant 0 : i32
      %dma_start3A_496 = tpu.memref_slice %arg8[%add3A_494, %dma_start3A_495] : memref<79x128xi32, #tpu.memory_space<vmem>> -> memref<1x128xi32, #tpu.memory_space<vmem>>
      %dma_start3A_497 = tpu.memref_squeeze %dma_start3A_496 : memref<1x128xi32, #tpu.memory_space<vmem>> -> memref<128xi32, #tpu.memory_space<vmem>>
      %dma_start3A_498 = arith.constant 0 : i32
      %dma_start3A_499 = arith.constant 0 : i32
      %dma_start3A_500 = tpu.memref_slice %arg14[%dma_start3A_498, %dma_start3A_499] : memref<10240x64xf32, #tpu.memory_space<vmem_shared>> -> memref<10240x64xf32, #tpu.memory_space<vmem_shared>>
      tpu.enqueue_indirect_dma source(%arg12 : memref<128x64xf32, #tpu.memory_space<vmem>>) target(%dma_start3A_500 : memref<10240x64xf32, #tpu.memory_space<vmem_shared>>) offsets(%dma_start3A_497 : memref<128xi32, #tpu.memory_space<vmem>>) semaphore(%arg22 : memref<!tpu.dma_semaphore, #tpu.memory_space<semaphore_mem>>) {add = true}
      %dma_wait3A_501 = arith.constant 0 : i32
      %dma_wait3A_502 = arith.constant 0 : i32
      %dma_wait3A_503 = tpu.memref_slice %arg8[%dma_wait3A_501, %dma_wait3A_502] : memref<79x128xi32, #tpu.memory_space<vmem>> -> memref<1x128xi32, #tpu.memory_space<vmem>>
      %dma_wait3A_504 = tpu.memref_squeeze %dma_wait3A_503 : memref<1x128xi32, #tpu.memory_space<vmem>> -> memref<128xi32, #tpu.memory_space<vmem>>
      %dma_wait3A_505 = arith.constant 0 : i32
      %dma_wait3A_506 = arith.constant 0 : i32
      %dma_wait3A_507 = tpu.memref_slice %arg14[%dma_wait3A_505, %dma_wait3A_506] : memref<10240x64xf32, #tpu.memory_space<vmem_shared>> -> memref<10240x64xf32, #tpu.memory_space<vmem_shared>>
      tpu.wait_indirect_dma semaphore(%arg19 : memref<!tpu.dma_semaphore, #tpu.memory_space<semaphore_mem>>) src(%arg9 : memref<128x64xf32, #tpu.memory_space<vmem>>) dst(%dma_wait3A_507 : memref<10240x64xf32, #tpu.memory_space<vmem_shared>>)
      %add3A_508 = arith.constant 4 : i32
      %add3A_509 = arith.addi %mul3A_440, %add3A_508 : i32
      %add3A_510 = arith.constant 0 : i32
      %add3A_511 = arith.addi %add3A_509, %add3A_510 : i32
      %dma_start3A_512 = arith.constant 0 : i32
      %dma_start3A_513 = tpu.memref_slice %arg7[%add3A_511, %dma_start3A_512] : memref<79x128xi32, #tpu.memory_space<vmem>> -> memref<1x128xi32, #tpu.memory_space<vmem>>
      %dma_start3A_514 = tpu.memref_squeeze %dma_start3A_513 : memref<1x128xi32, #tpu.memory_space<vmem>> -> memref<128xi32, #tpu.memory_space<vmem>>
      %dma_start3A_515 = arith.constant 0 : i32
      %dma_start3A_516 = arith.constant 0 : i32
      %dma_start3A_517 = tpu.memref_slice %arg3[%dma_start3A_515, %dma_start3A_516] : memref<10000x64xf32, #tpu.memory_space<hbm>> -> memref<10000x64xf32, #tpu.memory_space<hbm>>
      tpu.enqueue_indirect_dma source(%dma_start3A_517 : memref<10000x64xf32, #tpu.memory_space<hbm>>) target(%arg9 : memref<128x64xf32, #tpu.memory_space<vmem>>) offsets(%dma_start3A_514 : memref<128xi32, #tpu.memory_space<vmem>>) semaphore(%arg15 : memref<!tpu.dma_semaphore, #tpu.memory_space<semaphore_mem>>)
      %dma_wait3A_518 = arith.constant 0 : i32
      %dma_wait3A_519 = arith.constant 0 : i32
      %dma_wait3A_520 = tpu.memref_slice %arg8[%dma_wait3A_518, %dma_wait3A_519] : memref<79x128xi32, #tpu.memory_space<vmem>> -> memref<1x128xi32, #tpu.memory_space<vmem>>
      %dma_wait3A_521 = tpu.memref_squeeze %dma_wait3A_520 : memref<1x128xi32, #tpu.memory_space<vmem>> -> memref<128xi32, #tpu.memory_space<vmem>>
      %dma_wait3A_522 = arith.constant 0 : i32
      %dma_wait3A_523 = arith.constant 0 : i32
      %dma_wait3A_524 = tpu.memref_slice %arg14[%dma_wait3A_522, %dma_wait3A_523] : memref<10240x64xf32, #tpu.memory_space<vmem_shared>> -> memref<10240x64xf32, #tpu.memory_space<vmem_shared>>
      tpu.wait_indirect_dma semaphore(%arg20 : memref<!tpu.dma_semaphore, #tpu.memory_space<semaphore_mem>>) src(%arg10 : memref<128x64xf32, #tpu.memory_space<vmem>>) dst(%dma_wait3A_524 : memref<10240x64xf32, #tpu.memory_space<vmem_shared>>)
      %add3A_525 = arith.constant 4 : i32
      %add3A_526 = arith.addi %mul3A_440, %add3A_525 : i32
      %add3A_527 = arith.constant 1 : i32
      %add3A_528 = arith.addi %add3A_526, %add3A_527 : i32
      %dma_start3A_529 = arith.constant 0 : i32
      %dma_start3A_530 = tpu.memref_slice %arg7[%add3A_528, %dma_start3A_529] : memref<79x128xi32, #tpu.memory_space<vmem>> -> memref<1x128xi32, #tpu.memory_space<vmem>>
      %dma_start3A_531 = tpu.memref_squeeze %dma_start3A_530 : memref<1x128xi32, #tpu.memory_space<vmem>> -> memref<128xi32, #tpu.memory_space<vmem>>
      %dma_start3A_532 = arith.constant 0 : i32
      %dma_start3A_533 = arith.constant 0 : i32
      %dma_start3A_534 = tpu.memref_slice %arg3[%dma_start3A_532, %dma_start3A_533] : memref<10000x64xf32, #tpu.memory_space<hbm>> -> memref<10000x64xf32, #tpu.memory_space<hbm>>
      tpu.enqueue_indirect_dma source(%dma_start3A_534 : memref<10000x64xf32, #tpu.memory_space<hbm>>) target(%arg10 : memref<128x64xf32, #tpu.memory_space<vmem>>) offsets(%dma_start3A_531 : memref<128xi32, #tpu.memory_space<vmem>>) semaphore(%arg16 : memref<!tpu.dma_semaphore, #tpu.memory_space<semaphore_mem>>)
      %dma_wait3A_535 = arith.constant 0 : i32
      %dma_wait3A_536 = arith.constant 0 : i32
      %dma_wait3A_537 = tpu.memref_slice %arg8[%dma_wait3A_535, %dma_wait3A_536] : memref<79x128xi32, #tpu.memory_space<vmem>> -> memref<1x128xi32, #tpu.memory_space<vmem>>
      %dma_wait3A_538 = tpu.memref_squeeze %dma_wait3A_537 : memref<1x128xi32, #tpu.memory_space<vmem>> -> memref<128xi32, #tpu.memory_space<vmem>>
      %dma_wait3A_539 = arith.constant 0 : i32
      %dma_wait3A_540 = arith.constant 0 : i32
      %dma_wait3A_541 = tpu.memref_slice %arg14[%dma_wait3A_539, %dma_wait3A_540] : memref<10240x64xf32, #tpu.memory_space<vmem_shared>> -> memref<10240x64xf32, #tpu.memory_space<vmem_shared>>
      tpu.wait_indirect_dma semaphore(%arg21 : memref<!tpu.dma_semaphore, #tpu.memory_space<semaphore_mem>>) src(%arg11 : memref<128x64xf32, #tpu.memory_space<vmem>>) dst(%dma_wait3A_541 : memref<10240x64xf32, #tpu.memory_space<vmem_shared>>)
      %add3A_542 = arith.constant 4 : i32
      %add3A_543 = arith.addi %mul3A_440, %add3A_542 : i32
      %add3A_544 = arith.constant 2 : i32
      %add3A_545 = arith.addi %add3A_543, %add3A_544 : i32
      %dma_start3A_546 = arith.constant 0 : i32
      %dma_start3A_547 = tpu.memref_slice %arg7[%add3A_545, %dma_start3A_546] : memref<79x128xi32, #tpu.memory_space<vmem>> -> memref<1x128xi32, #tpu.memory_space<vmem>>
      %dma_start3A_548 = tpu.memref_squeeze %dma_start3A_547 : memref<1x128xi32, #tpu.memory_space<vmem>> -> memref<128xi32, #tpu.memory_space<vmem>>
      %dma_start3A_549 = arith.constant 0 : i32
      %dma_start3A_550 = arith.constant 0 : i32
      %dma_start3A_551 = tpu.memref_slice %arg3[%dma_start3A_549, %dma_start3A_550] : memref<10000x64xf32, #tpu.memory_space<hbm>> -> memref<10000x64xf32, #tpu.memory_space<hbm>>
      tpu.enqueue_indirect_dma source(%dma_start3A_551 : memref<10000x64xf32, #tpu.memory_space<hbm>>) target(%arg11 : memref<128x64xf32, #tpu.memory_space<vmem>>) offsets(%dma_start3A_548 : memref<128xi32, #tpu.memory_space<vmem>>) semaphore(%arg17 : memref<!tpu.dma_semaphore, #tpu.memory_space<semaphore_mem>>)
      %dma_wait3A_552 = arith.constant 0 : i32
      %dma_wait3A_553 = arith.constant 0 : i32
      %dma_wait3A_554 = tpu.memref_slice %arg8[%dma_wait3A_552, %dma_wait3A_553] : memref<79x128xi32, #tpu.memory_space<vmem>> -> memref<1x128xi32, #tpu.memory_space<vmem>>
      %dma_wait3A_555 = tpu.memref_squeeze %dma_wait3A_554 : memref<1x128xi32, #tpu.memory_space<vmem>> -> memref<128xi32, #tpu.memory_space<vmem>>
      %dma_wait3A_556 = arith.constant 0 : i32
      %dma_wait3A_557 = arith.constant 0 : i32
      %dma_wait3A_558 = tpu.memref_slice %arg14[%dma_wait3A_556, %dma_wait3A_557] : memref<10240x64xf32, #tpu.memory_space<vmem_shared>> -> memref<10240x64xf32, #tpu.memory_space<vmem_shared>>
      tpu.wait_indirect_dma semaphore(%arg22 : memref<!tpu.dma_semaphore, #tpu.memory_space<semaphore_mem>>) src(%arg12 : memref<128x64xf32, #tpu.memory_space<vmem>>) dst(%dma_wait3A_558 : memref<10240x64xf32, #tpu.memory_space<vmem_shared>>)
      %add3A_559 = arith.constant 4 : i32
      %add3A_560 = arith.addi %mul3A_440, %add3A_559 : i32
      %add3A_561 = arith.constant 3 : i32
      %add3A_562 = arith.addi %add3A_560, %add3A_561 : i32
      %dma_start3A_563 = arith.constant 0 : i32
      %dma_start3A_564 = tpu.memref_slice %arg7[%add3A_562, %dma_start3A_563] : memref<79x128xi32, #tpu.memory_space<vmem>> -> memref<1x128xi32, #tpu.memory_space<vmem>>
      %dma_start3A_565 = tpu.memref_squeeze %dma_start3A_564 : memref<1x128xi32, #tpu.memory_space<vmem>> -> memref<128xi32, #tpu.memory_space<vmem>>
      %dma_start3A_566 = arith.constant 0 : i32
      %dma_start3A_567 = arith.constant 0 : i32
      %dma_start3A_568 = tpu.memref_slice %arg3[%dma_start3A_566, %dma_start3A_567] : memref<10000x64xf32, #tpu.memory_space<hbm>> -> memref<10000x64xf32, #tpu.memory_space<hbm>>
      tpu.enqueue_indirect_dma source(%dma_start3A_568 : memref<10000x64xf32, #tpu.memory_space<hbm>>) target(%arg12 : memref<128x64xf32, #tpu.memory_space<vmem>>) offsets(%dma_start3A_565 : memref<128xi32, #tpu.memory_space<vmem>>) semaphore(%arg18 : memref<!tpu.dma_semaphore, #tpu.memory_space<semaphore_mem>>)
      %scan3A_569 = arith.constant 0 : i32
      scf.yield %scan3A_569 : i32
    }
    %scan3A_262 = arith.constant 18 : i32
    %dma_wait3A_263 = arith.constant 0 : i32
    %dma_wait3A_264 = arith.constant 0 : i32
    %dma_wait3A_265 = tpu.memref_slice %arg7[%dma_wait3A_263, %dma_wait3A_264] : memref<79x128xi32, #tpu.memory_space<vmem>> -> memref<1x128xi32, #tpu.memory_space<vmem>>
    %dma_wait3A_266 = tpu.memref_squeeze %dma_wait3A_265 : memref<1x128xi32, #tpu.memory_space<vmem>> -> memref<128xi32, #tpu.memory_space<vmem>>
    %dma_wait3A_267 = arith.constant 0 : i32
    %dma_wait3A_268 = arith.constant 0 : i32
    %dma_wait3A_269 = tpu.memref_slice %arg3[%dma_wait3A_267, %dma_wait3A_268] : memref<10000x64xf32, #tpu.memory_space<hbm>> -> memref<10000x64xf32, #tpu.memory_space<hbm>>
    tpu.wait_indirect_dma semaphore(%arg15 : memref<!tpu.dma_semaphore, #tpu.memory_space<semaphore_mem>>) src(%dma_wait3A_269 : memref<10000x64xf32, #tpu.memory_space<hbm>>) dst(%arg9 : memref<128x64xf32, #tpu.memory_space<vmem>>)
    %dma_start3A_270 = arith.constant 72 : i32
    %dma_start3A_271 = arith.constant 0 : i32
    %dma_start3A_272 = tpu.memref_slice %arg8[%dma_start3A_270, %dma_start3A_271] : memref<79x128xi32, #tpu.memory_space<vmem>> -> memref<1x128xi32, #tpu.memory_space<vmem>>
    %dma_start3A_273 = tpu.memref_squeeze %dma_start3A_272 : memref<1x128xi32, #tpu.memory_space<vmem>> -> memref<128xi32, #tpu.memory_space<vmem>>
    %dma_start3A_274 = arith.constant 0 : i32
    %dma_start3A_275 = arith.constant 0 : i32
    %dma_start3A_276 = tpu.memref_slice %arg14[%dma_start3A_274, %dma_start3A_275] : memref<10240x64xf32, #tpu.memory_space<vmem_shared>> -> memref<10240x64xf32, #tpu.memory_space<vmem_shared>>
    tpu.enqueue_indirect_dma source(%arg9 : memref<128x64xf32, #tpu.memory_space<vmem>>) target(%dma_start3A_276 : memref<10240x64xf32, #tpu.memory_space<vmem_shared>>) offsets(%dma_start3A_273 : memref<128xi32, #tpu.memory_space<vmem>>) semaphore(%arg19 : memref<!tpu.dma_semaphore, #tpu.memory_space<semaphore_mem>>) {add = true}
    %dma_wait3A_277 = arith.constant 0 : i32
    %dma_wait3A_278 = arith.constant 0 : i32
    %dma_wait3A_279 = tpu.memref_slice %arg8[%dma_wait3A_277, %dma_wait3A_278] : memref<79x128xi32, #tpu.memory_space<vmem>> -> memref<1x128xi32, #tpu.memory_space<vmem>>
    %dma_wait3A_280 = tpu.memref_squeeze %dma_wait3A_279 : memref<1x128xi32, #tpu.memory_space<vmem>> -> memref<128xi32, #tpu.memory_space<vmem>>
    %dma_wait3A_281 = arith.constant 0 : i32
    %dma_wait3A_282 = arith.constant 0 : i32
    %dma_wait3A_283 = tpu.memref_slice %arg14[%dma_wait3A_281, %dma_wait3A_282] : memref<10240x64xf32, #tpu.memory_space<vmem_shared>> -> memref<10240x64xf32, #tpu.memory_space<vmem_shared>>
    tpu.wait_indirect_dma semaphore(%arg19 : memref<!tpu.dma_semaphore, #tpu.memory_space<semaphore_mem>>) src(%arg9 : memref<128x64xf32, #tpu.memory_space<vmem>>) dst(%dma_wait3A_283 : memref<10240x64xf32, #tpu.memory_space<vmem_shared>>)
    %dma_start3A_284 = arith.constant 76 : i32
    %dma_start3A_285 = arith.constant 0 : i32
    %dma_start3A_286 = tpu.memref_slice %arg7[%dma_start3A_284, %dma_start3A_285] : memref<79x128xi32, #tpu.memory_space<vmem>> -> memref<1x128xi32, #tpu.memory_space<vmem>>
    %dma_start3A_287 = tpu.memref_squeeze %dma_start3A_286 : memref<1x128xi32, #tpu.memory_space<vmem>> -> memref<128xi32, #tpu.memory_space<vmem>>
    %dma_start3A_288 = arith.constant 0 : i32
    %dma_start3A_289 = arith.constant 0 : i32
    %dma_start3A_290 = tpu.memref_slice %arg3[%dma_start3A_288, %dma_start3A_289] : memref<10000x64xf32, #tpu.memory_space<hbm>> -> memref<10000x64xf32, #tpu.memory_space<hbm>>
    tpu.enqueue_indirect_dma source(%dma_start3A_290 : memref<10000x64xf32, #tpu.memory_space<hbm>>) target(%arg9 : memref<128x64xf32, #tpu.memory_space<vmem>>) offsets(%dma_start3A_287 : memref<128xi32, #tpu.memory_space<vmem>>) semaphore(%arg15 : memref<!tpu.dma_semaphore, #tpu.memory_space<semaphore_mem>>)
    %dma_wait3A_291 = arith.constant 0 : i32
    %dma_wait3A_292 = arith.constant 0 : i32
    %dma_wait3A_293 = tpu.memref_slice %arg7[%dma_wait3A_291, %dma_wait3A_292] : memref<79x128xi32, #tpu.memory_space<vmem>> -> memref<1x128xi32, #tpu.memory_space<vmem>>
    %dma_wait3A_294 = tpu.memref_squeeze %dma_wait3A_293 : memref<1x128xi32, #tpu.memory_space<vmem>> -> memref<128xi32, #tpu.memory_space<vmem>>
    %dma_wait3A_295 = arith.constant 0 : i32
    %dma_wait3A_296 = arith.constant 0 : i32
    %dma_wait3A_297 = tpu.memref_slice %arg3[%dma_wait3A_295, %dma_wait3A_296] : memref<10000x64xf32, #tpu.memory_space<hbm>> -> memref<10000x64xf32, #tpu.memory_space<hbm>>
    tpu.wait_indirect_dma semaphore(%arg16 : memref<!tpu.dma_semaphore, #tpu.memory_space<semaphore_mem>>) src(%dma_wait3A_297 : memref<10000x64xf32, #tpu.memory_space<hbm>>) dst(%arg10 : memref<128x64xf32, #tpu.memory_space<vmem>>)
    %dma_start3A_298 = arith.constant 73 : i32
    %dma_start3A_299 = arith.constant 0 : i32
    %dma_start3A_300 = tpu.memref_slice %arg8[%dma_start3A_298, %dma_start3A_299] : memref<79x128xi32, #tpu.memory_space<vmem>> -> memref<1x128xi32, #tpu.memory_space<vmem>>
    %dma_start3A_301 = tpu.memref_squeeze %dma_start3A_300 : memref<1x128xi32, #tpu.memory_space<vmem>> -> memref<128xi32, #tpu.memory_space<vmem>>
    %dma_start3A_302 = arith.constant 0 : i32
    %dma_start3A_303 = arith.constant 0 : i32
    %dma_start3A_304 = tpu.memref_slice %arg14[%dma_start3A_302, %dma_start3A_303] : memref<10240x64xf32, #tpu.memory_space<vmem_shared>> -> memref<10240x64xf32, #tpu.memory_space<vmem_shared>>
    tpu.enqueue_indirect_dma source(%arg10 : memref<128x64xf32, #tpu.memory_space<vmem>>) target(%dma_start3A_304 : memref<10240x64xf32, #tpu.memory_space<vmem_shared>>) offsets(%dma_start3A_301 : memref<128xi32, #tpu.memory_space<vmem>>) semaphore(%arg20 : memref<!tpu.dma_semaphore, #tpu.memory_space<semaphore_mem>>) {add = true}
    %dma_wait3A_305 = arith.constant 0 : i32
    %dma_wait3A_306 = arith.constant 0 : i32
    %dma_wait3A_307 = tpu.memref_slice %arg8[%dma_wait3A_305, %dma_wait3A_306] : memref<79x128xi32, #tpu.memory_space<vmem>> -> memref<1x128xi32, #tpu.memory_space<vmem>>
    %dma_wait3A_308 = tpu.memref_squeeze %dma_wait3A_307 : memref<1x128xi32, #tpu.memory_space<vmem>> -> memref<128xi32, #tpu.memory_space<vmem>>
    %dma_wait3A_309 = arith.constant 0 : i32
    %dma_wait3A_310 = arith.constant 0 : i32
    %dma_wait3A_311 = tpu.memref_slice %arg14[%dma_wait3A_309, %dma_wait3A_310] : memref<10240x64xf32, #tpu.memory_space<vmem_shared>> -> memref<10240x64xf32, #tpu.memory_space<vmem_shared>>
    tpu.wait_indirect_dma semaphore(%arg20 : memref<!tpu.dma_semaphore, #tpu.memory_space<semaphore_mem>>) src(%arg10 : memref<128x64xf32, #tpu.memory_space<vmem>>) dst(%dma_wait3A_311 : memref<10240x64xf32, #tpu.memory_space<vmem_shared>>)
    %dma_start3A_312 = arith.constant 77 : i32
    %dma_start3A_313 = arith.constant 0 : i32
    %dma_start3A_314 = tpu.memref_slice %arg7[%dma_start3A_312, %dma_start3A_313] : memref<79x128xi32, #tpu.memory_space<vmem>> -> memref<1x128xi32, #tpu.memory_space<vmem>>
    %dma_start3A_315 = tpu.memref_squeeze %dma_start3A_314 : memref<1x128xi32, #tpu.memory_space<vmem>> -> memref<128xi32, #tpu.memory_space<vmem>>
    %dma_start3A_316 = arith.constant 0 : i32
    %dma_start3A_317 = arith.constant 0 : i32
    %dma_start3A_318 = tpu.memref_slice %arg3[%dma_start3A_316, %dma_start3A_317] : memref<10000x64xf32, #tpu.memory_space<hbm>> -> memref<10000x64xf32, #tpu.memory_space<hbm>>
    tpu.enqueue_indirect_dma source(%dma_start3A_318 : memref<10000x64xf32, #tpu.memory_space<hbm>>) target(%arg10 : memref<128x64xf32, #tpu.memory_space<vmem>>) offsets(%dma_start3A_315 : memref<128xi32, #tpu.memory_space<vmem>>) semaphore(%arg16 : memref<!tpu.dma_semaphore, #tpu.memory_space<semaphore_mem>>)
    %dma_wait3A_319 = arith.constant 0 : i32
    %dma_wait3A_320 = arith.constant 0 : i32
    %dma_wait3A_321 = tpu.memref_slice %arg7[%dma_wait3A_319, %dma_wait3A_320] : memref<79x128xi32, #tpu.memory_space<vmem>> -> memref<1x128xi32, #tpu.memory_space<vmem>>
    %dma_wait3A_322 = tpu.memref_squeeze %dma_wait3A_321 : memref<1x128xi32, #tpu.memory_space<vmem>> -> memref<128xi32, #tpu.memory_space<vmem>>
    %dma_wait3A_323 = arith.constant 0 : i32
    %dma_wait3A_324 = arith.constant 0 : i32
    %dma_wait3A_325 = tpu.memref_slice %arg3[%dma_wait3A_323, %dma_wait3A_324] : memref<10000x64xf32, #tpu.memory_space<hbm>> -> memref<10000x64xf32, #tpu.memory_space<hbm>>
    tpu.wait_indirect_dma semaphore(%arg17 : memref<!tpu.dma_semaphore, #tpu.memory_space<semaphore_mem>>) src(%dma_wait3A_325 : memref<10000x64xf32, #tpu.memory_space<hbm>>) dst(%arg11 : memref<128x64xf32, #tpu.memory_space<vmem>>)
    %dma_start3A_326 = arith.constant 74 : i32
    %dma_start3A_327 = arith.constant 0 : i32
    %dma_start3A_328 = tpu.memref_slice %arg8[%dma_start3A_326, %dma_start3A_327] : memref<79x128xi32, #tpu.memory_space<vmem>> -> memref<1x128xi32, #tpu.memory_space<vmem>>
    %dma_start3A_329 = tpu.memref_squeeze %dma_start3A_328 : memref<1x128xi32, #tpu.memory_space<vmem>> -> memref<128xi32, #tpu.memory_space<vmem>>
    %dma_start3A_330 = arith.constant 0 : i32
    %dma_start3A_331 = arith.constant 0 : i32
    %dma_start3A_332 = tpu.memref_slice %arg14[%dma_start3A_330, %dma_start3A_331] : memref<10240x64xf32, #tpu.memory_space<vmem_shared>> -> memref<10240x64xf32, #tpu.memory_space<vmem_shared>>
    tpu.enqueue_indirect_dma source(%arg11 : memref<128x64xf32, #tpu.memory_space<vmem>>) target(%dma_start3A_332 : memref<10240x64xf32, #tpu.memory_space<vmem_shared>>) offsets(%dma_start3A_329 : memref<128xi32, #tpu.memory_space<vmem>>) semaphore(%arg21 : memref<!tpu.dma_semaphore, #tpu.memory_space<semaphore_mem>>) {add = true}
    %dma_wait3A_333 = arith.constant 0 : i32
    %dma_wait3A_334 = arith.constant 0 : i32
    %dma_wait3A_335 = tpu.memref_slice %arg8[%dma_wait3A_333, %dma_wait3A_334] : memref<79x128xi32, #tpu.memory_space<vmem>> -> memref<1x128xi32, #tpu.memory_space<vmem>>
    %dma_wait3A_336 = tpu.memref_squeeze %dma_wait3A_335 : memref<1x128xi32, #tpu.memory_space<vmem>> -> memref<128xi32, #tpu.memory_space<vmem>>
    %dma_wait3A_337 = arith.constant 0 : i32
    %dma_wait3A_338 = arith.constant 0 : i32
    %dma_wait3A_339 = tpu.memref_slice %arg14[%dma_wait3A_337, %dma_wait3A_338] : memref<10240x64xf32, #tpu.memory_space<vmem_shared>> -> memref<10240x64xf32, #tpu.memory_space<vmem_shared>>
    tpu.wait_indirect_dma semaphore(%arg21 : memref<!tpu.dma_semaphore, #tpu.memory_space<semaphore_mem>>) src(%arg11 : memref<128x64xf32, #tpu.memory_space<vmem>>) dst(%dma_wait3A_339 : memref<10240x64xf32, #tpu.memory_space<vmem_shared>>)
    %dma_start3A_340 = arith.constant 78 : i32
    %dma_start3A_341 = arith.constant 0 : i32
    %dma_start3A_342 = tpu.memref_slice %arg7[%dma_start3A_340, %dma_start3A_341] : memref<79x128xi32, #tpu.memory_space<vmem>> -> memref<1x128xi32, #tpu.memory_space<vmem>>
    %dma_start3A_343 = tpu.memref_squeeze %dma_start3A_342 : memref<1x128xi32, #tpu.memory_space<vmem>> -> memref<128xi32, #tpu.memory_space<vmem>>
    %dma_start3A_344 = arith.constant 0 : i32
    %dma_start3A_345 = arith.constant 0 : i32
    %dma_start3A_346 = tpu.memref_slice %arg3[%dma_start3A_344, %dma_start3A_345] : memref<10000x64xf32, #tpu.memory_space<hbm>> -> memref<10000x64xf32, #tpu.memory_space<hbm>>
    tpu.enqueue_indirect_dma source(%dma_start3A_346 : memref<10000x64xf32, #tpu.memory_space<hbm>>) target(%arg11 : memref<128x64xf32, #tpu.memory_space<vmem>>) offsets(%dma_start3A_343 : memref<128xi32, #tpu.memory_space<vmem>>) semaphore(%arg17 : memref<!tpu.dma_semaphore, #tpu.memory_space<semaphore_mem>>)
    %dma_wait3A_347 = arith.constant 0 : i32
    %dma_wait3A_348 = arith.constant 0 : i32
    %dma_wait3A_349 = tpu.memref_slice %arg7[%dma_wait3A_347, %dma_wait3A_348] : memref<79x128xi32, #tpu.memory_space<vmem>> -> memref<1x128xi32, #tpu.memory_space<vmem>>
    %dma_wait3A_350 = tpu.memref_squeeze %dma_wait3A_349 : memref<1x128xi32, #tpu.memory_space<vmem>> -> memref<128xi32, #tpu.memory_space<vmem>>
    %dma_wait3A_351 = arith.constant 0 : i32
    %dma_wait3A_352 = arith.constant 0 : i32
    %dma_wait3A_353 = tpu.memref_slice %arg3[%dma_wait3A_351, %dma_wait3A_352] : memref<10000x64xf32, #tpu.memory_space<hbm>> -> memref<10000x64xf32, #tpu.memory_space<hbm>>
    tpu.wait_indirect_dma semaphore(%arg18 : memref<!tpu.dma_semaphore, #tpu.memory_space<semaphore_mem>>) src(%dma_wait3A_353 : memref<10000x64xf32, #tpu.memory_space<hbm>>) dst(%arg12 : memref<128x64xf32, #tpu.memory_space<vmem>>)
    %dma_start3A_354 = arith.constant 75 : i32
    %dma_start3A_355 = arith.constant 0 : i32
    %dma_start3A_356 = tpu.memref_slice %arg8[%dma_start3A_354, %dma_start3A_355] : memref<79x128xi32, #tpu.memory_space<vmem>> -> memref<1x128xi32, #tpu.memory_space<vmem>>
    %dma_start3A_357 = tpu.memref_squeeze %dma_start3A_356 : memref<1x128xi32, #tpu.memory_space<vmem>> -> memref<128xi32, #tpu.memory_space<vmem>>
    %dma_start3A_358 = arith.constant 0 : i32
    %dma_start3A_359 = arith.constant 0 : i32
    %dma_start3A_360 = tpu.memref_slice %arg14[%dma_start3A_358, %dma_start3A_359] : memref<10240x64xf32, #tpu.memory_space<vmem_shared>> -> memref<10240x64xf32, #tpu.memory_space<vmem_shared>>
    tpu.enqueue_indirect_dma source(%arg12 : memref<128x64xf32, #tpu.memory_space<vmem>>) target(%dma_start3A_360 : memref<10240x64xf32, #tpu.memory_space<vmem_shared>>) offsets(%dma_start3A_357 : memref<128xi32, #tpu.memory_space<vmem>>) semaphore(%arg22 : memref<!tpu.dma_semaphore, #tpu.memory_space<semaphore_mem>>) {add = true}
    %dma_wait3A_361 = arith.constant 0 : i32
    %dma_wait3A_362 = arith.constant 0 : i32
    %dma_wait3A_363 = tpu.memref_slice %arg7[%dma_wait3A_361, %dma_wait3A_362] : memref<79x128xi32, #tpu.memory_space<vmem>> -> memref<1x128xi32, #tpu.memory_space<vmem>>
    %dma_wait3A_364 = tpu.memref_squeeze %dma_wait3A_363 : memref<1x128xi32, #tpu.memory_space<vmem>> -> memref<128xi32, #tpu.memory_space<vmem>>
    %dma_wait3A_365 = arith.constant 0 : i32
    %dma_wait3A_366 = arith.constant 0 : i32
    %dma_wait3A_367 = tpu.memref_slice %arg3[%dma_wait3A_365, %dma_wait3A_366] : memref<10000x64xf32, #tpu.memory_space<hbm>> -> memref<10000x64xf32, #tpu.memory_space<hbm>>
    tpu.wait_indirect_dma semaphore(%arg15 : memref<!tpu.dma_semaphore, #tpu.memory_space<semaphore_mem>>) src(%dma_wait3A_367 : memref<10000x64xf32, #tpu.memory_space<hbm>>) dst(%arg9 : memref<128x64xf32, #tpu.memory_space<vmem>>)
    %dma_start3A_368 = arith.constant 76 : i32
    %dma_start3A_369 = arith.constant 0 : i32
    %dma_start3A_370 = tpu.memref_slice %arg8[%dma_start3A_368, %dma_start3A_369] : memref<79x128xi32, #tpu.memory_space<vmem>> -> memref<1x128xi32, #tpu.memory_space<vmem>>
    %dma_start3A_371 = tpu.memref_squeeze %dma_start3A_370 : memref<1x128xi32, #tpu.memory_space<vmem>> -> memref<128xi32, #tpu.memory_space<vmem>>
    %dma_start3A_372 = arith.constant 0 : i32
    %dma_start3A_373 = arith.constant 0 : i32
    %dma_start3A_374 = tpu.memref_slice %arg14[%dma_start3A_372, %dma_start3A_373] : memref<10240x64xf32, #tpu.memory_space<vmem_shared>> -> memref<10240x64xf32, #tpu.memory_space<vmem_shared>>
    tpu.enqueue_indirect_dma source(%arg9 : memref<128x64xf32, #tpu.memory_space<vmem>>) target(%dma_start3A_374 : memref<10240x64xf32, #tpu.memory_space<vmem_shared>>) offsets(%dma_start3A_371 : memref<128xi32, #tpu.memory_space<vmem>>) semaphore(%arg19 : memref<!tpu.dma_semaphore, #tpu.memory_space<semaphore_mem>>) {add = true}
    %dma_wait3A_375 = arith.constant 0 : i32
    %dma_wait3A_376 = arith.constant 0 : i32
    %dma_wait3A_377 = tpu.memref_slice %arg7[%dma_wait3A_375, %dma_wait3A_376] : memref<79x128xi32, #tpu.memory_space<vmem>> -> memref<1x128xi32, #tpu.memory_space<vmem>>
    %dma_wait3A_378 = tpu.memref_squeeze %dma_wait3A_377 : memref<1x128xi32, #tpu.memory_space<vmem>> -> memref<128xi32, #tpu.memory_space<vmem>>
    %dma_wait3A_379 = arith.constant 0 : i32
    %dma_wait3A_380 = arith.constant 0 : i32
    %dma_wait3A_381 = tpu.memref_slice %arg3[%dma_wait3A_379, %dma_wait3A_380] : memref<10000x64xf32, #tpu.memory_space<hbm>> -> memref<10000x64xf32, #tpu.memory_space<hbm>>
    tpu.wait_indirect_dma semaphore(%arg16 : memref<!tpu.dma_semaphore, #tpu.memory_space<semaphore_mem>>) src(%dma_wait3A_381 : memref<10000x64xf32, #tpu.memory_space<hbm>>) dst(%arg10 : memref<128x64xf32, #tpu.memory_space<vmem>>)
    %dma_start3A_382 = arith.constant 77 : i32
    %dma_start3A_383 = arith.constant 0 : i32
    %dma_start3A_384 = tpu.memref_slice %arg8[%dma_start3A_382, %dma_start3A_383] : memref<79x128xi32, #tpu.memory_space<vmem>> -> memref<1x128xi32, #tpu.memory_space<vmem>>
    %dma_start3A_385 = tpu.memref_squeeze %dma_start3A_384 : memref<1x128xi32, #tpu.memory_space<vmem>> -> memref<128xi32, #tpu.memory_space<vmem>>
    %dma_start3A_386 = arith.constant 0 : i32
    %dma_start3A_387 = arith.constant 0 : i32
    %dma_start3A_388 = tpu.memref_slice %arg14[%dma_start3A_386, %dma_start3A_387] : memref<10240x64xf32, #tpu.memory_space<vmem_shared>> -> memref<10240x64xf32, #tpu.memory_space<vmem_shared>>
    tpu.enqueue_indirect_dma source(%arg10 : memref<128x64xf32, #tpu.memory_space<vmem>>) target(%dma_start3A_388 : memref<10240x64xf32, #tpu.memory_space<vmem_shared>>) offsets(%dma_start3A_385 : memref<128xi32, #tpu.memory_space<vmem>>) semaphore(%arg20 : memref<!tpu.dma_semaphore, #tpu.memory_space<semaphore_mem>>) {add = true}
    %dma_wait3A_389 = arith.constant 0 : i32
    %dma_wait3A_390 = arith.constant 0 : i32
    %dma_wait3A_391 = tpu.memref_slice %arg7[%dma_wait3A_389, %dma_wait3A_390] : memref<79x128xi32, #tpu.memory_space<vmem>> -> memref<1x128xi32, #tpu.memory_space<vmem>>
    %dma_wait3A_392 = tpu.memref_squeeze %dma_wait3A_391 : memref<1x128xi32, #tpu.memory_space<vmem>> -> memref<128xi32, #tpu.memory_space<vmem>>
    %dma_wait3A_393 = arith.constant 0 : i32
    %dma_wait3A_394 = arith.constant 0 : i32
    %dma_wait3A_395 = tpu.memref_slice %arg3[%dma_wait3A_393, %dma_wait3A_394] : memref<10000x64xf32, #tpu.memory_space<hbm>> -> memref<10000x64xf32, #tpu.memory_space<hbm>>
    tpu.wait_indirect_dma semaphore(%arg17 : memref<!tpu.dma_semaphore, #tpu.memory_space<semaphore_mem>>) src(%dma_wait3A_395 : memref<10000x64xf32, #tpu.memory_space<hbm>>) dst(%arg11 : memref<128x64xf32, #tpu.memory_space<vmem>>)
    %dma_start3A_396 = arith.constant 78 : i32
    %dma_start3A_397 = arith.constant 0 : i32
    %dma_start3A_398 = tpu.memref_slice %arg8[%dma_start3A_396, %dma_start3A_397] : memref<79x128xi32, #tpu.memory_space<vmem>> -> memref<1x128xi32, #tpu.memory_space<vmem>>
    %dma_start3A_399 = tpu.memref_squeeze %dma_start3A_398 : memref<1x128xi32, #tpu.memory_space<vmem>> -> memref<128xi32, #tpu.memory_space<vmem>>
    %dma_start3A_400 = arith.constant 0 : i32
    %dma_start3A_401 = arith.constant 0 : i32
    %dma_start3A_402 = tpu.memref_slice %arg14[%dma_start3A_400, %dma_start3A_401] : memref<10240x64xf32, #tpu.memory_space<vmem_shared>> -> memref<10240x64xf32, #tpu.memory_space<vmem_shared>>
    tpu.enqueue_indirect_dma source(%arg11 : memref<128x64xf32, #tpu.memory_space<vmem>>) target(%dma_start3A_402 : memref<10240x64xf32, #tpu.memory_space<vmem_shared>>) offsets(%dma_start3A_399 : memref<128xi32, #tpu.memory_space<vmem>>) semaphore(%arg21 : memref<!tpu.dma_semaphore, #tpu.memory_space<semaphore_mem>>) {add = true}
    %dma_wait3A_403 = arith.constant 0 : i32
    %dma_wait3A_404 = arith.constant 0 : i32
    %dma_wait3A_405 = tpu.memref_slice %arg8[%dma_wait3A_403, %dma_wait3A_404] : memref<79x128xi32, #tpu.memory_space<vmem>> -> memref<1x128xi32, #tpu.memory_space<vmem>>
    %dma_wait3A_406 = tpu.memref_squeeze %dma_wait3A_405 : memref<1x128xi32, #tpu.memory_space<vmem>> -> memref<128xi32, #tpu.memory_space<vmem>>
    %dma_wait3A_407 = arith.constant 0 : i32
    %dma_wait3A_408 = arith.constant 0 : i32
    %dma_wait3A_409 = tpu.memref_slice %arg14[%dma_wait3A_407, %dma_wait3A_408] : memref<10240x64xf32, #tpu.memory_space<vmem_shared>> -> memref<10240x64xf32, #tpu.memory_space<vmem_shared>>
    tpu.wait_indirect_dma semaphore(%arg19 : memref<!tpu.dma_semaphore, #tpu.memory_space<semaphore_mem>>) src(%arg9 : memref<128x64xf32, #tpu.memory_space<vmem>>) dst(%dma_wait3A_409 : memref<10240x64xf32, #tpu.memory_space<vmem_shared>>)
    %dma_wait3A_410 = arith.constant 0 : i32
    %dma_wait3A_411 = arith.constant 0 : i32
    %dma_wait3A_412 = tpu.memref_slice %arg8[%dma_wait3A_410, %dma_wait3A_411] : memref<79x128xi32, #tpu.memory_space<vmem>> -> memref<1x128xi32, #tpu.memory_space<vmem>>
    %dma_wait3A_413 = tpu.memref_squeeze %dma_wait3A_412 : memref<1x128xi32, #tpu.memory_space<vmem>> -> memref<128xi32, #tpu.memory_space<vmem>>
    %dma_wait3A_414 = arith.constant 0 : i32
    %dma_wait3A_415 = arith.constant 0 : i32
    %dma_wait3A_416 = tpu.memref_slice %arg14[%dma_wait3A_414, %dma_wait3A_415] : memref<10240x64xf32, #tpu.memory_space<vmem_shared>> -> memref<10240x64xf32, #tpu.memory_space<vmem_shared>>
    tpu.wait_indirect_dma semaphore(%arg20 : memref<!tpu.dma_semaphore, #tpu.memory_space<semaphore_mem>>) src(%arg10 : memref<128x64xf32, #tpu.memory_space<vmem>>) dst(%dma_wait3A_416 : memref<10240x64xf32, #tpu.memory_space<vmem_shared>>)
    %dma_wait3A_417 = arith.constant 0 : i32
    %dma_wait3A_418 = arith.constant 0 : i32
    %dma_wait3A_419 = tpu.memref_slice %arg8[%dma_wait3A_417, %dma_wait3A_418] : memref<79x128xi32, #tpu.memory_space<vmem>> -> memref<1x128xi32, #tpu.memory_space<vmem>>
    %dma_wait3A_420 = tpu.memref_squeeze %dma_wait3A_419 : memref<1x128xi32, #tpu.memory_space<vmem>> -> memref<128xi32, #tpu.memory_space<vmem>>
    %dma_wait3A_421 = arith.constant 0 : i32
    %dma_wait3A_422 = arith.constant 0 : i32
    %dma_wait3A_423 = tpu.memref_slice %arg14[%dma_wait3A_421, %dma_wait3A_422] : memref<10240x64xf32, #tpu.memory_space<vmem_shared>> -> memref<10240x64xf32, #tpu.memory_space<vmem_shared>>
    tpu.wait_indirect_dma semaphore(%arg21 : memref<!tpu.dma_semaphore, #tpu.memory_space<semaphore_mem>>) src(%arg11 : memref<128x64xf32, #tpu.memory_space<vmem>>) dst(%dma_wait3A_423 : memref<10240x64xf32, #tpu.memory_space<vmem_shared>>)
    %dma_wait3A_424 = arith.constant 0 : i32
    %dma_wait3A_425 = arith.constant 0 : i32
    %dma_wait3A_426 = tpu.memref_slice %arg8[%dma_wait3A_424, %dma_wait3A_425] : memref<79x128xi32, #tpu.memory_space<vmem>> -> memref<1x128xi32, #tpu.memory_space<vmem>>
    %dma_wait3A_427 = tpu.memref_squeeze %dma_wait3A_426 : memref<1x128xi32, #tpu.memory_space<vmem>> -> memref<128xi32, #tpu.memory_space<vmem>>
    %dma_wait3A_428 = arith.constant 0 : i32
    %dma_wait3A_429 = arith.constant 0 : i32
    %dma_wait3A_430 = tpu.memref_slice %arg14[%dma_wait3A_428, %dma_wait3A_429] : memref<10240x64xf32, #tpu.memory_space<vmem_shared>> -> memref<10240x64xf32, #tpu.memory_space<vmem_shared>>
    tpu.wait_indirect_dma semaphore(%arg22 : memref<!tpu.dma_semaphore, #tpu.memory_space<semaphore_mem>>) src(%arg12 : memref<128x64xf32, #tpu.memory_space<vmem>>) dst(%dma_wait3A_430 : memref<10240x64xf32, #tpu.memory_space<vmem_shared>>)
    %barrier3A_431 = arith.constant 0 : index
    tpu.barrier barrier_id(%barrier3A_431)
    %mul3A_432 = arith.constant 640 : i32
    %mul3A_433 = arith.muli %arg1, %mul3A_432 : i32
    %mul3A_434 = arith.constant 640 : i32
    %mul3A_435 = arith.muli %arg1, %mul3A_434 : i32
    %run_scoped3A_436 = arith.constant 1 : i32
    "tpu.region"() ({
      %run_scoped3A_437 = tpu.sem_alloc : memref<!tpu.dma_semaphore, #tpu.memory_space<semaphore_mem>>
      %dma_start3A_438 = arith.constant 0 : i32
      %dma_start3A_439 = tpu.memref_slice %arg6[%run_scoped3A_436, %arg0, %mul3A_435, %dma_start3A_438] : memref<2x2x10240x64xf32, #tpu.memory_space<hbm>> -> memref<1x1x640x64xf32, #tpu.memory_space<hbm>>
      %dma_start3A_440 = tpu.memref_squeeze %dma_start3A_439 : memref<1x1x640x64xf32, #tpu.memory_space<hbm>> -> memref<640x64xf32, #tpu.memory_space<hbm>>
      %dma_start3A_441 = arith.constant 0 : i32
      %dma_start3A_442 = tpu.memref_slice %arg14[%mul3A_433, %dma_start3A_441] : memref<10240x64xf32, #tpu.memory_space<vmem_shared>> -> memref<640x64xf32, #tpu.memory_space<vmem_shared>>
      tpu.enqueue_dma source(%dma_start3A_442 : memref<640x64xf32, #tpu.memory_space<vmem_shared>>) target(%dma_start3A_440 : memref<640x64xf32, #tpu.memory_space<hbm>>) target_semaphore(%run_scoped3A_437 : memref<!tpu.dma_semaphore, #tpu.memory_space<semaphore_mem>>)
      %dma_wait3A_443 = arith.constant 0 : i32
      %dma_wait3A_444 = tpu.memref_slice %arg6[%run_scoped3A_436, %arg0, %mul3A_435, %dma_wait3A_443] : memref<2x2x10240x64xf32, #tpu.memory_space<hbm>> -> memref<1x1x640x64xf32, #tpu.memory_space<hbm>>
      %dma_wait3A_445 = tpu.memref_squeeze %dma_wait3A_444 : memref<1x1x640x64xf32, #tpu.memory_space<hbm>> -> memref<640x64xf32, #tpu.memory_space<hbm>>
      %dma_wait3A_446 = arith.constant 0 : i32
      %dma_wait3A_447 = tpu.memref_slice %arg14[%mul3A_433, %dma_wait3A_446] : memref<10240x64xf32, #tpu.memory_space<vmem_shared>> -> memref<640x64xf32, #tpu.memory_space<vmem_shared>>
      tpu.wait_dma2 semaphore(%run_scoped3A_437 : memref<!tpu.dma_semaphore, #tpu.memory_space<semaphore_mem>>) src(%dma_wait3A_447 : memref<640x64xf32, #tpu.memory_space<vmem_shared>>) dst(%dma_wait3A_445 : memref<640x64xf32, #tpu.memory_space<hbm>>)
      tpu.yield
    }) : () -> ()
    return
  }
}

#map = affine_map<(d0, d1) -> (0, 0)>
#map1 = affine_map<(d0, d1) -> (0, 0, 0)>
#map2 = affine_map<(d0, d1) -> (0, 0, 0, 0)>
module attributes {stable_mosaic.version = 14 : i64} {
  func.func @_edge_body(%arg0: i32, %arg1: i32, %arg2: memref<10000x64xf32, #tpu.memory_space<hbm>>, %arg3: memref<10000x64xf32, #tpu.memory_space<hbm>>, %arg4: memref<32x79x128xi32, #tpu.memory_space<hbm>>, %arg5: memref<32x79x128xi32, #tpu.memory_space<hbm>>, %arg6: memref<2x2x10240x64xf32, #tpu.memory_space<hbm>>, %arg7: memref<79x128xi32, #tpu.memory_space<vmem>>, %arg8: memref<79x128xi32, #tpu.memory_space<vmem>>, %arg9: memref<128x64xf32, #tpu.memory_space<vmem>>, %arg10: memref<128x64xf32, #tpu.memory_space<vmem>>, %arg11: memref<128x64xf32, #tpu.memory_space<vmem>>, %arg12: memref<128x64xf32, #tpu.memory_space<vmem>>, %arg13: memref<128x64xf32, #tpu.memory_space<vmem>>, %arg14: memref<10240x64xf32, #tpu.memory_space<vmem_shared>>, %arg15: memref<!tpu.dma_semaphore, #tpu.memory_space<semaphore_mem>>, %arg16: memref<!tpu.dma_semaphore, #tpu.memory_space<semaphore_mem>>, %arg17: memref<!tpu.dma_semaphore, #tpu.memory_space<semaphore_mem>>, %arg18: memref<!tpu.dma_semaphore, #tpu.memory_space<semaphore_mem>>, %arg19: memref<!tpu.dma_semaphore, #tpu.memory_space<semaphore_mem>>, %arg20: memref<!tpu.dma_semaphore, #tpu.memory_space<semaphore_mem>>, %arg21: memref<!tpu.dma_semaphore, #tpu.memory_space<semaphore_mem>>, %arg22: memref<!tpu.dma_semaphore, #tpu.memory_space<semaphore_mem>>) attributes {dimension_semantics = [#tpu.dimension_semantics<core_parallel>, #tpu.dimension_semantics<subcore_parallel>], iteration_bounds = array<i64: 2, 16>, scalar_prefetch = 0 : i64, scratch_operands = 16 : i64, tpu.core_type = #tpu.core_type<sc_vector_subcore>, window_params = [{transform_indices = #map}, {transform_indices = #map}, {transform_indices = #map1}, {transform_indices = #map1}, {transform_indices = #map2}]} {
    %mul3A = arith.constant 2 : i32
    %mul3A_0 = arith.muli %arg1, %mul3A : i32
    %add3A = arith.addi %mul3A_0, %arg0 : i32
    "tpu.region"() ({
      %run_scoped3A_437 = tpu.sem_alloc : memref<!tpu.dma_semaphore, #tpu.memory_space<semaphore_mem>>
      %dma_start3A_438 = arith.constant 0 : i32
      %dma_start3A_439 = arith.constant 0 : i32
      %dma_start3A_440 = tpu.memref_slice %arg4[%add3A, %dma_start3A_438, %dma_start3A_439] : memref<32x79x128xi32, #tpu.memory_space<hbm>> -> memref<1x79x128xi32, #tpu.memory_space<hbm>>
      %dma_start3A_441 = tpu.memref_squeeze %dma_start3A_440 : memref<1x79x128xi32, #tpu.memory_space<hbm>> -> memref<79x128xi32, #tpu.memory_space<hbm>>
      %dma_start3A_442 = arith.constant 0 : i32
      %dma_start3A_443 = arith.constant 0 : i32
      %dma_start3A_444 = tpu.memref_slice %arg4[%add3A, %dma_start3A_442, %dma_start3A_443] : memref<32x79x128xi32, #tpu.memory_space<hbm>> -> memref<1x79x128xi32, #tpu.memory_space<hbm>>
      %dma_start3A_445 = tpu.memref_squeeze %dma_start3A_444 : memref<1x79x128xi32, #tpu.memory_space<hbm>> -> memref<79x128xi32, #tpu.memory_space<hbm>>
      tpu.enqueue_dma source(%dma_start3A_445 : memref<79x128xi32, #tpu.memory_space<hbm>>) target(%arg7 : memref<79x128xi32, #tpu.memory_space<vmem>>) target_semaphore(%run_scoped3A_437 : memref<!tpu.dma_semaphore, #tpu.memory_space<semaphore_mem>>)
      %dma_wait3A_446 = arith.constant 0 : i32
      %dma_wait3A_447 = arith.constant 0 : i32
      %dma_wait3A_448 = tpu.memref_slice %arg4[%add3A, %dma_wait3A_446, %dma_wait3A_447] : memref<32x79x128xi32, #tpu.memory_space<hbm>> -> memref<1x79x128xi32, #tpu.memory_space<hbm>>
      %dma_wait3A_449 = tpu.memref_squeeze %dma_wait3A_448 : memref<1x79x128xi32, #tpu.memory_space<hbm>> -> memref<79x128xi32, #tpu.memory_space<hbm>>
      %dma_wait3A_450 = arith.constant 0 : i32
      %dma_wait3A_451 = arith.constant 0 : i32
      %dma_wait3A_452 = tpu.memref_slice %arg4[%add3A, %dma_wait3A_450, %dma_wait3A_451] : memref<32x79x128xi32, #tpu.memory_space<hbm>> -> memref<1x79x128xi32, #tpu.memory_space<hbm>>
      %dma_wait3A_453 = tpu.memref_squeeze %dma_wait3A_452 : memref<1x79x128xi32, #tpu.memory_space<hbm>> -> memref<79x128xi32, #tpu.memory_space<hbm>>
      tpu.wait_dma2 semaphore(%run_scoped3A_437 : memref<!tpu.dma_semaphore, #tpu.memory_space<semaphore_mem>>) src(%dma_wait3A_453 : memref<79x128xi32, #tpu.memory_space<hbm>>) dst(%arg7 : memref<79x128xi32, #tpu.memory_space<vmem>>)
      tpu.yield
    }) : () -> ()
    "tpu.region"() ({
      %run_scoped3A_437 = tpu.sem_alloc : memref<!tpu.dma_semaphore, #tpu.memory_space<semaphore_mem>>
      %dma_start3A_438 = arith.constant 0 : i32
      %dma_start3A_439 = arith.constant 0 : i32
      %dma_start3A_440 = tpu.memref_slice %arg5[%add3A, %dma_start3A_438, %dma_start3A_439] : memref<32x79x128xi32, #tpu.memory_space<hbm>> -> memref<1x79x128xi32, #tpu.memory_space<hbm>>
      %dma_start3A_441 = tpu.memref_squeeze %dma_start3A_440 : memref<1x79x128xi32, #tpu.memory_space<hbm>> -> memref<79x128xi32, #tpu.memory_space<hbm>>
      %dma_start3A_442 = arith.constant 0 : i32
      %dma_start3A_443 = arith.constant 0 : i32
      %dma_start3A_444 = tpu.memref_slice %arg5[%add3A, %dma_start3A_442, %dma_start3A_443] : memref<32x79x128xi32, #tpu.memory_space<hbm>> -> memref<1x79x128xi32, #tpu.memory_space<hbm>>
      %dma_start3A_445 = tpu.memref_squeeze %dma_start3A_444 : memref<1x79x128xi32, #tpu.memory_space<hbm>> -> memref<79x128xi32, #tpu.memory_space<hbm>>
      tpu.enqueue_dma source(%dma_start3A_445 : memref<79x128xi32, #tpu.memory_space<hbm>>) target(%arg8 : memref<79x128xi32, #tpu.memory_space<vmem>>) target_semaphore(%run_scoped3A_437 : memref<!tpu.dma_semaphore, #tpu.memory_space<semaphore_mem>>)
      %dma_wait3A_446 = arith.constant 0 : i32
      %dma_wait3A_447 = arith.constant 0 : i32
      %dma_wait3A_448 = tpu.memref_slice %arg5[%add3A, %dma_wait3A_446, %dma_wait3A_447] : memref<32x79x128xi32, #tpu.memory_space<hbm>> -> memref<1x79x128xi32, #tpu.memory_space<hbm>>
      %dma_wait3A_449 = tpu.memref_squeeze %dma_wait3A_448 : memref<1x79x128xi32, #tpu.memory_space<hbm>> -> memref<79x128xi32, #tpu.memory_space<hbm>>
      %dma_wait3A_450 = arith.constant 0 : i32
      %dma_wait3A_451 = arith.constant 0 : i32
      %dma_wait3A_452 = tpu.memref_slice %arg5[%add3A, %dma_wait3A_450, %dma_wait3A_451] : memref<32x79x128xi32, #tpu.memory_space<hbm>> -> memref<1x79x128xi32, #tpu.memory_space<hbm>>
      %dma_wait3A_453 = tpu.memref_squeeze %dma_wait3A_452 : memref<1x79x128xi32, #tpu.memory_space<hbm>> -> memref<79x128xi32, #tpu.memory_space<hbm>>
      tpu.wait_dma2 semaphore(%run_scoped3A_437 : memref<!tpu.dma_semaphore, #tpu.memory_space<semaphore_mem>>) src(%dma_wait3A_453 : memref<79x128xi32, #tpu.memory_space<hbm>>) dst(%arg8 : memref<79x128xi32, #tpu.memory_space<vmem>>)
      tpu.yield
    }) : () -> ()
    %scan3A = arith.constant 0 : i32
    %scan3A_1 = arith.constant 0 : i32
    %scan3A_2 = arith.constant 128 : i32
    %scan3A_3 = arith.addi %scan3A_1, %scan3A_2 : i32
    %scan3A_4 = arith.constant 1 : i32
    %scan3A_5 = scf.for %scan3A_437 = %scan3A_1 to %scan3A_3 step %scan3A_4 iter_args(%scan3A_438 = %scan3A) -> (i32)  : i32 {
      %scan3A_439 = arith.constant 0 : i32
      %scan3A_440 = arith.constant 0 : i32
      %scan3A_441 = arith.constant 4 : i32
      %scan3A_442 = arith.addi %scan3A_440, %scan3A_441 : i32
      %scan3A_443 = arith.constant 1 : i32
      %scan3A_444 = scf.for %scan3A_447 = %scan3A_440 to %scan3A_442 step %scan3A_443 iter_args(%scan3A_448 = %scan3A_439) -> (i32)  : i32 {
        %broadcast_in_dim3A = arith.constant 0.000000e+00 : f32
        %broadcast_in_dim3A_449 = vector.broadcast %broadcast_in_dim3A : f32 to vector<16xf32>
        %mul3A_450 = arith.constant 16 : i32
        %mul3A_451 = arith.muli %scan3A_447, %mul3A_450 : i32
        %swap3A = arith.index_cast %scan3A_437 : i32 to index
        %swap3A_452 = arith.index_cast %mul3A_451 : i32 to index
        %swap3A_453 = tpu.vector_load %arg13[%swap3A, %swap3A_452] {strides = array<i32>} : memref<128x64xf32, #tpu.memory_space<vmem>>, vector<1x16xf32>,
        %swap3A_454 = vector.shape_cast %swap3A_453 : vector<1x16xf32> to vector<16xf32>
        %swap3A_455 = vector.shape_cast %broadcast_in_dim3A_449 : vector<16xf32> to vector<1x16xf32>
        tpu.vector_store %arg13[%swap3A, %swap3A_452], %swap3A_455 {strides = array<i32>} : memref<128x64xf32, #tpu.memory_space<vmem>>, vector<1x16xf32>,
        %scan3A_456 = arith.constant 0 : i32
        scf.yield %scan3A_456 : i32
      }
      %scan3A_445 = arith.constant 4 : i32
      %scan3A_446 = arith.constant 0 : i32
      scf.yield %scan3A_446 : i32
    }
    %scan3A_6 = arith.constant 128 : i32
    %scan3A_7 = arith.constant 0 : i32
    %scan3A_8 = arith.constant 0 : i32
    %scan3A_9 = arith.constant 5 : i32
    %scan3A_10 = arith.addi %scan3A_8, %scan3A_9 : i32
    %scan3A_11 = arith.constant 1 : i32
    %scan3A_12 = scf.for %scan3A_437 = %scan3A_8 to %scan3A_10 step %scan3A_11 iter_args(%scan3A_438 = %scan3A_7) -> (i32)  : i32 {
      %mul3A_439 = arith.constant 640 : i32
      %mul3A_440 = arith.muli %arg1, %mul3A_439 : i32
      %mul3A_441 = arith.constant 128 : i32
      %mul3A_442 = arith.muli %scan3A_437, %mul3A_441 : i32
      %add3A_443 = arith.addi %mul3A_440, %mul3A_442 : i32
      "tpu.region"() ({
        %run_scoped3A_445 = tpu.sem_alloc : memref<!tpu.dma_semaphore, #tpu.memory_space<semaphore_mem>>
        %dma_start3A_446 = arith.constant 0 : i32
        %dma_start3A_447 = tpu.memref_slice %arg14[%add3A_443, %dma_start3A_446] : memref<10240x64xf32, #tpu.memory_space<vmem_shared>> -> memref<128x64xf32, #tpu.memory_space<vmem_shared>>
        %dma_start3A_448 = arith.constant 0 : i32
        %dma_start3A_449 = tpu.memref_slice %arg14[%add3A_443, %dma_start3A_448] : memref<10240x64xf32, #tpu.memory_space<vmem_shared>> -> memref<128x64xf32, #tpu.memory_space<vmem_shared>>
        tpu.enqueue_dma source(%arg13 : memref<128x64xf32, #tpu.memory_space<vmem>>) target(%dma_start3A_449 : memref<128x64xf32, #tpu.memory_space<vmem_shared>>) target_semaphore(%run_scoped3A_445 : memref<!tpu.dma_semaphore, #tpu.memory_space<semaphore_mem>>)
        %dma_wait3A_450 = arith.constant 0 : i32
        %dma_wait3A_451 = tpu.memref_slice %arg14[%add3A_443, %dma_wait3A_450] : memref<10240x64xf32, #tpu.memory_space<vmem_shared>> -> memref<128x64xf32, #tpu.memory_space<vmem_shared>>
        %dma_wait3A_452 = arith.constant 0 : i32
        %dma_wait3A_453 = tpu.memref_slice %arg14[%add3A_443, %dma_wait3A_452] : memref<10240x64xf32, #tpu.memory_space<vmem_shared>> -> memref<128x64xf32, #tpu.memory_space<vmem_shared>>
        tpu.wait_dma2 semaphore(%run_scoped3A_445 : memref<!tpu.dma_semaphore, #tpu.memory_space<semaphore_mem>>) src(%arg13 : memref<128x64xf32, #tpu.memory_space<vmem>>) dst(%dma_wait3A_453 : memref<128x64xf32, #tpu.memory_space<vmem_shared>>)
        tpu.yield
      }) : () -> ()
      %scan3A_444 = arith.constant 0 : i32
      scf.yield %scan3A_444 : i32
    }
    %scan3A_13 = arith.constant 5 : i32
    %barrier3A = arith.constant 0 : index
    tpu.barrier barrier_id(%barrier3A)
    %dma_start3A = arith.constant 0 : i32
    %dma_start3A_14 = arith.constant 0 : i32
    %dma_start3A_15 = tpu.memref_slice %arg7[%dma_start3A, %dma_start3A_14] : memref<79x128xi32, #tpu.memory_space<vmem>> -> memref<1x128xi32, #tpu.memory_space<vmem>>
    %dma_start3A_16 = tpu.memref_squeeze %dma_start3A_15 : memref<1x128xi32, #tpu.memory_space<vmem>> -> memref<128xi32, #tpu.memory_space<vmem>>
    %dma_start3A_17 = arith.constant 0 : i32
    %dma_start3A_18 = arith.constant 0 : i32
    %dma_start3A_19 = tpu.memref_slice %arg2[%dma_start3A_17, %dma_start3A_18] : memref<10000x64xf32, #tpu.memory_space<hbm>> -> memref<10000x64xf32, #tpu.memory_space<hbm>>
    tpu.enqueue_indirect_dma source(%dma_start3A_19 : memref<10000x64xf32, #tpu.memory_space<hbm>>) target(%arg9 : memref<128x64xf32, #tpu.memory_space<vmem>>) offsets(%dma_start3A_16 : memref<128xi32, #tpu.memory_space<vmem>>) semaphore(%arg15 : memref<!tpu.dma_semaphore, #tpu.memory_space<semaphore_mem>>)
    %dma_start3A_20 = arith.constant 1 : i32
    %dma_start3A_21 = arith.constant 0 : i32
    %dma_start3A_22 = tpu.memref_slice %arg7[%dma_start3A_20, %dma_start3A_21] : memref<79x128xi32, #tpu.memory_space<vmem>> -> memref<1x128xi32, #tpu.memory_space<vmem>>
    %dma_start3A_23 = tpu.memref_squeeze %dma_start3A_22 : memref<1x128xi32, #tpu.memory_space<vmem>> -> memref<128xi32, #tpu.memory_space<vmem>>
    %dma_start3A_24 = arith.constant 0 : i32
    %dma_start3A_25 = arith.constant 0 : i32
    %dma_start3A_26 = tpu.memref_slice %arg2[%dma_start3A_24, %dma_start3A_25] : memref<10000x64xf32, #tpu.memory_space<hbm>> -> memref<10000x64xf32, #tpu.memory_space<hbm>>
    tpu.enqueue_indirect_dma source(%dma_start3A_26 : memref<10000x64xf32, #tpu.memory_space<hbm>>) target(%arg10 : memref<128x64xf32, #tpu.memory_space<vmem>>) offsets(%dma_start3A_23 : memref<128xi32, #tpu.memory_space<vmem>>) semaphore(%arg16 : memref<!tpu.dma_semaphore, #tpu.memory_space<semaphore_mem>>)
    %dma_start3A_27 = arith.constant 2 : i32
    %dma_start3A_28 = arith.constant 0 : i32
    %dma_start3A_29 = tpu.memref_slice %arg7[%dma_start3A_27, %dma_start3A_28] : memref<79x128xi32, #tpu.memory_space<vmem>> -> memref<1x128xi32, #tpu.memory_space<vmem>>
    %dma_start3A_30 = tpu.memref_squeeze %dma_start3A_29 : memref<1x128xi32, #tpu.memory_space<vmem>> -> memref<128xi32, #tpu.memory_space<vmem>>
    %dma_start3A_31 = arith.constant 0 : i32
    %dma_start3A_32 = arith.constant 0 : i32
    %dma_start3A_33 = tpu.memref_slice %arg2[%dma_start3A_31, %dma_start3A_32] : memref<10000x64xf32, #tpu.memory_space<hbm>> -> memref<10000x64xf32, #tpu.memory_space<hbm>>
    tpu.enqueue_indirect_dma source(%dma_start3A_33 : memref<10000x64xf32, #tpu.memory_space<hbm>>) target(%arg11 : memref<128x64xf32, #tpu.memory_space<vmem>>) offsets(%dma_start3A_30 : memref<128xi32, #tpu.memory_space<vmem>>) semaphore(%arg17 : memref<!tpu.dma_semaphore, #tpu.memory_space<semaphore_mem>>)
    %dma_start3A_34 = arith.constant 3 : i32
    %dma_start3A_35 = arith.constant 0 : i32
    %dma_start3A_36 = tpu.memref_slice %arg7[%dma_start3A_34, %dma_start3A_35] : memref<79x128xi32, #tpu.memory_space<vmem>> -> memref<1x128xi32, #tpu.memory_space<vmem>>
    %dma_start3A_37 = tpu.memref_squeeze %dma_start3A_36 : memref<1x128xi32, #tpu.memory_space<vmem>> -> memref<128xi32, #tpu.memory_space<vmem>>
    %dma_start3A_38 = arith.constant 0 : i32
    %dma_start3A_39 = arith.constant 0 : i32
    %dma_start3A_40 = tpu.memref_slice %arg2[%dma_start3A_38, %dma_start3A_39] : memref<10000x64xf32, #tpu.memory_space<hbm>> -> memref<10000x64xf32, #tpu.memory_space<hbm>>
    tpu.enqueue_indirect_dma source(%dma_start3A_40 : memref<10000x64xf32, #tpu.memory_space<hbm>>) target(%arg12 : memref<128x64xf32, #tpu.memory_space<vmem>>) offsets(%dma_start3A_37 : memref<128xi32, #tpu.memory_space<vmem>>) semaphore(%arg18 : memref<!tpu.dma_semaphore, #tpu.memory_space<semaphore_mem>>)
    %scan3A_41 = arith.constant 0 : i32
    %scan3A_42 = arith.constant 0 : i32
    %scan3A_43 = arith.constant 18 : i32
    %scan3A_44 = arith.addi %scan3A_42, %scan3A_43 : i32
    %scan3A_45 = arith.constant 1 : i32
    %scan3A_46 = scf.for %scan3A_437 = %scan3A_42 to %scan3A_44 step %scan3A_45 iter_args(%scan3A_438 = %scan3A_41) -> (i32)  : i32 {
      %mul3A_439 = arith.constant 4 : i32
      %mul3A_440 = arith.muli %scan3A_437, %mul3A_439 : i32
      %dma_wait3A_441 = arith.constant 0 : i32
      %dma_wait3A_442 = arith.constant 0 : i32
      %dma_wait3A_443 = tpu.memref_slice %arg7[%dma_wait3A_441, %dma_wait3A_442] : memref<79x128xi32, #tpu.memory_space<vmem>> -> memref<1x128xi32, #tpu.memory_space<vmem>>
      %dma_wait3A_444 = tpu.memref_squeeze %dma_wait3A_443 : memref<1x128xi32, #tpu.memory_space<vmem>> -> memref<128xi32, #tpu.memory_space<vmem>>
      %dma_wait3A_445 = arith.constant 0 : i32
      %dma_wait3A_446 = arith.constant 0 : i32
      %dma_wait3A_447 = tpu.memref_slice %arg2[%dma_wait3A_445, %dma_wait3A_446] : memref<10000x64xf32, #tpu.memory_space<hbm>> -> memref<10000x64xf32, #tpu.memory_space<hbm>>
      tpu.wait_indirect_dma semaphore(%arg15 : memref<!tpu.dma_semaphore, #tpu.memory_space<semaphore_mem>>) src(%dma_wait3A_447 : memref<10000x64xf32, #tpu.memory_space<hbm>>) dst(%arg9 : memref<128x64xf32, #tpu.memory_space<vmem>>)
      %add3A_448 = arith.constant 0 : i32
      %add3A_449 = arith.addi %mul3A_440, %add3A_448 : i32
      %dma_start3A_450 = arith.constant 0 : i32
      %dma_start3A_451 = tpu.memref_slice %arg8[%add3A_449, %dma_start3A_450] : memref<79x128xi32, #tpu.memory_space<vmem>> -> memref<1x128xi32, #tpu.memory_space<vmem>>
      %dma_start3A_452 = tpu.memref_squeeze %dma_start3A_451 : memref<1x128xi32, #tpu.memory_space<vmem>> -> memref<128xi32, #tpu.memory_space<vmem>>
      %dma_start3A_453 = arith.constant 0 : i32
      %dma_start3A_454 = arith.constant 0 : i32
      %dma_start3A_455 = tpu.memref_slice %arg14[%dma_start3A_453, %dma_start3A_454] : memref<10240x64xf32, #tpu.memory_space<vmem_shared>> -> memref<10240x64xf32, #tpu.memory_space<vmem_shared>>
      tpu.enqueue_indirect_dma source(%arg9 : memref<128x64xf32, #tpu.memory_space<vmem>>) target(%dma_start3A_455 : memref<10240x64xf32, #tpu.memory_space<vmem_shared>>) offsets(%dma_start3A_452 : memref<128xi32, #tpu.memory_space<vmem>>) semaphore(%arg19 : memref<!tpu.dma_semaphore, #tpu.memory_space<semaphore_mem>>) {add = true}
      %dma_wait3A_456 = arith.constant 0 : i32
      %dma_wait3A_457 = arith.constant 0 : i32
      %dma_wait3A_458 = tpu.memref_slice %arg7[%dma_wait3A_456, %dma_wait3A_457] : memref<79x128xi32, #tpu.memory_space<vmem>> -> memref<1x128xi32, #tpu.memory_space<vmem>>
      %dma_wait3A_459 = tpu.memref_squeeze %dma_wait3A_458 : memref<1x128xi32, #tpu.memory_space<vmem>> -> memref<128xi32, #tpu.memory_space<vmem>>
      %dma_wait3A_460 = arith.constant 0 : i32
      %dma_wait3A_461 = arith.constant 0 : i32
      %dma_wait3A_462 = tpu.memref_slice %arg2[%dma_wait3A_460, %dma_wait3A_461] : memref<10000x64xf32, #tpu.memory_space<hbm>> -> memref<10000x64xf32, #tpu.memory_space<hbm>>
      tpu.wait_indirect_dma semaphore(%arg16 : memref<!tpu.dma_semaphore, #tpu.memory_space<semaphore_mem>>) src(%dma_wait3A_462 : memref<10000x64xf32, #tpu.memory_space<hbm>>) dst(%arg10 : memref<128x64xf32, #tpu.memory_space<vmem>>)
      %add3A_463 = arith.constant 1 : i32
      %add3A_464 = arith.addi %mul3A_440, %add3A_463 : i32
      %dma_start3A_465 = arith.constant 0 : i32
      %dma_start3A_466 = tpu.memref_slice %arg8[%add3A_464, %dma_start3A_465] : memref<79x128xi32, #tpu.memory_space<vmem>> -> memref<1x128xi32, #tpu.memory_space<vmem>>
      %dma_start3A_467 = tpu.memref_squeeze %dma_start3A_466 : memref<1x128xi32, #tpu.memory_space<vmem>> -> memref<128xi32, #tpu.memory_space<vmem>>
      %dma_start3A_468 = arith.constant 0 : i32
      %dma_start3A_469 = arith.constant 0 : i32
      %dma_start3A_470 = tpu.memref_slice %arg14[%dma_start3A_468, %dma_start3A_469] : memref<10240x64xf32, #tpu.memory_space<vmem_shared>> -> memref<10240x64xf32, #tpu.memory_space<vmem_shared>>
      tpu.enqueue_indirect_dma source(%arg10 : memref<128x64xf32, #tpu.memory_space<vmem>>) target(%dma_start3A_470 : memref<10240x64xf32, #tpu.memory_space<vmem_shared>>) offsets(%dma_start3A_467 : memref<128xi32, #tpu.memory_space<vmem>>) semaphore(%arg20 : memref<!tpu.dma_semaphore, #tpu.memory_space<semaphore_mem>>) {add = true}
      %dma_wait3A_471 = arith.constant 0 : i32
      %dma_wait3A_472 = arith.constant 0 : i32
      %dma_wait3A_473 = tpu.memref_slice %arg7[%dma_wait3A_471, %dma_wait3A_472] : memref<79x128xi32, #tpu.memory_space<vmem>> -> memref<1x128xi32, #tpu.memory_space<vmem>>
      %dma_wait3A_474 = tpu.memref_squeeze %dma_wait3A_473 : memref<1x128xi32, #tpu.memory_space<vmem>> -> memref<128xi32, #tpu.memory_space<vmem>>
      %dma_wait3A_475 = arith.constant 0 : i32
      %dma_wait3A_476 = arith.constant 0 : i32
      %dma_wait3A_477 = tpu.memref_slice %arg2[%dma_wait3A_475, %dma_wait3A_476] : memref<10000x64xf32, #tpu.memory_space<hbm>> -> memref<10000x64xf32, #tpu.memory_space<hbm>>
      tpu.wait_indirect_dma semaphore(%arg17 : memref<!tpu.dma_semaphore, #tpu.memory_space<semaphore_mem>>) src(%dma_wait3A_477 : memref<10000x64xf32, #tpu.memory_space<hbm>>) dst(%arg11 : memref<128x64xf32, #tpu.memory_space<vmem>>)
      %add3A_478 = arith.constant 2 : i32
      %add3A_479 = arith.addi %mul3A_440, %add3A_478 : i32
      %dma_start3A_480 = arith.constant 0 : i32
      %dma_start3A_481 = tpu.memref_slice %arg8[%add3A_479, %dma_start3A_480] : memref<79x128xi32, #tpu.memory_space<vmem>> -> memref<1x128xi32, #tpu.memory_space<vmem>>
      %dma_start3A_482 = tpu.memref_squeeze %dma_start3A_481 : memref<1x128xi32, #tpu.memory_space<vmem>> -> memref<128xi32, #tpu.memory_space<vmem>>
      %dma_start3A_483 = arith.constant 0 : i32
      %dma_start3A_484 = arith.constant 0 : i32
      %dma_start3A_485 = tpu.memref_slice %arg14[%dma_start3A_483, %dma_start3A_484] : memref<10240x64xf32, #tpu.memory_space<vmem_shared>> -> memref<10240x64xf32, #tpu.memory_space<vmem_shared>>
      tpu.enqueue_indirect_dma source(%arg11 : memref<128x64xf32, #tpu.memory_space<vmem>>) target(%dma_start3A_485 : memref<10240x64xf32, #tpu.memory_space<vmem_shared>>) offsets(%dma_start3A_482 : memref<128xi32, #tpu.memory_space<vmem>>) semaphore(%arg21 : memref<!tpu.dma_semaphore, #tpu.memory_space<semaphore_mem>>) {add = true}
      %dma_wait3A_486 = arith.constant 0 : i32
      %dma_wait3A_487 = arith.constant 0 : i32
      %dma_wait3A_488 = tpu.memref_slice %arg7[%dma_wait3A_486, %dma_wait3A_487] : memref<79x128xi32, #tpu.memory_space<vmem>> -> memref<1x128xi32, #tpu.memory_space<vmem>>
      %dma_wait3A_489 = tpu.memref_squeeze %dma_wait3A_488 : memref<1x128xi32, #tpu.memory_space<vmem>> -> memref<128xi32, #tpu.memory_space<vmem>>
      %dma_wait3A_490 = arith.constant 0 : i32
      %dma_wait3A_491 = arith.constant 0 : i32
      %dma_wait3A_492 = tpu.memref_slice %arg2[%dma_wait3A_490, %dma_wait3A_491] : memref<10000x64xf32, #tpu.memory_space<hbm>> -> memref<10000x64xf32, #tpu.memory_space<hbm>>
      tpu.wait_indirect_dma semaphore(%arg18 : memref<!tpu.dma_semaphore, #tpu.memory_space<semaphore_mem>>) src(%dma_wait3A_492 : memref<10000x64xf32, #tpu.memory_space<hbm>>) dst(%arg12 : memref<128x64xf32, #tpu.memory_space<vmem>>)
      %add3A_493 = arith.constant 3 : i32
      %add3A_494 = arith.addi %mul3A_440, %add3A_493 : i32
      %dma_start3A_495 = arith.constant 0 : i32
      %dma_start3A_496 = tpu.memref_slice %arg8[%add3A_494, %dma_start3A_495] : memref<79x128xi32, #tpu.memory_space<vmem>> -> memref<1x128xi32, #tpu.memory_space<vmem>>
      %dma_start3A_497 = tpu.memref_squeeze %dma_start3A_496 : memref<1x128xi32, #tpu.memory_space<vmem>> -> memref<128xi32, #tpu.memory_space<vmem>>
      %dma_start3A_498 = arith.constant 0 : i32
      %dma_start3A_499 = arith.constant 0 : i32
      %dma_start3A_500 = tpu.memref_slice %arg14[%dma_start3A_498, %dma_start3A_499] : memref<10240x64xf32, #tpu.memory_space<vmem_shared>> -> memref<10240x64xf32, #tpu.memory_space<vmem_shared>>
      tpu.enqueue_indirect_dma source(%arg12 : memref<128x64xf32, #tpu.memory_space<vmem>>) target(%dma_start3A_500 : memref<10240x64xf32, #tpu.memory_space<vmem_shared>>) offsets(%dma_start3A_497 : memref<128xi32, #tpu.memory_space<vmem>>) semaphore(%arg22 : memref<!tpu.dma_semaphore, #tpu.memory_space<semaphore_mem>>) {add = true}
      %dma_wait3A_501 = arith.constant 0 : i32
      %dma_wait3A_502 = arith.constant 0 : i32
      %dma_wait3A_503 = tpu.memref_slice %arg8[%dma_wait3A_501, %dma_wait3A_502] : memref<79x128xi32, #tpu.memory_space<vmem>> -> memref<1x128xi32, #tpu.memory_space<vmem>>
      %dma_wait3A_504 = tpu.memref_squeeze %dma_wait3A_503 : memref<1x128xi32, #tpu.memory_space<vmem>> -> memref<128xi32, #tpu.memory_space<vmem>>
      %dma_wait3A_505 = arith.constant 0 : i32
      %dma_wait3A_506 = arith.constant 0 : i32
      %dma_wait3A_507 = tpu.memref_slice %arg14[%dma_wait3A_505, %dma_wait3A_506] : memref<10240x64xf32, #tpu.memory_space<vmem_shared>> -> memref<10240x64xf32, #tpu.memory_space<vmem_shared>>
      tpu.wait_indirect_dma semaphore(%arg19 : memref<!tpu.dma_semaphore, #tpu.memory_space<semaphore_mem>>) src(%arg9 : memref<128x64xf32, #tpu.memory_space<vmem>>) dst(%dma_wait3A_507 : memref<10240x64xf32, #tpu.memory_space<vmem_shared>>)
      %add3A_508 = arith.constant 4 : i32
      %add3A_509 = arith.addi %mul3A_440, %add3A_508 : i32
      %add3A_510 = arith.constant 0 : i32
      %add3A_511 = arith.addi %add3A_509, %add3A_510 : i32
      %dma_start3A_512 = arith.constant 0 : i32
      %dma_start3A_513 = tpu.memref_slice %arg7[%add3A_511, %dma_start3A_512] : memref<79x128xi32, #tpu.memory_space<vmem>> -> memref<1x128xi32, #tpu.memory_space<vmem>>
      %dma_start3A_514 = tpu.memref_squeeze %dma_start3A_513 : memref<1x128xi32, #tpu.memory_space<vmem>> -> memref<128xi32, #tpu.memory_space<vmem>>
      %dma_start3A_515 = arith.constant 0 : i32
      %dma_start3A_516 = arith.constant 0 : i32
      %dma_start3A_517 = tpu.memref_slice %arg2[%dma_start3A_515, %dma_start3A_516] : memref<10000x64xf32, #tpu.memory_space<hbm>> -> memref<10000x64xf32, #tpu.memory_space<hbm>>
      tpu.enqueue_indirect_dma source(%dma_start3A_517 : memref<10000x64xf32, #tpu.memory_space<hbm>>) target(%arg9 : memref<128x64xf32, #tpu.memory_space<vmem>>) offsets(%dma_start3A_514 : memref<128xi32, #tpu.memory_space<vmem>>) semaphore(%arg15 : memref<!tpu.dma_semaphore, #tpu.memory_space<semaphore_mem>>)
      %dma_wait3A_518 = arith.constant 0 : i32
      %dma_wait3A_519 = arith.constant 0 : i32
      %dma_wait3A_520 = tpu.memref_slice %arg8[%dma_wait3A_518, %dma_wait3A_519] : memref<79x128xi32, #tpu.memory_space<vmem>> -> memref<1x128xi32, #tpu.memory_space<vmem>>
      %dma_wait3A_521 = tpu.memref_squeeze %dma_wait3A_520 : memref<1x128xi32, #tpu.memory_space<vmem>> -> memref<128xi32, #tpu.memory_space<vmem>>
      %dma_wait3A_522 = arith.constant 0 : i32
      %dma_wait3A_523 = arith.constant 0 : i32
      %dma_wait3A_524 = tpu.memref_slice %arg14[%dma_wait3A_522, %dma_wait3A_523] : memref<10240x64xf32, #tpu.memory_space<vmem_shared>> -> memref<10240x64xf32, #tpu.memory_space<vmem_shared>>
      tpu.wait_indirect_dma semaphore(%arg20 : memref<!tpu.dma_semaphore, #tpu.memory_space<semaphore_mem>>) src(%arg10 : memref<128x64xf32, #tpu.memory_space<vmem>>) dst(%dma_wait3A_524 : memref<10240x64xf32, #tpu.memory_space<vmem_shared>>)
      %add3A_525 = arith.constant 4 : i32
      %add3A_526 = arith.addi %mul3A_440, %add3A_525 : i32
      %add3A_527 = arith.constant 1 : i32
      %add3A_528 = arith.addi %add3A_526, %add3A_527 : i32
      %dma_start3A_529 = arith.constant 0 : i32
      %dma_start3A_530 = tpu.memref_slice %arg7[%add3A_528, %dma_start3A_529] : memref<79x128xi32, #tpu.memory_space<vmem>> -> memref<1x128xi32, #tpu.memory_space<vmem>>
      %dma_start3A_531 = tpu.memref_squeeze %dma_start3A_530 : memref<1x128xi32, #tpu.memory_space<vmem>> -> memref<128xi32, #tpu.memory_space<vmem>>
      %dma_start3A_532 = arith.constant 0 : i32
      %dma_start3A_533 = arith.constant 0 : i32
      %dma_start3A_534 = tpu.memref_slice %arg2[%dma_start3A_532, %dma_start3A_533] : memref<10000x64xf32, #tpu.memory_space<hbm>> -> memref<10000x64xf32, #tpu.memory_space<hbm>>
      tpu.enqueue_indirect_dma source(%dma_start3A_534 : memref<10000x64xf32, #tpu.memory_space<hbm>>) target(%arg10 : memref<128x64xf32, #tpu.memory_space<vmem>>) offsets(%dma_start3A_531 : memref<128xi32, #tpu.memory_space<vmem>>) semaphore(%arg16 : memref<!tpu.dma_semaphore, #tpu.memory_space<semaphore_mem>>)
      %dma_wait3A_535 = arith.constant 0 : i32
      %dma_wait3A_536 = arith.constant 0 : i32
      %dma_wait3A_537 = tpu.memref_slice %arg8[%dma_wait3A_535, %dma_wait3A_536] : memref<79x128xi32, #tpu.memory_space<vmem>> -> memref<1x128xi32, #tpu.memory_space<vmem>>
      %dma_wait3A_538 = tpu.memref_squeeze %dma_wait3A_537 : memref<1x128xi32, #tpu.memory_space<vmem>> -> memref<128xi32, #tpu.memory_space<vmem>>
      %dma_wait3A_539 = arith.constant 0 : i32
      %dma_wait3A_540 = arith.constant 0 : i32
      %dma_wait3A_541 = tpu.memref_slice %arg14[%dma_wait3A_539, %dma_wait3A_540] : memref<10240x64xf32, #tpu.memory_space<vmem_shared>> -> memref<10240x64xf32, #tpu.memory_space<vmem_shared>>
      tpu.wait_indirect_dma semaphore(%arg21 : memref<!tpu.dma_semaphore, #tpu.memory_space<semaphore_mem>>) src(%arg11 : memref<128x64xf32, #tpu.memory_space<vmem>>) dst(%dma_wait3A_541 : memref<10240x64xf32, #tpu.memory_space<vmem_shared>>)
      %add3A_542 = arith.constant 4 : i32
      %add3A_543 = arith.addi %mul3A_440, %add3A_542 : i32
      %add3A_544 = arith.constant 2 : i32
      %add3A_545 = arith.addi %add3A_543, %add3A_544 : i32
      %dma_start3A_546 = arith.constant 0 : i32
      %dma_start3A_547 = tpu.memref_slice %arg7[%add3A_545, %dma_start3A_546] : memref<79x128xi32, #tpu.memory_space<vmem>> -> memref<1x128xi32, #tpu.memory_space<vmem>>
      %dma_start3A_548 = tpu.memref_squeeze %dma_start3A_547 : memref<1x128xi32, #tpu.memory_space<vmem>> -> memref<128xi32, #tpu.memory_space<vmem>>
      %dma_start3A_549 = arith.constant 0 : i32
      %dma_start3A_550 = arith.constant 0 : i32
      %dma_start3A_551 = tpu.memref_slice %arg2[%dma_start3A_549, %dma_start3A_550] : memref<10000x64xf32, #tpu.memory_space<hbm>> -> memref<10000x64xf32, #tpu.memory_space<hbm>>
      tpu.enqueue_indirect_dma source(%dma_start3A_551 : memref<10000x64xf32, #tpu.memory_space<hbm>>) target(%arg11 : memref<128x64xf32, #tpu.memory_space<vmem>>) offsets(%dma_start3A_548 : memref<128xi32, #tpu.memory_space<vmem>>) semaphore(%arg17 : memref<!tpu.dma_semaphore, #tpu.memory_space<semaphore_mem>>)
      %dma_wait3A_552 = arith.constant 0 : i32
      %dma_wait3A_553 = arith.constant 0 : i32
      %dma_wait3A_554 = tpu.memref_slice %arg8[%dma_wait3A_552, %dma_wait3A_553] : memref<79x128xi32, #tpu.memory_space<vmem>> -> memref<1x128xi32, #tpu.memory_space<vmem>>
      %dma_wait3A_555 = tpu.memref_squeeze %dma_wait3A_554 : memref<1x128xi32, #tpu.memory_space<vmem>> -> memref<128xi32, #tpu.memory_space<vmem>>
      %dma_wait3A_556 = arith.constant 0 : i32
      %dma_wait3A_557 = arith.constant 0 : i32
      %dma_wait3A_558 = tpu.memref_slice %arg14[%dma_wait3A_556, %dma_wait3A_557] : memref<10240x64xf32, #tpu.memory_space<vmem_shared>> -> memref<10240x64xf32, #tpu.memory_space<vmem_shared>>
      tpu.wait_indirect_dma semaphore(%arg22 : memref<!tpu.dma_semaphore, #tpu.memory_space<semaphore_mem>>) src(%arg12 : memref<128x64xf32, #tpu.memory_space<vmem>>) dst(%dma_wait3A_558 : memref<10240x64xf32, #tpu.memory_space<vmem_shared>>)
      %add3A_559 = arith.constant 4 : i32
      %add3A_560 = arith.addi %mul3A_440, %add3A_559 : i32
      %add3A_561 = arith.constant 3 : i32
      %add3A_562 = arith.addi %add3A_560, %add3A_561 : i32
      %dma_start3A_563 = arith.constant 0 : i32
      %dma_start3A_564 = tpu.memref_slice %arg7[%add3A_562, %dma_start3A_563] : memref<79x128xi32, #tpu.memory_space<vmem>> -> memref<1x128xi32, #tpu.memory_space<vmem>>
      %dma_start3A_565 = tpu.memref_squeeze %dma_start3A_564 : memref<1x128xi32, #tpu.memory_space<vmem>> -> memref<128xi32, #tpu.memory_space<vmem>>
      %dma_start3A_566 = arith.constant 0 : i32
      %dma_start3A_567 = arith.constant 0 : i32
      %dma_start3A_568 = tpu.memref_slice %arg2[%dma_start3A_566, %dma_start3A_567] : memref<10000x64xf32, #tpu.memory_space<hbm>> -> memref<10000x64xf32, #tpu.memory_space<hbm>>
      tpu.enqueue_indirect_dma source(%dma_start3A_568 : memref<10000x64xf32, #tpu.memory_space<hbm>>) target(%arg12 : memref<128x64xf32, #tpu.memory_space<vmem>>) offsets(%dma_start3A_565 : memref<128xi32, #tpu.memory_space<vmem>>) semaphore(%arg18 : memref<!tpu.dma_semaphore, #tpu.memory_space<semaphore_mem>>)
      %scan3A_569 = arith.constant 0 : i32
      scf.yield %scan3A_569 : i32
    }
    %scan3A_47 = arith.constant 18 : i32
    %dma_wait3A = arith.constant 0 : i32
    %dma_wait3A_48 = arith.constant 0 : i32
    %dma_wait3A_49 = tpu.memref_slice %arg7[%dma_wait3A, %dma_wait3A_48] : memref<79x128xi32, #tpu.memory_space<vmem>> -> memref<1x128xi32, #tpu.memory_space<vmem>>
    %dma_wait3A_50 = tpu.memref_squeeze %dma_wait3A_49 : memref<1x128xi32, #tpu.memory_space<vmem>> -> memref<128xi32, #tpu.memory_space<vmem>>
    %dma_wait3A_51 = arith.constant 0 : i32
    %dma_wait3A_52 = arith.constant 0 : i32
    %dma_wait3A_53 = tpu.memref_slice %arg2[%dma_wait3A_51, %dma_wait3A_52] : memref<10000x64xf32, #tpu.memory_space<hbm>> -> memref<10000x64xf32, #tpu.memory_space<hbm>>
    tpu.wait_indirect_dma semaphore(%arg15 : memref<!tpu.dma_semaphore, #tpu.memory_space<semaphore_mem>>) src(%dma_wait3A_53 : memref<10000x64xf32, #tpu.memory_space<hbm>>) dst(%arg9 : memref<128x64xf32, #tpu.memory_space<vmem>>)
    %dma_start3A_54 = arith.constant 72 : i32
    %dma_start3A_55 = arith.constant 0 : i32
    %dma_start3A_56 = tpu.memref_slice %arg8[%dma_start3A_54, %dma_start3A_55] : memref<79x128xi32, #tpu.memory_space<vmem>> -> memref<1x128xi32, #tpu.memory_space<vmem>>
    %dma_start3A_57 = tpu.memref_squeeze %dma_start3A_56 : memref<1x128xi32, #tpu.memory_space<vmem>> -> memref<128xi32, #tpu.memory_space<vmem>>
    %dma_start3A_58 = arith.constant 0 : i32
    %dma_start3A_59 = arith.constant 0 : i32
    %dma_start3A_60 = tpu.memref_slice %arg14[%dma_start3A_58, %dma_start3A_59] : memref<10240x64xf32, #tpu.memory_space<vmem_shared>> -> memref<10240x64xf32, #tpu.memory_space<vmem_shared>>
    tpu.enqueue_indirect_dma source(%arg9 : memref<128x64xf32, #tpu.memory_space<vmem>>) target(%dma_start3A_60 : memref<10240x64xf32, #tpu.memory_space<vmem_shared>>) offsets(%dma_start3A_57 : memref<128xi32, #tpu.memory_space<vmem>>) semaphore(%arg19 : memref<!tpu.dma_semaphore, #tpu.memory_space<semaphore_mem>>) {add = true}
    %dma_wait3A_61 = arith.constant 0 : i32
    %dma_wait3A_62 = arith.constant 0 : i32
    %dma_wait3A_63 = tpu.memref_slice %arg8[%dma_wait3A_61, %dma_wait3A_62] : memref<79x128xi32, #tpu.memory_space<vmem>> -> memref<1x128xi32, #tpu.memory_space<vmem>>
    %dma_wait3A_64 = tpu.memref_squeeze %dma_wait3A_63 : memref<1x128xi32, #tpu.memory_space<vmem>> -> memref<128xi32, #tpu.memory_space<vmem>>
    %dma_wait3A_65 = arith.constant 0 : i32
    %dma_wait3A_66 = arith.constant 0 : i32
    %dma_wait3A_67 = tpu.memref_slice %arg14[%dma_wait3A_65, %dma_wait3A_66] : memref<10240x64xf32, #tpu.memory_space<vmem_shared>> -> memref<10240x64xf32, #tpu.memory_space<vmem_shared>>
    tpu.wait_indirect_dma semaphore(%arg19 : memref<!tpu.dma_semaphore, #tpu.memory_space<semaphore_mem>>) src(%arg9 : memref<128x64xf32, #tpu.memory_space<vmem>>) dst(%dma_wait3A_67 : memref<10240x64xf32, #tpu.memory_space<vmem_shared>>)
    %dma_start3A_68 = arith.constant 76 : i32
    %dma_start3A_69 = arith.constant 0 : i32
    %dma_start3A_70 = tpu.memref_slice %arg7[%dma_start3A_68, %dma_start3A_69] : memref<79x128xi32, #tpu.memory_space<vmem>> -> memref<1x128xi32, #tpu.memory_space<vmem>>
    %dma_start3A_71 = tpu.memref_squeeze %dma_start3A_70 : memref<1x128xi32, #tpu.memory_space<vmem>> -> memref<128xi32, #tpu.memory_space<vmem>>
    %dma_start3A_72 = arith.constant 0 : i32
    %dma_start3A_73 = arith.constant 0 : i32
    %dma_start3A_74 = tpu.memref_slice %arg2[%dma_start3A_72, %dma_start3A_73] : memref<10000x64xf32, #tpu.memory_space<hbm>> -> memref<10000x64xf32, #tpu.memory_space<hbm>>
    tpu.enqueue_indirect_dma source(%dma_start3A_74 : memref<10000x64xf32, #tpu.memory_space<hbm>>) target(%arg9 : memref<128x64xf32, #tpu.memory_space<vmem>>) offsets(%dma_start3A_71 : memref<128xi32, #tpu.memory_space<vmem>>) semaphore(%arg15 : memref<!tpu.dma_semaphore, #tpu.memory_space<semaphore_mem>>)
    %dma_wait3A_75 = arith.constant 0 : i32
    %dma_wait3A_76 = arith.constant 0 : i32
    %dma_wait3A_77 = tpu.memref_slice %arg7[%dma_wait3A_75, %dma_wait3A_76] : memref<79x128xi32, #tpu.memory_space<vmem>> -> memref<1x128xi32, #tpu.memory_space<vmem>>
    %dma_wait3A_78 = tpu.memref_squeeze %dma_wait3A_77 : memref<1x128xi32, #tpu.memory_space<vmem>> -> memref<128xi32, #tpu.memory_space<vmem>>
    %dma_wait3A_79 = arith.constant 0 : i32
    %dma_wait3A_80 = arith.constant 0 : i32
    %dma_wait3A_81 = tpu.memref_slice %arg2[%dma_wait3A_79, %dma_wait3A_80] : memref<10000x64xf32, #tpu.memory_space<hbm>> -> memref<10000x64xf32, #tpu.memory_space<hbm>>
    tpu.wait_indirect_dma semaphore(%arg16 : memref<!tpu.dma_semaphore, #tpu.memory_space<semaphore_mem>>) src(%dma_wait3A_81 : memref<10000x64xf32, #tpu.memory_space<hbm>>) dst(%arg10 : memref<128x64xf32, #tpu.memory_space<vmem>>)
    %dma_start3A_82 = arith.constant 73 : i32
    %dma_start3A_83 = arith.constant 0 : i32
    %dma_start3A_84 = tpu.memref_slice %arg8[%dma_start3A_82, %dma_start3A_83] : memref<79x128xi32, #tpu.memory_space<vmem>> -> memref<1x128xi32, #tpu.memory_space<vmem>>
    %dma_start3A_85 = tpu.memref_squeeze %dma_start3A_84 : memref<1x128xi32, #tpu.memory_space<vmem>> -> memref<128xi32, #tpu.memory_space<vmem>>
    %dma_start3A_86 = arith.constant 0 : i32
    %dma_start3A_87 = arith.constant 0 : i32
    %dma_start3A_88 = tpu.memref_slice %arg14[%dma_start3A_86, %dma_start3A_87] : memref<10240x64xf32, #tpu.memory_space<vmem_shared>> -> memref<10240x64xf32, #tpu.memory_space<vmem_shared>>
    tpu.enqueue_indirect_dma source(%arg10 : memref<128x64xf32, #tpu.memory_space<vmem>>) target(%dma_start3A_88 : memref<10240x64xf32, #tpu.memory_space<vmem_shared>>) offsets(%dma_start3A_85 : memref<128xi32, #tpu.memory_space<vmem>>) semaphore(%arg20 : memref<!tpu.dma_semaphore, #tpu.memory_space<semaphore_mem>>) {add = true}
    %dma_wait3A_89 = arith.constant 0 : i32
    %dma_wait3A_90 = arith.constant 0 : i32
    %dma_wait3A_91 = tpu.memref_slice %arg8[%dma_wait3A_89, %dma_wait3A_90] : memref<79x128xi32, #tpu.memory_space<vmem>> -> memref<1x128xi32, #tpu.memory_space<vmem>>
    %dma_wait3A_92 = tpu.memref_squeeze %dma_wait3A_91 : memref<1x128xi32, #tpu.memory_space<vmem>> -> memref<128xi32, #tpu.memory_space<vmem>>
    %dma_wait3A_93 = arith.constant 0 : i32
    %dma_wait3A_94 = arith.constant 0 : i32
    %dma_wait3A_95 = tpu.memref_slice %arg14[%dma_wait3A_93, %dma_wait3A_94] : memref<10240x64xf32, #tpu.memory_space<vmem_shared>> -> memref<10240x64xf32, #tpu.memory_space<vmem_shared>>
    tpu.wait_indirect_dma semaphore(%arg20 : memref<!tpu.dma_semaphore, #tpu.memory_space<semaphore_mem>>) src(%arg10 : memref<128x64xf32, #tpu.memory_space<vmem>>) dst(%dma_wait3A_95 : memref<10240x64xf32, #tpu.memory_space<vmem_shared>>)
    %dma_start3A_96 = arith.constant 77 : i32
    %dma_start3A_97 = arith.constant 0 : i32
    %dma_start3A_98 = tpu.memref_slice %arg7[%dma_start3A_96, %dma_start3A_97] : memref<79x128xi32, #tpu.memory_space<vmem>> -> memref<1x128xi32, #tpu.memory_space<vmem>>
    %dma_start3A_99 = tpu.memref_squeeze %dma_start3A_98 : memref<1x128xi32, #tpu.memory_space<vmem>> -> memref<128xi32, #tpu.memory_space<vmem>>
    %dma_start3A_100 = arith.constant 0 : i32
    %dma_start3A_101 = arith.constant 0 : i32
    %dma_start3A_102 = tpu.memref_slice %arg2[%dma_start3A_100, %dma_start3A_101] : memref<10000x64xf32, #tpu.memory_space<hbm>> -> memref<10000x64xf32, #tpu.memory_space<hbm>>
    tpu.enqueue_indirect_dma source(%dma_start3A_102 : memref<10000x64xf32, #tpu.memory_space<hbm>>) target(%arg10 : memref<128x64xf32, #tpu.memory_space<vmem>>) offsets(%dma_start3A_99 : memref<128xi32, #tpu.memory_space<vmem>>) semaphore(%arg16 : memref<!tpu.dma_semaphore, #tpu.memory_space<semaphore_mem>>)
    %dma_wait3A_103 = arith.constant 0 : i32
    %dma_wait3A_104 = arith.constant 0 : i32
    %dma_wait3A_105 = tpu.memref_slice %arg7[%dma_wait3A_103, %dma_wait3A_104] : memref<79x128xi32, #tpu.memory_space<vmem>> -> memref<1x128xi32, #tpu.memory_space<vmem>>
    %dma_wait3A_106 = tpu.memref_squeeze %dma_wait3A_105 : memref<1x128xi32, #tpu.memory_space<vmem>> -> memref<128xi32, #tpu.memory_space<vmem>>
    %dma_wait3A_107 = arith.constant 0 : i32
    %dma_wait3A_108 = arith.constant 0 : i32
    %dma_wait3A_109 = tpu.memref_slice %arg2[%dma_wait3A_107, %dma_wait3A_108] : memref<10000x64xf32, #tpu.memory_space<hbm>> -> memref<10000x64xf32, #tpu.memory_space<hbm>>
    tpu.wait_indirect_dma semaphore(%arg17 : memref<!tpu.dma_semaphore, #tpu.memory_space<semaphore_mem>>) src(%dma_wait3A_109 : memref<10000x64xf32, #tpu.memory_space<hbm>>) dst(%arg11 : memref<128x64xf32, #tpu.memory_space<vmem>>)
    %dma_start3A_110 = arith.constant 74 : i32
    %dma_start3A_111 = arith.constant 0 : i32
    %dma_start3A_112 = tpu.memref_slice %arg8[%dma_start3A_110, %dma_start3A_111] : memref<79x128xi32, #tpu.memory_space<vmem>> -> memref<1x128xi32, #tpu.memory_space<vmem>>
    %dma_start3A_113 = tpu.memref_squeeze %dma_start3A_112 : memref<1x128xi32, #tpu.memory_space<vmem>> -> memref<128xi32, #tpu.memory_space<vmem>>
    %dma_start3A_114 = arith.constant 0 : i32
    %dma_start3A_115 = arith.constant 0 : i32
    %dma_start3A_116 = tpu.memref_slice %arg14[%dma_start3A_114, %dma_start3A_115] : memref<10240x64xf32, #tpu.memory_space<vmem_shared>> -> memref<10240x64xf32, #tpu.memory_space<vmem_shared>>
    tpu.enqueue_indirect_dma source(%arg11 : memref<128x64xf32, #tpu.memory_space<vmem>>) target(%dma_start3A_116 : memref<10240x64xf32, #tpu.memory_space<vmem_shared>>) offsets(%dma_start3A_113 : memref<128xi32, #tpu.memory_space<vmem>>) semaphore(%arg21 : memref<!tpu.dma_semaphore, #tpu.memory_space<semaphore_mem>>) {add = true}
    %dma_wait3A_117 = arith.constant 0 : i32
    %dma_wait3A_118 = arith.constant 0 : i32
    %dma_wait3A_119 = tpu.memref_slice %arg8[%dma_wait3A_117, %dma_wait3A_118] : memref<79x128xi32, #tpu.memory_space<vmem>> -> memref<1x128xi32, #tpu.memory_space<vmem>>
    %dma_wait3A_120 = tpu.memref_squeeze %dma_wait3A_119 : memref<1x128xi32, #tpu.memory_space<vmem>> -> memref<128xi32, #tpu.memory_space<vmem>>
    %dma_wait3A_121 = arith.constant 0 : i32
    %dma_wait3A_122 = arith.constant 0 : i32
    %dma_wait3A_123 = tpu.memref_slice %arg14[%dma_wait3A_121, %dma_wait3A_122] : memref<10240x64xf32, #tpu.memory_space<vmem_shared>> -> memref<10240x64xf32, #tpu.memory_space<vmem_shared>>
    tpu.wait_indirect_dma semaphore(%arg21 : memref<!tpu.dma_semaphore, #tpu.memory_space<semaphore_mem>>) src(%arg11 : memref<128x64xf32, #tpu.memory_space<vmem>>) dst(%dma_wait3A_123 : memref<10240x64xf32, #tpu.memory_space<vmem_shared>>)
    %dma_start3A_124 = arith.constant 78 : i32
    %dma_start3A_125 = arith.constant 0 : i32
    %dma_start3A_126 = tpu.memref_slice %arg7[%dma_start3A_124, %dma_start3A_125] : memref<79x128xi32, #tpu.memory_space<vmem>> -> memref<1x128xi32, #tpu.memory_space<vmem>>
    %dma_start3A_127 = tpu.memref_squeeze %dma_start3A_126 : memref<1x128xi32, #tpu.memory_space<vmem>> -> memref<128xi32, #tpu.memory_space<vmem>>
    %dma_start3A_128 = arith.constant 0 : i32
    %dma_start3A_129 = arith.constant 0 : i32
    %dma_start3A_130 = tpu.memref_slice %arg2[%dma_start3A_128, %dma_start3A_129] : memref<10000x64xf32, #tpu.memory_space<hbm>> -> memref<10000x64xf32, #tpu.memory_space<hbm>>
    tpu.enqueue_indirect_dma source(%dma_start3A_130 : memref<10000x64xf32, #tpu.memory_space<hbm>>) target(%arg11 : memref<128x64xf32, #tpu.memory_space<vmem>>) offsets(%dma_start3A_127 : memref<128xi32, #tpu.memory_space<vmem>>) semaphore(%arg17 : memref<!tpu.dma_semaphore, #tpu.memory_space<semaphore_mem>>)
    %dma_wait3A_131 = arith.constant 0 : i32
    %dma_wait3A_132 = arith.constant 0 : i32
    %dma_wait3A_133 = tpu.memref_slice %arg7[%dma_wait3A_131, %dma_wait3A_132] : memref<79x128xi32, #tpu.memory_space<vmem>> -> memref<1x128xi32, #tpu.memory_space<vmem>>
    %dma_wait3A_134 = tpu.memref_squeeze %dma_wait3A_133 : memref<1x128xi32, #tpu.memory_space<vmem>> -> memref<128xi32, #tpu.memory_space<vmem>>
    %dma_wait3A_135 = arith.constant 0 : i32
    %dma_wait3A_136 = arith.constant 0 : i32
    %dma_wait3A_137 = tpu.memref_slice %arg2[%dma_wait3A_135, %dma_wait3A_136] : memref<10000x64xf32, #tpu.memory_space<hbm>> -> memref<10000x64xf32, #tpu.memory_space<hbm>>
    tpu.wait_indirect_dma semaphore(%arg18 : memref<!tpu.dma_semaphore, #tpu.memory_space<semaphore_mem>>) src(%dma_wait3A_137 : memref<10000x64xf32, #tpu.memory_space<hbm>>) dst(%arg12 : memref<128x64xf32, #tpu.memory_space<vmem>>)
    %dma_start3A_138 = arith.constant 75 : i32
    %dma_start3A_139 = arith.constant 0 : i32
    %dma_start3A_140 = tpu.memref_slice %arg8[%dma_start3A_138, %dma_start3A_139] : memref<79x128xi32, #tpu.memory_space<vmem>> -> memref<1x128xi32, #tpu.memory_space<vmem>>
    %dma_start3A_141 = tpu.memref_squeeze %dma_start3A_140 : memref<1x128xi32, #tpu.memory_space<vmem>> -> memref<128xi32, #tpu.memory_space<vmem>>
    %dma_start3A_142 = arith.constant 0 : i32
    %dma_start3A_143 = arith.constant 0 : i32
    %dma_start3A_144 = tpu.memref_slice %arg14[%dma_start3A_142, %dma_start3A_143] : memref<10240x64xf32, #tpu.memory_space<vmem_shared>> -> memref<10240x64xf32, #tpu.memory_space<vmem_shared>>
    tpu.enqueue_indirect_dma source(%arg12 : memref<128x64xf32, #tpu.memory_space<vmem>>) target(%dma_start3A_144 : memref<10240x64xf32, #tpu.memory_space<vmem_shared>>) offsets(%dma_start3A_141 : memref<128xi32, #tpu.memory_space<vmem>>) semaphore(%arg22 : memref<!tpu.dma_semaphore, #tpu.memory_space<semaphore_mem>>) {add = true}
    %dma_wait3A_145 = arith.constant 0 : i32
    %dma_wait3A_146 = arith.constant 0 : i32
    %dma_wait3A_147 = tpu.memref_slice %arg7[%dma_wait3A_145, %dma_wait3A_146] : memref<79x128xi32, #tpu.memory_space<vmem>> -> memref<1x128xi32, #tpu.memory_space<vmem>>
    %dma_wait3A_148 = tpu.memref_squeeze %dma_wait3A_147 : memref<1x128xi32, #tpu.memory_space<vmem>> -> memref<128xi32, #tpu.memory_space<vmem>>
    %dma_wait3A_149 = arith.constant 0 : i32
    %dma_wait3A_150 = arith.constant 0 : i32
    %dma_wait3A_151 = tpu.memref_slice %arg2[%dma_wait3A_149, %dma_wait3A_150] : memref<10000x64xf32, #tpu.memory_space<hbm>> -> memref<10000x64xf32, #tpu.memory_space<hbm>>
    tpu.wait_indirect_dma semaphore(%arg15 : memref<!tpu.dma_semaphore, #tpu.memory_space<semaphore_mem>>) src(%dma_wait3A_151 : memref<10000x64xf32, #tpu.memory_space<hbm>>) dst(%arg9 : memref<128x64xf32, #tpu.memory_space<vmem>>)
    %dma_start3A_152 = arith.constant 76 : i32
    %dma_start3A_153 = arith.constant 0 : i32
    %dma_start3A_154 = tpu.memref_slice %arg8[%dma_start3A_152, %dma_start3A_153] : memref<79x128xi32, #tpu.memory_space<vmem>> -> memref<1x128xi32, #tpu.memory_space<vmem>>
    %dma_start3A_155 = tpu.memref_squeeze %dma_start3A_154 : memref<1x128xi32, #tpu.memory_space<vmem>> -> memref<128xi32, #tpu.memory_space<vmem>>
    %dma_start3A_156 = arith.constant 0 : i32
    %dma_start3A_157 = arith.constant 0 : i32
    %dma_start3A_158 = tpu.memref_slice %arg14[%dma_start3A_156, %dma_start3A_157] : memref<10240x64xf32, #tpu.memory_space<vmem_shared>> -> memref<10240x64xf32, #tpu.memory_space<vmem_shared>>
    tpu.enqueue_indirect_dma source(%arg9 : memref<128x64xf32, #tpu.memory_space<vmem>>) target(%dma_start3A_158 : memref<10240x64xf32, #tpu.memory_space<vmem_shared>>) offsets(%dma_start3A_155 : memref<128xi32, #tpu.memory_space<vmem>>) semaphore(%arg19 : memref<!tpu.dma_semaphore, #tpu.memory_space<semaphore_mem>>) {add = true}
    %dma_wait3A_159 = arith.constant 0 : i32
    %dma_wait3A_160 = arith.constant 0 : i32
    %dma_wait3A_161 = tpu.memref_slice %arg7[%dma_wait3A_159, %dma_wait3A_160] : memref<79x128xi32, #tpu.memory_space<vmem>> -> memref<1x128xi32, #tpu.memory_space<vmem>>
    %dma_wait3A_162 = tpu.memref_squeeze %dma_wait3A_161 : memref<1x128xi32, #tpu.memory_space<vmem>> -> memref<128xi32, #tpu.memory_space<vmem>>
    %dma_wait3A_163 = arith.constant 0 : i32
    %dma_wait3A_164 = arith.constant 0 : i32
    %dma_wait3A_165 = tpu.memref_slice %arg2[%dma_wait3A_163, %dma_wait3A_164] : memref<10000x64xf32, #tpu.memory_space<hbm>> -> memref<10000x64xf32, #tpu.memory_space<hbm>>
    tpu.wait_indirect_dma semaphore(%arg16 : memref<!tpu.dma_semaphore, #tpu.memory_space<semaphore_mem>>) src(%dma_wait3A_165 : memref<10000x64xf32, #tpu.memory_space<hbm>>) dst(%arg10 : memref<128x64xf32, #tpu.memory_space<vmem>>)
    %dma_start3A_166 = arith.constant 77 : i32
    %dma_start3A_167 = arith.constant 0 : i32
    %dma_start3A_168 = tpu.memref_slice %arg8[%dma_start3A_166, %dma_start3A_167] : memref<79x128xi32, #tpu.memory_space<vmem>> -> memref<1x128xi32, #tpu.memory_space<vmem>>
    %dma_start3A_169 = tpu.memref_squeeze %dma_start3A_168 : memref<1x128xi32, #tpu.memory_space<vmem>> -> memref<128xi32, #tpu.memory_space<vmem>>
    %dma_start3A_170 = arith.constant 0 : i32
    %dma_start3A_171 = arith.constant 0 : i32
    %dma_start3A_172 = tpu.memref_slice %arg14[%dma_start3A_170, %dma_start3A_171] : memref<10240x64xf32, #tpu.memory_space<vmem_shared>> -> memref<10240x64xf32, #tpu.memory_space<vmem_shared>>
    tpu.enqueue_indirect_dma source(%arg10 : memref<128x64xf32, #tpu.memory_space<vmem>>) target(%dma_start3A_172 : memref<10240x64xf32, #tpu.memory_space<vmem_shared>>) offsets(%dma_start3A_169 : memref<128xi32, #tpu.memory_space<vmem>>) semaphore(%arg20 : memref<!tpu.dma_semaphore, #tpu.memory_space<semaphore_mem>>) {add = true}
    %dma_wait3A_173 = arith.constant 0 : i32
    %dma_wait3A_174 = arith.constant 0 : i32
    %dma_wait3A_175 = tpu.memref_slice %arg7[%dma_wait3A_173, %dma_wait3A_174] : memref<79x128xi32, #tpu.memory_space<vmem>> -> memref<1x128xi32, #tpu.memory_space<vmem>>
    %dma_wait3A_176 = tpu.memref_squeeze %dma_wait3A_175 : memref<1x128xi32, #tpu.memory_space<vmem>> -> memref<128xi32, #tpu.memory_space<vmem>>
    %dma_wait3A_177 = arith.constant 0 : i32
    %dma_wait3A_178 = arith.constant 0 : i32
    %dma_wait3A_179 = tpu.memref_slice %arg2[%dma_wait3A_177, %dma_wait3A_178] : memref<10000x64xf32, #tpu.memory_space<hbm>> -> memref<10000x64xf32, #tpu.memory_space<hbm>>
    tpu.wait_indirect_dma semaphore(%arg17 : memref<!tpu.dma_semaphore, #tpu.memory_space<semaphore_mem>>) src(%dma_wait3A_179 : memref<10000x64xf32, #tpu.memory_space<hbm>>) dst(%arg11 : memref<128x64xf32, #tpu.memory_space<vmem>>)
    %dma_start3A_180 = arith.constant 78 : i32
    %dma_start3A_181 = arith.constant 0 : i32
    %dma_start3A_182 = tpu.memref_slice %arg8[%dma_start3A_180, %dma_start3A_181] : memref<79x128xi32, #tpu.memory_space<vmem>> -> memref<1x128xi32, #tpu.memory_space<vmem>>
    %dma_start3A_183 = tpu.memref_squeeze %dma_start3A_182 : memref<1x128xi32, #tpu.memory_space<vmem>> -> memref<128xi32, #tpu.memory_space<vmem>>
    %dma_start3A_184 = arith.constant 0 : i32
    %dma_start3A_185 = arith.constant 0 : i32
    %dma_start3A_186 = tpu.memref_slice %arg14[%dma_start3A_184, %dma_start3A_185] : memref<10240x64xf32, #tpu.memory_space<vmem_shared>> -> memref<10240x64xf32, #tpu.memory_space<vmem_shared>>
    tpu.enqueue_indirect_dma source(%arg11 : memref<128x64xf32, #tpu.memory_space<vmem>>) target(%dma_start3A_186 : memref<10240x64xf32, #tpu.memory_space<vmem_shared>>) offsets(%dma_start3A_183 : memref<128xi32, #tpu.memory_space<vmem>>) semaphore(%arg21 : memref<!tpu.dma_semaphore, #tpu.memory_space<semaphore_mem>>) {add = true}
    %dma_wait3A_187 = arith.constant 0 : i32
    %dma_wait3A_188 = arith.constant 0 : i32
    %dma_wait3A_189 = tpu.memref_slice %arg8[%dma_wait3A_187, %dma_wait3A_188] : memref<79x128xi32, #tpu.memory_space<vmem>> -> memref<1x128xi32, #tpu.memory_space<vmem>>
    %dma_wait3A_190 = tpu.memref_squeeze %dma_wait3A_189 : memref<1x128xi32, #tpu.memory_space<vmem>> -> memref<128xi32, #tpu.memory_space<vmem>>
    %dma_wait3A_191 = arith.constant 0 : i32
    %dma_wait3A_192 = arith.constant 0 : i32
    %dma_wait3A_193 = tpu.memref_slice %arg14[%dma_wait3A_191, %dma_wait3A_192] : memref<10240x64xf32, #tpu.memory_space<vmem_shared>> -> memref<10240x64xf32, #tpu.memory_space<vmem_shared>>
    tpu.wait_indirect_dma semaphore(%arg19 : memref<!tpu.dma_semaphore, #tpu.memory_space<semaphore_mem>>) src(%arg9 : memref<128x64xf32, #tpu.memory_space<vmem>>) dst(%dma_wait3A_193 : memref<10240x64xf32, #tpu.memory_space<vmem_shared>>)
    %dma_wait3A_194 = arith.constant 0 : i32
    %dma_wait3A_195 = arith.constant 0 : i32
    %dma_wait3A_196 = tpu.memref_slice %arg8[%dma_wait3A_194, %dma_wait3A_195] : memref<79x128xi32, #tpu.memory_space<vmem>> -> memref<1x128xi32, #tpu.memory_space<vmem>>
    %dma_wait3A_197 = tpu.memref_squeeze %dma_wait3A_196 : memref<1x128xi32, #tpu.memory_space<vmem>> -> memref<128xi32, #tpu.memory_space<vmem>>
    %dma_wait3A_198 = arith.constant 0 : i32
    %dma_wait3A_199 = arith.constant 0 : i32
    %dma_wait3A_200 = tpu.memref_slice %arg14[%dma_wait3A_198, %dma_wait3A_199] : memref<10240x64xf32, #tpu.memory_space<vmem_shared>> -> memref<10240x64xf32, #tpu.memory_space<vmem_shared>>
    tpu.wait_indirect_dma semaphore(%arg20 : memref<!tpu.dma_semaphore, #tpu.memory_space<semaphore_mem>>) src(%arg10 : memref<128x64xf32, #tpu.memory_space<vmem>>) dst(%dma_wait3A_200 : memref<10240x64xf32, #tpu.memory_space<vmem_shared>>)
    %dma_wait3A_201 = arith.constant 0 : i32
    %dma_wait3A_202 = arith.constant 0 : i32
    %dma_wait3A_203 = tpu.memref_slice %arg8[%dma_wait3A_201, %dma_wait3A_202] : memref<79x128xi32, #tpu.memory_space<vmem>> -> memref<1x128xi32, #tpu.memory_space<vmem>>
    %dma_wait3A_204 = tpu.memref_squeeze %dma_wait3A_203 : memref<1x128xi32, #tpu.memory_space<vmem>> -> memref<128xi32, #tpu.memory_space<vmem>>
    %dma_wait3A_205 = arith.constant 0 : i32
    %dma_wait3A_206 = arith.constant 0 : i32
    %dma_wait3A_207 = tpu.memref_slice %arg14[%dma_wait3A_205, %dma_wait3A_206] : memref<10240x64xf32, #tpu.memory_space<vmem_shared>> -> memref<10240x64xf32, #tpu.memory_space<vmem_shared>>
    tpu.wait_indirect_dma semaphore(%arg21 : memref<!tpu.dma_semaphore, #tpu.memory_space<semaphore_mem>>) src(%arg11 : memref<128x64xf32, #tpu.memory_space<vmem>>) dst(%dma_wait3A_207 : memref<10240x64xf32, #tpu.memory_space<vmem_shared>>)
    %dma_wait3A_208 = arith.constant 0 : i32
    %dma_wait3A_209 = arith.constant 0 : i32
    %dma_wait3A_210 = tpu.memref_slice %arg8[%dma_wait3A_208, %dma_wait3A_209] : memref<79x128xi32, #tpu.memory_space<vmem>> -> memref<1x128xi32, #tpu.memory_space<vmem>>
    %dma_wait3A_211 = tpu.memref_squeeze %dma_wait3A_210 : memref<1x128xi32, #tpu.memory_space<vmem>> -> memref<128xi32, #tpu.memory_space<vmem>>
    %dma_wait3A_212 = arith.constant 0 : i32
    %dma_wait3A_213 = arith.constant 0 : i32
    %dma_wait3A_214 = tpu.memref_slice %arg14[%dma_wait3A_212, %dma_wait3A_213] : memref<10240x64xf32, #tpu.memory_space<vmem_shared>> -> memref<10240x64xf32, #tpu.memory_space<vmem_shared>>
    tpu.wait_indirect_dma semaphore(%arg22 : memref<!tpu.dma_semaphore, #tpu.memory_space<semaphore_mem>>) src(%arg12 : memref<128x64xf32, #tpu.memory_space<vmem>>) dst(%dma_wait3A_214 : memref<10240x64xf32, #tpu.memory_space<vmem_shared>>)
    %barrier3A_215 = arith.constant 0 : index
    tpu.barrier barrier_id(%barrier3A_215)
    %dma_start3A_216 = arith.constant 0 : i32
    %dma_start3A_217 = arith.constant 0 : i32
    %dma_start3A_218 = tpu.memref_slice %arg7[%dma_start3A_216, %dma_start3A_217] : memref<79x128xi32, #tpu.memory_space<vmem>> -> memref<1x128xi32, #tpu.memory_space<vmem>>
    %dma_start3A_219 = tpu.memref_squeeze %dma_start3A_218 : memref<1x128xi32, #tpu.memory_space<vmem>> -> memref<128xi32, #tpu.memory_space<vmem>>
    %dma_start3A_220 = arith.constant 0 : i32
    %dma_start3A_221 = arith.constant 0 : i32
    %dma_start3A_222 = tpu.memref_slice %arg3[%dma_start3A_220, %dma_start3A_221] : memref<10000x64xf32, #tpu.memory_space<hbm>> -> memref<10000x64xf32, #tpu.memory_space<hbm>>
    tpu.enqueue_indirect_dma source(%dma_start3A_222 : memref<10000x64xf32, #tpu.memory_space<hbm>>) target(%arg9 : memref<128x64xf32, #tpu.memory_space<vmem>>) offsets(%dma_start3A_219 : memref<128xi32, #tpu.memory_space<vmem>>) semaphore(%arg15 : memref<!tpu.dma_semaphore, #tpu.memory_space<semaphore_mem>>)
    %dma_start3A_223 = arith.constant 1 : i32
    %dma_start3A_224 = arith.constant 0 : i32
    %dma_start3A_225 = tpu.memref_slice %arg7[%dma_start3A_223, %dma_start3A_224] : memref<79x128xi32, #tpu.memory_space<vmem>> -> memref<1x128xi32, #tpu.memory_space<vmem>>
    %dma_start3A_226 = tpu.memref_squeeze %dma_start3A_225 : memref<1x128xi32, #tpu.memory_space<vmem>> -> memref<128xi32, #tpu.memory_space<vmem>>
    %dma_start3A_227 = arith.constant 0 : i32
    %dma_start3A_228 = arith.constant 0 : i32
    %dma_start3A_229 = tpu.memref_slice %arg3[%dma_start3A_227, %dma_start3A_228] : memref<10000x64xf32, #tpu.memory_space<hbm>> -> memref<10000x64xf32, #tpu.memory_space<hbm>>
    tpu.enqueue_indirect_dma source(%dma_start3A_229 : memref<10000x64xf32, #tpu.memory_space<hbm>>) target(%arg10 : memref<128x64xf32, #tpu.memory_space<vmem>>) offsets(%dma_start3A_226 : memref<128xi32, #tpu.memory_space<vmem>>) semaphore(%arg16 : memref<!tpu.dma_semaphore, #tpu.memory_space<semaphore_mem>>)
    %dma_start3A_230 = arith.constant 2 : i32
    %dma_start3A_231 = arith.constant 0 : i32
    %dma_start3A_232 = tpu.memref_slice %arg7[%dma_start3A_230, %dma_start3A_231] : memref<79x128xi32, #tpu.memory_space<vmem>> -> memref<1x128xi32, #tpu.memory_space<vmem>>
    %dma_start3A_233 = tpu.memref_squeeze %dma_start3A_232 : memref<1x128xi32, #tpu.memory_space<vmem>> -> memref<128xi32, #tpu.memory_space<vmem>>
    %dma_start3A_234 = arith.constant 0 : i32
    %dma_start3A_235 = arith.constant 0 : i32
    %dma_start3A_236 = tpu.memref_slice %arg3[%dma_start3A_234, %dma_start3A_235] : memref<10000x64xf32, #tpu.memory_space<hbm>> -> memref<10000x64xf32, #tpu.memory_space<hbm>>
    tpu.enqueue_indirect_dma source(%dma_start3A_236 : memref<10000x64xf32, #tpu.memory_space<hbm>>) target(%arg11 : memref<128x64xf32, #tpu.memory_space<vmem>>) offsets(%dma_start3A_233 : memref<128xi32, #tpu.memory_space<vmem>>) semaphore(%arg17 : memref<!tpu.dma_semaphore, #tpu.memory_space<semaphore_mem>>)
    %dma_start3A_237 = arith.constant 3 : i32
    %dma_start3A_238 = arith.constant 0 : i32
    %dma_start3A_239 = tpu.memref_slice %arg7[%dma_start3A_237, %dma_start3A_238] : memref<79x128xi32, #tpu.memory_space<vmem>> -> memref<1x128xi32, #tpu.memory_space<vmem>>
    %dma_start3A_240 = tpu.memref_squeeze %dma_start3A_239 : memref<1x128xi32, #tpu.memory_space<vmem>> -> memref<128xi32, #tpu.memory_space<vmem>>
    %dma_start3A_241 = arith.constant 0 : i32
    %dma_start3A_242 = arith.constant 0 : i32
    %dma_start3A_243 = tpu.memref_slice %arg3[%dma_start3A_241, %dma_start3A_242] : memref<10000x64xf32, #tpu.memory_space<hbm>> -> memref<10000x64xf32, #tpu.memory_space<hbm>>
    tpu.enqueue_indirect_dma source(%dma_start3A_243 : memref<10000x64xf32, #tpu.memory_space<hbm>>) target(%arg12 : memref<128x64xf32, #tpu.memory_space<vmem>>) offsets(%dma_start3A_240 : memref<128xi32, #tpu.memory_space<vmem>>) semaphore(%arg18 : memref<!tpu.dma_semaphore, #tpu.memory_space<semaphore_mem>>)
    %mul3A_244 = arith.constant 640 : i32
    %mul3A_245 = arith.muli %arg1, %mul3A_244 : i32
    %mul3A_246 = arith.constant 640 : i32
    %mul3A_247 = arith.muli %arg1, %mul3A_246 : i32
    %run_scoped3A = arith.constant 0 : i32
    "tpu.region"() ({
      %run_scoped3A_437 = tpu.sem_alloc : memref<!tpu.dma_semaphore, #tpu.memory_space<semaphore_mem>>
      %dma_start3A_438 = arith.constant 0 : i32
      %dma_start3A_439 = tpu.memref_slice %arg6[%run_scoped3A, %arg0, %mul3A_247, %dma_start3A_438] : memref<2x2x10240x64xf32, #tpu.memory_space<hbm>> -> memref<1x1x640x64xf32, #tpu.memory_space<hbm>>
      %dma_start3A_440 = tpu.memref_squeeze %dma_start3A_439 : memref<1x1x640x64xf32, #tpu.memory_space<hbm>> -> memref<640x64xf32, #tpu.memory_space<hbm>>
      %dma_start3A_441 = arith.constant 0 : i32
      %dma_start3A_442 = tpu.memref_slice %arg14[%mul3A_245, %dma_start3A_441] : memref<10240x64xf32, #tpu.memory_space<vmem_shared>> -> memref<640x64xf32, #tpu.memory_space<vmem_shared>>
      tpu.enqueue_dma source(%dma_start3A_442 : memref<640x64xf32, #tpu.memory_space<vmem_shared>>) target(%dma_start3A_440 : memref<640x64xf32, #tpu.memory_space<hbm>>) target_semaphore(%run_scoped3A_437 : memref<!tpu.dma_semaphore, #tpu.memory_space<semaphore_mem>>)
      %dma_wait3A_443 = arith.constant 0 : i32
      %dma_wait3A_444 = tpu.memref_slice %arg6[%run_scoped3A, %arg0, %mul3A_247, %dma_wait3A_443] : memref<2x2x10240x64xf32, #tpu.memory_space<hbm>> -> memref<1x1x640x64xf32, #tpu.memory_space<hbm>>
      %dma_wait3A_445 = tpu.memref_squeeze %dma_wait3A_444 : memref<1x1x640x64xf32, #tpu.memory_space<hbm>> -> memref<640x64xf32, #tpu.memory_space<hbm>>
      %dma_wait3A_446 = arith.constant 0 : i32
      %dma_wait3A_447 = tpu.memref_slice %arg14[%mul3A_245, %dma_wait3A_446] : memref<10240x64xf32, #tpu.memory_space<vmem_shared>> -> memref<640x64xf32, #tpu.memory_space<vmem_shared>>
      tpu.wait_dma2 semaphore(%run_scoped3A_437 : memref<!tpu.dma_semaphore, #tpu.memory_space<semaphore_mem>>) src(%dma_wait3A_447 : memref<640x64xf32, #tpu.memory_space<vmem_shared>>) dst(%dma_wait3A_445 : memref<640x64xf32, #tpu.memory_space<hbm>>)
      tpu.yield
    }) : () -> ()
    %scan3A_248 = arith.constant 0 : i32
    %scan3A_249 = arith.constant 0 : i32
    %scan3A_250 = arith.constant 5 : i32
    %scan3A_251 = arith.addi %scan3A_249, %scan3A_250 : i32
    %scan3A_252 = arith.constant 1 : i32
    %scan3A_253 = scf.for %scan3A_437 = %scan3A_249 to %scan3A_251 step %scan3A_252 iter_args(%scan3A_438 = %scan3A_248) -> (i32)  : i32 {
      %mul3A_439 = arith.constant 640 : i32
      %mul3A_440 = arith.muli %arg1, %mul3A_439 : i32
      %mul3A_441 = arith.constant 128 : i32
      %mul3A_442 = arith.muli %scan3A_437, %mul3A_441 : i32
      %add3A_443 = arith.addi %mul3A_440, %mul3A_442 : i32
      "tpu.region"() ({
        %run_scoped3A_445 = tpu.sem_alloc : memref<!tpu.dma_semaphore, #tpu.memory_space<semaphore_mem>>
        %dma_start3A_446 = arith.constant 0 : i32
        %dma_start3A_447 = tpu.memref_slice %arg14[%add3A_443, %dma_start3A_446] : memref<10240x64xf32, #tpu.memory_space<vmem_shared>> -> memref<128x64xf32, #tpu.memory_space<vmem_shared>>
        %dma_start3A_448 = arith.constant 0 : i32
        %dma_start3A_449 = tpu.memref_slice %arg14[%add3A_443, %dma_start3A_448] : memref<10240x64xf32, #tpu.memory_space<vmem_shared>> -> memref<128x64xf32, #tpu.memory_space<vmem_shared>>
        tpu.enqueue_dma source(%arg13 : memref<128x64xf32, #tpu.memory_space<vmem>>) target(%dma_start3A_449 : memref<128x64xf32, #tpu.memory_space<vmem_shared>>) target_semaphore(%run_scoped3A_445 : memref<!tpu.dma_semaphore, #tpu.memory_space<semaphore_mem>>)
        %dma_wait3A_450 = arith.constant 0 : i32
        %dma_wait3A_451 = tpu.memref_slice %arg14[%add3A_443, %dma_wait3A_450] : memref<10240x64xf32, #tpu.memory_space<vmem_shared>> -> memref<128x64xf32, #tpu.memory_space<vmem_shared>>
        %dma_wait3A_452 = arith.constant 0 : i32
        %dma_wait3A_453 = tpu.memref_slice %arg14[%add3A_443, %dma_wait3A_452] : memref<10240x64xf32, #tpu.memory_space<vmem_shared>> -> memref<128x64xf32, #tpu.memory_space<vmem_shared>>
        tpu.wait_dma2 semaphore(%run_scoped3A_445 : memref<!tpu.dma_semaphore, #tpu.memory_space<semaphore_mem>>) src(%arg13 : memref<128x64xf32, #tpu.memory_space<vmem>>) dst(%dma_wait3A_453 : memref<128x64xf32, #tpu.memory_space<vmem_shared>>)
        tpu.yield
      }) : () -> ()
      %scan3A_444 = arith.constant 0 : i32
      scf.yield %scan3A_444 : i32
    }
    %scan3A_254 = arith.constant 5 : i32
    %barrier3A_255 = arith.constant 0 : index
    tpu.barrier barrier_id(%barrier3A_255)
    %scan3A_256 = arith.constant 0 : i32
    %scan3A_257 = arith.constant 0 : i32
    %scan3A_258 = arith.constant 18 : i32
    %scan3A_259 = arith.addi %scan3A_257, %scan3A_258 : i32
    %scan3A_260 = arith.constant 1 : i32
    %scan3A_261 = scf.for %scan3A_437 = %scan3A_257 to %scan3A_259 step %scan3A_260 iter_args(%scan3A_438 = %scan3A_256) -> (i32)  : i32 {
      %mul3A_439 = arith.constant 4 : i32
      %mul3A_440 = arith.muli %scan3A_437, %mul3A_439 : i32
      %dma_wait3A_441 = arith.constant 0 : i32
      %dma_wait3A_442 = arith.constant 0 : i32
      %dma_wait3A_443 = tpu.memref_slice %arg7[%dma_wait3A_441, %dma_wait3A_442] : memref<79x128xi32, #tpu.memory_space<vmem>> -> memref<1x128xi32, #tpu.memory_space<vmem>>
      %dma_wait3A_444 = tpu.memref_squeeze %dma_wait3A_443 : memref<1x128xi32, #tpu.memory_space<vmem>> -> memref<128xi32, #tpu.memory_space<vmem>>
      %dma_wait3A_445 = arith.constant 0 : i32
      %dma_wait3A_446 = arith.constant 0 : i32
      %dma_wait3A_447 = tpu.memref_slice %arg3[%dma_wait3A_445, %dma_wait3A_446] : memref<10000x64xf32, #tpu.memory_space<hbm>> -> memref<10000x64xf32, #tpu.memory_space<hbm>>
      tpu.wait_indirect_dma semaphore(%arg15 : memref<!tpu.dma_semaphore, #tpu.memory_space<semaphore_mem>>) src(%dma_wait3A_447 : memref<10000x64xf32, #tpu.memory_space<hbm>>) dst(%arg9 : memref<128x64xf32, #tpu.memory_space<vmem>>)
      %add3A_448 = arith.constant 0 : i32
      %add3A_449 = arith.addi %mul3A_440, %add3A_448 : i32
      %dma_start3A_450 = arith.constant 0 : i32
      %dma_start3A_451 = tpu.memref_slice %arg8[%add3A_449, %dma_start3A_450] : memref<79x128xi32, #tpu.memory_space<vmem>> -> memref<1x128xi32, #tpu.memory_space<vmem>>
      %dma_start3A_452 = tpu.memref_squeeze %dma_start3A_451 : memref<1x128xi32, #tpu.memory_space<vmem>> -> memref<128xi32, #tpu.memory_space<vmem>>
      %dma_start3A_453 = arith.constant 0 : i32
      %dma_start3A_454 = arith.constant 0 : i32
      %dma_start3A_455 = tpu.memref_slice %arg14[%dma_start3A_453, %dma_start3A_454] : memref<10240x64xf32, #tpu.memory_space<vmem_shared>> -> memref<10240x64xf32, #tpu.memory_space<vmem_shared>>
      tpu.enqueue_indirect_dma source(%arg9 : memref<128x64xf32, #tpu.memory_space<vmem>>) target(%dma_start3A_455 : memref<10240x64xf32, #tpu.memory_space<vmem_shared>>) offsets(%dma_start3A_452 : memref<128xi32, #tpu.memory_space<vmem>>) semaphore(%arg19 : memref<!tpu.dma_semaphore, #tpu.memory_space<semaphore_mem>>) {add = true}
      %dma_wait3A_456 = arith.constant 0 : i32
      %dma_wait3A_457 = arith.constant 0 : i32
      %dma_wait3A_458 = tpu.memref_slice %arg7[%dma_wait3A_456, %dma_wait3A_457] : memref<79x128xi32, #tpu.memory_space<vmem>> -> memref<1x128xi32, #tpu.memory_space<vmem>>
      %dma_wait3A_459 = tpu.memref_squeeze %dma_wait3A_458 : memref<1x128xi32, #tpu.memory_space<vmem>> -> memref<128xi32, #tpu.memory_space<vmem>>
      %dma_wait3A_460 = arith.constant 0 : i32
      %dma_wait3A_461 = arith.constant 0 : i32
      %dma_wait3A_462 = tpu.memref_slice %arg3[%dma_wait3A_460, %dma_wait3A_461] : memref<10000x64xf32, #tpu.memory_space<hbm>> -> memref<10000x64xf32, #tpu.memory_space<hbm>>
      tpu.wait_indirect_dma semaphore(%arg16 : memref<!tpu.dma_semaphore, #tpu.memory_space<semaphore_mem>>) src(%dma_wait3A_462 : memref<10000x64xf32, #tpu.memory_space<hbm>>) dst(%arg10 : memref<128x64xf32, #tpu.memory_space<vmem>>)
      %add3A_463 = arith.constant 1 : i32
      %add3A_464 = arith.addi %mul3A_440, %add3A_463 : i32
      %dma_start3A_465 = arith.constant 0 : i32
      %dma_start3A_466 = tpu.memref_slice %arg8[%add3A_464, %dma_start3A_465] : memref<79x128xi32, #tpu.memory_space<vmem>> -> memref<1x128xi32, #tpu.memory_space<vmem>>
      %dma_start3A_467 = tpu.memref_squeeze %dma_start3A_466 : memref<1x128xi32, #tpu.memory_space<vmem>> -> memref<128xi32, #tpu.memory_space<vmem>>
      %dma_start3A_468 = arith.constant 0 : i32
      %dma_start3A_469 = arith.constant 0 : i32
      %dma_start3A_470 = tpu.memref_slice %arg14[%dma_start3A_468, %dma_start3A_469] : memref<10240x64xf32, #tpu.memory_space<vmem_shared>> -> memref<10240x64xf32, #tpu.memory_space<vmem_shared>>
      tpu.enqueue_indirect_dma source(%arg10 : memref<128x64xf32, #tpu.memory_space<vmem>>) target(%dma_start3A_470 : memref<10240x64xf32, #tpu.memory_space<vmem_shared>>) offsets(%dma_start3A_467 : memref<128xi32, #tpu.memory_space<vmem>>) semaphore(%arg20 : memref<!tpu.dma_semaphore, #tpu.memory_space<semaphore_mem>>) {add = true}
      %dma_wait3A_471 = arith.constant 0 : i32
      %dma_wait3A_472 = arith.constant 0 : i32
      %dma_wait3A_473 = tpu.memref_slice %arg7[%dma_wait3A_471, %dma_wait3A_472] : memref<79x128xi32, #tpu.memory_space<vmem>> -> memref<1x128xi32, #tpu.memory_space<vmem>>
      %dma_wait3A_474 = tpu.memref_squeeze %dma_wait3A_473 : memref<1x128xi32, #tpu.memory_space<vmem>> -> memref<128xi32, #tpu.memory_space<vmem>>
      %dma_wait3A_475 = arith.constant 0 : i32
      %dma_wait3A_476 = arith.constant 0 : i32
      %dma_wait3A_477 = tpu.memref_slice %arg3[%dma_wait3A_475, %dma_wait3A_476] : memref<10000x64xf32, #tpu.memory_space<hbm>> -> memref<10000x64xf32, #tpu.memory_space<hbm>>
      tpu.wait_indirect_dma semaphore(%arg17 : memref<!tpu.dma_semaphore, #tpu.memory_space<semaphore_mem>>) src(%dma_wait3A_477 : memref<10000x64xf32, #tpu.memory_space<hbm>>) dst(%arg11 : memref<128x64xf32, #tpu.memory_space<vmem>>)
      %add3A_478 = arith.constant 2 : i32
      %add3A_479 = arith.addi %mul3A_440, %add3A_478 : i32
      %dma_start3A_480 = arith.constant 0 : i32
      %dma_start3A_481 = tpu.memref_slice %arg8[%add3A_479, %dma_start3A_480] : memref<79x128xi32, #tpu.memory_space<vmem>> -> memref<1x128xi32, #tpu.memory_space<vmem>>
      %dma_start3A_482 = tpu.memref_squeeze %dma_start3A_481 : memref<1x128xi32, #tpu.memory_space<vmem>> -> memref<128xi32, #tpu.memory_space<vmem>>
      %dma_start3A_483 = arith.constant 0 : i32
      %dma_start3A_484 = arith.constant 0 : i32
      %dma_start3A_485 = tpu.memref_slice %arg14[%dma_start3A_483, %dma_start3A_484] : memref<10240x64xf32, #tpu.memory_space<vmem_shared>> -> memref<10240x64xf32, #tpu.memory_space<vmem_shared>>
      tpu.enqueue_indirect_dma source(%arg11 : memref<128x64xf32, #tpu.memory_space<vmem>>) target(%dma_start3A_485 : memref<10240x64xf32, #tpu.memory_space<vmem_shared>>) offsets(%dma_start3A_482 : memref<128xi32, #tpu.memory_space<vmem>>) semaphore(%arg21 : memref<!tpu.dma_semaphore, #tpu.memory_space<semaphore_mem>>) {add = true}
      %dma_wait3A_486 = arith.constant 0 : i32
      %dma_wait3A_487 = arith.constant 0 : i32
      %dma_wait3A_488 = tpu.memref_slice %arg7[%dma_wait3A_486, %dma_wait3A_487] : memref<79x128xi32, #tpu.memory_space<vmem>> -> memref<1x128xi32, #tpu.memory_space<vmem>>
      %dma_wait3A_489 = tpu.memref_squeeze %dma_wait3A_488 : memref<1x128xi32, #tpu.memory_space<vmem>> -> memref<128xi32, #tpu.memory_space<vmem>>
      %dma_wait3A_490 = arith.constant 0 : i32
      %dma_wait3A_491 = arith.constant 0 : i32
      %dma_wait3A_492 = tpu.memref_slice %arg3[%dma_wait3A_490, %dma_wait3A_491] : memref<10000x64xf32, #tpu.memory_space<hbm>> -> memref<10000x64xf32, #tpu.memory_space<hbm>>
      tpu.wait_indirect_dma semaphore(%arg18 : memref<!tpu.dma_semaphore, #tpu.memory_space<semaphore_mem>>) src(%dma_wait3A_492 : memref<10000x64xf32, #tpu.memory_space<hbm>>) dst(%arg12 : memref<128x64xf32, #tpu.memory_space<vmem>>)
      %add3A_493 = arith.constant 3 : i32
      %add3A_494 = arith.addi %mul3A_440, %add3A_493 : i32
      %dma_start3A_495 = arith.constant 0 : i32
      %dma_start3A_496 = tpu.memref_slice %arg8[%add3A_494, %dma_start3A_495] : memref<79x128xi32, #tpu.memory_space<vmem>> -> memref<1x128xi32, #tpu.memory_space<vmem>>
      %dma_start3A_497 = tpu.memref_squeeze %dma_start3A_496 : memref<1x128xi32, #tpu.memory_space<vmem>> -> memref<128xi32, #tpu.memory_space<vmem>>
      %dma_start3A_498 = arith.constant 0 : i32
      %dma_start3A_499 = arith.constant 0 : i32
      %dma_start3A_500 = tpu.memref_slice %arg14[%dma_start3A_498, %dma_start3A_499] : memref<10240x64xf32, #tpu.memory_space<vmem_shared>> -> memref<10240x64xf32, #tpu.memory_space<vmem_shared>>
      tpu.enqueue_indirect_dma source(%arg12 : memref<128x64xf32, #tpu.memory_space<vmem>>) target(%dma_start3A_500 : memref<10240x64xf32, #tpu.memory_space<vmem_shared>>) offsets(%dma_start3A_497 : memref<128xi32, #tpu.memory_space<vmem>>) semaphore(%arg22 : memref<!tpu.dma_semaphore, #tpu.memory_space<semaphore_mem>>) {add = true}
      %dma_wait3A_501 = arith.constant 0 : i32
      %dma_wait3A_502 = arith.constant 0 : i32
      %dma_wait3A_503 = tpu.memref_slice %arg8[%dma_wait3A_501, %dma_wait3A_502] : memref<79x128xi32, #tpu.memory_space<vmem>> -> memref<1x128xi32, #tpu.memory_space<vmem>>
      %dma_wait3A_504 = tpu.memref_squeeze %dma_wait3A_503 : memref<1x128xi32, #tpu.memory_space<vmem>> -> memref<128xi32, #tpu.memory_space<vmem>>
      %dma_wait3A_505 = arith.constant 0 : i32
      %dma_wait3A_506 = arith.constant 0 : i32
      %dma_wait3A_507 = tpu.memref_slice %arg14[%dma_wait3A_505, %dma_wait3A_506] : memref<10240x64xf32, #tpu.memory_space<vmem_shared>> -> memref<10240x64xf32, #tpu.memory_space<vmem_shared>>
      tpu.wait_indirect_dma semaphore(%arg19 : memref<!tpu.dma_semaphore, #tpu.memory_space<semaphore_mem>>) src(%arg9 : memref<128x64xf32, #tpu.memory_space<vmem>>) dst(%dma_wait3A_507 : memref<10240x64xf32, #tpu.memory_space<vmem_shared>>)
      %add3A_508 = arith.constant 4 : i32
      %add3A_509 = arith.addi %mul3A_440, %add3A_508 : i32
      %add3A_510 = arith.constant 0 : i32
      %add3A_511 = arith.addi %add3A_509, %add3A_510 : i32
      %dma_start3A_512 = arith.constant 0 : i32
      %dma_start3A_513 = tpu.memref_slice %arg7[%add3A_511, %dma_start3A_512] : memref<79x128xi32, #tpu.memory_space<vmem>> -> memref<1x128xi32, #tpu.memory_space<vmem>>
      %dma_start3A_514 = tpu.memref_squeeze %dma_start3A_513 : memref<1x128xi32, #tpu.memory_space<vmem>> -> memref<128xi32, #tpu.memory_space<vmem>>
      %dma_start3A_515 = arith.constant 0 : i32
      %dma_start3A_516 = arith.constant 0 : i32
      %dma_start3A_517 = tpu.memref_slice %arg3[%dma_start3A_515, %dma_start3A_516] : memref<10000x64xf32, #tpu.memory_space<hbm>> -> memref<10000x64xf32, #tpu.memory_space<hbm>>
      tpu.enqueue_indirect_dma source(%dma_start3A_517 : memref<10000x64xf32, #tpu.memory_space<hbm>>) target(%arg9 : memref<128x64xf32, #tpu.memory_space<vmem>>) offsets(%dma_start3A_514 : memref<128xi32, #tpu.memory_space<vmem>>) semaphore(%arg15 : memref<!tpu.dma_semaphore, #tpu.memory_space<semaphore_mem>>)
      %dma_wait3A_518 = arith.constant 0 : i32
      %dma_wait3A_519 = arith.constant 0 : i32
      %dma_wait3A_520 = tpu.memref_slice %arg8[%dma_wait3A_518, %dma_wait3A_519] : memref<79x128xi32, #tpu.memory_space<vmem>> -> memref<1x128xi32, #tpu.memory_space<vmem>>
      %dma_wait3A_521 = tpu.memref_squeeze %dma_wait3A_520 : memref<1x128xi32, #tpu.memory_space<vmem>> -> memref<128xi32, #tpu.memory_space<vmem>>
      %dma_wait3A_522 = arith.constant 0 : i32
      %dma_wait3A_523 = arith.constant 0 : i32
      %dma_wait3A_524 = tpu.memref_slice %arg14[%dma_wait3A_522, %dma_wait3A_523] : memref<10240x64xf32, #tpu.memory_space<vmem_shared>> -> memref<10240x64xf32, #tpu.memory_space<vmem_shared>>
      tpu.wait_indirect_dma semaphore(%arg20 : memref<!tpu.dma_semaphore, #tpu.memory_space<semaphore_mem>>) src(%arg10 : memref<128x64xf32, #tpu.memory_space<vmem>>) dst(%dma_wait3A_524 : memref<10240x64xf32, #tpu.memory_space<vmem_shared>>)
      %add3A_525 = arith.constant 4 : i32
      %add3A_526 = arith.addi %mul3A_440, %add3A_525 : i32
      %add3A_527 = arith.constant 1 : i32
      %add3A_528 = arith.addi %add3A_526, %add3A_527 : i32
      %dma_start3A_529 = arith.constant 0 : i32
      %dma_start3A_530 = tpu.memref_slice %arg7[%add3A_528, %dma_start3A_529] : memref<79x128xi32, #tpu.memory_space<vmem>> -> memref<1x128xi32, #tpu.memory_space<vmem>>
      %dma_start3A_531 = tpu.memref_squeeze %dma_start3A_530 : memref<1x128xi32, #tpu.memory_space<vmem>> -> memref<128xi32, #tpu.memory_space<vmem>>
      %dma_start3A_532 = arith.constant 0 : i32
      %dma_start3A_533 = arith.constant 0 : i32
      %dma_start3A_534 = tpu.memref_slice %arg3[%dma_start3A_532, %dma_start3A_533] : memref<10000x64xf32, #tpu.memory_space<hbm>> -> memref<10000x64xf32, #tpu.memory_space<hbm>>
      tpu.enqueue_indirect_dma source(%dma_start3A_534 : memref<10000x64xf32, #tpu.memory_space<hbm>>) target(%arg10 : memref<128x64xf32, #tpu.memory_space<vmem>>) offsets(%dma_start3A_531 : memref<128xi32, #tpu.memory_space<vmem>>) semaphore(%arg16 : memref<!tpu.dma_semaphore, #tpu.memory_space<semaphore_mem>>)
      %dma_wait3A_535 = arith.constant 0 : i32
      %dma_wait3A_536 = arith.constant 0 : i32
      %dma_wait3A_537 = tpu.memref_slice %arg8[%dma_wait3A_535, %dma_wait3A_536] : memref<79x128xi32, #tpu.memory_space<vmem>> -> memref<1x128xi32, #tpu.memory_space<vmem>>
      %dma_wait3A_538 = tpu.memref_squeeze %dma_wait3A_537 : memref<1x128xi32, #tpu.memory_space<vmem>> -> memref<128xi32, #tpu.memory_space<vmem>>
      %dma_wait3A_539 = arith.constant 0 : i32
      %dma_wait3A_540 = arith.constant 0 : i32
      %dma_wait3A_541 = tpu.memref_slice %arg14[%dma_wait3A_539, %dma_wait3A_540] : memref<10240x64xf32, #tpu.memory_space<vmem_shared>> -> memref<10240x64xf32, #tpu.memory_space<vmem_shared>>
      tpu.wait_indirect_dma semaphore(%arg21 : memref<!tpu.dma_semaphore, #tpu.memory_space<semaphore_mem>>) src(%arg11 : memref<128x64xf32, #tpu.memory_space<vmem>>) dst(%dma_wait3A_541 : memref<10240x64xf32, #tpu.memory_space<vmem_shared>>)
      %add3A_542 = arith.constant 4 : i32
      %add3A_543 = arith.addi %mul3A_440, %add3A_542 : i32
      %add3A_544 = arith.constant 2 : i32
      %add3A_545 = arith.addi %add3A_543, %add3A_544 : i32
      %dma_start3A_546 = arith.constant 0 : i32
      %dma_start3A_547 = tpu.memref_slice %arg7[%add3A_545, %dma_start3A_546] : memref<79x128xi32, #tpu.memory_space<vmem>> -> memref<1x128xi32, #tpu.memory_space<vmem>>
      %dma_start3A_548 = tpu.memref_squeeze %dma_start3A_547 : memref<1x128xi32, #tpu.memory_space<vmem>> -> memref<128xi32, #tpu.memory_space<vmem>>
      %dma_start3A_549 = arith.constant 0 : i32
      %dma_start3A_550 = arith.constant 0 : i32
      %dma_start3A_551 = tpu.memref_slice %arg3[%dma_start3A_549, %dma_start3A_550] : memref<10000x64xf32, #tpu.memory_space<hbm>> -> memref<10000x64xf32, #tpu.memory_space<hbm>>
      tpu.enqueue_indirect_dma source(%dma_start3A_551 : memref<10000x64xf32, #tpu.memory_space<hbm>>) target(%arg11 : memref<128x64xf32, #tpu.memory_space<vmem>>) offsets(%dma_start3A_548 : memref<128xi32, #tpu.memory_space<vmem>>) semaphore(%arg17 : memref<!tpu.dma_semaphore, #tpu.memory_space<semaphore_mem>>)
      %dma_wait3A_552 = arith.constant 0 : i32
      %dma_wait3A_553 = arith.constant 0 : i32
      %dma_wait3A_554 = tpu.memref_slice %arg8[%dma_wait3A_552, %dma_wait3A_553] : memref<79x128xi32, #tpu.memory_space<vmem>> -> memref<1x128xi32, #tpu.memory_space<vmem>>
      %dma_wait3A_555 = tpu.memref_squeeze %dma_wait3A_554 : memref<1x128xi32, #tpu.memory_space<vmem>> -> memref<128xi32, #tpu.memory_space<vmem>>
      %dma_wait3A_556 = arith.constant 0 : i32
      %dma_wait3A_557 = arith.constant 0 : i32
      %dma_wait3A_558 = tpu.memref_slice %arg14[%dma_wait3A_556, %dma_wait3A_557] : memref<10240x64xf32, #tpu.memory_space<vmem_shared>> -> memref<10240x64xf32, #tpu.memory_space<vmem_shared>>
      tpu.wait_indirect_dma semaphore(%arg22 : memref<!tpu.dma_semaphore, #tpu.memory_space<semaphore_mem>>) src(%arg12 : memref<128x64xf32, #tpu.memory_space<vmem>>) dst(%dma_wait3A_558 : memref<10240x64xf32, #tpu.memory_space<vmem_shared>>)
      %add3A_559 = arith.constant 4 : i32
      %add3A_560 = arith.addi %mul3A_440, %add3A_559 : i32
      %add3A_561 = arith.constant 3 : i32
      %add3A_562 = arith.addi %add3A_560, %add3A_561 : i32
      %dma_start3A_563 = arith.constant 0 : i32
      %dma_start3A_564 = tpu.memref_slice %arg7[%add3A_562, %dma_start3A_563] : memref<79x128xi32, #tpu.memory_space<vmem>> -> memref<1x128xi32, #tpu.memory_space<vmem>>
      %dma_start3A_565 = tpu.memref_squeeze %dma_start3A_564 : memref<1x128xi32, #tpu.memory_space<vmem>> -> memref<128xi32, #tpu.memory_space<vmem>>
      %dma_start3A_566 = arith.constant 0 : i32
      %dma_start3A_567 = arith.constant 0 : i32
      %dma_start3A_568 = tpu.memref_slice %arg3[%dma_start3A_566, %dma_start3A_567] : memref<10000x64xf32, #tpu.memory_space<hbm>> -> memref<10000x64xf32, #tpu.memory_space<hbm>>
      tpu.enqueue_indirect_dma source(%dma_start3A_568 : memref<10000x64xf32, #tpu.memory_space<hbm>>) target(%arg12 : memref<128x64xf32, #tpu.memory_space<vmem>>) offsets(%dma_start3A_565 : memref<128xi32, #tpu.memory_space<vmem>>) semaphore(%arg18 : memref<!tpu.dma_semaphore, #tpu.memory_space<semaphore_mem>>)
      %scan3A_569 = arith.constant 0 : i32
      scf.yield %scan3A_569 : i32
    }
    %scan3A_262 = arith.constant 18 : i32
    %dma_wait3A_263 = arith.constant 0 : i32
    %dma_wait3A_264 = arith.constant 0 : i32
    %dma_wait3A_265 = tpu.memref_slice %arg7[%dma_wait3A_263, %dma_wait3A_264] : memref<79x128xi32, #tpu.memory_space<vmem>> -> memref<1x128xi32, #tpu.memory_space<vmem>>
    %dma_wait3A_266 = tpu.memref_squeeze %dma_wait3A_265 : memref<1x128xi32, #tpu.memory_space<vmem>> -> memref<128xi32, #tpu.memory_space<vmem>>
    %dma_wait3A_267 = arith.constant 0 : i32
    %dma_wait3A_268 = arith.constant 0 : i32
    %dma_wait3A_269 = tpu.memref_slice %arg3[%dma_wait3A_267, %dma_wait3A_268] : memref<10000x64xf32, #tpu.memory_space<hbm>> -> memref<10000x64xf32, #tpu.memory_space<hbm>>
    tpu.wait_indirect_dma semaphore(%arg15 : memref<!tpu.dma_semaphore, #tpu.memory_space<semaphore_mem>>) src(%dma_wait3A_269 : memref<10000x64xf32, #tpu.memory_space<hbm>>) dst(%arg9 : memref<128x64xf32, #tpu.memory_space<vmem>>)
    %dma_start3A_270 = arith.constant 72 : i32
    %dma_start3A_271 = arith.constant 0 : i32
    %dma_start3A_272 = tpu.memref_slice %arg8[%dma_start3A_270, %dma_start3A_271] : memref<79x128xi32, #tpu.memory_space<vmem>> -> memref<1x128xi32, #tpu.memory_space<vmem>>
    %dma_start3A_273 = tpu.memref_squeeze %dma_start3A_272 : memref<1x128xi32, #tpu.memory_space<vmem>> -> memref<128xi32, #tpu.memory_space<vmem>>
    %dma_start3A_274 = arith.constant 0 : i32
    %dma_start3A_275 = arith.constant 0 : i32
    %dma_start3A_276 = tpu.memref_slice %arg14[%dma_start3A_274, %dma_start3A_275] : memref<10240x64xf32, #tpu.memory_space<vmem_shared>> -> memref<10240x64xf32, #tpu.memory_space<vmem_shared>>
    tpu.enqueue_indirect_dma source(%arg9 : memref<128x64xf32, #tpu.memory_space<vmem>>) target(%dma_start3A_276 : memref<10240x64xf32, #tpu.memory_space<vmem_shared>>) offsets(%dma_start3A_273 : memref<128xi32, #tpu.memory_space<vmem>>) semaphore(%arg19 : memref<!tpu.dma_semaphore, #tpu.memory_space<semaphore_mem>>) {add = true}
    %dma_wait3A_277 = arith.constant 0 : i32
    %dma_wait3A_278 = arith.constant 0 : i32
    %dma_wait3A_279 = tpu.memref_slice %arg8[%dma_wait3A_277, %dma_wait3A_278] : memref<79x128xi32, #tpu.memory_space<vmem>> -> memref<1x128xi32, #tpu.memory_space<vmem>>
    %dma_wait3A_280 = tpu.memref_squeeze %dma_wait3A_279 : memref<1x128xi32, #tpu.memory_space<vmem>> -> memref<128xi32, #tpu.memory_space<vmem>>
    %dma_wait3A_281 = arith.constant 0 : i32
    %dma_wait3A_282 = arith.constant 0 : i32
    %dma_wait3A_283 = tpu.memref_slice %arg14[%dma_wait3A_281, %dma_wait3A_282] : memref<10240x64xf32, #tpu.memory_space<vmem_shared>> -> memref<10240x64xf32, #tpu.memory_space<vmem_shared>>
    tpu.wait_indirect_dma semaphore(%arg19 : memref<!tpu.dma_semaphore, #tpu.memory_space<semaphore_mem>>) src(%arg9 : memref<128x64xf32, #tpu.memory_space<vmem>>) dst(%dma_wait3A_283 : memref<10240x64xf32, #tpu.memory_space<vmem_shared>>)
    %dma_start3A_284 = arith.constant 76 : i32
    %dma_start3A_285 = arith.constant 0 : i32
    %dma_start3A_286 = tpu.memref_slice %arg7[%dma_start3A_284, %dma_start3A_285] : memref<79x128xi32, #tpu.memory_space<vmem>> -> memref<1x128xi32, #tpu.memory_space<vmem>>
    %dma_start3A_287 = tpu.memref_squeeze %dma_start3A_286 : memref<1x128xi32, #tpu.memory_space<vmem>> -> memref<128xi32, #tpu.memory_space<vmem>>
    %dma_start3A_288 = arith.constant 0 : i32
    %dma_start3A_289 = arith.constant 0 : i32
    %dma_start3A_290 = tpu.memref_slice %arg3[%dma_start3A_288, %dma_start3A_289] : memref<10000x64xf32, #tpu.memory_space<hbm>> -> memref<10000x64xf32, #tpu.memory_space<hbm>>
    tpu.enqueue_indirect_dma source(%dma_start3A_290 : memref<10000x64xf32, #tpu.memory_space<hbm>>) target(%arg9 : memref<128x64xf32, #tpu.memory_space<vmem>>) offsets(%dma_start3A_287 : memref<128xi32, #tpu.memory_space<vmem>>) semaphore(%arg15 : memref<!tpu.dma_semaphore, #tpu.memory_space<semaphore_mem>>)
    %dma_wait3A_291 = arith.constant 0 : i32
    %dma_wait3A_292 = arith.constant 0 : i32
    %dma_wait3A_293 = tpu.memref_slice %arg7[%dma_wait3A_291, %dma_wait3A_292] : memref<79x128xi32, #tpu.memory_space<vmem>> -> memref<1x128xi32, #tpu.memory_space<vmem>>
    %dma_wait3A_294 = tpu.memref_squeeze %dma_wait3A_293 : memref<1x128xi32, #tpu.memory_space<vmem>> -> memref<128xi32, #tpu.memory_space<vmem>>
    %dma_wait3A_295 = arith.constant 0 : i32
    %dma_wait3A_296 = arith.constant 0 : i32
    %dma_wait3A_297 = tpu.memref_slice %arg3[%dma_wait3A_295, %dma_wait3A_296] : memref<10000x64xf32, #tpu.memory_space<hbm>> -> memref<10000x64xf32, #tpu.memory_space<hbm>>
    tpu.wait_indirect_dma semaphore(%arg16 : memref<!tpu.dma_semaphore, #tpu.memory_space<semaphore_mem>>) src(%dma_wait3A_297 : memref<10000x64xf32, #tpu.memory_space<hbm>>) dst(%arg10 : memref<128x64xf32, #tpu.memory_space<vmem>>)
    %dma_start3A_298 = arith.constant 73 : i32
    %dma_start3A_299 = arith.constant 0 : i32
    %dma_start3A_300 = tpu.memref_slice %arg8[%dma_start3A_298, %dma_start3A_299] : memref<79x128xi32, #tpu.memory_space<vmem>> -> memref<1x128xi32, #tpu.memory_space<vmem>>
    %dma_start3A_301 = tpu.memref_squeeze %dma_start3A_300 : memref<1x128xi32, #tpu.memory_space<vmem>> -> memref<128xi32, #tpu.memory_space<vmem>>
    %dma_start3A_302 = arith.constant 0 : i32
    %dma_start3A_303 = arith.constant 0 : i32
    %dma_start3A_304 = tpu.memref_slice %arg14[%dma_start3A_302, %dma_start3A_303] : memref<10240x64xf32, #tpu.memory_space<vmem_shared>> -> memref<10240x64xf32, #tpu.memory_space<vmem_shared>>
    tpu.enqueue_indirect_dma source(%arg10 : memref<128x64xf32, #tpu.memory_space<vmem>>) target(%dma_start3A_304 : memref<10240x64xf32, #tpu.memory_space<vmem_shared>>) offsets(%dma_start3A_301 : memref<128xi32, #tpu.memory_space<vmem>>) semaphore(%arg20 : memref<!tpu.dma_semaphore, #tpu.memory_space<semaphore_mem>>) {add = true}
    %dma_wait3A_305 = arith.constant 0 : i32
    %dma_wait3A_306 = arith.constant 0 : i32
    %dma_wait3A_307 = tpu.memref_slice %arg8[%dma_wait3A_305, %dma_wait3A_306] : memref<79x128xi32, #tpu.memory_space<vmem>> -> memref<1x128xi32, #tpu.memory_space<vmem>>
    %dma_wait3A_308 = tpu.memref_squeeze %dma_wait3A_307 : memref<1x128xi32, #tpu.memory_space<vmem>> -> memref<128xi32, #tpu.memory_space<vmem>>
    %dma_wait3A_309 = arith.constant 0 : i32
    %dma_wait3A_310 = arith.constant 0 : i32
    %dma_wait3A_311 = tpu.memref_slice %arg14[%dma_wait3A_309, %dma_wait3A_310] : memref<10240x64xf32, #tpu.memory_space<vmem_shared>> -> memref<10240x64xf32, #tpu.memory_space<vmem_shared>>
    tpu.wait_indirect_dma semaphore(%arg20 : memref<!tpu.dma_semaphore, #tpu.memory_space<semaphore_mem>>) src(%arg10 : memref<128x64xf32, #tpu.memory_space<vmem>>) dst(%dma_wait3A_311 : memref<10240x64xf32, #tpu.memory_space<vmem_shared>>)
    %dma_start3A_312 = arith.constant 77 : i32
    %dma_start3A_313 = arith.constant 0 : i32
    %dma_start3A_314 = tpu.memref_slice %arg7[%dma_start3A_312, %dma_start3A_313] : memref<79x128xi32, #tpu.memory_space<vmem>> -> memref<1x128xi32, #tpu.memory_space<vmem>>
    %dma_start3A_315 = tpu.memref_squeeze %dma_start3A_314 : memref<1x128xi32, #tpu.memory_space<vmem>> -> memref<128xi32, #tpu.memory_space<vmem>>
    %dma_start3A_316 = arith.constant 0 : i32
    %dma_start3A_317 = arith.constant 0 : i32
    %dma_start3A_318 = tpu.memref_slice %arg3[%dma_start3A_316, %dma_start3A_317] : memref<10000x64xf32, #tpu.memory_space<hbm>> -> memref<10000x64xf32, #tpu.memory_space<hbm>>
    tpu.enqueue_indirect_dma source(%dma_start3A_318 : memref<10000x64xf32, #tpu.memory_space<hbm>>) target(%arg10 : memref<128x64xf32, #tpu.memory_space<vmem>>) offsets(%dma_start3A_315 : memref<128xi32, #tpu.memory_space<vmem>>) semaphore(%arg16 : memref<!tpu.dma_semaphore, #tpu.memory_space<semaphore_mem>>)
    %dma_wait3A_319 = arith.constant 0 : i32
    %dma_wait3A_320 = arith.constant 0 : i32
    %dma_wait3A_321 = tpu.memref_slice %arg7[%dma_wait3A_319, %dma_wait3A_320] : memref<79x128xi32, #tpu.memory_space<vmem>> -> memref<1x128xi32, #tpu.memory_space<vmem>>
    %dma_wait3A_322 = tpu.memref_squeeze %dma_wait3A_321 : memref<1x128xi32, #tpu.memory_space<vmem>> -> memref<128xi32, #tpu.memory_space<vmem>>
    %dma_wait3A_323 = arith.constant 0 : i32
    %dma_wait3A_324 = arith.constant 0 : i32
    %dma_wait3A_325 = tpu.memref_slice %arg3[%dma_wait3A_323, %dma_wait3A_324] : memref<10000x64xf32, #tpu.memory_space<hbm>> -> memref<10000x64xf32, #tpu.memory_space<hbm>>
    tpu.wait_indirect_dma semaphore(%arg17 : memref<!tpu.dma_semaphore, #tpu.memory_space<semaphore_mem>>) src(%dma_wait3A_325 : memref<10000x64xf32, #tpu.memory_space<hbm>>) dst(%arg11 : memref<128x64xf32, #tpu.memory_space<vmem>>)
    %dma_start3A_326 = arith.constant 74 : i32
    %dma_start3A_327 = arith.constant 0 : i32
    %dma_start3A_328 = tpu.memref_slice %arg8[%dma_start3A_326, %dma_start3A_327] : memref<79x128xi32, #tpu.memory_space<vmem>> -> memref<1x128xi32, #tpu.memory_space<vmem>>
    %dma_start3A_329 = tpu.memref_squeeze %dma_start3A_328 : memref<1x128xi32, #tpu.memory_space<vmem>> -> memref<128xi32, #tpu.memory_space<vmem>>
    %dma_start3A_330 = arith.constant 0 : i32
    %dma_start3A_331 = arith.constant 0 : i32
    %dma_start3A_332 = tpu.memref_slice %arg14[%dma_start3A_330, %dma_start3A_331] : memref<10240x64xf32, #tpu.memory_space<vmem_shared>> -> memref<10240x64xf32, #tpu.memory_space<vmem_shared>>
    tpu.enqueue_indirect_dma source(%arg11 : memref<128x64xf32, #tpu.memory_space<vmem>>) target(%dma_start3A_332 : memref<10240x64xf32, #tpu.memory_space<vmem_shared>>) offsets(%dma_start3A_329 : memref<128xi32, #tpu.memory_space<vmem>>) semaphore(%arg21 : memref<!tpu.dma_semaphore, #tpu.memory_space<semaphore_mem>>) {add = true}
    %dma_wait3A_333 = arith.constant 0 : i32
    %dma_wait3A_334 = arith.constant 0 : i32
    %dma_wait3A_335 = tpu.memref_slice %arg8[%dma_wait3A_333, %dma_wait3A_334] : memref<79x128xi32, #tpu.memory_space<vmem>> -> memref<1x128xi32, #tpu.memory_space<vmem>>
    %dma_wait3A_336 = tpu.memref_squeeze %dma_wait3A_335 : memref<1x128xi32, #tpu.memory_space<vmem>> -> memref<128xi32, #tpu.memory_space<vmem>>
    %dma_wait3A_337 = arith.constant 0 : i32
    %dma_wait3A_338 = arith.constant 0 : i32
    %dma_wait3A_339 = tpu.memref_slice %arg14[%dma_wait3A_337, %dma_wait3A_338] : memref<10240x64xf32, #tpu.memory_space<vmem_shared>> -> memref<10240x64xf32, #tpu.memory_space<vmem_shared>>
    tpu.wait_indirect_dma semaphore(%arg21 : memref<!tpu.dma_semaphore, #tpu.memory_space<semaphore_mem>>) src(%arg11 : memref<128x64xf32, #tpu.memory_space<vmem>>) dst(%dma_wait3A_339 : memref<10240x64xf32, #tpu.memory_space<vmem_shared>>)
    %dma_start3A_340 = arith.constant 78 : i32
    %dma_start3A_341 = arith.constant 0 : i32
    %dma_start3A_342 = tpu.memref_slice %arg7[%dma_start3A_340, %dma_start3A_341] : memref<79x128xi32, #tpu.memory_space<vmem>> -> memref<1x128xi32, #tpu.memory_space<vmem>>
    %dma_start3A_343 = tpu.memref_squeeze %dma_start3A_342 : memref<1x128xi32, #tpu.memory_space<vmem>> -> memref<128xi32, #tpu.memory_space<vmem>>
    %dma_start3A_344 = arith.constant 0 : i32
    %dma_start3A_345 = arith.constant 0 : i32
    %dma_start3A_346 = tpu.memref_slice %arg3[%dma_start3A_344, %dma_start3A_345] : memref<10000x64xf32, #tpu.memory_space<hbm>> -> memref<10000x64xf32, #tpu.memory_space<hbm>>
    tpu.enqueue_indirect_dma source(%dma_start3A_346 : memref<10000x64xf32, #tpu.memory_space<hbm>>) target(%arg11 : memref<128x64xf32, #tpu.memory_space<vmem>>) offsets(%dma_start3A_343 : memref<128xi32, #tpu.memory_space<vmem>>) semaphore(%arg17 : memref<!tpu.dma_semaphore, #tpu.memory_space<semaphore_mem>>)
    %dma_wait3A_347 = arith.constant 0 : i32
    %dma_wait3A_348 = arith.constant 0 : i32
    %dma_wait3A_349 = tpu.memref_slice %arg7[%dma_wait3A_347, %dma_wait3A_348] : memref<79x128xi32, #tpu.memory_space<vmem>> -> memref<1x128xi32, #tpu.memory_space<vmem>>
    %dma_wait3A_350 = tpu.memref_squeeze %dma_wait3A_349 : memref<1x128xi32, #tpu.memory_space<vmem>> -> memref<128xi32, #tpu.memory_space<vmem>>
    %dma_wait3A_351 = arith.constant 0 : i32
    %dma_wait3A_352 = arith.constant 0 : i32
    %dma_wait3A_353 = tpu.memref_slice %arg3[%dma_wait3A_351, %dma_wait3A_352] : memref<10000x64xf32, #tpu.memory_space<hbm>> -> memref<10000x64xf32, #tpu.memory_space<hbm>>
    tpu.wait_indirect_dma semaphore(%arg18 : memref<!tpu.dma_semaphore, #tpu.memory_space<semaphore_mem>>) src(%dma_wait3A_353 : memref<10000x64xf32, #tpu.memory_space<hbm>>) dst(%arg12 : memref<128x64xf32, #tpu.memory_space<vmem>>)
    %dma_start3A_354 = arith.constant 75 : i32
    %dma_start3A_355 = arith.constant 0 : i32
    %dma_start3A_356 = tpu.memref_slice %arg8[%dma_start3A_354, %dma_start3A_355] : memref<79x128xi32, #tpu.memory_space<vmem>> -> memref<1x128xi32, #tpu.memory_space<vmem>>
    %dma_start3A_357 = tpu.memref_squeeze %dma_start3A_356 : memref<1x128xi32, #tpu.memory_space<vmem>> -> memref<128xi32, #tpu.memory_space<vmem>>
    %dma_start3A_358 = arith.constant 0 : i32
    %dma_start3A_359 = arith.constant 0 : i32
    %dma_start3A_360 = tpu.memref_slice %arg14[%dma_start3A_358, %dma_start3A_359] : memref<10240x64xf32, #tpu.memory_space<vmem_shared>> -> memref<10240x64xf32, #tpu.memory_space<vmem_shared>>
    tpu.enqueue_indirect_dma source(%arg12 : memref<128x64xf32, #tpu.memory_space<vmem>>) target(%dma_start3A_360 : memref<10240x64xf32, #tpu.memory_space<vmem_shared>>) offsets(%dma_start3A_357 : memref<128xi32, #tpu.memory_space<vmem>>) semaphore(%arg22 : memref<!tpu.dma_semaphore, #tpu.memory_space<semaphore_mem>>) {add = true}
    %dma_wait3A_361 = arith.constant 0 : i32
    %dma_wait3A_362 = arith.constant 0 : i32
    %dma_wait3A_363 = tpu.memref_slice %arg7[%dma_wait3A_361, %dma_wait3A_362] : memref<79x128xi32, #tpu.memory_space<vmem>> -> memref<1x128xi32, #tpu.memory_space<vmem>>
    %dma_wait3A_364 = tpu.memref_squeeze %dma_wait3A_363 : memref<1x128xi32, #tpu.memory_space<vmem>> -> memref<128xi32, #tpu.memory_space<vmem>>
    %dma_wait3A_365 = arith.constant 0 : i32
    %dma_wait3A_366 = arith.constant 0 : i32
    %dma_wait3A_367 = tpu.memref_slice %arg3[%dma_wait3A_365, %dma_wait3A_366] : memref<10000x64xf32, #tpu.memory_space<hbm>> -> memref<10000x64xf32, #tpu.memory_space<hbm>>
    tpu.wait_indirect_dma semaphore(%arg15 : memref<!tpu.dma_semaphore, #tpu.memory_space<semaphore_mem>>) src(%dma_wait3A_367 : memref<10000x64xf32, #tpu.memory_space<hbm>>) dst(%arg9 : memref<128x64xf32, #tpu.memory_space<vmem>>)
    %dma_start3A_368 = arith.constant 76 : i32
    %dma_start3A_369 = arith.constant 0 : i32
    %dma_start3A_370 = tpu.memref_slice %arg8[%dma_start3A_368, %dma_start3A_369] : memref<79x128xi32, #tpu.memory_space<vmem>> -> memref<1x128xi32, #tpu.memory_space<vmem>>
    %dma_start3A_371 = tpu.memref_squeeze %dma_start3A_370 : memref<1x128xi32, #tpu.memory_space<vmem>> -> memref<128xi32, #tpu.memory_space<vmem>>
    %dma_start3A_372 = arith.constant 0 : i32
    %dma_start3A_373 = arith.constant 0 : i32
    %dma_start3A_374 = tpu.memref_slice %arg14[%dma_start3A_372, %dma_start3A_373] : memref<10240x64xf32, #tpu.memory_space<vmem_shared>> -> memref<10240x64xf32, #tpu.memory_space<vmem_shared>>
    tpu.enqueue_indirect_dma source(%arg9 : memref<128x64xf32, #tpu.memory_space<vmem>>) target(%dma_start3A_374 : memref<10240x64xf32, #tpu.memory_space<vmem_shared>>) offsets(%dma_start3A_371 : memref<128xi32, #tpu.memory_space<vmem>>) semaphore(%arg19 : memref<!tpu.dma_semaphore, #tpu.memory_space<semaphore_mem>>) {add = true}
    %dma_wait3A_375 = arith.constant 0 : i32
    %dma_wait3A_376 = arith.constant 0 : i32
    %dma_wait3A_377 = tpu.memref_slice %arg7[%dma_wait3A_375, %dma_wait3A_376] : memref<79x128xi32, #tpu.memory_space<vmem>> -> memref<1x128xi32, #tpu.memory_space<vmem>>
    %dma_wait3A_378 = tpu.memref_squeeze %dma_wait3A_377 : memref<1x128xi32, #tpu.memory_space<vmem>> -> memref<128xi32, #tpu.memory_space<vmem>>
    %dma_wait3A_379 = arith.constant 0 : i32
    %dma_wait3A_380 = arith.constant 0 : i32
    %dma_wait3A_381 = tpu.memref_slice %arg3[%dma_wait3A_379, %dma_wait3A_380] : memref<10000x64xf32, #tpu.memory_space<hbm>> -> memref<10000x64xf32, #tpu.memory_space<hbm>>
    tpu.wait_indirect_dma semaphore(%arg16 : memref<!tpu.dma_semaphore, #tpu.memory_space<semaphore_mem>>) src(%dma_wait3A_381 : memref<10000x64xf32, #tpu.memory_space<hbm>>) dst(%arg10 : memref<128x64xf32, #tpu.memory_space<vmem>>)
    %dma_start3A_382 = arith.constant 77 : i32
    %dma_start3A_383 = arith.constant 0 : i32
    %dma_start3A_384 = tpu.memref_slice %arg8[%dma_start3A_382, %dma_start3A_383] : memref<79x128xi32, #tpu.memory_space<vmem>> -> memref<1x128xi32, #tpu.memory_space<vmem>>
    %dma_start3A_385 = tpu.memref_squeeze %dma_start3A_384 : memref<1x128xi32, #tpu.memory_space<vmem>> -> memref<128xi32, #tpu.memory_space<vmem>>
    %dma_start3A_386 = arith.constant 0 : i32
    %dma_start3A_387 = arith.constant 0 : i32
    %dma_start3A_388 = tpu.memref_slice %arg14[%dma_start3A_386, %dma_start3A_387] : memref<10240x64xf32, #tpu.memory_space<vmem_shared>> -> memref<10240x64xf32, #tpu.memory_space<vmem_shared>>
    tpu.enqueue_indirect_dma source(%arg10 : memref<128x64xf32, #tpu.memory_space<vmem>>) target(%dma_start3A_388 : memref<10240x64xf32, #tpu.memory_space<vmem_shared>>) offsets(%dma_start3A_385 : memref<128xi32, #tpu.memory_space<vmem>>) semaphore(%arg20 : memref<!tpu.dma_semaphore, #tpu.memory_space<semaphore_mem>>) {add = true}
    %dma_wait3A_389 = arith.constant 0 : i32
    %dma_wait3A_390 = arith.constant 0 : i32
    %dma_wait3A_391 = tpu.memref_slice %arg7[%dma_wait3A_389, %dma_wait3A_390] : memref<79x128xi32, #tpu.memory_space<vmem>> -> memref<1x128xi32, #tpu.memory_space<vmem>>
    %dma_wait3A_392 = tpu.memref_squeeze %dma_wait3A_391 : memref<1x128xi32, #tpu.memory_space<vmem>> -> memref<128xi32, #tpu.memory_space<vmem>>
    %dma_wait3A_393 = arith.constant 0 : i32
    %dma_wait3A_394 = arith.constant 0 : i32
    %dma_wait3A_395 = tpu.memref_slice %arg3[%dma_wait3A_393, %dma_wait3A_394] : memref<10000x64xf32, #tpu.memory_space<hbm>> -> memref<10000x64xf32, #tpu.memory_space<hbm>>
    tpu.wait_indirect_dma semaphore(%arg17 : memref<!tpu.dma_semaphore, #tpu.memory_space<semaphore_mem>>) src(%dma_wait3A_395 : memref<10000x64xf32, #tpu.memory_space<hbm>>) dst(%arg11 : memref<128x64xf32, #tpu.memory_space<vmem>>)
    %dma_start3A_396 = arith.constant 78 : i32
    %dma_start3A_397 = arith.constant 0 : i32
    %dma_start3A_398 = tpu.memref_slice %arg8[%dma_start3A_396, %dma_start3A_397] : memref<79x128xi32, #tpu.memory_space<vmem>> -> memref<1x128xi32, #tpu.memory_space<vmem>>
    %dma_start3A_399 = tpu.memref_squeeze %dma_start3A_398 : memref<1x128xi32, #tpu.memory_space<vmem>> -> memref<128xi32, #tpu.memory_space<vmem>>
    %dma_start3A_400 = arith.constant 0 : i32
    %dma_start3A_401 = arith.constant 0 : i32
    %dma_start3A_402 = tpu.memref_slice %arg14[%dma_start3A_400, %dma_start3A_401] : memref<10240x64xf32, #tpu.memory_space<vmem_shared>> -> memref<10240x64xf32, #tpu.memory_space<vmem_shared>>
    tpu.enqueue_indirect_dma source(%arg11 : memref<128x64xf32, #tpu.memory_space<vmem>>) target(%dma_start3A_402 : memref<10240x64xf32, #tpu.memory_space<vmem_shared>>) offsets(%dma_start3A_399 : memref<128xi32, #tpu.memory_space<vmem>>) semaphore(%arg21 : memref<!tpu.dma_semaphore, #tpu.memory_space<semaphore_mem>>) {add = true}
    %dma_wait3A_403 = arith.constant 0 : i32
    %dma_wait3A_404 = arith.constant 0 : i32
    %dma_wait3A_405 = tpu.memref_slice %arg8[%dma_wait3A_403, %dma_wait3A_404] : memref<79x128xi32, #tpu.memory_space<vmem>> -> memref<1x128xi32, #tpu.memory_space<vmem>>
    %dma_wait3A_406 = tpu.memref_squeeze %dma_wait3A_405 : memref<1x128xi32, #tpu.memory_space<vmem>> -> memref<128xi32, #tpu.memory_space<vmem>>
    %dma_wait3A_407 = arith.constant 0 : i32
    %dma_wait3A_408 = arith.constant 0 : i32
    %dma_wait3A_409 = tpu.memref_slice %arg14[%dma_wait3A_407, %dma_wait3A_408] : memref<10240x64xf32, #tpu.memory_space<vmem_shared>> -> memref<10240x64xf32, #tpu.memory_space<vmem_shared>>
    tpu.wait_indirect_dma semaphore(%arg19 : memref<!tpu.dma_semaphore, #tpu.memory_space<semaphore_mem>>) src(%arg9 : memref<128x64xf32, #tpu.memory_space<vmem>>) dst(%dma_wait3A_409 : memref<10240x64xf32, #tpu.memory_space<vmem_shared>>)
    %dma_wait3A_410 = arith.constant 0 : i32
    %dma_wait3A_411 = arith.constant 0 : i32
    %dma_wait3A_412 = tpu.memref_slice %arg8[%dma_wait3A_410, %dma_wait3A_411] : memref<79x128xi32, #tpu.memory_space<vmem>> -> memref<1x128xi32, #tpu.memory_space<vmem>>
    %dma_wait3A_413 = tpu.memref_squeeze %dma_wait3A_412 : memref<1x128xi32, #tpu.memory_space<vmem>> -> memref<128xi32, #tpu.memory_space<vmem>>
    %dma_wait3A_414 = arith.constant 0 : i32
    %dma_wait3A_415 = arith.constant 0 : i32
    %dma_wait3A_416 = tpu.memref_slice %arg14[%dma_wait3A_414, %dma_wait3A_415] : memref<10240x64xf32, #tpu.memory_space<vmem_shared>> -> memref<10240x64xf32, #tpu.memory_space<vmem_shared>>
    tpu.wait_indirect_dma semaphore(%arg20 : memref<!tpu.dma_semaphore, #tpu.memory_space<semaphore_mem>>) src(%arg10 : memref<128x64xf32, #tpu.memory_space<vmem>>) dst(%dma_wait3A_416 : memref<10240x64xf32, #tpu.memory_space<vmem_shared>>)
    %dma_wait3A_417 = arith.constant 0 : i32
    %dma_wait3A_418 = arith.constant 0 : i32
    %dma_wait3A_419 = tpu.memref_slice %arg8[%dma_wait3A_417, %dma_wait3A_418] : memref<79x128xi32, #tpu.memory_space<vmem>> -> memref<1x128xi32, #tpu.memory_space<vmem>>
    %dma_wait3A_420 = tpu.memref_squeeze %dma_wait3A_419 : memref<1x128xi32, #tpu.memory_space<vmem>> -> memref<128xi32, #tpu.memory_space<vmem>>
    %dma_wait3A_421 = arith.constant 0 : i32
    %dma_wait3A_422 = arith.constant 0 : i32
    %dma_wait3A_423 = tpu.memref_slice %arg14[%dma_wait3A_421, %dma_wait3A_422] : memref<10240x64xf32, #tpu.memory_space<vmem_shared>> -> memref<10240x64xf32, #tpu.memory_space<vmem_shared>>
    tpu.wait_indirect_dma semaphore(%arg21 : memref<!tpu.dma_semaphore, #tpu.memory_space<semaphore_mem>>) src(%arg11 : memref<128x64xf32, #tpu.memory_space<vmem>>) dst(%dma_wait3A_423 : memref<10240x64xf32, #tpu.memory_space<vmem_shared>>)
    %dma_wait3A_424 = arith.constant 0 : i32
    %dma_wait3A_425 = arith.constant 0 : i32
    %dma_wait3A_426 = tpu.memref_slice %arg8[%dma_wait3A_424, %dma_wait3A_425] : memref<79x128xi32, #tpu.memory_space<vmem>> -> memref<1x128xi32, #tpu.memory_space<vmem>>
    %dma_wait3A_427 = tpu.memref_squeeze %dma_wait3A_426 : memref<1x128xi32, #tpu.memory_space<vmem>> -> memref<128xi32, #tpu.memory_space<vmem>>
    %dma_wait3A_428 = arith.constant 0 : i32
    %dma_wait3A_429 = arith.constant 0 : i32
    %dma_wait3A_430 = tpu.memref_slice %arg14[%dma_wait3A_428, %dma_wait3A_429] : memref<10240x64xf32, #tpu.memory_space<vmem_shared>> -> memref<10240x64xf32, #tpu.memory_space<vmem_shared>>
    tpu.wait_indirect_dma semaphore(%arg22 : memref<!tpu.dma_semaphore, #tpu.memory_space<semaphore_mem>>) src(%arg12 : memref<128x64xf32, #tpu.memory_space<vmem>>) dst(%dma_wait3A_430 : memref<10240x64xf32, #tpu.memory_space<vmem_shared>>)
    %barrier3A_431 = arith.constant 0 : index
    tpu.barrier barrier_id(%barrier3A_431)
    %mul3A_432 = arith.constant 640 : i32
    %mul3A_433 = arith.muli %arg1, %mul3A_432 : i32
    %mul3A_434 = arith.constant 640 : i32
    %mul3A_435 = arith.muli %arg1, %mul3A_434 : i32
    %run_scoped3A_436 = arith.constant 1 : i32
    "tpu.region"() ({
      %run_scoped3A_437 = tpu.sem_alloc : memref<!tpu.dma_semaphore, #tpu.memory_space<semaphore_mem>>
      %dma_start3A_438 = arith.constant 0 : i32
      %dma_start3A_439 = tpu.memref_slice %arg6[%run_scoped3A_436, %arg0, %mul3A_435, %dma_start3A_438] : memref<2x2x10240x64xf32, #tpu.memory_space<hbm>> -> memref<1x1x640x64xf32, #tpu.memory_space<hbm>>
      %dma_start3A_440 = tpu.memref_squeeze %dma_start3A_439 : memref<1x1x640x64xf32, #tpu.memory_space<hbm>> -> memref<640x64xf32, #tpu.memory_space<hbm>>
      %dma_start3A_441 = arith.constant 0 : i32
      %dma_start3A_442 = tpu.memref_slice %arg14[%mul3A_433, %dma_start3A_441] : memref<10240x64xf32, #tpu.memory_space<vmem_shared>> -> memref<640x64xf32, #tpu.memory_space<vmem_shared>>
      tpu.enqueue_dma source(%dma_start3A_442 : memref<640x64xf32, #tpu.memory_space<vmem_shared>>) target(%dma_start3A_440 : memref<640x64xf32, #tpu.memory_space<hbm>>) target_semaphore(%run_scoped3A_437 : memref<!tpu.dma_semaphore, #tpu.memory_space<semaphore_mem>>)
      %dma_wait3A_443 = arith.constant 0 : i32
      %dma_wait3A_444 = tpu.memref_slice %arg6[%run_scoped3A_436, %arg0, %mul3A_435, %dma_wait3A_443] : memref<2x2x10240x64xf32, #tpu.memory_space<hbm>> -> memref<1x1x640x64xf32, #tpu.memory_space<hbm>>
      %dma_wait3A_445 = tpu.memref_squeeze %dma_wait3A_444 : memref<1x1x640x64xf32, #tpu.memory_space<hbm>> -> memref<640x64xf32, #tpu.memory_space<hbm>>
      %dma_wait3A_446 = arith.constant 0 : i32
      %dma_wait3A_447 = tpu.memref_slice %arg14[%mul3A_433, %dma_wait3A_446] : memref<10240x64xf32, #tpu.memory_space<vmem_shared>> -> memref<640x64xf32, #tpu.memory_space<vmem_shared>>
      tpu.wait_dma2 semaphore(%run_scoped3A_437 : memref<!tpu.dma_semaphore, #tpu.memory_space<semaphore_mem>>) src(%dma_wait3A_447 : memref<640x64xf32, #tpu.memory_space<vmem_shared>>) dst(%dma_wait3A_445 : memref<640x64xf32, #tpu.memory_space<hbm>>)
      tpu.yield
    }) : () -> ()
    return
  }
}

module attributes {stable_mosaic.version = 14 : i64} {
  func.func @_scale_body(%arg0: i32, %arg1: memref<2x1000x16xf32, #tpu.memory_space<vmem>>, %arg2: memref<1000x128xf32, #tpu.memory_space<vmem>>, %arg3: memref<128x128xf32, #tpu.memory_space<vmem>>, %arg4: memref<1000x1xf32, #tpu.memory_space<vmem>>, %arg5: memref<1000x64xf32, #tpu.memory_space<vmem>>, %arg6: memref<1000x64xf32, #tpu.memory_space<vmem>>) attributes {dimension_semantics = [#tpu.dimension_semantics<arbitrary>], iteration_bounds = array<i64: 10>, scalar_prefetch = 0 : i64, scratch_operands = 0 : i64, tpu.core_type = #tpu.core_type<tc>, window_params = [{transform_indices = @transform_0, window_bounds = array<i64: 2, 1000, 16>}, {transform_indices = @transform_1, window_bounds = array<i64: 1000, 128>}, {pipeline_mode = #tpu.pipeline_mode<synchronous>, transform_indices = @transform_2, window_bounds = array<i64: 128, 128>}, {transform_indices = @transform_3, window_bounds = array<i64: 1000, 1>}, {transform_indices = @transform_4, window_bounds = array<i64: 1000, 64>}, {transform_indices = @transform_5, window_bounds = array<i64: 1000, 64>}]} {
    %get3A = arith.constant 0 : index
    %get3A_0 = arith.constant 0 : index
    %get3A_1 = arith.constant 0 : index
    %get3A_2 = vector.load %arg1[%get3A, %get3A_0, %get3A_1] : memref<2x1000x16xf32, #tpu.memory_space<vmem>>, vector<2x1000x16xf32>
    %slice3A = vector.extract_strided_slice %get3A_2 {offsets = [0, 0, 0], sizes = [1, 1000, 1], strides = [1, 1, 1]} : vector<2x1000x16xf32> to vector<1x1000x1xf32>
    %squeeze3A = vector.shape_cast %slice3A : vector<1x1000x1xf32> to vector<1000xf32>
    %add3A = arith.constant 1.000000e+00 : f32
    %add3A_3 = vector.broadcast %add3A : f32 to vector<1000xf32>
    %add3A_4 = arith.addf %add3A_3, %squeeze3A : vector<1000xf32>
    %slice3A_5 = vector.extract_strided_slice %get3A_2 {offsets = [1, 0, 0], sizes = [1, 1000, 1], strides = [1, 1, 1]} : vector<2x1000x16xf32> to vector<1x1000x1xf32>
    %squeeze3A_6 = vector.shape_cast %slice3A_5 : vector<1x1000x1xf32> to vector<1000xf32>
    %add3A_7 = arith.addf %add3A_4, %squeeze3A_6 : vector<1000xf32>
    %rsqrt3A = math.rsqrt %add3A_7 : vector<1000xf32>
    %broadcast_in_dim3A = vector.shape_cast %rsqrt3A : vector<1000xf32> to vector<1000x1xf32>
    %swap3A = arith.constant 0 : index
    %swap3A_8 = arith.constant 0 : index
    %swap3A_9 = vector.load %arg4[%swap3A, %swap3A_8] : memref<1000x1xf32, #tpu.memory_space<vmem>>, vector<1000x1xf32>
    tpu.vector_store %arg4[%swap3A, %swap3A_8], %broadcast_in_dim3A {strides = array<i32>} : memref<1000x1xf32, #tpu.memory_space<vmem>>, vector<1000x1xf32>,
    %get3A_10 = arith.constant 0 : index
    %get3A_11 = arith.constant 0 : index
    %get3A_12 = vector.load %arg2[%get3A_10, %get3A_11] : memref<1000x128xf32, #tpu.memory_space<vmem>>, vector<1000x128xf32>
    %get3A_13 = arith.constant 0 : index
    %get3A_14 = arith.constant 0 : index
    %get3A_15 = vector.load %arg3[%get3A_13, %get3A_14] : memref<128x128xf32, #tpu.memory_space<vmem>>, vector<128x128xf32>
    %dot_general3A = arith.constant dense<0.000000e+00> : vector<1000x128xf32>
    %dot_general3A_16 = tpu.matmul %get3A_12, %get3A_15, %dot_general3A {dimension_numbers = #tpu.dot_dimension_numbers<[1], [0], [0], [1], [0, 0, 1, 1], [], []>, transpose_lhs_hint = false} : vector<1000x128xf32>, vector<128x128xf32>, vector<1000x128xf32> -> vector<1000x128xf32>
    %mul3A = vector.broadcast %broadcast_in_dim3A : vector<1000x1xf32> to vector<1000x128xf32>
    %mul3A_17 = arith.mulf %dot_general3A_16, %mul3A : vector<1000x128xf32>
    %slice3A_18 = vector.extract_strided_slice %mul3A_17 {offsets = [0, 0], sizes = [1000, 64], strides = [1, 1]} : vector<1000x128xf32> to vector<1000x64xf32>
    %swap3A_19 = arith.constant 0 : index
    %swap3A_20 = arith.constant 0 : index
    %swap3A_21 = vector.load %arg5[%swap3A_19, %swap3A_20] : memref<1000x64xf32, #tpu.memory_space<vmem>>, vector<1000x64xf32>
    tpu.vector_store %arg5[%swap3A_19, %swap3A_20], %slice3A_18 {strides = array<i32>} : memref<1000x64xf32, #tpu.memory_space<vmem>>, vector<1000x64xf32>,
    %slice3A_22 = vector.extract_strided_slice %mul3A_17 {offsets = [0, 64], sizes = [1000, 64], strides = [1, 1]} : vector<1000x128xf32> to vector<1000x64xf32>
    %swap3A_23 = arith.constant 0 : index
    %swap3A_24 = arith.constant 0 : index
    %swap3A_25 = vector.load %arg6[%swap3A_23, %swap3A_24] : memref<1000x64xf32, #tpu.memory_space<vmem>>, vector<1000x64xf32>
    tpu.vector_store %arg6[%swap3A_23, %swap3A_24], %slice3A_22 {strides = array<i32>} : memref<1000x64xf32, #tpu.memory_space<vmem>>, vector<1000x64xf32>,
    return
  }
  func.func @transform_0(%arg0: i32) -> (i32, i32, i32) {
    %c0_i32 = arith.constant 0 : i32
    %c0_i32_0 = arith.constant 0 : i32
    %c0_i32_1 = arith.constant 0 : i32
    return %c0_i32, %arg0, %c0_i32_0 : i32, i32, i32
  }
  func.func @transform_1(%arg0: i32) -> (i32, i32) {
    %c0_i32 = arith.constant 0 : i32
    %c0_i32_0 = arith.constant 0 : i32
    return %arg0, %c0_i32 : i32, i32
  }
  func.func @transform_2(%arg0: i32) -> (i32, i32) {
    %c0_i32 = arith.constant 0 : i32
    %c0_i32_0 = arith.constant 0 : i32
    %c0_i32_1 = arith.constant 0 : i32
    return %c0_i32, %c0_i32_0 : i32, i32
  }
  func.func @transform_3(%arg0: i32) -> (i32, i32) {
    %c0_i32 = arith.constant 0 : i32
    %c0_i32_0 = arith.constant 0 : i32
    return %arg0, %c0_i32 : i32, i32
  }
  func.func @transform_4(%arg0: i32) -> (i32, i32) {
    %c0_i32 = arith.constant 0 : i32
    %c0_i32_0 = arith.constant 0 : i32
    return %arg0, %c0_i32 : i32, i32
  }
  func.func @transform_5(%arg0: i32) -> (i32, i32) {
    %c0_i32 = arith.constant 0 : i32
    %c0_i32_0 = arith.constant 0 : i32
    return %arg0, %c0_i32 : i32, i32
  }
}

module attributes {stable_mosaic.version = 14 : i64} {
  func.func @_mid_body(%arg0: i32, %arg1: memref<2x2x1000x64xf32, #tpu.memory_space<vmem>>, %arg2: memref<1000x64xf32, #tpu.memory_space<vmem>>, %arg3: memref<1000x64xf32, #tpu.memory_space<vmem>>, %arg4: memref<1000x1xf32, #tpu.memory_space<vmem>>, %arg5: memref<1x128xf32, #tpu.memory_space<vmem>>, %arg6: memref<128x128xf32, #tpu.memory_space<vmem>>, %arg7: memref<1000x64xf32, #tpu.memory_space<vmem>>, %arg8: memref<1000x64xf32, #tpu.memory_space<vmem>>) attributes {dimension_semantics = [#tpu.dimension_semantics<arbitrary>], iteration_bounds = array<i64: 10>, scalar_prefetch = 0 : i64, scratch_operands = 0 : i64, tpu.core_type = #tpu.core_type<tc>, window_params = [{transform_indices = @transform_0, window_bounds = array<i64: 2, 2, 1000, 64>}, {transform_indices = @transform_1, window_bounds = array<i64: 1000, 64>}, {transform_indices = @transform_2, window_bounds = array<i64: 1000, 64>}, {transform_indices = @transform_3, window_bounds = array<i64: 1000, 1>}, {pipeline_mode = #tpu.pipeline_mode<synchronous>, transform_indices = @transform_4, window_bounds = array<i64: 1, 128>}, {pipeline_mode = #tpu.pipeline_mode<synchronous>, transform_indices = @transform_5, window_bounds = array<i64: 128, 128>}, {transform_indices = @transform_6, window_bounds = array<i64: 1000, 64>}, {transform_indices = @transform_7, window_bounds = array<i64: 1000, 64>}]} {
    %get3A = arith.constant 0 : index
    %get3A_0 = arith.constant 0 : index
    %get3A_1 = arith.constant 0 : index
    %get3A_2 = arith.constant 0 : index
    %get3A_3 = vector.load %arg1[%get3A, %get3A_0, %get3A_1, %get3A_2] : memref<2x2x1000x64xf32, #tpu.memory_space<vmem>>, vector<2x2x1000x64xf32>
    %get3A_4 = arith.constant 0 : index
    %get3A_5 = arith.constant 0 : index
    %get3A_6 = vector.load %arg4[%get3A_4, %get3A_5] : memref<1000x1xf32, #tpu.memory_space<vmem>>, vector<1000x1xf32>
    %slice3A = vector.extract_strided_slice %get3A_3 {offsets = [0, 0, 0, 0], sizes = [1, 1, 1000, 64], strides = [1, 1, 1, 1]} : vector<2x2x1000x64xf32> to vector<1x1x1000x64xf32>
    %squeeze3A = vector.shape_cast %slice3A : vector<1x1x1000x64xf32> to vector<1000x64xf32>
    %slice3A_7 = vector.extract_strided_slice %get3A_3 {offsets = [0, 1, 0, 0], sizes = [1, 1, 1000, 64], strides = [1, 1, 1, 1]} : vector<2x2x1000x64xf32> to vector<1x1x1000x64xf32>
    %squeeze3A_8 = vector.shape_cast %slice3A_7 : vector<1x1x1000x64xf32> to vector<1000x64xf32>
    %add3A = arith.addf %squeeze3A, %squeeze3A_8 : vector<1000x64xf32>
    %get3A_9 = arith.constant 0 : index
    %get3A_10 = arith.constant 0 : index
    %get3A_11 = vector.load %arg2[%get3A_9, %get3A_10] : memref<1000x64xf32, #tpu.memory_space<vmem>>, vector<1000x64xf32>
    %add3A_12 = arith.addf %add3A, %get3A_11 : vector<1000x64xf32>
    %slice3A_13 = vector.extract_strided_slice %get3A_3 {offsets = [1, 0, 0, 0], sizes = [1, 1, 1000, 64], strides = [1, 1, 1, 1]} : vector<2x2x1000x64xf32> to vector<1x1x1000x64xf32>
    %squeeze3A_14 = vector.shape_cast %slice3A_13 : vector<1x1x1000x64xf32> to vector<1000x64xf32>
    %slice3A_15 = vector.extract_strided_slice %get3A_3 {offsets = [1, 1, 0, 0], sizes = [1, 1, 1000, 64], strides = [1, 1, 1, 1]} : vector<2x2x1000x64xf32> to vector<1x1x1000x64xf32>
    %squeeze3A_16 = vector.shape_cast %slice3A_15 : vector<1x1x1000x64xf32> to vector<1000x64xf32>
    %add3A_17 = arith.addf %squeeze3A_14, %squeeze3A_16 : vector<1000x64xf32>
    %get3A_18 = arith.constant 0 : index
    %get3A_19 = arith.constant 0 : index
    %get3A_20 = vector.load %arg3[%get3A_18, %get3A_19] : memref<1000x64xf32, #tpu.memory_space<vmem>>, vector<1000x64xf32>
    %add3A_21 = arith.addf %add3A_17, %get3A_20 : vector<1000x64xf32>
    %concatenate3A = tpu.concatenate %add3A_12, %add3A_21 in 1 : vector<1000x64xf32>, vector<1000x64xf32> -> vector<1000x128xf32>
    %mul3A = vector.broadcast %get3A_6 : vector<1000x1xf32> to vector<1000x128xf32>
    %mul3A_22 = arith.mulf %concatenate3A, %mul3A : vector<1000x128xf32>
    %get3A_23 = arith.constant 0 : index
    %get3A_24 = arith.constant 0 : index
    %get3A_25 = vector.load %arg5[%get3A_23, %get3A_24] : memref<1x128xf32, #tpu.memory_space<vmem>>, vector<1x128xf32>
    %add3A_26 = vector.broadcast %get3A_25 : vector<1x128xf32> to vector<1000x128xf32>
    %add3A_27 = arith.addf %mul3A_22, %add3A_26 : vector<1000x128xf32>
    %max3A = arith.constant 0.000000e+00 : f32
    %max3A_28 = vector.broadcast %max3A : f32 to vector<1000x128xf32>
    %max3A_29 = arith.maximumf %add3A_27, %max3A_28 : vector<1000x128xf32>
    %get3A_30 = arith.constant 0 : index
    %get3A_31 = arith.constant 0 : index
    %get3A_32 = vector.load %arg6[%get3A_30, %get3A_31] : memref<128x128xf32, #tpu.memory_space<vmem>>, vector<128x128xf32>
    %dot_general3A = arith.constant dense<0.000000e+00> : vector<1000x128xf32>
    %dot_general3A_33 = tpu.matmul %max3A_29, %get3A_32, %dot_general3A {dimension_numbers = #tpu.dot_dimension_numbers<[1], [0], [0], [1], [0, 0, 1, 1], [], []>, transpose_lhs_hint = false} : vector<1000x128xf32>, vector<128x128xf32>, vector<1000x128xf32> -> vector<1000x128xf32>
    %mul3A_34 = vector.broadcast %get3A_6 : vector<1000x1xf32> to vector<1000x128xf32>
    %mul3A_35 = arith.mulf %dot_general3A_33, %mul3A_34 : vector<1000x128xf32>
    %slice3A_36 = vector.extract_strided_slice %mul3A_35 {offsets = [0, 0], sizes = [1000, 64], strides = [1, 1]} : vector<1000x128xf32> to vector<1000x64xf32>
    %swap3A = arith.constant 0 : index
    %swap3A_37 = arith.constant 0 : index
    %swap3A_38 = vector.load %arg7[%swap3A, %swap3A_37] : memref<1000x64xf32, #tpu.memory_space<vmem>>, vector<1000x64xf32>
    tpu.vector_store %arg7[%swap3A, %swap3A_37], %slice3A_36 {strides = array<i32>} : memref<1000x64xf32, #tpu.memory_space<vmem>>, vector<1000x64xf32>,
    %slice3A_39 = vector.extract_strided_slice %mul3A_35 {offsets = [0, 64], sizes = [1000, 64], strides = [1, 1]} : vector<1000x128xf32> to vector<1000x64xf32>
    %swap3A_40 = arith.constant 0 : index
    %swap3A_41 = arith.constant 0 : index
    %swap3A_42 = vector.load %arg8[%swap3A_40, %swap3A_41] : memref<1000x64xf32, #tpu.memory_space<vmem>>, vector<1000x64xf32>
    tpu.vector_store %arg8[%swap3A_40, %swap3A_41], %slice3A_39 {strides = array<i32>} : memref<1000x64xf32, #tpu.memory_space<vmem>>, vector<1000x64xf32>,
    return
  }
  func.func @transform_0(%arg0: i32) -> (i32, i32, i32, i32) {
    %c0_i32 = arith.constant 0 : i32
    %c0_i32_0 = arith.constant 0 : i32
    %c0_i32_1 = arith.constant 0 : i32
    %c0_i32_2 = arith.constant 0 : i32
    return %c0_i32, %c0_i32_0, %arg0, %c0_i32_1 : i32, i32, i32, i32
  }
  func.func @transform_1(%arg0: i32) -> (i32, i32) {
    %c0_i32 = arith.constant 0 : i32
    %c0_i32_0 = arith.constant 0 : i32
    return %arg0, %c0_i32 : i32, i32
  }
  func.func @transform_2(%arg0: i32) -> (i32, i32) {
    %c0_i32 = arith.constant 0 : i32
    %c0_i32_0 = arith.constant 0 : i32
    return %arg0, %c0_i32 : i32, i32
  }
  func.func @transform_3(%arg0: i32) -> (i32, i32) {
    %c0_i32 = arith.constant 0 : i32
    %c0_i32_0 = arith.constant 0 : i32
    return %arg0, %c0_i32 : i32, i32
  }
  func.func @transform_4(%arg0: i32) -> (i32, i32) {
    %c0_i32 = arith.constant 0 : i32
    %c0_i32_0 = arith.constant 0 : i32
    %c0_i32_1 = arith.constant 0 : i32
    return %c0_i32, %c0_i32_0 : i32, i32
  }
  func.func @transform_5(%arg0: i32) -> (i32, i32) {
    %c0_i32 = arith.constant 0 : i32
    %c0_i32_0 = arith.constant 0 : i32
    %c0_i32_1 = arith.constant 0 : i32
    return %c0_i32, %c0_i32_0 : i32, i32
  }
  func.func @transform_6(%arg0: i32) -> (i32, i32) {
    %c0_i32 = arith.constant 0 : i32
    %c0_i32_0 = arith.constant 0 : i32
    return %arg0, %c0_i32 : i32, i32
  }
  func.func @transform_7(%arg0: i32) -> (i32, i32) {
    %c0_i32 = arith.constant 0 : i32
    %c0_i32_0 = arith.constant 0 : i32
    return %arg0, %c0_i32 : i32, i32
  }
}

module attributes {stable_mosaic.version = 14 : i64} {
  func.func @_final_body(%arg0: i32, %arg1: memref<2x2x1000x64xf32, #tpu.memory_space<vmem>>, %arg2: memref<1000x64xf32, #tpu.memory_space<vmem>>, %arg3: memref<1000x64xf32, #tpu.memory_space<vmem>>, %arg4: memref<1000x1xf32, #tpu.memory_space<vmem>>, %arg5: memref<1x128xf32, #tpu.memory_space<vmem>>, %arg6: memref<1000x128xf32, #tpu.memory_space<vmem>>) attributes {dimension_semantics = [#tpu.dimension_semantics<arbitrary>], iteration_bounds = array<i64: 10>, scalar_prefetch = 0 : i64, scratch_operands = 0 : i64, tpu.core_type = #tpu.core_type<tc>, window_params = [{transform_indices = @transform_0, window_bounds = array<i64: 2, 2, 1000, 64>}, {transform_indices = @transform_1, window_bounds = array<i64: 1000, 64>}, {transform_indices = @transform_2, window_bounds = array<i64: 1000, 64>}, {transform_indices = @transform_3, window_bounds = array<i64: 1000, 1>}, {pipeline_mode = #tpu.pipeline_mode<synchronous>, transform_indices = @transform_4, window_bounds = array<i64: 1, 128>}, {transform_indices = @transform_5, window_bounds = array<i64: 1000, 128>}]} {
    %get3A = arith.constant 0 : index
    %get3A_0 = arith.constant 0 : index
    %get3A_1 = arith.constant 0 : index
    %get3A_2 = arith.constant 0 : index
    %get3A_3 = vector.load %arg1[%get3A, %get3A_0, %get3A_1, %get3A_2] : memref<2x2x1000x64xf32, #tpu.memory_space<vmem>>, vector<2x2x1000x64xf32>
    %slice3A = vector.extract_strided_slice %get3A_3 {offsets = [0, 0, 0, 0], sizes = [1, 1, 1000, 64], strides = [1, 1, 1, 1]} : vector<2x2x1000x64xf32> to vector<1x1x1000x64xf32>
    %squeeze3A = vector.shape_cast %slice3A : vector<1x1x1000x64xf32> to vector<1000x64xf32>
    %slice3A_4 = vector.extract_strided_slice %get3A_3 {offsets = [0, 1, 0, 0], sizes = [1, 1, 1000, 64], strides = [1, 1, 1, 1]} : vector<2x2x1000x64xf32> to vector<1x1x1000x64xf32>
    %squeeze3A_5 = vector.shape_cast %slice3A_4 : vector<1x1x1000x64xf32> to vector<1000x64xf32>
    %add3A = arith.addf %squeeze3A, %squeeze3A_5 : vector<1000x64xf32>
    %get3A_6 = arith.constant 0 : index
    %get3A_7 = arith.constant 0 : index
    %get3A_8 = vector.load %arg2[%get3A_6, %get3A_7] : memref<1000x64xf32, #tpu.memory_space<vmem>>, vector<1000x64xf32>
    %add3A_9 = arith.addf %add3A, %get3A_8 : vector<1000x64xf32>
    %slice3A_10 = vector.extract_strided_slice %get3A_3 {offsets = [1, 0, 0, 0], sizes = [1, 1, 1000, 64], strides = [1, 1, 1, 1]} : vector<2x2x1000x64xf32> to vector<1x1x1000x64xf32>
    %squeeze3A_11 = vector.shape_cast %slice3A_10 : vector<1x1x1000x64xf32> to vector<1000x64xf32>
    %slice3A_12 = vector.extract_strided_slice %get3A_3 {offsets = [1, 1, 0, 0], sizes = [1, 1, 1000, 64], strides = [1, 1, 1, 1]} : vector<2x2x1000x64xf32> to vector<1x1x1000x64xf32>
    %squeeze3A_13 = vector.shape_cast %slice3A_12 : vector<1x1x1000x64xf32> to vector<1000x64xf32>
    %add3A_14 = arith.addf %squeeze3A_11, %squeeze3A_13 : vector<1000x64xf32>
    %get3A_15 = arith.constant 0 : index
    %get3A_16 = arith.constant 0 : index
    %get3A_17 = vector.load %arg3[%get3A_15, %get3A_16] : memref<1000x64xf32, #tpu.memory_space<vmem>>, vector<1000x64xf32>
    %add3A_18 = arith.addf %add3A_14, %get3A_17 : vector<1000x64xf32>
    %concatenate3A = tpu.concatenate %add3A_9, %add3A_18 in 1 : vector<1000x64xf32>, vector<1000x64xf32> -> vector<1000x128xf32>
    %get3A_19 = arith.constant 0 : index
    %get3A_20 = arith.constant 0 : index
    %get3A_21 = vector.load %arg4[%get3A_19, %get3A_20] : memref<1000x1xf32, #tpu.memory_space<vmem>>, vector<1000x1xf32>
    %mul3A = vector.broadcast %get3A_21 : vector<1000x1xf32> to vector<1000x128xf32>
    %mul3A_22 = arith.mulf %concatenate3A, %mul3A : vector<1000x128xf32>
    %get3A_23 = arith.constant 0 : index
    %get3A_24 = arith.constant 0 : index
    %get3A_25 = vector.load %arg5[%get3A_23, %get3A_24] : memref<1x128xf32, #tpu.memory_space<vmem>>, vector<1x128xf32>
    %add3A_26 = vector.broadcast %get3A_25 : vector<1x128xf32> to vector<1000x128xf32>
    %add3A_27 = arith.addf %mul3A_22, %add3A_26 : vector<1000x128xf32>
    %swap3A = arith.constant 0 : index
    %swap3A_28 = arith.constant 0 : index
    %swap3A_29 = vector.load %arg6[%swap3A, %swap3A_28] : memref<1000x128xf32, #tpu.memory_space<vmem>>, vector<1000x128xf32>
    tpu.vector_store %arg6[%swap3A, %swap3A_28], %add3A_27 {strides = array<i32>} : memref<1000x128xf32, #tpu.memory_space<vmem>>, vector<1000x128xf32>,
    return
  }
  func.func @transform_0(%arg0: i32) -> (i32, i32, i32, i32) {
    %c0_i32 = arith.constant 0 : i32
    %c0_i32_0 = arith.constant 0 : i32
    %c0_i32_1 = arith.constant 0 : i32
    %c0_i32_2 = arith.constant 0 : i32
    return %c0_i32, %c0_i32_0, %arg0, %c0_i32_1 : i32, i32, i32, i32
  }
  func.func @transform_1(%arg0: i32) -> (i32, i32) {
    %c0_i32 = arith.constant 0 : i32
    %c0_i32_0 = arith.constant 0 : i32
    return %arg0, %c0_i32 : i32, i32
  }
  func.func @transform_2(%arg0: i32) -> (i32, i32) {
    %c0_i32 = arith.constant 0 : i32
    %c0_i32_0 = arith.constant 0 : i32
    return %arg0, %c0_i32 : i32, i32
  }
  func.func @transform_3(%arg0: i32) -> (i32, i32) {
    %c0_i32 = arith.constant 0 : i32
    %c0_i32_0 = arith.constant 0 : i32
    return %arg0, %c0_i32 : i32, i32
  }
  func.func @transform_4(%arg0: i32) -> (i32, i32) {
    %c0_i32 = arith.constant 0 : i32
    %c0_i32_0 = arith.constant 0 : i32
    %c0_i32_1 = arith.constant 0 : i32
    return %c0_i32, %c0_i32_0 : i32, i32
  }
  func.func @transform_5(%arg0: i32) -> (i32, i32) {
    %c0_i32 = arith.constant 0 : i32
    %c0_i32_0 = arith.constant 0 : i32
    return %arg0, %c0_i32 : i32, i32
  }
}

</mosaic_0001>

<sc_bundles>
// kernel: kernel.11.cloned.1.call-start
scs
__scs_entry_jumppad:
0x0: {  	(pc) =	sbr.rel $0x88, $3  }
0x1: {  	(tag) =	ssettag $0x0;
	lr =	simm.s32 $0x1  }
0x2: {  	[smem:$0x3F9B] =	sst lr;
	_ =	strace $0xD0000000  }
0x3: {  	_ = 	snop  }
0x4: {  	_ = 	snop  }
0x5: {  	_ = 	snop  }
0x6: {  	_ = 	snop  }
0x7: {  	_ = 	snop  }
__scs_overlays_trampoline_lowered:
0x8: {  	[smem:$0x3FAA] =	sst s0  }
0x9: {  	[smem:$0x3FAB] =	sst s1  }
0xa: {  	[smem:$0x3FAC] =	sst s2  }
0xb: {  	[smem:$0x3FAD] =	sst s3  }
0xc: {  	[smem:$0x3FAE] =	sst s4  }
0xd: {  	[smem:$0x3FAF] =	sst s5  }
0xe: {  	[smem:$0x3FB0] =	sst s6  }
0xf: {  	[smem:$0x3FB1] =	sst s7  }
0x10: {  	[smem:$0x3FB2] =	sst s8  }
0x11: {  	[smem:$0x3FB3] =	sst s9;
	s0 =	simm.s32 @!p0 $0x0  }
0x12: {  	s1 =	sld [smem:$0x3F99];
	s0 =	simm.s32 @p0 $0x1  }
0x13: {  	[smem:$0x3FB4] =	sst s0;
	s0 =	simm.s32 @!p1 $0x0  }
0x14: {  	s2 =	sld [smem:$0x3F98];
	s0 =	simm.s32 @p1 $0x1  }
0x15: {  	[smem:$0x3FB5] =	sst s0;
	s0 =	simm.s32 @!p2 $0x0  }
0x16: {  	s3 =	sld [smem:$0x3FDB];
	s0 =	simm.s32 @p2 $0x1  }
0x17: {  	s4 =	simm.s32 $0x1BF5;
	[smem:$0x3FB7] =	sst s0  }
0x18: {  	s0 =	sld [smem:$0x3F9A];
	_ =	swait.ge [sflag:s4], $0x0  }
0x19: {  	s7 =	sld [smem:$0x3F9B]  }
0x1a: {  	s8 =	sadd.s32 $0xFFFFE003, lr  }
0x1b: {  	s9 =	sadd.s32 $0xFFFFFEF7, lr;
	s5 =	simm.s32 $0xFFFFFFFF;
	p2 =	slt.u32 s8, $0xFFFFF086  }
0x1c: {  	p1 =	slt.u32 s9, $0xF7A;
	s5 =	simm.s32 @!p2 $0x0  }
0x1d: {  	s5 =	simm.s32 @p1 $0x1;
	p0 =	seq.s32 s7, s2  }
0x1e: {  	s7 =	smul.u32 @!p0 $0xF7A, s2;
	p2 =	seq.s32 @!p0 s5, $0x0  }
0x1f: {  	s9 =	smul.u32 $0xF7A, s1;
	s8 =	simm.s32 @!p0 $0x1BF5;
	p2 =	por !p2, p0  }
0x20: {  	[sflag:s8] =	ssyncset.s32 @!p0 $0xFFFFF086;
	s6 =	sadd.s32 @!p0 s3, s7;
	s7 =	simm.s32 @!p0 $0x108  }
0x21: {  	s3 =	sadd.s32 s3, s9;
	s6 =	sadd.s32 @!p0 $0x88, s6;
	s7 =	simm.s32 @p2 $0x1082  }
0x22: {  	[simem:s7], [sflag:s8] =	dma.local @!p0 [hbm:s6], $0xF7A  }
0x23: {  	s9 =	sor.u32 $0xD0000000, s2;
	s6 =	simm.s32 $0x108;
	_ =	swait.ge @!p0 [sflag:s8], $0x0  }
0x24: {  	s3 =	sadd.s32 $0x88, s3;
	s6 =	simm.s32 @!p1 $0x1082;
	[sflag:s4] =	ssyncset.s32 $0xFFFFF086  }
0x25: {  	[simem:s6], [sflag:s4] =	dma.local [hbm:s3], $0xF7A  }
0x26: {  	[smem:$0x3F9B] =	sst s1;
	(tag) =	ssettag s2;
	_ =	strace s9  }
0x27: {  	s1 =	sld [smem:$0x3FAB]  }
0x28: {  	s2 =	sld [smem:$0x3FAC]  }
0x29: {  	s4 =	sld [smem:$0x3FAE]  }
0x2a: {  	p0 =	seq.s32 s5, $0x0;
	s5 =	sld [smem:$0x3FAF]  }
0x2b: {  	s6 =	sld [smem:$0x3FB0]  }
0x2c: {  	s7 =	sld [smem:$0x3FB1]  }
0x2d: {  	s3 =	simm.s32 $0x108;
	s8 =	sld [smem:$0x3FB2]  }
0x2e: {  	s3 =	simm.s32 @!p0 $0x1082;
	s9 =	sld [smem:$0x3FB3]  }
0x2f: {  	lr =	sadd.s32 s0, s3;
	s0 =	sld [smem:$0x3FAA]  }
0x30: {  	s3 =	sld [smem:$0x3FAD]  }
0x31: {  	[smem:$0x3FB6] =	sst s10  }
0x32: {  	s10 =	sld [smem:$0x3FB4];
	_ =	sdelay $0x3  }
0x33: {  	p0 =	seq.s32 s10, $0x1;
	s10 =	sld [smem:$0x3FB6];
	_ =	sdelay $0x3  }
0x34: {  	[smem:$0x3FB6] =	sst s10  }
0x35: {  	s10 =	sld [smem:$0x3FB5];
	_ =	sdelay $0x3  }
0x36: {  	p1 =	seq.s32 s10, $0x1;
	s10 =	sld [smem:$0x3FB6];
	_ =	sdelay $0x3  }
0x37: {  	[smem:$0x3FB6] =	sst s10  }
0x38: {  	s10 =	sld [smem:$0x3FB7]  }
0x39: {  	_ = 	snop;
	(pc) =	sbr.ind lr, $3  }
0x3a: {  	_ = 	snop  }
0x3b: {  	_ = 	snop  }
0x3c: {  	p2 =	seq.s32 s10, $0x1;
	s10 =	sld [smem:$0x3FB6]  }
0x3d: {  	_ =	shalt  }
0x3e: {  	_ =	shalt  }
0x3f: {  	_ =	shalt  }
0x40: {  	_ =	shalt  }
0x41: {  	_ =	shalt  }
0x42: {  	_ =	shalt  }
0x43: {  	_ =	shalt  }
0x44: {  	_ =	shalt  }
0x45: {  	_ =	shalt  }
0x46: {  	_ =	shalt  }
0x47: {  	_ =	shalt  }
0x48: {  	_ =	shalt  }
0x49: {  	_ =	shalt  }
0x4a: {  	_ =	shalt  }
0x4b: {  	_ =	shalt  }
0x4c: {  	_ =	shalt  }
0x4d: {  	_ =	shalt  }
0x4e: {  	_ =	shalt  }
0x4f: {  	_ =	shalt  }
0x50: {  	_ =	shalt  }
0x51: {  	_ =	shalt  }
0x52: {  	_ =	shalt  }
0x53: {  	_ =	shalt  }
0x54: {  	_ =	shalt  }
0x55: {  	_ =	shalt  }
0x56: {  	_ =	shalt  }
0x57: {  	_ =	shalt  }
0x58: {  	_ =	shalt  }
0x59: {  	_ =	shalt  }
0x5a: {  	_ =	shalt  }
0x5b: {  	_ =	shalt  }
0x5c: {  	_ =	shalt  }
0x5d: {  	_ =	shalt  }
0x5e: {  	_ =	shalt  }
0x5f: {  	_ =	shalt  }
0x60: {  	_ =	shalt  }
0x61: {  	_ =	shalt  }
0x62: {  	_ =	shalt  }
0x63: {  	_ =	shalt  }
0x64: {  	_ =	shalt  }
0x65: {  	_ =	shalt  }
0x66: {  	_ =	shalt  }
0x67: {  	_ =	shalt  }
0x68: {  	_ =	shalt  }
0x69: {  	_ =	shalt  }
0x6a: {  	_ =	shalt  }
0x6b: {  	_ =	shalt  }
0x6c: {  	_ =	shalt  }
0x6d: {  	_ =	shalt  }
0x6e: {  	_ =	shalt  }
0x6f: {  	_ =	shalt  }
0x70: {  	_ =	shalt  }
0x71: {  	_ =	shalt  }
0x72: {  	_ =	shalt  }
0x73: {  	_ =	shalt  }
0x74: {  	_ =	shalt  }
0x75: {  	_ =	shalt  }
0x76: {  	_ =	shalt  }
0x77: {  	_ =	shalt  }
0x78: {  	_ =	shalt  }
0x79: {  	_ =	shalt  }
0x7a: {  	_ =	shalt  }
0x7b: {  	_ =	shalt  }
0x7c: {  	_ =	shalt  }
0x7d: {  	_ =	shalt  }
0x7e: {  	_ =	shalt  }
0x7f: {  	_ =	shalt  }
0x80: {  	_ =	shalt  }
0x81: {  	_ =	shalt  }
0x82: {  	_ =	shalt  }
0x83: {  	_ =	shalt  }
0x84: {  	_ =	shalt  }
0x85: {  	_ =	shalt  }
0x86: {  	_ =	shalt  }
0x87: {  	_ =	shalt  }
.Lfunc_end0:
.L_simem_size_0:
called_computation.1_lowered:
.L_overlay_start_0:
0x88: {  	s2 =	sld [smem:$0x3FD9]  }
0x89: {  	s3 =	sld [smem:$0x3FFE];
	_ =	sdelay $0x1  }
0x8a: {  	s1 =	srdreg.scid  }
0x8b: {  	s0 =	sand.u32 $0x1, s1  }
0x8c: {  	s16 =	sshll.u32 s0, $0xA;
	s2 =	sadd.s32 s3, s2  }
0x8d: {  	s2 =	sadd.s32 s2, s16  }
0x8e: {  	[smem:$0x3FC2] =	sst s2  }
0x8f: {  	_ = 	snop  }
0x90: {  	(tm) =	ssettm $0x1  }
0x91: {  	s17 =	sld [smem:$0x3FFB];
	_ =	sdelay $0x3  }
0x92: {  	_ =	strace s17  }
0x93: {  	s2 =	sld [smem:$0x3FFC];
	_ =	sdelay $0x3  }
0x94: {  	_ =	strace s2  }
0x95: {  	s2 =	sld [smem:$0x3FFD];
	_ =	sdelay $0x3  }
0x96: {  	_ =	strace s2  }
0x97: {  	_ =	strace $0x8FFFFFFF  }
0x98: {  	s18 =	sld [smem:$0x3FDB];
	_ =	sdelay $0x1  }
0x99: {  	s19 =	simm.s32 $_scs_section_size  }
0x9a: {  	s4 =	simm.s32 $_size__tile_overlayer_lowered;
	s5 =	simm.s32 $_tile_overlayer_lowered  }
0x9b: {  	s22 =	simm.s32 $0x1BFF;
	s21 =	sshll.u32 s5, $0x1;
	s2 =	sadd.s32 s19, s18  }
0x9c: {  	s6 =	simm.s32 $0x0;
	s20 =	sshll.u32 s4, $0x1;
	s4 =	sadd.s32 s21, s2  }
0x9d: {  	[timem:s6], [sflag:s22] =	dma.local [hbm:s4], s20  }
0x9e: {  	_ =	swait.ge [sflag:s22], s20  }
0x9f: {  	s3 =	ssub.s32 $0x0, s20;
	[sflag:s22] =	ssyncset.done $0x0  }
0xa0: {  	[sflag:s22] =	ssyncadd.s32 s3;
	_ =	sdelay $0x1  }
0xa1: {  	s23 =	simm.s32 $0x1B8B  }
0xa2: {  	_ =	swait.ge [sflag:s23], $0x1  }
0xa3: {  	[sflag:s23] =	ssyncset.done $0x0  }
0xa4: {  	s25 =	simm.s32 $0x1B8E;
	s24 =	sld [smem:$0x3FFE];
	[sflag:s23] =	ssyncadd.s32 $0xFFFFFFFF  }
0xa5: {  	s26 =	simm.s32 $execute0_lowered;
	[smem:$0x3FD2] =	sst s25  }
0xa6: {  	s4 =	sshll.u32 s26, $0x1;
	_ =	strace $0x80000049;
	[dreg:$0x1] =	wrdreg $0xFFFFFFFF  }
0xa7: {  	s28 =	simm.s32 $_size_execute0_lowered;
	s2 =	sadd.s32 s2, s4;
	[dreg:$0x0] =	wrdreg $0x0  }
0xa8: {  	s4 =	sshll.u32 s28, $0x1;
	[dreg:$0x2] =	wrdreg s2  }
0xa9: {  	[dreg:$0x3] =	wrdreg s4  }
0xaa: {  	[dreg:$0x4] =	wrdreg $0xC0  }
0xab: {  	_ =	task [dreg:s6], $0x5FFFF  }
0xac: {  	[dreg:$0x1] =	wrdreg $0xFFFFFFFF  }
0xad: {  	[dreg:$0x0] =	wrdreg $0x60  }
0xae: {  	[dreg:$0x2] =	wrdreg s24  }
0xaf: {  	[dreg:$0x3] =	wrdreg $0xEF000  }
0xb0: {  	[dreg:$0x4] =	wrdreg $0x9  }
0xb1: {  	_ =	task.clear_ibuf [dreg:s6], $0x5FFFF;
	_ =	strace $0x90000049  }
0xb2: {  	s29 =	simm.s32 $0x9;
	_ =	strace $0x8000004B  }
0xb3: {  	_ =	swait.ge [sflag:s29], $0x1  }
0xb4: {  	[sflag:s29] =	ssyncadd.s32 $0xFFFFFFFF  }
0xb5: {  	_ =	strace $0x9000004B  }
0xb6: {  	_ =	sfence  }
0xb7: {  	s30 =	sld [smem:$0x0];
	_ =	sdelay $0x2  }
0xb8: {  	s31 =	sshll.u32 s1, $0xD;
	s1 =	sshrl.u32 s1, $0x2  }
0xb9: {  	s3 =	sand.u32 $0x4000, s31;
	s1 =	sadd.s32 s1, s30  }
0xba: {  	s0 =	sor.u32 s3, s0;
	s1 =	sshll.u32 s1, $0x11  }
0xbb: {  	s0 =	sor.u32 s1, s0  }
0xbc: {  	s0 =	sadd.s32 $0x8F2B, s0  }
0xbd: {  	[sflag:s0] =	ssyncadd.remote.s32 $0x1  }
0xbe: {  	_ =	sfence.sel $0xFFFF  }
0xbf: {  	[dreg:$0x0] =	wrdreg $0xFFFFFFFF;
	(pc) =	sbr.abs _section_cstart, $3  }
0xc0: {  	[dreg:$0x1] =	wrdreg $0xFFFFFFFF  }
0xc1: {  	_ =	task.clear_ibuf [dreg:s6], $0x2FFFF;
	_ =	strace $0x9FFFFFFF  }
0xc2: {  	(tm) =	ssettm $0x7FFFFFFF  }
0xc3: {  	_ =	shalt  }
tec
execute0_lowered:
.L_overlay_start_1:
0x0: {  	(tag) =	ssettag $0x1  }
0x1: {  	s0 =	rddreg [dreg:$0x0]  }
0x2: {  	s1 =	rddreg [dreg:$0x1];
	s2 =	srdreg.scid;
	s4 =	simm.s32 $0x0  }
0x3: {  	s8 =	stileid.u32;
	s17 =	simm.s32 $0x9;
	s19 =	simm.s32 $0xCF00  }
0x4: {  	s20 =	simm.s32 $0x80;
	s28 =	simm.s32 $0x1;
	s29 =	simm.s32 $0x2  }
0x5: {  	s30 =	simm.s32 $0x3;
	s31 =	simm.s32 $0x4;
	s18 =	simm.s32 $0x6  }
0x6: {  	s9 =	simm.s32 $0x0;
	s2 =	sand.u32 $0x1, s2;
	s6 =	smul.u32 $0xA000, s8  }
0x7: {  	[smem:$0x7FF] =	sst s4;
	s5 =	sshll.u32 s8, $0x1;
	s8 =	smul.u32 $0x28000, s8  }
0x8: {  	s4 =	sadd.s32 $0x16800, s0;
	s3 =	smul.u32 $0xA0000, s2;
	_ =	strace $0x8000004A  }
0x9: {  	s7 =	sor.u32 s2, s5;
	s5 =	sadd.s32 $0x2A200, s0;
	s2 =	ssub.s32 $0x2, s2  }
0xa: {  	s7 =	smul.u32 $0x4F0, s7;
	s21 =	sshrl.u32 s2, $0x1;
	s23 =	sshrl.u32 s8, $0x2  }
0xb: {  	s25 =	sadd.s32 s6, s1;
	s3 =	sadd.s32 s6, s3;
	s2 =	ssub.s32 s2, s21  }
0xc: {  	s8 =	sadd.s32 s23, s1;
	[dreg:$0x6] =	wrdreg s25;
	s21 =	simm.s32 $0x4F00  }
0xd: {  	s23 =	simm.s32 $0x100;
	s25 =	simm.s32 $0x180;
	s6 =	simm.s32 $0x4E00  }
0xe: {  	s3 =	sshrl.u32 s3, $0x3;
	s7 =	sadd.s32 s7, s0;
	s26 =	smax.u32 s2, $0x1  }
0xf: {  	s13 =	sadd.s32 $0x2000, s8;
	s14 =	sadd.s32 $0x4000, s8;
	s15 =	sadd.s32 $0x6000, s8  }
0x10: {  	s16 =	sadd.s32 $0x8000, s8;
	s2 =	simm.s32 $0x7;
	s0 =	sadd.s32 s3, s0  }
0x11: {  	s22 =	sadd.s32 $0xCA00, s7;
	s7 =	sadd.s32 $0x2C00, s7;
	[dreg:$0x8] =	wrdreg s26  }
0x12: {  	s26 =	simm.s32 $0xAF00;
	s3 =	simm.s32 $0x8;
	[dreg:$0x3] =	wrdreg s22  }
0x13: {  	[dreg:$0x4] =	wrdreg s7;
	s24 =	sadd.s32 $0x3DC00, s0;
	s0 =	sadd.s32 $0x65C00, s0  }
0x14: {  	s22 =	simm.s32 $0x6F00;
	s7 =	simm.s32 $0x4E80;
	[dreg:$0x5] =	wrdreg s24  }
0x15: {  	v0 =	vimm.f32 $0.0e+00;
	[dreg:$0x7] =	wrdreg s0;
	s24 =	simm.s32 $0x8F00;
	s0 =	simm.s32 $0x5  }
.LBB2_1:
0x16: {  	s10 =	simm.s32 $0x0;
	s11 =	rddreg [dreg:$0x3]  }
0x17: {  	[tilespmem:s10], [sflag:$0x9] =	stream.linear.gather [hbm4b:s11+s10], $0x2780, $0x38;
	[tilespmem:$0x18F00] =	vst v63  }
0x18: {  	_ =	swait.ge [sflag:s17], $0x2780  }
0x19: {  	[sflag:s17] =	ssyncset.done $0x0  }
0x1a: {  	s12 =	simm.s32 $0x2780;
	s11 =	rddreg [dreg:$0x4];
	[sflag:s17] =	ssyncadd.s32 $0xFFFFD880  }
0x1b: {  	[tilespmem:s12], [sflag:$0x9] =	stream.linear.gather [hbm4b:s11+s10], $0x2780, $0x38;
	[tilespmem:$0x18F00] =	vst v63  }
0x1c: {  	_ =	swait.ge [sflag:s17], $0x2780  }
0x1d: {  	[sflag:s17] =	ssyncset.done $0x0  }
0x1e: {  	s11 =	simm.s32 $0x100;
	s10 =	simm.s32 $0x0;
	[sflag:s17] =	ssyncadd.s32 $0xFFFFD880  }
.LBB2_2:
0x1f: {  	p0 =	sne.s32 s11, $0x7F00;
	[tilespmem:s10+$0xCF30] =	vst v0;
	s12 =	smov.u32 s11;
	s11 =	sadd.s32 $0x100, s11  }
.Ltmp0:
0x20: {  	[tilespmem:s10+$0xCF20] =	vst v0;
	(pc) =	sbr.rel @p0 .LBB2_2-.Ltmp0, $3  }
0x21: {  	[tilespmem:s10+$0xCF00] =	vst v0  }
0x22: {  	[tilespmem:s10+$0xCF10] =	vst v0;
	_ =	sdelay $0x1  }
0x23: {  	s10 =	sshra.s32 s12, $0x2  }
0x24: {  	[tilespmem:s10+$0xCF30] =	vst v0  }
0x25: {  	[tilespmem:s10+$0xCF20] =	vst v0  }
0x26: {  	[tilespmem:s10+$0xCF00] =	vst v0  }
0x27: {  	[tilespmem:s10+$0xCF10] =	vst v0  }
0x28: {  	[spmem:s8] =	stream.linear.scatter [tilespmem:s19], [sflag:$0x9], $0x2000, $0x38;
	[tilespmem:$0x18F00] =	vst v63  }
0x29: {  	_ =	swait.ge [sflag:s17], $0x2000  }
0x2a: {  	[sflag:s17] =	ssyncset.done $0x0  }
0x2b: {  	[sflag:s17] =	ssyncadd.s32 $0xFFFFE000  }
0x2c: {  	[spmem:s13] =	stream.linear.scatter [tilespmem:s19], [sflag:$0x9], $0x2000, $0x38;
	[tilespmem:$0x18F00] =	vst v63  }
0x2d: {  	_ =	swait.ge [sflag:s17], $0x2000  }
0x2e: {  	[sflag:s17] =	ssyncset.done $0x0  }
0x2f: {  	[sflag:s17] =	ssyncadd.s32 $0xFFFFE000  }
0x30: {  	[spmem:s14] =	stream.linear.scatter [tilespmem:s19], [sflag:$0x9], $0x2000, $0x38;
	[tilespmem:$0x18F00] =	vst v63  }
0x31: {  	_ =	swait.ge [sflag:s17], $0x2000  }
0x32: {  	[sflag:s17] =	ssyncset.done $0x0  }
0x33: {  	[sflag:s17] =	ssyncadd.s32 $0xFFFFE000  }
0x34: {  	[spmem:s15] =	stream.linear.scatter [tilespmem:s19], [sflag:$0x9], $0x2000, $0x38;
	[tilespmem:$0x18F00] =	vst v63  }
0x35: {  	_ =	swait.ge [sflag:s17], $0x2000  }
0x36: {  	[sflag:s17] =	ssyncset.done $0x0  }
0x37: {  	[sflag:s17] =	ssyncadd.s32 $0xFFFFE000  }
0x38: {  	[spmem:s16] =	stream.linear.scatter [tilespmem:s19], [sflag:$0x9], $0x2000, $0x38;
	[tilespmem:$0x18F00] =	vst v63  }
0x39: {  	_ =	swait.ge [sflag:s17], $0x2000  }
0x3a: {  	[sflag:s17] =	ssyncset.done $0x0  }
0x3b: {  	[sflag:s17] =	ssyncadd.s32 $0xFFFFE000  }
0x3c: {  	s11 =	simm.s32 $0x0;
	[bflag:$0x0] =	sbarrier.arrive $0xFFFF  }
0x3d: {  	[tilespmem:s21], [sflag:$0x1] =	stream.indirect.gather [hbm4b:s4+s20], $0x40, s11, s20, $0xb8;
	[tilespmem:$0x18F00] =	vst v63  }
0x3e: {  	_ = 	snop  }
0x3f: {  	[tilespmem:s22], [sflag:$0x2] =	stream.indirect.gather [hbm4b:s4+s20], $0x40, s20, s20, $0xb8;
	[tilespmem:$0x18F00] =	vst v63  }
0x40: {  	_ = 	snop  }
0x41: {  	[tilespmem:s24], [sflag:$0x3] =	stream.indirect.gather [hbm4b:s4+s20], $0x40, s23, s20, $0xb8;
	[tilespmem:$0x18F00] =	vst v63  }
0x42: {  	_ = 	snop  }
0x43: {  	[tilespmem:s26], [sflag:$0x4] =	stream.indirect.gather [hbm4b:s4+s20], $0x40, s25, s20, $0xb8;
	[tilespmem:$0x18F00] =	vst v63  }
0x44: {  	_ =	swait.ge [sflag:s28], $0x2000  }
0x45: {  	[sflag:s28] =	ssyncset.done $0x0  }
0x46: {  	s12 =	simm.s32 $0x2780;
	[sflag:s28] =	ssyncadd.s32 $0xFFFFE000  }
0x47: {  	[spmem:s1] =	stream.indirect.scatter.add.f32 [tilespmem:s21], [sflag:$0x5], $0x40, s12, s20, $0xb8;
	[tilespmem:$0x18F00] =	vst v63  }
0x48: {  	_ =	swait.ge [sflag:s29], $0x2000  }
0x49: {  	[sflag:s29] =	ssyncset.done $0x0  }
0x4a: {  	s11 =	simm.s32 $0x2800;
	[sflag:s29] =	ssyncadd.s32 $0xFFFFE000  }
0x4b: {  	[spmem:s1] =	stream.indirect.scatter.add.f32 [tilespmem:s22], [sflag:$0x6], $0x40, s11, s20, $0xb8;
	[tilespmem:$0x18F00] =	vst v63  }
0x4c: {  	_ =	swait.ge [sflag:s30], $0x2000  }
0x4d: {  	[sflag:s30] =	ssyncset.done $0x0  }
0x4e: {  	s12 =	simm.s32 $0x2880;
	[sflag:s30] =	ssyncadd.s32 $0xFFFFE000  }
0x4f: {  	[spmem:s1] =	stream.indirect.scatter.add.f32 [tilespmem:s24], [sflag:$0x7], $0x40, s12, s20, $0xb8;
	[tilespmem:$0x18F00] =	vst v63  }
0x50: {  	_ =	swait.ge [sflag:s31], $0x2000  }
0x51: {  	[sflag:s31] =	ssyncset.done $0x0  }
0x52: {  	s11 =	simm.s32 $0x2900;
	[sflag:s31] =	ssyncadd.s32 $0xFFFFE000  }
0x53: {  	[spmem:s1] =	stream.indirect.scatter.add.f32 [tilespmem:s26], [sflag:$0x8], $0x40, s11, s20, $0xb8;
	[tilespmem:$0x18F00] =	vst v63  }
0x54: {  	_ =	swait.ge [sflag:s0], $0x2000  }
0x55: {  	[sflag:s0] =	ssyncset.done $0x0  }
0x56: {  	s12 =	simm.s32 $0x200;
	[sflag:s0] =	ssyncadd.s32 $0xFFFFE000  }
0x57: {  	[tilespmem:s21], [sflag:$0x1] =	stream.indirect.gather [hbm4b:s4+s20], $0x40, s12, s20, $0xb8;
	[tilespmem:$0x18F00] =	vst v63  }
0x58: {  	_ =	swait.ge [sflag:s18], $0x2000  }
0x59: {  	[sflag:s18] =	ssyncset.done $0x0  }
0x5a: {  	s11 =	simm.s32 $0x280;
	[sflag:s18] =	ssyncadd.s32 $0xFFFFE000  }
0x5b: {  	[tilespmem:s22], [sflag:$0x2] =	stream.indirect.gather [hbm4b:s4+s20], $0x40, s11, s20, $0xb8;
	[tilespmem:$0x18F00] =	vst v63  }
0x5c: {  	_ =	swait.ge [sflag:s2], $0x2000  }
0x5d: {  	[sflag:s2] =	ssyncset.done $0x0  }
0x5e: {  	s12 =	simm.s32 $0x300;
	[sflag:s2] =	ssyncadd.s32 $0xFFFFE000  }
0x5f: {  	[tilespmem:s24], [sflag:$0x3] =	stream.indirect.gather [hbm4b:s4+s20], $0x40, s12, s20, $0xb8;
	[tilespmem:$0x18F00] =	vst v63  }
0x60: {  	_ =	swait.ge [sflag:s3], $0x2000  }
0x61: {  	[sflag:s3] =	ssyncset.done $0x0  }
0x62: {  	s10 =	simm.s32 $0x800;
	s11 =	simm.s32 $0x380;
	[sflag:s3] =	ssyncadd.s32 $0xFFFFE000  }
.LBB2_4:
0x63: {  	[tilespmem:s26], [sflag:$0x4] =	stream.indirect.gather [hbm4b:s4+s20], $0x40, s11, s20, $0xb8;
	[tilespmem:$0x18F00] =	vst v63  }
0x64: {  	s11 =	smov.u32 s10  }
0x65: {  	p0 =	sne.s32 s10, $0x8800;
	s10 =	sadd.s32 $0x800, s10;
	_ =	swait.ge [sflag:s28], $0x2000  }
0x66: {  	s11 =	sshra.s32 s11, $0x2;
	[sflag:s28] =	ssyncset.done $0x0  }
0x67: {  	s12 =	sadd.s32 $0x2780, s11;
	[sflag:s28] =	ssyncadd.s32 $0xFFFFE000  }
0x68: {  	[spmem:s1] =	stream.indirect.scatter.add.f32 [tilespmem:s21], [sflag:$0x5], $0x40, s12, s20, $0xb8;
	[tilespmem:$0x18F00] =	vst v63  }
0x69: {  	_ =	swait.ge [sflag:s29], $0x2000  }
0x6a: {  	[sflag:s29] =	ssyncset.done $0x0  }
0x6b: {  	s12 =	sadd.s32 $0x2800, s11;
	[sflag:s29] =	ssyncadd.s32 $0xFFFFE000  }
0x6c: {  	[spmem:s1] =	stream.indirect.scatter.add.f32 [tilespmem:s22], [sflag:$0x6], $0x40, s12, s20, $0xb8;
	[tilespmem:$0x18F00] =	vst v63  }
0x6d: {  	_ =	swait.ge [sflag:s30], $0x2000  }
0x6e: {  	[sflag:s30] =	ssyncset.done $0x0  }
0x6f: {  	s12 =	sadd.s32 $0x2880, s11;
	[sflag:s30] =	ssyncadd.s32 $0xFFFFE000  }
0x70: {  	[spmem:s1] =	stream.indirect.scatter.add.f32 [tilespmem:s24], [sflag:$0x7], $0x40, s12, s20, $0xb8;
	[tilespmem:$0x18F00] =	vst v63  }
0x71: {  	_ =	swait.ge [sflag:s31], $0x2000  }
0x72: {  	[sflag:s31] =	ssyncset.done $0x0  }
0x73: {  	s12 =	sadd.s32 $0x2900, s11;
	[sflag:s31] =	ssyncadd.s32 $0xFFFFE000  }
0x74: {  	[spmem:s1] =	stream.indirect.scatter.add.f32 [tilespmem:s26], [sflag:$0x8], $0x40, s12, s20, $0xb8;
	[tilespmem:$0x18F00] =	vst v63  }
0x75: {  	_ =	swait.ge [sflag:s0], $0x2000  }
0x76: {  	[sflag:s0] =	ssyncset.done $0x0  }
0x77: {  	s12 =	sadd.s32 $0x200, s11;
	[sflag:s0] =	ssyncadd.s32 $0xFFFFE000  }
0x78: {  	[tilespmem:s21], [sflag:$0x1] =	stream.indirect.gather [hbm4b:s4+s20], $0x40, s12, s20, $0xb8;
	[tilespmem:$0x18F00] =	vst v63  }
0x79: {  	_ =	swait.ge [sflag:s18], $0x2000  }
0x7a: {  	[sflag:s18] =	ssyncset.done $0x0  }
0x7b: {  	s12 =	sadd.s32 $0x280, s11;
	[sflag:s18] =	ssyncadd.s32 $0xFFFFE000  }
0x7c: {  	[tilespmem:s22], [sflag:$0x2] =	stream.indirect.gather [hbm4b:s4+s20], $0x40, s12, s20, $0xb8;
	[tilespmem:$0x18F00] =	vst v63  }
0x7d: {  	_ =	swait.ge [sflag:s2], $0x2000  }
0x7e: {  	[sflag:s2] =	ssyncset.done $0x0  }
.Ltmp1:
0x7f: {  	s12 =	sadd.s32 $0x300, s11;
	[sflag:s2] =	ssyncadd.s32 $0xFFFFE000;
	(pc) =	sbr.rel @p0 .LBB2_4-.Ltmp1, $4  }
0x80: {  	[tilespmem:s24], [sflag:$0x3] =	stream.indirect.gather [hbm4b:s4+s20], $0x40, s12, s20, $0xb8;
	[tilespmem:$0x18F00] =	vst v63  }
0x81: {  	_ =	swait.ge [sflag:s3], $0x2000  }
0x82: {  	[sflag:s3] =	ssyncset.done $0x0  }
0x83: {  	s11 =	sadd.s32 $0x380, s11;
	[sflag:s3] =	ssyncadd.s32 $0xFFFFE000  }
0x84: {  	[tilespmem:s26], [sflag:$0x4] =	stream.indirect.gather [hbm4b:s4+s20], $0x40, s11, s20, $0xb8;
	[tilespmem:$0x18F00] =	vst v63  }
0x85: {  	_ =	swait.ge [sflag:s28], $0x2000  }
0x86: {  	[sflag:s28] =	ssyncset.done $0x0  }
0x87: {  	s10 =	simm.s32 $0x4B80;
	[sflag:s28] =	ssyncadd.s32 $0xFFFFE000  }
0x88: {  	[spmem:s1] =	stream.indirect.scatter.add.f32 [tilespmem:s21], [sflag:$0x5], $0x40, s10, s20, $0xb8;
	[tilespmem:$0x18F00] =	vst v63  }
0x89: {  	_ =	swait.ge [sflag:s0], $0x2000  }
0x8a: {  	[sflag:s0] =	ssyncset.done $0x0  }
0x8b: {  	s12 =	simm.s32 $0x2600;
	[sflag:s0] =	ssyncadd.s32 $0xFFFFE000  }
0x8c: {  	[tilespmem:s21], [sflag:$0x1] =	stream.indirect.gather [hbm4b:s4+s20], $0x40, s12, s20, $0xb8;
	[tilespmem:$0x18F00] =	vst v63  }
0x8d: {  	_ =	swait.ge [sflag:s29], $0x2000  }
0x8e: {  	[sflag:s29] =	ssyncset.done $0x0  }
0x8f: {  	s11 =	simm.s32 $0x4C00;
	[sflag:s29] =	ssyncadd.s32 $0xFFFFE000  }
0x90: {  	[spmem:s1] =	stream.indirect.scatter.add.f32 [tilespmem:s22], [sflag:$0x6], $0x40, s11, s20, $0xb8;
	[tilespmem:$0x18F00] =	vst v63  }
0x91: {  	_ =	swait.ge [sflag:s18], $0x2000  }
0x92: {  	[sflag:s18] =	ssyncset.done $0x0  }
0x93: {  	s12 =	simm.s32 $0x2680;
	[sflag:s18] =	ssyncadd.s32 $0xFFFFE000  }
0x94: {  	[tilespmem:s22], [sflag:$0x2] =	stream.indirect.gather [hbm4b:s4+s20], $0x40, s12, s20, $0xb8;
	[tilespmem:$0x18F00] =	vst v63  }
0x95: {  	_ =	swait.ge [sflag:s30], $0x2000  }
0x96: {  	[sflag:s30] =	ssyncset.done $0x0  }
0x97: {  	s11 =	simm.s32 $0x4C80;
	[sflag:s30] =	ssyncadd.s32 $0xFFFFE000  }
0x98: {  	[spmem:s1] =	stream.indirect.scatter.add.f32 [tilespmem:s24], [sflag:$0x7], $0x40, s11, s20, $0xb8;
	[tilespmem:$0x18F00] =	vst v63  }
0x99: {  	_ =	swait.ge [sflag:s2], $0x2000  }
0x9a: {  	[sflag:s2] =	ssyncset.done $0x0  }
0x9b: {  	s12 =	simm.s32 $0x2700;
	[sflag:s2] =	ssyncadd.s32 $0xFFFFE000  }
0x9c: {  	[tilespmem:s24], [sflag:$0x3] =	stream.indirect.gather [hbm4b:s4+s20], $0x40, s12, s20, $0xb8;
	[tilespmem:$0x18F00] =	vst v63  }
0x9d: {  	_ =	swait.ge [sflag:s31], $0x2000  }
0x9e: {  	[sflag:s31] =	ssyncset.done $0x0  }
0x9f: {  	s11 =	simm.s32 $0x4D00;
	[sflag:s31] =	ssyncadd.s32 $0xFFFFE000  }
0xa0: {  	[spmem:s1] =	stream.indirect.scatter.add.f32 [tilespmem:s26], [sflag:$0x8], $0x40, s11, s20, $0xb8;
	[tilespmem:$0x18F00] =	vst v63  }
0xa1: {  	_ =	swait.ge [sflag:s28], $0x2000  }
0xa2: {  	[sflag:s28] =	ssyncset.done $0x0  }
0xa3: {  	s12 =	simm.s32 $0x4D80;
	[sflag:s28] =	ssyncadd.s32 $0xFFFFE000  }
0xa4: {  	[spmem:s1] =	stream.indirect.scatter.add.f32 [tilespmem:s21], [sflag:$0x5], $0x40, s12, s20, $0xb8;
	[tilespmem:$0x18F00] =	vst v63  }
0xa5: {  	_ =	swait.ge [sflag:s29], $0x2000  }
0xa6: {  	[sflag:s29] =	ssyncset.done $0x0  }
0xa7: {  	[sflag:s29] =	ssyncadd.s32 $0xFFFFE000  }
0xa8: {  	[spmem:s1] =	stream.indirect.scatter.add.f32 [tilespmem:s22], [sflag:$0x6], $0x40, s6, s20, $0xb8;
	[tilespmem:$0x18F00] =	vst v63  }
0xa9: {  	_ =	swait.ge [sflag:s30], $0x2000  }
0xaa: {  	[sflag:s30] =	ssyncset.done $0x0  }
0xab: {  	[sflag:s30] =	ssyncadd.s32 $0xFFFFE000  }
0xac: {  	[spmem:s1] =	stream.indirect.scatter.add.f32 [tilespmem:s24], [sflag:$0x7], $0x40, s7, s20, $0xb8;
	[tilespmem:$0x18F00] =	vst v63  }
0xad: {  	_ =	swait.ge [sflag:s0], $0x2000  }
0xae: {  	[sflag:s0] =	ssyncset.done $0x0  }
0xaf: {  	[sflag:s0] =	ssyncadd.s32 $0xFFFFE000  }
0xb0: {  	_ =	swait.ge [sflag:s18], $0x2000  }
0xb1: {  	[sflag:s18] =	ssyncset.done $0x0  }
0xb2: {  	[sflag:s18] =	ssyncadd.s32 $0xFFFFE000  }
0xb3: {  	_ =	swait.ge [sflag:s2], $0x2000  }
0xb4: {  	[sflag:s2] =	ssyncset.done $0x0  }
0xb5: {  	[sflag:s2] =	ssyncadd.s32 $0xFFFFE000  }
0xb6: {  	_ =	swait.ge [sflag:s3], $0x2000  }
0xb7: {  	[sflag:s3] =	ssyncset.done $0x0  }
0xb8: {  	[sflag:s3] =	ssyncadd.s32 $0xFFFFE000  }
0xb9: {  	s11 =	simm.s32 $0x0;
	[bflag:$0x0] =	sbarrier.arrive $0xFFFF  }
0xba: {  	[tilespmem:s21], [sflag:$0x1] =	stream.indirect.gather [hbm4b:s5+s20], $0x40, s11, s20, $0xb8;
	[tilespmem:$0x18F00] =	vst v63  }
0xbb: {  	_ = 	snop  }
0xbc: {  	[tilespmem:s22], [sflag:$0x2] =	stream.indirect.gather [hbm4b:s5+s20], $0x40, s20, s20, $0xb8;
	[tilespmem:$0x18F00] =	vst v63  }
0xbd: {  	s12 =	stileid.u32  }
0xbe: {  	[tilespmem:s24], [sflag:$0x3] =	stream.indirect.gather [hbm4b:s5+s20], $0x40, s23, s20, $0xb8;
	[tilespmem:$0x18F00] =	vst v63  }
0xbf: {  	s10 =	sshll.u32 s12, $0x6;
	s23 =	rddreg [dreg:$0x6]  }
0xc0: {  	s10 =	sor.u32 $0x1C09, s10;
	s12 =	rddreg [dreg:$0x5];
	s11 =	sshrl.u32 s23, $0x3  }
0xc1: {  	[tilespmem:s26], [sflag:$0x4] =	stream.indirect.gather [hbm4b:s5+s20], $0x40, s25, s20, $0xb8;
	[tilespmem:$0x18F00] =	vst v63  }
0xc2: {  	[hbm:s12], [sflag:s10] =	dma.local [spmem:s11], $0x1400  }
0xc3: {  	_ =	swait.ge [sflag:s17], $0x1400  }
0xc4: {  	[sflag:s17] =	ssyncset.done $0x0  }
0xc5: {  	[sflag:s17] =	ssyncadd.s32 $0xFFFFEC00  }
0xc6: {  	[spmem:s8] =	stream.linear.scatter [tilespmem:s19], [sflag:$0x9], $0x2000, $0x38;
	[tilespmem:$0x18F00] =	vst v63  }
0xc7: {  	_ =	swait.ge [sflag:s17], $0x2000  }
0xc8: {  	[sflag:s17] =	ssyncset.done $0x0  }
0xc9: {  	[sflag:s17] =	ssyncadd.s32 $0xFFFFE000  }
0xca: {  	[spmem:s13] =	stream.linear.scatter [tilespmem:s19], [sflag:$0x9], $0x2000, $0x38;
	[tilespmem:$0x18F00] =	vst v63  }
0xcb: {  	_ =	swait.ge [sflag:s17], $0x2000  }
0xcc: {  	[sflag:s17] =	ssyncset.done $0x0  }
0xcd: {  	[sflag:s17] =	ssyncadd.s32 $0xFFFFE000  }
0xce: {  	[spmem:s14] =	stream.linear.scatter [tilespmem:s19], [sflag:$0x9], $0x2000, $0x38;
	[tilespmem:$0x18F00] =	vst v63  }
0xcf: {  	_ =	swait.ge [sflag:s17], $0x2000  }
0xd0: {  	[sflag:s17] =	ssyncset.done $0x0  }
0xd1: {  	[sflag:s17] =	ssyncadd.s32 $0xFFFFE000  }
0xd2: {  	[spmem:s15] =	stream.linear.scatter [tilespmem:s19], [sflag:$0x9], $0x2000, $0x38;
	[tilespmem:$0x18F00] =	vst v63  }
0xd3: {  	_ =	swait.ge [sflag:s17], $0x2000  }
0xd4: {  	[sflag:s17] =	ssyncset.done $0x0  }
0xd5: {  	[sflag:s17] =	ssyncadd.s32 $0xFFFFE000  }
0xd6: {  	[spmem:s16] =	stream.linear.scatter [tilespmem:s19], [sflag:$0x9], $0x2000, $0x38;
	[tilespmem:$0x18F00] =	vst v63  }
0xd7: {  	_ =	swait.ge [sflag:s17], $0x2000  }
0xd8: {  	[sflag:s17] =	ssyncset.done $0x0  }
0xd9: {  	[sflag:s17] =	ssyncadd.s32 $0xFFFFE000  }
0xda: {  	[bflag:$0x0] =	sbarrier.arrive $0xFFFF  }
0xdb: {  	_ =	swait.ge [sflag:s28], $0x2000  }
0xdc: {  	[sflag:s28] =	ssyncset.done $0x0  }
0xdd: {  	s25 =	simm.s32 $0x2780;
	[sflag:s28] =	ssyncadd.s32 $0xFFFFE000  }
0xde: {  	[spmem:s1] =	stream.indirect.scatter.add.f32 [tilespmem:s21], [sflag:$0x5], $0x40, s25, s20, $0xb8;
	[tilespmem:$0x18F00] =	vst v63  }
0xdf: {  	_ =	swait.ge [sflag:s29], $0x2000  }
0xe0: {  	[sflag:s29] =	ssyncset.done $0x0  }
0xe1: {  	s23 =	simm.s32 $0x2800;
	[sflag:s29] =	ssyncadd.s32 $0xFFFFE000  }
0xe2: {  	[spmem:s1] =	stream.indirect.scatter.add.f32 [tilespmem:s22], [sflag:$0x6], $0x40, s23, s20, $0xb8;
	[tilespmem:$0x18F00] =	vst v63  }
0xe3: {  	_ =	swait.ge [sflag:s30], $0x2000  }
0xe4: {  	[sflag:s30] =	ssyncset.done $0x0  }
0xe5: {  	s25 =	simm.s32 $0x2880;
	[sflag:s30] =	ssyncadd.s32 $0xFFFFE000  }
0xe6: {  	[spmem:s1] =	stream.indirect.scatter.add.f32 [tilespmem:s24], [sflag:$0x7], $0x40, s25, s20, $0xb8;
	[tilespmem:$0x18F00] =	vst v63  }
0xe7: {  	_ =	swait.ge [sflag:s31], $0x2000  }
0xe8: {  	[sflag:s31] =	ssyncset.done $0x0  }
0xe9: {  	s23 =	simm.s32 $0x2900;
	[sflag:s31] =	ssyncadd.s32 $0xFFFFE000  }
0xea: {  	[spmem:s1] =	stream.indirect.scatter.add.f32 [tilespmem:s26], [sflag:$0x8], $0x40, s23, s20, $0xb8;
	[tilespmem:$0x18F00] =	vst v63  }
0xeb: {  	_ =	swait.ge [sflag:s0], $0x2000  }
0xec: {  	[sflag:s0] =	ssyncset.done $0x0  }
0xed: {  	s25 =	simm.s32 $0x200;
	[sflag:s0] =	ssyncadd.s32 $0xFFFFE000  }
0xee: {  	[tilespmem:s21], [sflag:$0x1] =	stream.indirect.gather [hbm4b:s5+s20], $0x40, s25, s20, $0xb8;
	[tilespmem:$0x18F00] =	vst v63  }
0xef: {  	_ =	swait.ge [sflag:s18], $0x2000  }
0xf0: {  	[sflag:s18] =	ssyncset.done $0x0  }
0xf1: {  	s23 =	simm.s32 $0x280;
	[sflag:s18] =	ssyncadd.s32 $0xFFFFE000  }
0xf2: {  	[tilespmem:s22], [sflag:$0x2] =	stream.indirect.gather [hbm4b:s5+s20], $0x40, s23, s20, $0xb8;
	[tilespmem:$0x18F00] =	vst v63  }
0xf3: {  	_ =	swait.ge [sflag:s2], $0x2000  }
0xf4: {  	[sflag:s2] =	ssyncset.done $0x0  }
0xf5: {  	s25 =	simm.s32 $0x300;
	[sflag:s2] =	ssyncadd.s32 $0xFFFFE000  }
0xf6: {  	[tilespmem:s24], [sflag:$0x3] =	stream.indirect.gather [hbm4b:s5+s20], $0x40, s25, s20, $0xb8;
	[tilespmem:$0x18F00] =	vst v63  }
0xf7: {  	_ =	swait.ge [sflag:s3], $0x2000  }
0xf8: {  	[sflag:s3] =	ssyncset.done $0x0  }
0xf9: {  	s12 =	simm.s32 $0x800;
	s23 =	simm.s32 $0x380;
	[sflag:s3] =	ssyncadd.s32 $0xFFFFE000  }
.LBB2_6:
0xfa: {  	[tilespmem:s26], [sflag:$0x4] =	stream.indirect.gather [hbm4b:s5+s20], $0x40, s23, s20, $0xb8;
	[tilespmem:$0x18F00] =	vst v63  }
0xfb: {  	s23 =	smov.u32 s12  }
0xfc: {  	p0 =	sne.s32 s12, $0x8800;
	s12 =	sadd.s32 $0x800, s12;
	_ =	swait.ge [sflag:s28], $0x2000  }
0xfd: {  	s23 =	sshra.s32 s23, $0x2;
	[sflag:s28] =	ssyncset.done $0x0  }
0xfe: {  	s25 =	sadd.s32 $0x2780, s23;
	[sflag:s28] =	ssyncadd.s32 $0xFFFFE000  }
0xff: {  	[spmem:s1] =	stream.indirect.scatter.add.f32 [tilespmem:s21], [sflag:$0x5], $0x40, s25, s20, $0xb8;
	[tilespmem:$0x18F00] =	vst v63  }
0x100: {  	_ =	swait.ge [sflag:s29], $0x2000  }
0x101: {  	[sflag:s29] =	ssyncset.done $0x0  }
0x102: {  	s25 =	sadd.s32 $0x2800, s23;
	[sflag:s29] =	ssyncadd.s32 $0xFFFFE000  }
0x103: {  	[spmem:s1] =	stream.indirect.scatter.add.f32 [tilespmem:s22], [sflag:$0x6], $0x40, s25, s20, $0xb8;
	[tilespmem:$0x18F00] =	vst v63  }
0x104: {  	_ =	swait.ge [sflag:s30], $0x2000  }
0x105: {  	[sflag:s30] =	ssyncset.done $0x0  }
0x106: {  	s25 =	sadd.s32 $0x2880, s23;
	[sflag:s30] =	ssyncadd.s32 $0xFFFFE000  }
0x107: {  	[spmem:s1] =	stream.indirect.scatter.add.f32 [tilespmem:s24], [sflag:$0x7], $0x40, s25, s20, $0xb8;
	[tilespmem:$0x18F00] =	vst v63  }
0x108: {  	_ =	swait.ge [sflag:s31], $0x2000  }
0x109: {  	[sflag:s31] =	ssyncset.done $0x0  }
0x10a: {  	s25 =	sadd.s32 $0x2900, s23;
	[sflag:s31] =	ssyncadd.s32 $0xFFFFE000  }
0x10b: {  	[spmem:s1] =	stream.indirect.scatter.add.f32 [tilespmem:s26], [sflag:$0x8], $0x40, s25, s20, $0xb8;
	[tilespmem:$0x18F00] =	vst v63  }
0x10c: {  	_ =	swait.ge [sflag:s0], $0x2000  }
0x10d: {  	[sflag:s0] =	ssyncset.done $0x0  }
0x10e: {  	s25 =	sadd.s32 $0x200, s23;
	[sflag:s0] =	ssyncadd.s32 $0xFFFFE000  }
0x10f: {  	[tilespmem:s21], [sflag:$0x1] =	stream.indirect.gather [hbm4b:s5+s20], $0x40, s25, s20, $0xb8;
	[tilespmem:$0x18F00] =	vst v63  }
0x110: {  	_ =	swait.ge [sflag:s18], $0x2000  }
0x111: {  	[sflag:s18] =	ssyncset.done $0x0  }
0x112: {  	s25 =	sadd.s32 $0x280, s23;
	[sflag:s18] =	ssyncadd.s32 $0xFFFFE000  }
0x113: {  	[tilespmem:s22], [sflag:$0x2] =	stream.indirect.gather [hbm4b:s5+s20], $0x40, s25, s20, $0xb8;
	[tilespmem:$0x18F00] =	vst v63  }
0x114: {  	_ =	swait.ge [sflag:s2], $0x2000  }
0x115: {  	[sflag:s2] =	ssyncset.done $0x0  }
.Ltmp2:
0x116: {  	s25 =	sadd.s32 $0x300, s23;
	[sflag:s2] =	ssyncadd.s32 $0xFFFFE000;
	(pc) =	sbr.rel @p0 .LBB2_6-.Ltmp2, $4  }
0x117: {  	[tilespmem:s24], [sflag:$0x3] =	stream.indirect.gather [hbm4b:s5+s20], $0x40, s25, s20, $0xb8;
	[tilespmem:$0x18F00] =	vst v63  }
0x118: {  	_ =	swait.ge [sflag:s3], $0x2000  }
0x119: {  	[sflag:s3] =	ssyncset.done $0x0  }
0x11a: {  	s23 =	sadd.s32 $0x380, s23;
	[sflag:s3] =	ssyncadd.s32 $0xFFFFE000  }
0x11b: {  	[tilespmem:s26], [sflag:$0x4] =	stream.indirect.gather [hbm4b:s5+s20], $0x40, s23, s20, $0xb8;
	[tilespmem:$0x18F00] =	vst v63  }
0x11c: {  	_ =	swait.ge [sflag:s28], $0x2000  }
0x11d: {  	[sflag:s28] =	ssyncset.done $0x0  }
0x11e: {  	s12 =	simm.s32 $0x4B80;
	[sflag:s28] =	ssyncadd.s32 $0xFFFFE000  }
0x11f: {  	[spmem:s1] =	stream.indirect.scatter.add.f32 [tilespmem:s21], [sflag:$0x5], $0x40, s12, s20, $0xb8;
	[tilespmem:$0x18F00] =	vst v63  }
0x120: {  	_ =	swait.ge [sflag:s0], $0x2000  }
0x121: {  	[sflag:s0] =	ssyncset.done $0x0  }
0x122: {  	s25 =	simm.s32 $0x2600;
	[sflag:s0] =	ssyncadd.s32 $0xFFFFE000  }
0x123: {  	[tilespmem:s21], [sflag:$0x1] =	stream.indirect.gather [hbm4b:s5+s20], $0x40, s25, s20, $0xb8;
	[tilespmem:$0x18F00] =	vst v63  }
0x124: {  	_ =	swait.ge [sflag:s29], $0x2000  }
0x125: {  	[sflag:s29] =	ssyncset.done $0x0  }
0x126: {  	s23 =	simm.s32 $0x4C00;
	[sflag:s29] =	ssyncadd.s32 $0xFFFFE000  }
0x127: {  	[spmem:s1] =	stream.indirect.scatter.add.f32 [tilespmem:s22], [sflag:$0x6], $0x40, s23, s20, $0xb8;
	[tilespmem:$0x18F00] =	vst v63  }
0x128: {  	_ =	swait.ge [sflag:s18], $0x2000  }
0x129: {  	[sflag:s18] =	ssyncset.done $0x0  }
0x12a: {  	s25 =	simm.s32 $0x2680;
	[sflag:s18] =	ssyncadd.s32 $0xFFFFE000  }
0x12b: {  	[tilespmem:s22], [sflag:$0x2] =	stream.indirect.gather [hbm4b:s5+s20], $0x40, s25, s20, $0xb8;
	[tilespmem:$0x18F00] =	vst v63  }
0x12c: {  	_ =	swait.ge [sflag:s30], $0x2000  }
0x12d: {  	[sflag:s30] =	ssyncset.done $0x0  }
0x12e: {  	s23 =	simm.s32 $0x4C80;
	[sflag:s30] =	ssyncadd.s32 $0xFFFFE000  }
0x12f: {  	[spmem:s1] =	stream.indirect.scatter.add.f32 [tilespmem:s24], [sflag:$0x7], $0x40, s23, s20, $0xb8;
	[tilespmem:$0x18F00] =	vst v63  }
0x130: {  	_ =	swait.ge [sflag:s2], $0x2000  }
0x131: {  	[sflag:s2] =	ssyncset.done $0x0  }
0x132: {  	s25 =	simm.s32 $0x2700;
	[sflag:s2] =	ssyncadd.s32 $0xFFFFE000  }
0x133: {  	[tilespmem:s24], [sflag:$0x3] =	stream.indirect.gather [hbm4b:s5+s20], $0x40, s25, s20, $0xb8;
	[tilespmem:$0x18F00] =	vst v63  }
0x134: {  	_ =	swait.ge [sflag:s31], $0x2000  }
0x135: {  	[sflag:s31] =	ssyncset.done $0x0  }
0x136: {  	s23 =	simm.s32 $0x4D00;
	[sflag:s31] =	ssyncadd.s32 $0xFFFFE000  }
0x137: {  	[spmem:s1] =	stream.indirect.scatter.add.f32 [tilespmem:s26], [sflag:$0x8], $0x40, s23, s20, $0xb8;
	[tilespmem:$0x18F00] =	vst v63  }
0x138: {  	_ =	swait.ge [sflag:s28], $0x2000  }
0x139: {  	[sflag:s28] =	ssyncset.done $0x0  }
0x13a: {  	s25 =	simm.s32 $0x4D80;
	[sflag:s28] =	ssyncadd.s32 $0xFFFFE000  }
0x13b: {  	[spmem:s1] =	stream.indirect.scatter.add.f32 [tilespmem:s21], [sflag:$0x5], $0x40, s25, s20, $0xb8;
	[tilespmem:$0x18F00] =	vst v63  }
0x13c: {  	_ =	swait.ge [sflag:s29], $0x2000  }
0x13d: {  	[sflag:s29] =	ssyncset.done $0x0  }
0x13e: {  	[sflag:s29] =	ssyncadd.s32 $0xFFFFE000  }
0x13f: {  	[spmem:s1] =	stream.indirect.scatter.add.f32 [tilespmem:s22], [sflag:$0x6], $0x40, s6, s20, $0xb8;
	[tilespmem:$0x18F00] =	vst v63  }
0x140: {  	_ =	swait.ge [sflag:s30], $0x2000  }
0x141: {  	[sflag:s30] =	ssyncset.done $0x0  }
0x142: {  	[sflag:s30] =	ssyncadd.s32 $0xFFFFE000  }
0x143: {  	[spmem:s1] =	stream.indirect.scatter.add.f32 [tilespmem:s24], [sflag:$0x7], $0x40, s7, s20, $0xb8;
	[tilespmem:$0x18F00] =	vst v63  }
0x144: {  	_ =	swait.ge [sflag:s0], $0x2000  }
0x145: {  	[sflag:s0] =	ssyncset.done $0x0  }
0x146: {  	[sflag:s0] =	ssyncadd.s32 $0xFFFFE000  }
0x147: {  	_ =	swait.ge [sflag:s18], $0x2000  }
0x148: {  	[sflag:s18] =	ssyncset.done $0x0  }
0x149: {  	[sflag:s18] =	ssyncadd.s32 $0xFFFFE000  }
0x14a: {  	_ =	swait.ge [sflag:s2], $0x2000  }
0x14b: {  	[sflag:s2] =	ssyncset.done $0x0  }
0x14c: {  	[sflag:s2] =	ssyncadd.s32 $0xFFFFE000  }
0x14d: {  	_ =	swait.ge [sflag:s3], $0x2000  }
0x14e: {  	[sflag:s3] =	ssyncset.done $0x0  }
0x14f: {  	[sflag:s3] =	ssyncadd.s32 $0xFFFFE000  }
0x150: {  	[bflag:$0x0] =	sbarrier.arrive $0xFFFF  }
0x151: {  	s23 =	rddreg [dreg:$0x7]  }
0x152: {  	[hbm:s23], [sflag:s10] =	dma.local [spmem:s11], $0x1400  }
0x153: {  	_ =	swait.ge [sflag:s17], $0x1400  }
0x154: {  	s9 =	sadd.s32 $0x1, s9;
	s25 =	rddreg [dreg:$0x8]  }
0x155: {  	p0 =	sne.s32 s9, s25  }
.Ltmp3:
0x156: {  	_ = 	snop;
	(pc) =	sbr.rel @p0 .LBB2_1-.Ltmp3, $3  }
0x157: {  	_ =	sdelay $0x1  }
0x158: {  	[sflag:s17] =	ssyncset.done $0x0  }
0x159: {  	s23 =	simm.s32 $0x100;
	[sflag:s17] =	ssyncadd.s32 $0xFFFFEC00;
	s25 =	simm.s32 $0x180  }
0x15a: {  	_ =	sfence.sel $0x180000  }
0x15b: {  	[bflag:$0x0] =	sbarrier.arrive $0xFFFF  }
0x15c: {  	_ =	strace $0x9000004A  }
0x15d: {  	s0 =	stileid.u32;
	[bflag:$0x2] =	sbarrier.arrive $0xFFFF  }
0x15e: {  	p0 =	sne.s32 s0, $0x0;
	s0 =	rddreg [dreg:$0x2]  }
0x15f: {  	s0 =	sadd.s32 @!p0 $0x100000, s0  }
0x160: {  	[sflag:s0] =	ssyncadd.tile.s32 @!p0 $0x1;
	_ =	shalt  }
.Lfunc_end2:
_tile_overlayer_lowered:
.L_overlay_start_2:
0x161: {  	(tag) =	ssettag $0x2  }
0x162: {  	s0 =	rddreg [dreg:$0x0];
	s2 =	stileid.u32  }
0x163: {  	s1 =	rddreg [dreg:$0x1];
	p0 =	sne.s32 s2, $0x0  }
0x164: {  	s3 =	rddreg [dreg:$0x2];
	[bflag:$0x3] =	sbarrier.arrive $0xFFFF;
	s2 =	simm.s32 @!p0 $0x1C09  }
0x165: {  	[timem:s3], [sflag:s2] =	dma.local @!p0 [hbm:s0], s1  }
0x166: {  	s0 =	simm.s32 @!p0 $0x9  }
0x167: {  	_ =	swait.ge @!p0 [sflag:s0], s1  }
0x168: {  	s1 =	ssub.s32 @!p0 $0x0, s1;
	[sflag:s0] =	ssyncset.done @!p0 $0x0  }
0x169: {  	[sflag:s0] =	ssyncadd.s32 @!p0 s1  }
0x16a: {  	[bflag:$0x3] =	sbarrier.arrive $0xFFFF  }
0x16b: {  	_ =	shalt  }

// kernel: kernel.14.cloned.1.call-start
scs
__scs_entry_jumppad:
0x0: {  	(pc) =	sbr.rel $0x88, $3  }
0x1: {  	(tag) =	ssettag $0x0;
	lr =	simm.s32 $0x1  }
0x2: {  	[smem:$0x3F9B] =	sst lr;
	_ =	strace $0xD0000000  }
0x3: {  	_ = 	snop  }
0x4: {  	_ = 	snop  }
0x5: {  	_ = 	snop  }
0x6: {  	_ = 	snop  }
0x7: {  	_ = 	snop  }
__scs_overlays_trampoline_lowered:
0x8: {  	[smem:$0x3FAA] =	sst s0  }
0x9: {  	[smem:$0x3FAB] =	sst s1  }
0xa: {  	[smem:$0x3FAC] =	sst s2  }
0xb: {  	[smem:$0x3FAD] =	sst s3  }
0xc: {  	[smem:$0x3FAE] =	sst s4  }
0xd: {  	[smem:$0x3FAF] =	sst s5  }
0xe: {  	[smem:$0x3FB0] =	sst s6  }
0xf: {  	[smem:$0x3FB1] =	sst s7  }
0x10: {  	[smem:$0x3FB2] =	sst s8  }
0x11: {  	[smem:$0x3FB3] =	sst s9;
	s0 =	simm.s32 @!p0 $0x0  }
0x12: {  	s1 =	sld [smem:$0x3F99];
	s0 =	simm.s32 @p0 $0x1  }
0x13: {  	[smem:$0x3FB4] =	sst s0;
	s0 =	simm.s32 @!p1 $0x0  }
0x14: {  	s2 =	sld [smem:$0x3F98];
	s0 =	simm.s32 @p1 $0x1  }
0x15: {  	[smem:$0x3FB5] =	sst s0;
	s0 =	simm.s32 @!p2 $0x0  }
0x16: {  	s3 =	sld [smem:$0x3FDB];
	s0 =	simm.s32 @p2 $0x1  }
0x17: {  	s4 =	simm.s32 $0x1BF5;
	[smem:$0x3FB7] =	sst s0  }
0x18: {  	s0 =	sld [smem:$0x3F9A];
	_ =	swait.ge [sflag:s4], $0x0  }
0x19: {  	s7 =	sld [smem:$0x3F9B]  }
0x1a: {  	s8 =	sadd.s32 $0xFFFFE003, lr  }
0x1b: {  	s9 =	sadd.s32 $0xFFFFFEF7, lr;
	s5 =	simm.s32 $0xFFFFFFFF;
	p2 =	slt.u32 s8, $0xFFFFF086  }
0x1c: {  	p1 =	slt.u32 s9, $0xF7A;
	s5 =	simm.s32 @!p2 $0x0  }
0x1d: {  	s5 =	simm.s32 @p1 $0x1;
	p0 =	seq.s32 s7, s2  }
0x1e: {  	s7 =	smul.u32 @!p0 $0xF7A, s2;
	p2 =	seq.s32 @!p0 s5, $0x0  }
0x1f: {  	s9 =	smul.u32 $0xF7A, s1;
	s8 =	simm.s32 @!p0 $0x1BF5;
	p2 =	por !p2, p0  }
0x20: {  	[sflag:s8] =	ssyncset.s32 @!p0 $0xFFFFF086;
	s6 =	sadd.s32 @!p0 s3, s7;
	s7 =	simm.s32 @!p0 $0x108  }
0x21: {  	s3 =	sadd.s32 s3, s9;
	s6 =	sadd.s32 @!p0 $0x88, s6;
	s7 =	simm.s32 @p2 $0x1082  }
0x22: {  	[simem:s7], [sflag:s8] =	dma.local @!p0 [hbm:s6], $0xF7A  }
0x23: {  	s9 =	sor.u32 $0xD0000000, s2;
	s6 =	simm.s32 $0x108;
	_ =	swait.ge @!p0 [sflag:s8], $0x0  }
0x24: {  	s3 =	sadd.s32 $0x88, s3;
	s6 =	simm.s32 @!p1 $0x1082;
	[sflag:s4] =	ssyncset.s32 $0xFFFFF086  }
0x25: {  	[simem:s6], [sflag:s4] =	dma.local [hbm:s3], $0xF7A  }
0x26: {  	[smem:$0x3F9B] =	sst s1;
	(tag) =	ssettag s2;
	_ =	strace s9  }
0x27: {  	s1 =	sld [smem:$0x3FAB]  }
0x28: {  	s2 =	sld [smem:$0x3FAC]  }
0x29: {  	s4 =	sld [smem:$0x3FAE]  }
0x2a: {  	p0 =	seq.s32 s5, $0x0;
	s5 =	sld [smem:$0x3FAF]  }
0x2b: {  	s6 =	sld [smem:$0x3FB0]  }
0x2c: {  	s7 =	sld [smem:$0x3FB1]  }
0x2d: {  	s3 =	simm.s32 $0x108;
	s8 =	sld [smem:$0x3FB2]  }
0x2e: {  	s3 =	simm.s32 @!p0 $0x1082;
	s9 =	sld [smem:$0x3FB3]  }
0x2f: {  	lr =	sadd.s32 s0, s3;
	s0 =	sld [smem:$0x3FAA]  }
0x30: {  	s3 =	sld [smem:$0x3FAD]  }
0x31: {  	[smem:$0x3FB6] =	sst s10  }
0x32: {  	s10 =	sld [smem:$0x3FB4];
	_ =	sdelay $0x3  }
0x33: {  	p0 =	seq.s32 s10, $0x1;
	s10 =	sld [smem:$0x3FB6];
	_ =	sdelay $0x3  }
0x34: {  	[smem:$0x3FB6] =	sst s10  }
0x35: {  	s10 =	sld [smem:$0x3FB5];
	_ =	sdelay $0x3  }
0x36: {  	p1 =	seq.s32 s10, $0x1;
	s10 =	sld [smem:$0x3FB6];
	_ =	sdelay $0x3  }
0x37: {  	[smem:$0x3FB6] =	sst s10  }
0x38: {  	s10 =	sld [smem:$0x3FB7]  }
0x39: {  	_ = 	snop;
	(pc) =	sbr.ind lr, $3  }
0x3a: {  	_ = 	snop  }
0x3b: {  	_ = 	snop  }
0x3c: {  	p2 =	seq.s32 s10, $0x1;
	s10 =	sld [smem:$0x3FB6]  }
0x3d: {  	_ =	shalt  }
0x3e: {  	_ =	shalt  }
0x3f: {  	_ =	shalt  }
0x40: {  	_ =	shalt  }
0x41: {  	_ =	shalt  }
0x42: {  	_ =	shalt  }
0x43: {  	_ =	shalt  }
0x44: {  	_ =	shalt  }
0x45: {  	_ =	shalt  }
0x46: {  	_ =	shalt  }
0x47: {  	_ =	shalt  }
0x48: {  	_ =	shalt  }
0x49: {  	_ =	shalt  }
0x4a: {  	_ =	shalt  }
0x4b: {  	_ =	shalt  }
0x4c: {  	_ =	shalt  }
0x4d: {  	_ =	shalt  }
0x4e: {  	_ =	shalt  }
0x4f: {  	_ =	shalt  }
0x50: {  	_ =	shalt  }
0x51: {  	_ =	shalt  }
0x52: {  	_ =	shalt  }
0x53: {  	_ =	shalt  }
0x54: {  	_ =	shalt  }
0x55: {  	_ =	shalt  }
0x56: {  	_ =	shalt  }
0x57: {  	_ =	shalt  }
0x58: {  	_ =	shalt  }
0x59: {  	_ =	shalt  }
0x5a: {  	_ =	shalt  }
0x5b: {  	_ =	shalt  }
0x5c: {  	_ =	shalt  }
0x5d: {  	_ =	shalt  }
0x5e: {  	_ =	shalt  }
0x5f: {  	_ =	shalt  }
0x60: {  	_ =	shalt  }
0x61: {  	_ =	shalt  }
0x62: {  	_ =	shalt  }
0x63: {  	_ =	shalt  }
0x64: {  	_ =	shalt  }
0x65: {  	_ =	shalt  }
0x66: {  	_ =	shalt  }
0x67: {  	_ =	shalt  }
0x68: {  	_ =	shalt  }
0x69: {  	_ =	shalt  }
0x6a: {  	_ =	shalt  }
0x6b: {  	_ =	shalt  }
0x6c: {  	_ =	shalt  }
0x6d: {  	_ =	shalt  }
0x6e: {  	_ =	shalt  }
0x6f: {  	_ =	shalt  }
0x70: {  	_ =	shalt  }
0x71: {  	_ =	shalt  }
0x72: {  	_ =	shalt  }
0x73: {  	_ =	shalt  }
0x74: {  	_ =	shalt  }
0x75: {  	_ =	shalt  }
0x76: {  	_ =	shalt  }
0x77: {  	_ =	shalt  }
0x78: {  	_ =	shalt  }
0x79: {  	_ =	shalt  }
0x7a: {  	_ =	shalt  }
0x7b: {  	_ =	shalt  }
0x7c: {  	_ =	shalt  }
0x7d: {  	_ =	shalt  }
0x7e: {  	_ =	shalt  }
0x7f: {  	_ =	shalt  }
0x80: {  	_ =	shalt  }
0x81: {  	_ =	shalt  }
0x82: {  	_ =	shalt  }
0x83: {  	_ =	shalt  }
0x84: {  	_ =	shalt  }
0x85: {  	_ =	shalt  }
0x86: {  	_ =	shalt  }
0x87: {  	_ =	shalt  }
.Lfunc_end0:
.L_simem_size_0:
called_computation.2_lowered:
.L_overlay_start_0:
0x88: {  	s2 =	sld [smem:$0x3FD9]  }
0x89: {  	s3 =	sld [smem:$0x3FFE];
	_ =	sdelay $0x1  }
0x8a: {  	s1 =	srdreg.scid  }
0x8b: {  	s0 =	sand.u32 $0x1, s1  }
0x8c: {  	s16 =	sshll.u32 s0, $0xA;
	s2 =	sadd.s32 s3, s2  }
0x8d: {  	s2 =	sadd.s32 s2, s16  }
0x8e: {  	[smem:$0x3FC2] =	sst s2  }
0x8f: {  	_ = 	snop  }
0x90: {  	(tm) =	ssettm $0x1  }
0x91: {  	s17 =	sld [smem:$0x3FFB];
	_ =	sdelay $0x3  }
0x92: {  	_ =	strace s17  }
0x93: {  	s2 =	sld [smem:$0x3FFC];
	_ =	sdelay $0x3  }
0x94: {  	_ =	strace s2  }
0x95: {  	s2 =	sld [smem:$0x3FFD];
	_ =	sdelay $0x3  }
0x96: {  	_ =	strace s2  }
0x97: {  	_ =	strace $0x8FFFFFFF  }
0x98: {  	s18 =	sld [smem:$0x3FDB];
	_ =	sdelay $0x1  }
0x99: {  	s19 =	simm.s32 $_scs_section_size  }
0x9a: {  	s4 =	simm.s32 $_size__tile_overlayer_lowered;
	s5 =	simm.s32 $_tile_overlayer_lowered  }
0x9b: {  	s22 =	simm.s32 $0x1BFF;
	s21 =	sshll.u32 s5, $0x1;
	s2 =	sadd.s32 s19, s18  }
0x9c: {  	s6 =	simm.s32 $0x0;
	s20 =	sshll.u32 s4, $0x1;
	s4 =	sadd.s32 s21, s2  }
0x9d: {  	[timem:s6], [sflag:s22] =	dma.local [hbm:s4], s20  }
0x9e: {  	_ =	swait.ge [sflag:s22], s20  }
0x9f: {  	s3 =	ssub.s32 $0x0, s20;
	[sflag:s22] =	ssyncset.done $0x0  }
0xa0: {  	[sflag:s22] =	ssyncadd.s32 s3;
	_ =	sdelay $0x1  }
0xa1: {  	s23 =	simm.s32 $0x1B8B  }
0xa2: {  	_ =	swait.ge [sflag:s23], $0x1  }
0xa3: {  	[sflag:s23] =	ssyncset.done $0x0  }
0xa4: {  	s25 =	simm.s32 $0x1B8E;
	s24 =	sld [smem:$0x3FFE];
	[sflag:s23] =	ssyncadd.s32 $0xFFFFFFFF  }
0xa5: {  	s26 =	simm.s32 $execute0_lowered;
	[smem:$0x3FD2] =	sst s25  }
0xa6: {  	s4 =	sshll.u32 s26, $0x1;
	_ =	strace $0x8000004C;
	[dreg:$0x1] =	wrdreg $0xFFFFFFFF  }
0xa7: {  	s28 =	simm.s32 $_size_execute0_lowered;
	s2 =	sadd.s32 s2, s4;
	[dreg:$0x0] =	wrdreg $0x0  }
0xa8: {  	s4 =	sshll.u32 s28, $0x1;
	[dreg:$0x2] =	wrdreg s2  }
0xa9: {  	[dreg:$0x3] =	wrdreg s4  }
0xaa: {  	[dreg:$0x4] =	wrdreg $0xC0  }
0xab: {  	_ =	task [dreg:s6], $0x5FFFF  }
0xac: {  	[dreg:$0x1] =	wrdreg $0xFFFFFFFF  }
0xad: {  	[dreg:$0x0] =	wrdreg $0x60  }
0xae: {  	[dreg:$0x2] =	wrdreg s24  }
0xaf: {  	[dreg:$0x3] =	wrdreg $0xEF000  }
0xb0: {  	[dreg:$0x4] =	wrdreg $0x9  }
0xb1: {  	_ =	task.clear_ibuf [dreg:s6], $0x5FFFF;
	_ =	strace $0x9000004C  }
0xb2: {  	s29 =	simm.s32 $0x9;
	_ =	strace $0x8000004E  }
0xb3: {  	_ =	swait.ge [sflag:s29], $0x1  }
0xb4: {  	[sflag:s29] =	ssyncadd.s32 $0xFFFFFFFF  }
0xb5: {  	_ =	strace $0x9000004E  }
0xb6: {  	_ =	sfence  }
0xb7: {  	s30 =	sld [smem:$0x0];
	_ =	sdelay $0x2  }
0xb8: {  	s31 =	sshll.u32 s1, $0xD;
	s1 =	sshrl.u32 s1, $0x2  }
0xb9: {  	s3 =	sand.u32 $0x4000, s31;
	s1 =	sadd.s32 s1, s30  }
0xba: {  	s0 =	sor.u32 s3, s0;
	s1 =	sshll.u32 s1, $0x11  }
0xbb: {  	s0 =	sor.u32 s1, s0  }
0xbc: {  	s0 =	sadd.s32 $0x8F2B, s0  }
0xbd: {  	[sflag:s0] =	ssyncadd.remote.s32 $0x1  }
0xbe: {  	_ =	sfence.sel $0xFFFF  }
0xbf: {  	[dreg:$0x0] =	wrdreg $0xFFFFFFFF;
	(pc) =	sbr.abs _section_cstart, $3  }
0xc0: {  	[dreg:$0x1] =	wrdreg $0xFFFFFFFF  }
0xc1: {  	_ =	task.clear_ibuf [dreg:s6], $0x2FFFF;
	_ =	strace $0x9FFFFFFF  }
0xc2: {  	(tm) =	ssettm $0x7FFFFFFF  }
0xc3: {  	_ =	shalt  }
tec
execute0_lowered:
.L_overlay_start_1:
0x0: {  	(tag) =	ssettag $0x1  }
0x1: {  	s0 =	rddreg [dreg:$0x0]  }
0x2: {  	s1 =	rddreg [dreg:$0x1];
	s2 =	srdreg.scid;
	s4 =	simm.s32 $0x0  }
0x3: {  	s8 =	stileid.u32;
	s17 =	simm.s32 $0x9;
	s19 =	simm.s32 $0xCF00  }
0x4: {  	s20 =	simm.s32 $0x80;
	s28 =	simm.s32 $0x1;
	s29 =	simm.s32 $0x2  }
0x5: {  	s30 =	simm.s32 $0x3;
	s31 =	simm.s32 $0x4;
	s18 =	simm.s32 $0x6  }
0x6: {  	s9 =	simm.s32 $0x0;
	s2 =	sand.u32 $0x1, s2;
	s6 =	smul.u32 $0xA000, s8  }
0x7: {  	[smem:$0x7FF] =	sst s4;
	s5 =	sshll.u32 s8, $0x1;
	s8 =	smul.u32 $0x28000, s8  }
0x8: {  	s4 =	sadd.s32 $0x3DA00, s0;
	s3 =	smul.u32 $0xA0000, s2;
	_ =	strace $0x8000004D  }
0x9: {  	s7 =	sor.u32 s2, s5;
	s5 =	sadd.s32 $0x51400, s0;
	s2 =	ssub.s32 $0x2, s2  }
0xa: {  	s7 =	smul.u32 $0x4F0, s7;
	s21 =	sshrl.u32 s2, $0x1;
	s23 =	sshrl.u32 s8, $0x2  }
0xb: {  	s25 =	sadd.s32 s6, s1;
	s3 =	sadd.s32 s6, s3;
	s2 =	ssub.s32 s2, s21  }
0xc: {  	s8 =	sadd.s32 s23, s1;
	[dreg:$0x6] =	wrdreg s25;
	s21 =	simm.s32 $0x4F00  }
0xd: {  	s23 =	simm.s32 $0x100;
	s25 =	simm.s32 $0x180;
	s6 =	simm.s32 $0x4E00  }
0xe: {  	s3 =	sshrl.u32 s3, $0x3;
	s7 =	sadd.s32 s7, s0;
	s26 =	smax.u32 s2, $0x1  }
0xf: {  	s13 =	sadd.s32 $0x2000, s8;
	s14 =	sadd.s32 $0x4000, s8;
	s15 =	sadd.s32 $0x6000, s8  }
0x10: {  	s16 =	sadd.s32 $0x8000, s8;
	s2 =	simm.s32 $0x7;
	s0 =	sadd.s32 s3, s0  }
0x11: {  	s22 =	sadd.s32 $0xCA00, s7;
	s7 =	sadd.s32 $0x2C00, s7;
	[dreg:$0x8] =	wrdreg s26  }
0x12: {  	s26 =	simm.s32 $0xAF00;
	s3 =	simm.s32 $0x8;
	[dreg:$0x3] =	wrdreg s22  }
0x13: {  	[dreg:$0x4] =	wrdreg s7;
	s24 =	sadd.s32 $0x64E00, s0;
	s0 =	sadd.s32 $0x8CE00, s0  }
0x14: {  	s22 =	simm.s32 $0x6F00;
	s7 =	simm.s32 $0x4E80;
	[dreg:$0x5] =	wrdreg s24  }
0x15: {  	v0 =	vimm.f32 $0.0e+00;
	[dreg:$0x7] =	wrdreg s0;
	s24 =	simm.s32 $0x8F00;
	s0 =	simm.s32 $0x5  }
.LBB2_1:
0x16: {  	s10 =	simm.s32 $0x0;
	s11 =	rddreg [dreg:$0x3]  }
0x17: {  	[tilespmem:s10], [sflag:$0x9] =	stream.linear.gather [hbm4b:s11+s10], $0x2780, $0x38;
	[tilespmem:$0x18F00] =	vst v63  }
0x18: {  	_ =	swait.ge [sflag:s17], $0x2780  }
0x19: {  	[sflag:s17] =	ssyncset.done $0x0  }
0x1a: {  	s12 =	simm.s32 $0x2780;
	s11 =	rddreg [dreg:$0x4];
	[sflag:s17] =	ssyncadd.s32 $0xFFFFD880  }
0x1b: {  	[tilespmem:s12], [sflag:$0x9] =	stream.linear.gather [hbm4b:s11+s10], $0x2780, $0x38;
	[tilespmem:$0x18F00] =	vst v63  }
0x1c: {  	_ =	swait.ge [sflag:s17], $0x2780  }
0x1d: {  	[sflag:s17] =	ssyncset.done $0x0  }
0x1e: {  	s11 =	simm.s32 $0x100;
	s10 =	simm.s32 $0x0;
	[sflag:s17] =	ssyncadd.s32 $0xFFFFD880  }
.LBB2_2:
0x1f: {  	p0 =	sne.s32 s11, $0x7F00;
	[tilespmem:s10+$0xCF30] =	vst v0;
	s12 =	smov.u32 s11;
	s11 =	sadd.s32 $0x100, s11  }
.Ltmp0:
0x20: {  	[tilespmem:s10+$0xCF20] =	vst v0;
	(pc) =	sbr.rel @p0 .LBB2_2-.Ltmp0, $3  }
0x21: {  	[tilespmem:s10+$0xCF00] =	vst v0  }
0x22: {  	[tilespmem:s10+$0xCF10] =	vst v0;
	_ =	sdelay $0x1  }
0x23: {  	s10 =	sshra.s32 s12, $0x2  }
0x24: {  	[tilespmem:s10+$0xCF30] =	vst v0  }
0x25: {  	[tilespmem:s10+$0xCF20] =	vst v0  }
0x26: {  	[tilespmem:s10+$0xCF00] =	vst v0  }
0x27: {  	[tilespmem:s10+$0xCF10] =	vst v0  }
0x28: {  	[spmem:s8] =	stream.linear.scatter [tilespmem:s19], [sflag:$0x9], $0x2000, $0x38;
	[tilespmem:$0x18F00] =	vst v63  }
0x29: {  	_ =	swait.ge [sflag:s17], $0x2000  }
0x2a: {  	[sflag:s17] =	ssyncset.done $0x0  }
0x2b: {  	[sflag:s17] =	ssyncadd.s32 $0xFFFFE000  }
0x2c: {  	[spmem:s13] =	stream.linear.scatter [tilespmem:s19], [sflag:$0x9], $0x2000, $0x38;
	[tilespmem:$0x18F00] =	vst v63  }
0x2d: {  	_ =	swait.ge [sflag:s17], $0x2000  }
0x2e: {  	[sflag:s17] =	ssyncset.done $0x0  }
0x2f: {  	[sflag:s17] =	ssyncadd.s32 $0xFFFFE000  }
0x30: {  	[spmem:s14] =	stream.linear.scatter [tilespmem:s19], [sflag:$0x9], $0x2000, $0x38;
	[tilespmem:$0x18F00] =	vst v63  }
0x31: {  	_ =	swait.ge [sflag:s17], $0x2000  }
0x32: {  	[sflag:s17] =	ssyncset.done $0x0  }
0x33: {  	[sflag:s17] =	ssyncadd.s32 $0xFFFFE000  }
0x34: {  	[spmem:s15] =	stream.linear.scatter [tilespmem:s19], [sflag:$0x9], $0x2000, $0x38;
	[tilespmem:$0x18F00] =	vst v63  }
0x35: {  	_ =	swait.ge [sflag:s17], $0x2000  }
0x36: {  	[sflag:s17] =	ssyncset.done $0x0  }
0x37: {  	[sflag:s17] =	ssyncadd.s32 $0xFFFFE000  }
0x38: {  	[spmem:s16] =	stream.linear.scatter [tilespmem:s19], [sflag:$0x9], $0x2000, $0x38;
	[tilespmem:$0x18F00] =	vst v63  }
0x39: {  	_ =	swait.ge [sflag:s17], $0x2000  }
0x3a: {  	[sflag:s17] =	ssyncset.done $0x0  }
0x3b: {  	[sflag:s17] =	ssyncadd.s32 $0xFFFFE000  }
0x3c: {  	s11 =	simm.s32 $0x0;
	[bflag:$0x0] =	sbarrier.arrive $0xFFFF  }
0x3d: {  	[tilespmem:s21], [sflag:$0x1] =	stream.indirect.gather [hbm4b:s4+s20], $0x40, s11, s20, $0xb8;
	[tilespmem:$0x18F00] =	vst v63  }
0x3e: {  	_ = 	snop  }
0x3f: {  	[tilespmem:s22], [sflag:$0x2] =	stream.indirect.gather [hbm4b:s4+s20], $0x40, s20, s20, $0xb8;
	[tilespmem:$0x18F00] =	vst v63  }
0x40: {  	_ = 	snop  }
0x41: {  	[tilespmem:s24], [sflag:$0x3] =	stream.indirect.gather [hbm4b:s4+s20], $0x40, s23, s20, $0xb8;
	[tilespmem:$0x18F00] =	vst v63  }
0x42: {  	_ = 	snop  }
0x43: {  	[tilespmem:s26], [sflag:$0x4] =	stream.indirect.gather [hbm4b:s4+s20], $0x40, s25, s20, $0xb8;
	[tilespmem:$0x18F00] =	vst v63  }
0x44: {  	_ =	swait.ge [sflag:s28], $0x2000  }
0x45: {  	[sflag:s28] =	ssyncset.done $0x0  }
0x46: {  	s12 =	simm.s32 $0x2780;
	[sflag:s28] =	ssyncadd.s32 $0xFFFFE000  }
0x47: {  	[spmem:s1] =	stream.indirect.scatter.add.f32 [tilespmem:s21], [sflag:$0x5], $0x40, s12, s20, $0xb8;
	[tilespmem:$0x18F00] =	vst v63  }
0x48: {  	_ =	swait.ge [sflag:s29], $0x2000  }
0x49: {  	[sflag:s29] =	ssyncset.done $0x0  }
0x4a: {  	s11 =	simm.s32 $0x2800;
	[sflag:s29] =	ssyncadd.s32 $0xFFFFE000  }
0x4b: {  	[spmem:s1] =	stream.indirect.scatter.add.f32 [tilespmem:s22], [sflag:$0x6], $0x40, s11, s20, $0xb8;
	[tilespmem:$0x18F00] =	vst v63  }
0x4c: {  	_ =	swait.ge [sflag:s30], $0x2000  }
0x4d: {  	[sflag:s30] =	ssyncset.done $0x0  }
0x4e: {  	s12 =	simm.s32 $0x2880;
	[sflag:s30] =	ssyncadd.s32 $0xFFFFE000  }
0x4f: {  	[spmem:s1] =	stream.indirect.scatter.add.f32 [tilespmem:s24], [sflag:$0x7], $0x40, s12, s20, $0xb8;
	[tilespmem:$0x18F00] =	vst v63  }
0x50: {  	_ =	swait.ge [sflag:s31], $0x2000  }
0x51: {  	[sflag:s31] =	ssyncset.done $0x0  }
0x52: {  	s11 =	simm.s32 $0x2900;
	[sflag:s31] =	ssyncadd.s32 $0xFFFFE000  }
0x53: {  	[spmem:s1] =	stream.indirect.scatter.add.f32 [tilespmem:s26], [sflag:$0x8], $0x40, s11, s20, $0xb8;
	[tilespmem:$0x18F00] =	vst v63  }
0x54: {  	_ =	swait.ge [sflag:s0], $0x2000  }
0x55: {  	[sflag:s0] =	ssyncset.done $0x0  }
0x56: {  	s12 =	simm.s32 $0x200;
	[sflag:s0] =	ssyncadd.s32 $0xFFFFE000  }
0x57: {  	[tilespmem:s21], [sflag:$0x1] =	stream.indirect.gather [hbm4b:s4+s20], $0x40, s12, s20, $0xb8;
	[tilespmem:$0x18F00] =	vst v63  }
0x58: {  	_ =	swait.ge [sflag:s18], $0x2000  }
0x59: {  	[sflag:s18] =	ssyncset.done $0x0  }
0x5a: {  	s11 =	simm.s32 $0x280;
	[sflag:s18] =	ssyncadd.s32 $0xFFFFE000  }
0x5b: {  	[tilespmem:s22], [sflag:$0x2] =	stream.indirect.gather [hbm4b:s4+s20], $0x40, s11, s20, $0xb8;
	[tilespmem:$0x18F00] =	vst v63  }
0x5c: {  	_ =	swait.ge [sflag:s2], $0x2000  }
0x5d: {  	[sflag:s2] =	ssyncset.done $0x0  }
0x5e: {  	s12 =	simm.s32 $0x300;
	[sflag:s2] =	ssyncadd.s32 $0xFFFFE000  }
0x5f: {  	[tilespmem:s24], [sflag:$0x3] =	stream.indirect.gather [hbm4b:s4+s20], $0x40, s12, s20, $0xb8;
	[tilespmem:$0x18F00] =	vst v63  }
0x60: {  	_ =	swait.ge [sflag:s3], $0x2000  }
0x61: {  	[sflag:s3] =	ssyncset.done $0x0  }
0x62: {  	s10 =	simm.s32 $0x800;
	s11 =	simm.s32 $0x380;
	[sflag:s3] =	ssyncadd.s32 $0xFFFFE000  }
.LBB2_4:
0x63: {  	[tilespmem:s26], [sflag:$0x4] =	stream.indirect.gather [hbm4b:s4+s20], $0x40, s11, s20, $0xb8;
	[tilespmem:$0x18F00] =	vst v63  }
0x64: {  	s11 =	smov.u32 s10  }
0x65: {  	p0 =	sne.s32 s10, $0x8800;
	s10 =	sadd.s32 $0x800, s10;
	_ =	swait.ge [sflag:s28], $0x2000  }
0x66: {  	s11 =	sshra.s32 s11, $0x2;
	[sflag:s28] =	ssyncset.done $0x0  }
0x67: {  	s12 =	sadd.s32 $0x2780, s11;
	[sflag:s28] =	ssyncadd.s32 $0xFFFFE000  }
0x68: {  	[spmem:s1] =	stream.indirect.scatter.add.f32 [tilespmem:s21], [sflag:$0x5], $0x40, s12, s20, $0xb8;
	[tilespmem:$0x18F00] =	vst v63  }
0x69: {  	_ =	swait.ge [sflag:s29], $0x2000  }
0x6a: {  	[sflag:s29] =	ssyncset.done $0x0  }
0x6b: {  	s12 =	sadd.s32 $0x2800, s11;
	[sflag:s29] =	ssyncadd.s32 $0xFFFFE000  }
0x6c: {  	[spmem:s1] =	stream.indirect.scatter.add.f32 [tilespmem:s22], [sflag:$0x6], $0x40, s12, s20, $0xb8;
	[tilespmem:$0x18F00] =	vst v63  }
0x6d: {  	_ =	swait.ge [sflag:s30], $0x2000  }
0x6e: {  	[sflag:s30] =	ssyncset.done $0x0  }
0x6f: {  	s12 =	sadd.s32 $0x2880, s11;
	[sflag:s30] =	ssyncadd.s32 $0xFFFFE000  }
0x70: {  	[spmem:s1] =	stream.indirect.scatter.add.f32 [tilespmem:s24], [sflag:$0x7], $0x40, s12, s20, $0xb8;
	[tilespmem:$0x18F00] =	vst v63  }
0x71: {  	_ =	swait.ge [sflag:s31], $0x2000  }
0x72: {  	[sflag:s31] =	ssyncset.done $0x0  }
0x73: {  	s12 =	sadd.s32 $0x2900, s11;
	[sflag:s31] =	ssyncadd.s32 $0xFFFFE000  }
0x74: {  	[spmem:s1] =	stream.indirect.scatter.add.f32 [tilespmem:s26], [sflag:$0x8], $0x40, s12, s20, $0xb8;
	[tilespmem:$0x18F00] =	vst v63  }
0x75: {  	_ =	swait.ge [sflag:s0], $0x2000  }
0x76: {  	[sflag:s0] =	ssyncset.done $0x0  }
0x77: {  	s12 =	sadd.s32 $0x200, s11;
	[sflag:s0] =	ssyncadd.s32 $0xFFFFE000  }
0x78: {  	[tilespmem:s21], [sflag:$0x1] =	stream.indirect.gather [hbm4b:s4+s20], $0x40, s12, s20, $0xb8;
	[tilespmem:$0x18F00] =	vst v63  }
0x79: {  	_ =	swait.ge [sflag:s18], $0x2000  }
0x7a: {  	[sflag:s18] =	ssyncset.done $0x0  }
0x7b: {  	s12 =	sadd.s32 $0x280, s11;
	[sflag:s18] =	ssyncadd.s32 $0xFFFFE000  }
0x7c: {  	[tilespmem:s22], [sflag:$0x2] =	stream.indirect.gather [hbm4b:s4+s20], $0x40, s12, s20, $0xb8;
	[tilespmem:$0x18F00] =	vst v63  }
0x7d: {  	_ =	swait.ge [sflag:s2], $0x2000  }
0x7e: {  	[sflag:s2] =	ssyncset.done $0x0  }
.Ltmp1:
0x7f: {  	s12 =	sadd.s32 $0x300, s11;
	[sflag:s2] =	ssyncadd.s32 $0xFFFFE000;
	(pc) =	sbr.rel @p0 .LBB2_4-.Ltmp1, $4  }
0x80: {  	[tilespmem:s24], [sflag:$0x3] =	stream.indirect.gather [hbm4b:s4+s20], $0x40, s12, s20, $0xb8;
	[tilespmem:$0x18F00] =	vst v63  }
0x81: {  	_ =	swait.ge [sflag:s3], $0x2000  }
0x82: {  	[sflag:s3] =	ssyncset.done $0x0  }
0x83: {  	s11 =	sadd.s32 $0x380, s11;
	[sflag:s3] =	ssyncadd.s32 $0xFFFFE000  }
0x84: {  	[tilespmem:s26], [sflag:$0x4] =	stream.indirect.gather [hbm4b:s4+s20], $0x40, s11, s20, $0xb8;
	[tilespmem:$0x18F00] =	vst v63  }
0x85: {  	_ =	swait.ge [sflag:s28], $0x2000  }
0x86: {  	[sflag:s28] =	ssyncset.done $0x0  }
0x87: {  	s10 =	simm.s32 $0x4B80;
	[sflag:s28] =	ssyncadd.s32 $0xFFFFE000  }
0x88: {  	[spmem:s1] =	stream.indirect.scatter.add.f32 [tilespmem:s21], [sflag:$0x5], $0x40, s10, s20, $0xb8;
	[tilespmem:$0x18F00] =	vst v63  }
0x89: {  	_ =	swait.ge [sflag:s0], $0x2000  }
0x8a: {  	[sflag:s0] =	ssyncset.done $0x0  }
0x8b: {  	s12 =	simm.s32 $0x2600;
	[sflag:s0] =	ssyncadd.s32 $0xFFFFE000  }
0x8c: {  	[tilespmem:s21], [sflag:$0x1] =	stream.indirect.gather [hbm4b:s4+s20], $0x40, s12, s20, $0xb8;
	[tilespmem:$0x18F00] =	vst v63  }
0x8d: {  	_ =	swait.ge [sflag:s29], $0x2000  }
0x8e: {  	[sflag:s29] =	ssyncset.done $0x0  }
0x8f: {  	s11 =	simm.s32 $0x4C00;
	[sflag:s29] =	ssyncadd.s32 $0xFFFFE000  }
0x90: {  	[spmem:s1] =	stream.indirect.scatter.add.f32 [tilespmem:s22], [sflag:$0x6], $0x40, s11, s20, $0xb8;
	[tilespmem:$0x18F00] =	vst v63  }
0x91: {  	_ =	swait.ge [sflag:s18], $0x2000  }
0x92: {  	[sflag:s18] =	ssyncset.done $0x0  }
0x93: {  	s12 =	simm.s32 $0x2680;
	[sflag:s18] =	ssyncadd.s32 $0xFFFFE000  }
0x94: {  	[tilespmem:s22], [sflag:$0x2] =	stream.indirect.gather [hbm4b:s4+s20], $0x40, s12, s20, $0xb8;
	[tilespmem:$0x18F00] =	vst v63  }
0x95: {  	_ =	swait.ge [sflag:s30], $0x2000  }
0x96: {  	[sflag:s30] =	ssyncset.done $0x0  }
0x97: {  	s11 =	simm.s32 $0x4C80;
	[sflag:s30] =	ssyncadd.s32 $0xFFFFE000  }
0x98: {  	[spmem:s1] =	stream.indirect.scatter.add.f32 [tilespmem:s24], [sflag:$0x7], $0x40, s11, s20, $0xb8;
	[tilespmem:$0x18F00] =	vst v63  }
0x99: {  	_ =	swait.ge [sflag:s2], $0x2000  }
0x9a: {  	[sflag:s2] =	ssyncset.done $0x0  }
0x9b: {  	s12 =	simm.s32 $0x2700;
	[sflag:s2] =	ssyncadd.s32 $0xFFFFE000  }
0x9c: {  	[tilespmem:s24], [sflag:$0x3] =	stream.indirect.gather [hbm4b:s4+s20], $0x40, s12, s20, $0xb8;
	[tilespmem:$0x18F00] =	vst v63  }
0x9d: {  	_ =	swait.ge [sflag:s31], $0x2000  }
0x9e: {  	[sflag:s31] =	ssyncset.done $0x0  }
0x9f: {  	s11 =	simm.s32 $0x4D00;
	[sflag:s31] =	ssyncadd.s32 $0xFFFFE000  }
0xa0: {  	[spmem:s1] =	stream.indirect.scatter.add.f32 [tilespmem:s26], [sflag:$0x8], $0x40, s11, s20, $0xb8;
	[tilespmem:$0x18F00] =	vst v63  }
0xa1: {  	_ =	swait.ge [sflag:s28], $0x2000  }
0xa2: {  	[sflag:s28] =	ssyncset.done $0x0  }
0xa3: {  	s12 =	simm.s32 $0x4D80;
	[sflag:s28] =	ssyncadd.s32 $0xFFFFE000  }
0xa4: {  	[spmem:s1] =	stream.indirect.scatter.add.f32 [tilespmem:s21], [sflag:$0x5], $0x40, s12, s20, $0xb8;
	[tilespmem:$0x18F00] =	vst v63  }
0xa5: {  	_ =	swait.ge [sflag:s29], $0x2000  }
0xa6: {  	[sflag:s29] =	ssyncset.done $0x0  }
0xa7: {  	[sflag:s29] =	ssyncadd.s32 $0xFFFFE000  }
0xa8: {  	[spmem:s1] =	stream.indirect.scatter.add.f32 [tilespmem:s22], [sflag:$0x6], $0x40, s6, s20, $0xb8;
	[tilespmem:$0x18F00] =	vst v63  }
0xa9: {  	_ =	swait.ge [sflag:s30], $0x2000  }
0xaa: {  	[sflag:s30] =	ssyncset.done $0x0  }
0xab: {  	[sflag:s30] =	ssyncadd.s32 $0xFFFFE000  }
0xac: {  	[spmem:s1] =	stream.indirect.scatter.add.f32 [tilespmem:s24], [sflag:$0x7], $0x40, s7, s20, $0xb8;
	[tilespmem:$0x18F00] =	vst v63  }
0xad: {  	_ =	swait.ge [sflag:s0], $0x2000  }
0xae: {  	[sflag:s0] =	ssyncset.done $0x0  }
0xaf: {  	[sflag:s0] =	ssyncadd.s32 $0xFFFFE000  }
0xb0: {  	_ =	swait.ge [sflag:s18], $0x2000  }
0xb1: {  	[sflag:s18] =	ssyncset.done $0x0  }
0xb2: {  	[sflag:s18] =	ssyncadd.s32 $0xFFFFE000  }
0xb3: {  	_ =	swait.ge [sflag:s2], $0x2000  }
0xb4: {  	[sflag:s2] =	ssyncset.done $0x0  }
0xb5: {  	[sflag:s2] =	ssyncadd.s32 $0xFFFFE000  }
0xb6: {  	_ =	swait.ge [sflag:s3], $0x2000  }
0xb7: {  	[sflag:s3] =	ssyncset.done $0x0  }
0xb8: {  	[sflag:s3] =	ssyncadd.s32 $0xFFFFE000  }
0xb9: {  	s11 =	simm.s32 $0x0;
	[bflag:$0x0] =	sbarrier.arrive $0xFFFF  }
0xba: {  	[tilespmem:s21], [sflag:$0x1] =	stream.indirect.gather [hbm4b:s5+s20], $0x40, s11, s20, $0xb8;
	[tilespmem:$0x18F00] =	vst v63  }
0xbb: {  	_ = 	snop  }
0xbc: {  	[tilespmem:s22], [sflag:$0x2] =	stream.indirect.gather [hbm4b:s5+s20], $0x40, s20, s20, $0xb8;
	[tilespmem:$0x18F00] =	vst v63  }
0xbd: {  	s12 =	stileid.u32  }
0xbe: {  	[tilespmem:s24], [sflag:$0x3] =	stream.indirect.gather [hbm4b:s5+s20], $0x40, s23, s20, $0xb8;
	[tilespmem:$0x18F00] =	vst v63  }
0xbf: {  	s10 =	sshll.u32 s12, $0x6;
	s23 =	rddreg [dreg:$0x6]  }
0xc0: {  	s10 =	sor.u32 $0x1C09, s10;
	s12 =	rddreg [dreg:$0x5];
	s11 =	sshrl.u32 s23, $0x3  }
0xc1: {  	[tilespmem:s26], [sflag:$0x4] =	stream.indirect.gather [hbm4b:s5+s20], $0x40, s25, s20, $0xb8;
	[tilespmem:$0x18F00] =	vst v63  }
0xc2: {  	[hbm:s12], [sflag:s10] =	dma.local [spmem:s11], $0x1400  }
0xc3: {  	_ =	swait.ge [sflag:s17], $0x1400  }
0xc4: {  	[sflag:s17] =	ssyncset.done $0x0  }
0xc5: {  	[sflag:s17] =	ssyncadd.s32 $0xFFFFEC00  }
0xc6: {  	[spmem:s8] =	stream.linear.scatter [tilespmem:s19], [sflag:$0x9], $0x2000, $0x38;
	[tilespmem:$0x18F00] =	vst v63  }
0xc7: {  	_ =	swait.ge [sflag:s17], $0x2000  }
0xc8: {  	[sflag:s17] =	ssyncset.done $0x0  }
0xc9: {  	[sflag:s17] =	ssyncadd.s32 $0xFFFFE000  }
0xca: {  	[spmem:s13] =	stream.linear.scatter [tilespmem:s19], [sflag:$0x9], $0x2000, $0x38;
	[tilespmem:$0x18F00] =	vst v63  }
0xcb: {  	_ =	swait.ge [sflag:s17], $0x2000  }
0xcc: {  	[sflag:s17] =	ssyncset.done $0x0  }
0xcd: {  	[sflag:s17] =	ssyncadd.s32 $0xFFFFE000  }
0xce: {  	[spmem:s14] =	stream.linear.scatter [tilespmem:s19], [sflag:$0x9], $0x2000, $0x38;
	[tilespmem:$0x18F00] =	vst v63  }
0xcf: {  	_ =	swait.ge [sflag:s17], $0x2000  }
0xd0: {  	[sflag:s17] =	ssyncset.done $0x0  }
0xd1: {  	[sflag:s17] =	ssyncadd.s32 $0xFFFFE000  }
0xd2: {  	[spmem:s15] =	stream.linear.scatter [tilespmem:s19], [sflag:$0x9], $0x2000, $0x38;
	[tilespmem:$0x18F00] =	vst v63  }
0xd3: {  	_ =	swait.ge [sflag:s17], $0x2000  }
0xd4: {  	[sflag:s17] =	ssyncset.done $0x0  }
0xd5: {  	[sflag:s17] =	ssyncadd.s32 $0xFFFFE000  }
0xd6: {  	[spmem:s16] =	stream.linear.scatter [tilespmem:s19], [sflag:$0x9], $0x2000, $0x38;
	[tilespmem:$0x18F00] =	vst v63  }
0xd7: {  	_ =	swait.ge [sflag:s17], $0x2000  }
0xd8: {  	[sflag:s17] =	ssyncset.done $0x0  }
0xd9: {  	[sflag:s17] =	ssyncadd.s32 $0xFFFFE000  }
0xda: {  	[bflag:$0x0] =	sbarrier.arrive $0xFFFF  }
0xdb: {  	_ =	swait.ge [sflag:s28], $0x2000  }
0xdc: {  	[sflag:s28] =	ssyncset.done $0x0  }
0xdd: {  	s25 =	simm.s32 $0x2780;
	[sflag:s28] =	ssyncadd.s32 $0xFFFFE000  }
0xde: {  	[spmem:s1] =	stream.indirect.scatter.add.f32 [tilespmem:s21], [sflag:$0x5], $0x40, s25, s20, $0xb8;
	[tilespmem:$0x18F00] =	vst v63  }
0xdf: {  	_ =	swait.ge [sflag:s29], $0x2000  }
0xe0: {  	[sflag:s29] =	ssyncset.done $0x0  }
0xe1: {  	s23 =	simm.s32 $0x2800;
	[sflag:s29] =	ssyncadd.s32 $0xFFFFE000  }
0xe2: {  	[spmem:s1] =	stream.indirect.scatter.add.f32 [tilespmem:s22], [sflag:$0x6], $0x40, s23, s20, $0xb8;
	[tilespmem:$0x18F00] =	vst v63  }
0xe3: {  	_ =	swait.ge [sflag:s30], $0x2000  }
0xe4: {  	[sflag:s30] =	ssyncset.done $0x0  }
0xe5: {  	s25 =	simm.s32 $0x2880;
	[sflag:s30] =	ssyncadd.s32 $0xFFFFE000  }
0xe6: {  	[spmem:s1] =	stream.indirect.scatter.add.f32 [tilespmem:s24], [sflag:$0x7], $0x40, s25, s20, $0xb8;
	[tilespmem:$0x18F00] =	vst v63  }
0xe7: {  	_ =	swait.ge [sflag:s31], $0x2000  }
0xe8: {  	[sflag:s31] =	ssyncset.done $0x0  }
0xe9: {  	s23 =	simm.s32 $0x2900;
	[sflag:s31] =	ssyncadd.s32 $0xFFFFE000  }
0xea: {  	[spmem:s1] =	stream.indirect.scatter.add.f32 [tilespmem:s26], [sflag:$0x8], $0x40, s23, s20, $0xb8;
	[tilespmem:$0x18F00] =	vst v63  }
0xeb: {  	_ =	swait.ge [sflag:s0], $0x2000  }
0xec: {  	[sflag:s0] =	ssyncset.done $0x0  }
0xed: {  	s25 =	simm.s32 $0x200;
	[sflag:s0] =	ssyncadd.s32 $0xFFFFE000  }
0xee: {  	[tilespmem:s21], [sflag:$0x1] =	stream.indirect.gather [hbm4b:s5+s20], $0x40, s25, s20, $0xb8;
	[tilespmem:$0x18F00] =	vst v63  }
0xef: {  	_ =	swait.ge [sflag:s18], $0x2000  }
0xf0: {  	[sflag:s18] =	ssyncset.done $0x0  }
0xf1: {  	s23 =	simm.s32 $0x280;
	[sflag:s18] =	ssyncadd.s32 $0xFFFFE000  }
0xf2: {  	[tilespmem:s22], [sflag:$0x2] =	stream.indirect.gather [hbm4b:s5+s20], $0x40, s23, s20, $0xb8;
	[tilespmem:$0x18F00] =	vst v63  }
0xf3: {  	_ =	swait.ge [sflag:s2], $0x2000  }
0xf4: {  	[sflag:s2] =	ssyncset.done $0x0  }
0xf5: {  	s25 =	simm.s32 $0x300;
	[sflag:s2] =	ssyncadd.s32 $0xFFFFE000  }
0xf6: {  	[tilespmem:s24], [sflag:$0x3] =	stream.indirect.gather [hbm4b:s5+s20], $0x40, s25, s20, $0xb8;
	[tilespmem:$0x18F00] =	vst v63  }
0xf7: {  	_ =	swait.ge [sflag:s3], $0x2000  }
0xf8: {  	[sflag:s3] =	ssyncset.done $0x0  }
0xf9: {  	s12 =	simm.s32 $0x800;
	s23 =	simm.s32 $0x380;
	[sflag:s3] =	ssyncadd.s32 $0xFFFFE000  }
.LBB2_6:
0xfa: {  	[tilespmem:s26], [sflag:$0x4] =	stream.indirect.gather [hbm4b:s5+s20], $0x40, s23, s20, $0xb8;
	[tilespmem:$0x18F00] =	vst v63  }
0xfb: {  	s23 =	smov.u32 s12  }
0xfc: {  	p0 =	sne.s32 s12, $0x8800;
	s12 =	sadd.s32 $0x800, s12;
	_ =	swait.ge [sflag:s28], $0x2000  }
0xfd: {  	s23 =	sshra.s32 s23, $0x2;
	[sflag:s28] =	ssyncset.done $0x0  }
0xfe: {  	s25 =	sadd.s32 $0x2780, s23;
	[sflag:s28] =	ssyncadd.s32 $0xFFFFE000  }
0xff: {  	[spmem:s1] =	stream.indirect.scatter.add.f32 [tilespmem:s21], [sflag:$0x5], $0x40, s25, s20, $0xb8;
	[tilespmem:$0x18F00] =	vst v63  }
0x100: {  	_ =	swait.ge [sflag:s29], $0x2000  }
0x101: {  	[sflag:s29] =	ssyncset.done $0x0  }
0x102: {  	s25 =	sadd.s32 $0x2800, s23;
	[sflag:s29] =	ssyncadd.s32 $0xFFFFE000  }
0x103: {  	[spmem:s1] =	stream.indirect.scatter.add.f32 [tilespmem:s22], [sflag:$0x6], $0x40, s25, s20, $0xb8;
	[tilespmem:$0x18F00] =	vst v63  }
0x104: {  	_ =	swait.ge [sflag:s30], $0x2000  }
0x105: {  	[sflag:s30] =	ssyncset.done $0x0  }
0x106: {  	s25 =	sadd.s32 $0x2880, s23;
	[sflag:s30] =	ssyncadd.s32 $0xFFFFE000  }
0x107: {  	[spmem:s1] =	stream.indirect.scatter.add.f32 [tilespmem:s24], [sflag:$0x7], $0x40, s25, s20, $0xb8;
	[tilespmem:$0x18F00] =	vst v63  }
0x108: {  	_ =	swait.ge [sflag:s31], $0x2000  }
0x109: {  	[sflag:s31] =	ssyncset.done $0x0  }
0x10a: {  	s25 =	sadd.s32 $0x2900, s23;
	[sflag:s31] =	ssyncadd.s32 $0xFFFFE000  }
0x10b: {  	[spmem:s1] =	stream.indirect.scatter.add.f32 [tilespmem:s26], [sflag:$0x8], $0x40, s25, s20, $0xb8;
	[tilespmem:$0x18F00] =	vst v63  }
0x10c: {  	_ =	swait.ge [sflag:s0], $0x2000  }
0x10d: {  	[sflag:s0] =	ssyncset.done $0x0  }
0x10e: {  	s25 =	sadd.s32 $0x200, s23;
	[sflag:s0] =	ssyncadd.s32 $0xFFFFE000  }
0x10f: {  	[tilespmem:s21], [sflag:$0x1] =	stream.indirect.gather [hbm4b:s5+s20], $0x40, s25, s20, $0xb8;
	[tilespmem:$0x18F00] =	vst v63  }
0x110: {  	_ =	swait.ge [sflag:s18], $0x2000  }
0x111: {  	[sflag:s18] =	ssyncset.done $0x0  }
0x112: {  	s25 =	sadd.s32 $0x280, s23;
	[sflag:s18] =	ssyncadd.s32 $0xFFFFE000  }
0x113: {  	[tilespmem:s22], [sflag:$0x2] =	stream.indirect.gather [hbm4b:s5+s20], $0x40, s25, s20, $0xb8;
	[tilespmem:$0x18F00] =	vst v63  }
0x114: {  	_ =	swait.ge [sflag:s2], $0x2000  }
0x115: {  	[sflag:s2] =	ssyncset.done $0x0  }
.Ltmp2:
0x116: {  	s25 =	sadd.s32 $0x300, s23;
	[sflag:s2] =	ssyncadd.s32 $0xFFFFE000;
	(pc) =	sbr.rel @p0 .LBB2_6-.Ltmp2, $4  }
0x117: {  	[tilespmem:s24], [sflag:$0x3] =	stream.indirect.gather [hbm4b:s5+s20], $0x40, s25, s20, $0xb8;
	[tilespmem:$0x18F00] =	vst v63  }
0x118: {  	_ =	swait.ge [sflag:s3], $0x2000  }
0x119: {  	[sflag:s3] =	ssyncset.done $0x0  }
0x11a: {  	s23 =	sadd.s32 $0x380, s23;
	[sflag:s3] =	ssyncadd.s32 $0xFFFFE000  }
0x11b: {  	[tilespmem:s26], [sflag:$0x4] =	stream.indirect.gather [hbm4b:s5+s20], $0x40, s23, s20, $0xb8;
	[tilespmem:$0x18F00] =	vst v63  }
0x11c: {  	_ =	swait.ge [sflag:s28], $0x2000  }
0x11d: {  	[sflag:s28] =	ssyncset.done $0x0  }
0x11e: {  	s12 =	simm.s32 $0x4B80;
	[sflag:s28] =	ssyncadd.s32 $0xFFFFE000  }
0x11f: {  	[spmem:s1] =	stream.indirect.scatter.add.f32 [tilespmem:s21], [sflag:$0x5], $0x40, s12, s20, $0xb8;
	[tilespmem:$0x18F00] =	vst v63  }
0x120: {  	_ =	swait.ge [sflag:s0], $0x2000  }
0x121: {  	[sflag:s0] =	ssyncset.done $0x0  }
0x122: {  	s25 =	simm.s32 $0x2600;
	[sflag:s0] =	ssyncadd.s32 $0xFFFFE000  }
0x123: {  	[tilespmem:s21], [sflag:$0x1] =	stream.indirect.gather [hbm4b:s5+s20], $0x40, s25, s20, $0xb8;
	[tilespmem:$0x18F00] =	vst v63  }
0x124: {  	_ =	swait.ge [sflag:s29], $0x2000  }
0x125: {  	[sflag:s29] =	ssyncset.done $0x0  }
0x126: {  	s23 =	simm.s32 $0x4C00;
	[sflag:s29] =	ssyncadd.s32 $0xFFFFE000  }
0x127: {  	[spmem:s1] =	stream.indirect.scatter.add.f32 [tilespmem:s22], [sflag:$0x6], $0x40, s23, s20, $0xb8;
	[tilespmem:$0x18F00] =	vst v63  }
0x128: {  	_ =	swait.ge [sflag:s18], $0x2000  }
0x129: {  	[sflag:s18] =	ssyncset.done $0x0  }
0x12a: {  	s25 =	simm.s32 $0x2680;
	[sflag:s18] =	ssyncadd.s32 $0xFFFFE000  }
0x12b: {  	[tilespmem:s22], [sflag:$0x2] =	stream.indirect.gather [hbm4b:s5+s20], $0x40, s25, s20, $0xb8;
	[tilespmem:$0x18F00] =	vst v63  }
0x12c: {  	_ =	swait.ge [sflag:s30], $0x2000  }
0x12d: {  	[sflag:s30] =	ssyncset.done $0x0  }
0x12e: {  	s23 =	simm.s32 $0x4C80;
	[sflag:s30] =	ssyncadd.s32 $0xFFFFE000  }
0x12f: {  	[spmem:s1] =	stream.indirect.scatter.add.f32 [tilespmem:s24], [sflag:$0x7], $0x40, s23, s20, $0xb8;
	[tilespmem:$0x18F00] =	vst v63  }
0x130: {  	_ =	swait.ge [sflag:s2], $0x2000  }
0x131: {  	[sflag:s2] =	ssyncset.done $0x0  }
0x132: {  	s25 =	simm.s32 $0x2700;
	[sflag:s2] =	ssyncadd.s32 $0xFFFFE000  }
0x133: {  	[tilespmem:s24], [sflag:$0x3] =	stream.indirect.gather [hbm4b:s5+s20], $0x40, s25, s20, $0xb8;
	[tilespmem:$0x18F00] =	vst v63  }
0x134: {  	_ =	swait.ge [sflag:s31], $0x2000  }
0x135: {  	[sflag:s31] =	ssyncset.done $0x0  }
0x136: {  	s23 =	simm.s32 $0x4D00;
	[sflag:s31] =	ssyncadd.s32 $0xFFFFE000  }
0x137: {  	[spmem:s1] =	stream.indirect.scatter.add.f32 [tilespmem:s26], [sflag:$0x8], $0x40, s23, s20, $0xb8;
	[tilespmem:$0x18F00] =	vst v63  }
0x138: {  	_ =	swait.ge [sflag:s28], $0x2000  }
0x139: {  	[sflag:s28] =	ssyncset.done $0x0  }
0x13a: {  	s25 =	simm.s32 $0x4D80;
	[sflag:s28] =	ssyncadd.s32 $0xFFFFE000  }
0x13b: {  	[spmem:s1] =	stream.indirect.scatter.add.f32 [tilespmem:s21], [sflag:$0x5], $0x40, s25, s20, $0xb8;
	[tilespmem:$0x18F00] =	vst v63  }
0x13c: {  	_ =	swait.ge [sflag:s29], $0x2000  }
0x13d: {  	[sflag:s29] =	ssyncset.done $0x0  }
0x13e: {  	[sflag:s29] =	ssyncadd.s32 $0xFFFFE000  }
0x13f: {  	[spmem:s1] =	stream.indirect.scatter.add.f32 [tilespmem:s22], [sflag:$0x6], $0x40, s6, s20, $0xb8;
	[tilespmem:$0x18F00] =	vst v63  }
0x140: {  	_ =	swait.ge [sflag:s30], $0x2000  }
0x141: {  	[sflag:s30] =	ssyncset.done $0x0  }
0x142: {  	[sflag:s30] =	ssyncadd.s32 $0xFFFFE000  }
0x143: {  	[spmem:s1] =	stream.indirect.scatter.add.f32 [tilespmem:s24], [sflag:$0x7], $0x40, s7, s20, $0xb8;
	[tilespmem:$0x18F00] =	vst v63  }
0x144: {  	_ =	swait.ge [sflag:s0], $0x2000  }
0x145: {  	[sflag:s0] =	ssyncset.done $0x0  }
0x146: {  	[sflag:s0] =	ssyncadd.s32 $0xFFFFE000  }
0x147: {  	_ =	swait.ge [sflag:s18], $0x2000  }
0x148: {  	[sflag:s18] =	ssyncset.done $0x0  }
0x149: {  	[sflag:s18] =	ssyncadd.s32 $0xFFFFE000  }
0x14a: {  	_ =	swait.ge [sflag:s2], $0x2000  }
0x14b: {  	[sflag:s2] =	ssyncset.done $0x0  }
0x14c: {  	[sflag:s2] =	ssyncadd.s32 $0xFFFFE000  }
0x14d: {  	_ =	swait.ge [sflag:s3], $0x2000  }
0x14e: {  	[sflag:s3] =	ssyncset.done $0x0  }
0x14f: {  	[sflag:s3] =	ssyncadd.s32 $0xFFFFE000  }
0x150: {  	[bflag:$0x0] =	sbarrier.arrive $0xFFFF  }
0x151: {  	s23 =	rddreg [dreg:$0x7]  }
0x152: {  	[hbm:s23], [sflag:s10] =	dma.local [spmem:s11], $0x1400  }
0x153: {  	_ =	swait.ge [sflag:s17], $0x1400  }
0x154: {  	s9 =	sadd.s32 $0x1, s9;
	s25 =	rddreg [dreg:$0x8]  }
0x155: {  	p0 =	sne.s32 s9, s25  }
.Ltmp3:
0x156: {  	_ = 	snop;
	(pc) =	sbr.rel @p0 .LBB2_1-.Ltmp3, $3  }
0x157: {  	_ =	sdelay $0x1  }
0x158: {  	[sflag:s17] =	ssyncset.done $0x0  }
0x159: {  	s23 =	simm.s32 $0x100;
	[sflag:s17] =	ssyncadd.s32 $0xFFFFEC00;
	s25 =	simm.s32 $0x180  }
0x15a: {  	_ =	sfence.sel $0x180000  }
0x15b: {  	[bflag:$0x0] =	sbarrier.arrive $0xFFFF  }
0x15c: {  	_ =	strace $0x9000004D  }
0x15d: {  	s0 =	stileid.u32;
	[bflag:$0x2] =	sbarrier.arrive $0xFFFF  }
0x15e: {  	p0 =	sne.s32 s0, $0x0;
	s0 =	rddreg [dreg:$0x2]  }
0x15f: {  	s0 =	sadd.s32 @!p0 $0x100000, s0  }
0x160: {  	[sflag:s0] =	ssyncadd.tile.s32 @!p0 $0x1;
	_ =	shalt  }
.Lfunc_end2:
_tile_overlayer_lowered:
.L_overlay_start_2:
0x161: {  	(tag) =	ssettag $0x2  }
0x162: {  	s0 =	rddreg [dreg:$0x0];
	s2 =	stileid.u32  }
0x163: {  	s1 =	rddreg [dreg:$0x1];
	p0 =	sne.s32 s2, $0x0  }
0x164: {  	s3 =	rddreg [dreg:$0x2];
	[bflag:$0x3] =	sbarrier.arrive $0xFFFF;
	s2 =	simm.s32 @!p0 $0x1C09  }
0x165: {  	[timem:s3], [sflag:s2] =	dma.local @!p0 [hbm:s0], s1  }
0x166: {  	s0 =	simm.s32 @!p0 $0x9  }
0x167: {  	_ =	swait.ge @!p0 [sflag:s0], s1  }
0x168: {  	s1 =	ssub.s32 @!p0 $0x0, s1;
	[sflag:s0] =	ssyncset.done @!p0 $0x0  }
0x169: {  	[sflag:s0] =	ssyncadd.s32 @!p0 s1  }
0x16a: {  	[bflag:$0x3] =	sbarrier.arrive $0xFFFF  }
0x16b: {  	_ =	shalt  }

// kernel: kernel.8.cloned.1.call-start
scs
__scs_entry_jumppad:
0x0: {  	(pc) =	sbr.rel $0x88, $3  }
0x1: {  	(tag) =	ssettag $0x0;
	lr =	simm.s32 $0x1  }
0x2: {  	[smem:$0x3F9B] =	sst lr;
	_ =	strace $0xD0000000  }
0x3: {  	_ = 	snop  }
0x4: {  	_ = 	snop  }
0x5: {  	_ = 	snop  }
0x6: {  	_ = 	snop  }
0x7: {  	_ = 	snop  }
__scs_overlays_trampoline_lowered:
0x8: {  	[smem:$0x3FAA] =	sst s0  }
0x9: {  	[smem:$0x3FAB] =	sst s1  }
0xa: {  	[smem:$0x3FAC] =	sst s2  }
0xb: {  	[smem:$0x3FAD] =	sst s3  }
0xc: {  	[smem:$0x3FAE] =	sst s4  }
0xd: {  	[smem:$0x3FAF] =	sst s5  }
0xe: {  	[smem:$0x3FB0] =	sst s6  }
0xf: {  	[smem:$0x3FB1] =	sst s7  }
0x10: {  	[smem:$0x3FB2] =	sst s8  }
0x11: {  	[smem:$0x3FB3] =	sst s9;
	s0 =	simm.s32 @!p0 $0x0  }
0x12: {  	s1 =	sld [smem:$0x3F99];
	s0 =	simm.s32 @p0 $0x1  }
0x13: {  	[smem:$0x3FB4] =	sst s0;
	s0 =	simm.s32 @!p1 $0x0  }
0x14: {  	s2 =	sld [smem:$0x3F98];
	s0 =	simm.s32 @p1 $0x1  }
0x15: {  	[smem:$0x3FB5] =	sst s0;
	s0 =	simm.s32 @!p2 $0x0  }
0x16: {  	s3 =	sld [smem:$0x3FDB];
	s0 =	simm.s32 @p2 $0x1  }
0x17: {  	s4 =	simm.s32 $0x1BF5;
	[smem:$0x3FB7] =	sst s0  }
0x18: {  	s0 =	sld [smem:$0x3F9A];
	_ =	swait.ge [sflag:s4], $0x0  }
0x19: {  	s7 =	sld [smem:$0x3F9B]  }
0x1a: {  	s8 =	sadd.s32 $0xFFFFE003, lr  }
0x1b: {  	s9 =	sadd.s32 $0xFFFFFEF7, lr;
	s5 =	simm.s32 $0xFFFFFFFF;
	p2 =	slt.u32 s8, $0xFFFFF086  }
0x1c: {  	p1 =	slt.u32 s9, $0xF7A;
	s5 =	simm.s32 @!p2 $0x0  }
0x1d: {  	s5 =	simm.s32 @p1 $0x1;
	p0 =	seq.s32 s7, s2  }
0x1e: {  	s7 =	smul.u32 @!p0 $0xF7A, s2;
	p2 =	seq.s32 @!p0 s5, $0x0  }
0x1f: {  	s9 =	smul.u32 $0xF7A, s1;
	s8 =	simm.s32 @!p0 $0x1BF5;
	p2 =	por !p2, p0  }
0x20: {  	[sflag:s8] =	ssyncset.s32 @!p0 $0xFFFFF086;
	s6 =	sadd.s32 @!p0 s3, s7;
	s7 =	simm.s32 @!p0 $0x108  }
0x21: {  	s3 =	sadd.s32 s3, s9;
	s6 =	sadd.s32 @!p0 $0x88, s6;
	s7 =	simm.s32 @p2 $0x1082  }
0x22: {  	[simem:s7], [sflag:s8] =	dma.local @!p0 [hbm:s6], $0xF7A  }
0x23: {  	s9 =	sor.u32 $0xD0000000, s2;
	s6 =	simm.s32 $0x108;
	_ =	swait.ge @!p0 [sflag:s8], $0x0  }
0x24: {  	s3 =	sadd.s32 $0x88, s3;
	s6 =	simm.s32 @!p1 $0x1082;
	[sflag:s4] =	ssyncset.s32 $0xFFFFF086  }
0x25: {  	[simem:s6], [sflag:s4] =	dma.local [hbm:s3], $0xF7A  }
0x26: {  	[smem:$0x3F9B] =	sst s1;
	(tag) =	ssettag s2;
	_ =	strace s9  }
0x27: {  	s1 =	sld [smem:$0x3FAB]  }
0x28: {  	s2 =	sld [smem:$0x3FAC]  }
0x29: {  	s4 =	sld [smem:$0x3FAE]  }
0x2a: {  	p0 =	seq.s32 s5, $0x0;
	s5 =	sld [smem:$0x3FAF]  }
0x2b: {  	s6 =	sld [smem:$0x3FB0]  }
0x2c: {  	s7 =	sld [smem:$0x3FB1]  }
0x2d: {  	s3 =	simm.s32 $0x108;
	s8 =	sld [smem:$0x3FB2]  }
0x2e: {  	s3 =	simm.s32 @!p0 $0x1082;
	s9 =	sld [smem:$0x3FB3]  }
0x2f: {  	lr =	sadd.s32 s0, s3;
	s0 =	sld [smem:$0x3FAA]  }
0x30: {  	s3 =	sld [smem:$0x3FAD]  }
0x31: {  	[smem:$0x3FB6] =	sst s10  }
0x32: {  	s10 =	sld [smem:$0x3FB4];
	_ =	sdelay $0x3  }
0x33: {  	p0 =	seq.s32 s10, $0x1;
	s10 =	sld [smem:$0x3FB6];
	_ =	sdelay $0x3  }
0x34: {  	[smem:$0x3FB6] =	sst s10  }
0x35: {  	s10 =	sld [smem:$0x3FB5];
	_ =	sdelay $0x3  }
0x36: {  	p1 =	seq.s32 s10, $0x1;
	s10 =	sld [smem:$0x3FB6];
	_ =	sdelay $0x3  }
0x37: {  	[smem:$0x3FB6] =	sst s10  }
0x38: {  	s10 =	sld [smem:$0x3FB7]  }
0x39: {  	_ = 	snop;
	(pc) =	sbr.ind lr, $3  }
0x3a: {  	_ = 	snop  }
0x3b: {  	_ = 	snop  }
0x3c: {  	p2 =	seq.s32 s10, $0x1;
	s10 =	sld [smem:$0x3FB6]  }
0x3d: {  	_ =	shalt  }
0x3e: {  	_ =	shalt  }
0x3f: {  	_ =	shalt  }
0x40: {  	_ =	shalt  }
0x41: {  	_ =	shalt  }
0x42: {  	_ =	shalt  }
0x43: {  	_ =	shalt  }
0x44: {  	_ =	shalt  }
0x45: {  	_ =	shalt  }
0x46: {  	_ =	shalt  }
0x47: {  	_ =	shalt  }
0x48: {  	_ =	shalt  }
0x49: {  	_ =	shalt  }
0x4a: {  	_ =	shalt  }
0x4b: {  	_ =	shalt  }
0x4c: {  	_ =	shalt  }
0x4d: {  	_ =	shalt  }
0x4e: {  	_ =	shalt  }
0x4f: {  	_ =	shalt  }
0x50: {  	_ =	shalt  }
0x51: {  	_ =	shalt  }
0x52: {  	_ =	shalt  }
0x53: {  	_ =	shalt  }
0x54: {  	_ =	shalt  }
0x55: {  	_ =	shalt  }
0x56: {  	_ =	shalt  }
0x57: {  	_ =	shalt  }
0x58: {  	_ =	shalt  }
0x59: {  	_ =	shalt  }
0x5a: {  	_ =	shalt  }
0x5b: {  	_ =	shalt  }
0x5c: {  	_ =	shalt  }
0x5d: {  	_ =	shalt  }
0x5e: {  	_ =	shalt  }
0x5f: {  	_ =	shalt  }
0x60: {  	_ =	shalt  }
0x61: {  	_ =	shalt  }
0x62: {  	_ =	shalt  }
0x63: {  	_ =	shalt  }
0x64: {  	_ =	shalt  }
0x65: {  	_ =	shalt  }
0x66: {  	_ =	shalt  }
0x67: {  	_ =	shalt  }
0x68: {  	_ =	shalt  }
0x69: {  	_ =	shalt  }
0x6a: {  	_ =	shalt  }
0x6b: {  	_ =	shalt  }
0x6c: {  	_ =	shalt  }
0x6d: {  	_ =	shalt  }
0x6e: {  	_ =	shalt  }
0x6f: {  	_ =	shalt  }
0x70: {  	_ =	shalt  }
0x71: {  	_ =	shalt  }
0x72: {  	_ =	shalt  }
0x73: {  	_ =	shalt  }
0x74: {  	_ =	shalt  }
0x75: {  	_ =	shalt  }
0x76: {  	_ =	shalt  }
0x77: {  	_ =	shalt  }
0x78: {  	_ =	shalt  }
0x79: {  	_ =	shalt  }
0x7a: {  	_ =	shalt  }
0x7b: {  	_ =	shalt  }
0x7c: {  	_ =	shalt  }
0x7d: {  	_ =	shalt  }
0x7e: {  	_ =	shalt  }
0x7f: {  	_ =	shalt  }
0x80: {  	_ =	shalt  }
0x81: {  	_ =	shalt  }
0x82: {  	_ =	shalt  }
0x83: {  	_ =	shalt  }
0x84: {  	_ =	shalt  }
0x85: {  	_ =	shalt  }
0x86: {  	_ =	shalt  }
0x87: {  	_ =	shalt  }
.Lfunc_end0:
.L_simem_size_0:
called_computation_lowered:
.L_overlay_start_0:
0x88: {  	s2 =	sld [smem:$0x3FD9]  }
0x89: {  	s3 =	sld [smem:$0x3FFE];
	_ =	sdelay $0x1  }
0x8a: {  	s1 =	srdreg.scid  }
0x8b: {  	s0 =	sand.u32 $0x1, s1  }
0x8c: {  	s17 =	sshll.u32 s0, $0xA;
	s2 =	sadd.s32 s3, s2  }
0x8d: {  	s2 =	sadd.s32 s2, s17  }
0x8e: {  	[smem:$0x3FC2] =	sst s2  }
0x8f: {  	_ = 	snop  }
0x90: {  	s2 =	sld [smem:$0x3FD0];
	(tm) =	ssettm $0x1  }
0x91: {  	s18 =	sld [smem:$0x3FFB];
	_ =	sdelay $0x3  }
0x92: {  	_ =	strace s18  }
0x93: {  	s3 =	sld [smem:$0x3FFC];
	_ =	sdelay $0x3  }
0x94: {  	_ =	strace s3  }
0x95: {  	s3 =	sld [smem:$0x3FFD];
	_ =	sdelay $0x3  }
0x96: {  	_ =	strace s3  }
0x97: {  	_ =	strace $0x8FFFFFFF  }
0x98: {  	s19 =	sld [smem:$0x3FDB];
	_ =	sdelay $0x1  }
0x99: {  	s4 =	simm.s32 $_scs_section_size  }
0x9a: {  	s5 =	simm.s32 $_size__tile_overlayer_lowered;
	s6 =	simm.s32 $_tile_overlayer_lowered  }
0x9b: {  	s22 =	simm.s32 $0x1BFF;
	s21 =	sshll.u32 s6, $0x1;
	s3 =	sadd.s32 s4, s19  }
0x9c: {  	s7 =	simm.s32 $0x0;
	s20 =	sshll.u32 s5, $0x1;
	s5 =	sadd.s32 s21, s3  }
0x9d: {  	[timem:s7], [sflag:s22] =	dma.local [hbm:s5], s20  }
0x9e: {  	_ =	swait.ge [sflag:s22], s20  }
0x9f: {  	s4 =	ssub.s32 $0x0, s20;
	[sflag:s22] =	ssyncset.done $0x0  }
0xa0: {  	[sflag:s22] =	ssyncadd.s32 s4;
	_ =	sdelay $0x1  }
0xa1: {  	s23 =	simm.s32 $0x1B8B  }
0xa2: {  	_ =	swait.ge [sflag:s23], $0x1  }
0xa3: {  	[sflag:s23] =	ssyncset.done $0x0  }
0xa4: {  	s25 =	simm.s32 $0x1B8E;
	s24 =	sld [smem:$0x3FFE];
	[sflag:s23] =	ssyncadd.s32 $0xFFFFFFFF  }
0xa5: {  	s26 =	simm.s32 $execute0_lowered;
	[smem:$0x3FD2] =	sst s25  }
0xa6: {  	s5 =	sshll.u32 s26, $0x1;
	_ =	strace $0x80000046;
	[dreg:$0x1] =	wrdreg $0xFFFFFFFF  }
0xa7: {  	s28 =	simm.s32 $_size_execute0_lowered;
	s3 =	sadd.s32 s3, s5;
	[dreg:$0x0] =	wrdreg $0x0  }
0xa8: {  	s5 =	sshll.u32 s28, $0x1;
	[dreg:$0x2] =	wrdreg s3  }
0xa9: {  	[dreg:$0x3] =	wrdreg s5  }
0xaa: {  	[dreg:$0x4] =	wrdreg $0xC0  }
0xab: {  	_ =	task [dreg:s7], $0x5FFFF  }
0xac: {  	[dreg:$0x1] =	wrdreg $0xFFFFFFFF  }
0xad: {  	[dreg:$0x0] =	wrdreg $0x60  }
0xae: {  	[dreg:$0x2] =	wrdreg s24  }
0xaf: {  	[dreg:$0x3] =	wrdreg s2  }
0xb0: {  	[dreg:$0x4] =	wrdreg $0x57800  }
0xb1: {  	[dreg:$0x5] =	wrdreg $0x9  }
0xb2: {  	_ =	task.clear_ibuf [dreg:s7], $0x6FFFF;
	_ =	strace $0x90000046  }
0xb3: {  	s29 =	simm.s32 $0x9;
	_ =	strace $0x80000048  }
0xb4: {  	_ =	swait.ge [sflag:s29], $0x1  }
0xb5: {  	[sflag:s29] =	ssyncadd.s32 $0xFFFFFFFF  }
0xb6: {  	_ =	strace $0x90000048  }
0xb7: {  	_ =	sfence  }
0xb8: {  	s30 =	sld [smem:$0x0];
	_ =	sdelay $0x2  }
0xb9: {  	s31 =	sshll.u32 s1, $0xD;
	s1 =	sshrl.u32 s1, $0x2  }
0xba: {  	s3 =	sand.u32 $0x4000, s31;
	s1 =	sadd.s32 s1, s30  }
0xbb: {  	s0 =	sor.u32 s3, s0;
	s1 =	sshll.u32 s1, $0x11  }
0xbc: {  	s0 =	sor.u32 s1, s0  }
0xbd: {  	s0 =	sadd.s32 $0x8F2B, s0  }
0xbe: {  	[sflag:s0] =	ssyncadd.remote.s32 $0x1  }
0xbf: {  	_ =	sfence.sel $0xFFFF  }
0xc0: {  	[dreg:$0x0] =	wrdreg $0xFFFFFFFF;
	(pc) =	sbr.abs _section_cstart, $3  }
0xc1: {  	[dreg:$0x1] =	wrdreg $0xFFFFFFFF  }
0xc2: {  	_ =	task.clear_ibuf [dreg:s7], $0x2FFFF;
	_ =	strace $0x9FFFFFFF  }
0xc3: {  	(tm) =	ssettm $0x7FFFFFFF  }
tec
execute0_lowered:
.L_overlay_start_1:
0x0: {  	(tag) =	ssettag $0x1  }
0x1: {  	s4 =	rddreg [dreg:$0x0]  }
0x2: {  	s6 =	rddreg [dreg:$0x1]  }
0x3: {  	s2 =	rddreg [dreg:$0x2]  }
0x4: {  	s0 =	rddreg [dreg:$0x3]  }
0x5: {  	s3 =	srdreg.scid;
	s1 =	stileid.u32  }
0x6: {  	s11 =	simm.s32 $0x2780;
	s14 =	simm.s32 $0x0;
	s5 =	sand.u32 $0x1, s3  }
0x7: {  	s7 =	sshll.u32 s1, $0x1;
	s8 =	smul.u32 $0x2800, s1;
	s3 =	simm.s32 $0x0  }
0x8: {  	s12 =	sshll.u32 s1, $0x6;
	s7 =	sor.u32 s5, s7;
	s9 =	smul.u32 $0x28000, s5  }
0x9: {  	[smem:$0x7FF] =	sst s3;
	s5 =	ssub.s32 $0x2, s5;
	s12 =	sor.u32 $0x1C01, s12  }
0xa: {  	s7 =	smul.u32 $0x4F0, s7;
	_ =	strace $0x80000047;
	s10 =	sshrl.u32 s5, $0x1  }
0xb: {  	s9 =	sadd.s32 s8, s9;
	s31 =	ssub.s32 s5, s10;
	s5 =	sadd.s32 s8, s2  }
0xc: {  	s8 =	simm.s32 $0x1;
	s10 =	simm.s32 $0x80;
	s4 =	sadd.s32 s7, s4  }
0xd: {  	s9 =	sshrl.u32 s9, $0x3;
	s7 =	smax.u32 s31, $0x1;
	s13 =	sshrl.u32 s5, $0x3  }
0xe: {  	v0 =	vimm.f32 $0.0e+00;
	v1 =	vimm.f32 $1.000000000e+00;
	s4 =	sadd.s32 $0x2C00, s4;
	s6 =	sadd.s32 s6, s9;
	s9 =	simm.s32 $0x2F80  }
.LBB2_1:
0xf: {  	[tilespmem:s3], [sflag:$0x1] =	stream.linear.gather [hbm4b:s4+s3], $0x2780, $0x38;
	[tilespmem:$0x7F80] =	vst v63  }
0x10: {  	_ =	swait.ge [sflag:s8], $0x2780  }
0x11: {  	[sflag:s8] =	ssyncset.done $0x0  }
0x12: {  	[sflag:s8] =	ssyncadd.s32 $0xFFFFD880  }
0x13: {  	s15 =	simm.s32 $0x10;
	s17 =	sand.u32 $0x7F0, s3;
	s16 =	simm.s32 $0x2F80;
	[tilespmem:s9+$0x0] =	vst v0  }
.LBB2_2:
0x14: {  	p0 =	sne.s32 s15, $0x27F0  }
0x15: {  	[tilespmem:s17+$0x2780] =	vst v1;
	s16 =	sadd.s32 $0x10, s16;
	s17 =	smov.u32 s15;
	s15 =	sadd.s32 $0x10, s15  }
.Ltmp0:
0x16: {  	(pc) =	sbr.rel @p0 .LBB2_2-.Ltmp0, $2  }
0x17: {  	_ =	sdelay $0x2  }
0x18: {  	s17 =	sand.u32 $0x7F0, s17;
	[tilespmem:s16+$0x0] =	vst v0  }
0x19: {  	[tilespmem:s17+$0x2780] =	vst v1  }
0x1a: {  	[spmem:s5] =	stream.linear.scatter [tilespmem:s9], [sflag:$0x1], $0x2800, $0x38;
	[tilespmem:$0x7F80] =	vst v63  }
0x1b: {  	_ =	swait.ge [sflag:s8], $0x2800  }
0x1c: {  	[sflag:s8] =	ssyncset.done $0x0  }
0x1d: {  	[sflag:s8] =	ssyncadd.s32 $0xFFFFD800  }
0x1e: {  	s15 =	simm.s32 $0x0;
	[bflag:$0x0] =	sbarrier.arrive $0xFFFF  }
0x1f: {  	[spmem:s2] =	stream.indirect.scatter.add.f32 [tilespmem:s11], [sflag:$0x1], $0x10, s15, s10, $0xb8;
	[tilespmem:$0x7F80] =	vst v63  }
0x20: {  	_ =	swait.ge [sflag:s8], $0x800  }
0x21: {  	s15 =	simm.s32 $0x200;
	[sflag:s8] =	ssyncset.done $0x0  }
.LBB2_4:
0x22: {  	s16 =	sshra.s32 s15, $0x2;
	[sflag:s8] =	ssyncadd.s32 $0xFFFFF800;
	p0 =	sne.s32 s15, $0x9C00  }
0x23: {  	[spmem:s2] =	stream.indirect.scatter.add.f32 [tilespmem:s11], [sflag:$0x1], $0x10, s16, s10, $0xb8;
	[tilespmem:$0x7F80] =	vst v63  }
.Ltmp1:
0x24: {  	_ = 	snop;
	(pc) =	sbr.rel @p0 .LBB2_4-.Ltmp1, $4  }
0x25: {  	_ = 	snop  }
0x26: {  	s15 =	sadd.s32 $0x200, s15  }
0x27: {  	_ =	swait.ge [sflag:s8], $0x800  }
0x28: {  	[sflag:s8] =	ssyncset.done $0x0  }
0x29: {  	s14 =	sadd.s32 $0x1, s14  }
0x2a: {  	[sflag:s8] =	ssyncadd.s32 $0xFFFFF800;
	p0 =	sne.s32 s14, s7  }
.Ltmp2:
0x2b: {  	[bflag:$0x0] =	sbarrier.arrive $0xFFFF;
	(pc) =	sbr.rel @p0 .LBB2_1-.Ltmp2, $4  }
0x2c: {  	[hbm:s6], [sflag:s12] =	dma.local [spmem:s13], $0x500  }
0x2d: {  	_ =	swait.ge [sflag:s8], $0x500  }
0x2e: {  	[sflag:s8] =	ssyncset.done $0x0  }
0x2f: {  	[sflag:s8] =	ssyncadd.s32 $0xFFFFFB00  }
0x30: {  	_ =	sfence.sel $0x180000  }
0x31: {  	[bflag:$0x0] =	sbarrier.arrive $0xFFFF  }
0x32: {  	p0 =	sne.s32 s1, $0x0;
	_ =	strace $0x90000047  }
0x33: {  	s0 =	sadd.s32 @!p0 $0x100000, s0;
	[bflag:$0x2] =	sbarrier.arrive $0xFFFF  }
0x34: {  	[sflag:s0] =	ssyncadd.tile.s32 @!p0 $0x1;
	_ =	shalt  }
.Lfunc_end2:
_tile_overlayer_lowered:
.L_overlay_start_2:
0x35: {  	(tag) =	ssettag $0x2  }
0x36: {  	s0 =	rddreg [dreg:$0x0];
	s2 =	stileid.u32  }
0x37: {  	s1 =	rddreg [dreg:$0x1];
	p0 =	sne.s32 s2, $0x0  }
0x38: {  	s3 =	rddreg [dreg:$0x2];
	[bflag:$0x3] =	sbarrier.arrive $0xFFFF;
	s2 =	simm.s32 @!p0 $0x1C01  }
0x39: {  	[timem:s3], [sflag:s2] =	dma.local @!p0 [hbm:s0], s1  }
0x3a: {  	s0 =	simm.s32 @!p0 $0x1  }
0x3b: {  	_ =	swait.ge @!p0 [sflag:s0], s1  }
0x3c: {  	s1 =	ssub.s32 @!p0 $0x0, s1;
	[sflag:s0] =	ssyncset.done @!p0 $0x0  }
0x3d: {  	[sflag:s0] =	ssyncadd.s32 @!p0 s1  }
0x3e: {  	[bflag:$0x3] =	sbarrier.arrive $0xFFFF  }
0x3f: {  	_ =	shalt  }

</sc_bundles>
